<compile_context>
chip_gen: v7x
topology: tpu7x:2x2x1
jax: 0.10.2.dev20260603
libtpu: 0.0.44.dev20260713+nightly
codegen_flags: <defaults>
</compile_context>

<pallas_src>
import functools

import jax
import jax.numpy as jnp
from jax import lax
from jax.experimental import pallas as pl
from jax.experimental.pallas import tpu as pltpu
from jax.experimental.pallas import tpu_sc as plsc

N = 10000
NP = 10240
E = 320000
G = 64
NC = 2
NS = 16
NW = NC * NS
C = 125
EW = E // (NW * C)
TPR = NP // NS
ZR = 64
WB = 128
BN = 2000
NB = N // BN


def _mesh():
    return plsc.VectorSubcoreMesh(
        core_axis_name="c", subcore_axis_name="s", num_cores=NC)


@functools.partial(
    pl.kernel,
    out_type=jax.ShapeDtypeStruct((NC * NP, 16), jnp.float32),
    mesh=_mesh(),
    scratch_types=[
        pltpu.VMEM_SHARED((NP, 16), jnp.float32),
        pltpu.VMEM((EW, C), jnp.int32),
        pltpu.VMEM((C, 16), jnp.float32),
        pltpu.VMEM((TPR, 16), jnp.float32),
    ],
    compiler_params=pltpu.CompilerParams(use_tc_tiling_on_sc=False),
)
def _sc_deg(ei_hbm, out_hbm, acc_sh, col_v, ones_v, zbuf):
    col_hbm = ei_hbm.at[1]
    cid = lax.axis_index("c")
    sid = lax.axis_index("s")
    wid = sid * NC + cid

    def zrow(i, _):
        zbuf[i] = jnp.zeros((16,), jnp.float32)
        return 0
    lax.fori_loop(0, TPR, zrow, 0)

    def orow(i, _):
        ones_v[i] = jnp.ones((16,), jnp.float32)
        return 0
    lax.fori_loop(0, C, orow, 0)

    r0 = sid * TPR
    pltpu.sync_copy(zbuf, acc_sh.at[pl.ds(r0, TPR)])
    plsc.subcore_barrier()

    pltpu.sync_copy(col_hbm.at[pl.ds(wid * EW, EW)], col_v)

    def body(j, _):
        pltpu.sync_copy(ones_v, acc_sh.at[col_v.at[j]], add=True)
        return 0
    lax.fori_loop(0, EW, body, 0)

    plsc.subcore_barrier()
    pltpu.sync_copy(acc_sh.at[pl.ds(r0, TPR)],
                    out_hbm.at[pl.ds(cid * NP + r0, TPR)])


IB = 16
NBLK = EW // IB


def _make_sc_edge(D):
    @functools.partial(
        pl.kernel,
        out_type=jax.ShapeDtypeStruct((NC * NP, D), jnp.float32),
        mesh=_mesh(),
        scratch_types=[
            pltpu.VMEM_SHARED((NP, D), jnp.float32),
            pltpu.VMEM((2, IB, C), jnp.int32),
            pltpu.VMEM((2, IB, C), jnp.int32),
            pltpu.VMEM((C, D), jnp.float32),
            pltpu.VMEM((C, D), jnp.float32),
            pltpu.VMEM((ZR, D), jnp.float32),
            pltpu.SemaphoreType.DMA,
            pltpu.SemaphoreType.DMA,
            pltpu.SemaphoreType.DMA,
            pltpu.SemaphoreType.DMA,
        ],
        compiler_params=pltpu.CompilerParams(use_tc_tiling_on_sc=False),
    )
    def edge_kernel(ei_hbm, y_hbm, out_hbm,
                    s_sh, row_v, col_v, g0, g1, zbuf,
                    sem0, sem1, semi, semz):
        row_hbm = ei_hbm.at[0]
        col_hbm = ei_hbm.at[1]
        cid = lax.axis_index("c")
        sid = lax.axis_index("s")
        wid = sid * NC + cid

        cb = wid * EW
        pltpu.async_copy(row_hbm.at[pl.ds(cb, IB)], row_v.at[0], sem0)
        pltpu.async_copy(col_hbm.at[pl.ds(cb, IB)], col_v.at[0], sem0)
        pltpu.async_copy(row_hbm.at[pl.ds(cb + IB, IB)], row_v.at[1], semi)
        pltpu.async_copy(col_hbm.at[pl.ds(cb + IB, IB)], col_v.at[1], semi)

        def zrow(i, _):
            for k in range(D // 16):
                zbuf[i, pl.ds(k * 16, 16)] = jnp.zeros((16,), jnp.float32)
            return 0
        lax.fori_loop(0, ZR, zrow, 0)

        r0 = sid * TPR

        for q in range(TPR // ZR):
            pltpu.async_copy(zbuf, s_sh.at[pl.ds(r0 + q * ZR, ZR)], semz)
        for q in range(TPR // ZR):
            pltpu.make_async_copy(zbuf, s_sh.at[pl.ds(r0 + q * ZR, ZR)],
                                  semz).wait()
        plsc.subcore_barrier()

        pltpu.make_async_copy(row_hbm.at[pl.ds(cb, IB)], row_v.at[0],
                              sem0).wait()
        pltpu.make_async_copy(col_hbm.at[pl.ds(cb, IB)], col_v.at[0],
                              sem0).wait()
        pltpu.async_copy(y_hbm.at[row_v.at[0, 0]], g0, sem0)

        for b in range(NBLK):
            p, np_ = b % 2, (b + 1) % 2

            def body(jj, _):
                j0 = 2 * jj
                pltpu.async_copy(y_hbm.at[row_v.at[p, j0 + 1]], g1, sem1)
                pltpu.make_async_copy(y_hbm.at[row_v.at[p, j0]],
                                      g0, sem0).wait()
                pltpu.sync_copy(g0, s_sh.at[col_v.at[p, j0]], add=True)

                @pl.when(j0 + 2 < IB)
                def _():
                    pltpu.async_copy(y_hbm.at[row_v.at[p, j0 + 2]], g0, sem0)
                pltpu.make_async_copy(y_hbm.at[row_v.at[p, j0 + 1]],
                                      g1, sem1).wait()
                pltpu.sync_copy(g1, s_sh.at[col_v.at[p, j0 + 1]], add=True)
                return 0
            lax.fori_loop(0, IB // 2, body, 0)

            if b < NBLK - 1:
                pltpu.make_async_copy(row_hbm.at[pl.ds(cb, IB)],
                                      row_v.at[np_], semi).wait()
                pltpu.make_async_copy(col_hbm.at[pl.ds(cb, IB)],
                                      col_v.at[np_], semi).wait()
                pltpu.async_copy(y_hbm.at[row_v.at[np_, 0]], g0, sem0)
                if b < NBLK - 2:
                    nb = cb + (b + 2) * IB
                    pltpu.async_copy(row_hbm.at[pl.ds(nb, IB)],
                                     row_v.at[p], semi)
                    pltpu.async_copy(col_hbm.at[pl.ds(nb, IB)],
                                     col_v.at[p], semi)

        plsc.subcore_barrier()
        base = cid * NP + r0
        for q in range(TPR // WB):
            pltpu.async_copy(s_sh.at[pl.ds(r0 + q * WB, WB)],
                             out_hbm.at[pl.ds(base + q * WB, WB)], semz)
        for q in range(TPR // WB):
            pltpu.make_async_copy(s_sh.at[pl.ds(r0 + q * WB, WB)],
                                  out_hbm.at[pl.ds(base + q * WB, WB)],
                                  semz).wait()
    return edge_kernel


_sc_edge_1 = _make_sc_edge(128)
_sc_edge_2 = _make_sc_edge(64)


def _dis_of(da):
    deg = da[0, :, 0:1] + da[1, :, 0:1] + 1.0
    return lax.rsqrt(deg)


def _tc1a_body(x_ref, w_ref, y_ref):
    y_ref[...] = jnp.dot(x_ref[...], w_ref[...],
                         preferred_element_type=jnp.float32)


def _tc1b_body(xw_ref, da_ref, y_ref):
    y_ref[...] = xw_ref[...] * _dis_of(da_ref[...])


def _tc2_body(s_ref, y1_ref, da_ref, b1_ref, w2_ref, y2_ref):
    dis = _dis_of(da_ref[...])
    s = s_ref[...]
    h = jnp.maximum(dis * (s[0] + s[1] + y1_ref[...]) + b1_ref[...], 0.0)
    y2_ref[...] = jnp.dot(h, w2_ref[...],
                          preferred_element_type=jnp.float32) * dis


def _tc3_body(s_ref, y2_ref, da_ref, b2_ref, batch_ref,
              pooled_ref, counts_ref):
    i = pl.program_id(0)
    dis = _dis_of(da_ref[...])
    s = s_ref[...]
    h = jnp.maximum(dis * (s[0] + s[1] + y2_ref[...]) + b2_ref[...], 0.0)
    bt = batch_ref[0]
    gids = lax.broadcasted_iota(jnp.int32, (G, BN), 0)
    onehot = (gids == bt).astype(jnp.float32)

    @pl.when(i == 0)
    def _():
        pooled_ref[...] = jnp.zeros_like(pooled_ref)
        counts_ref[...] = jnp.zeros_like(counts_ref)

    pooled_ref[...] += jnp.dot(onehot, h, preferred_element_type=jnp.float32)
    counts_ref[...] += jnp.sum(onehot, axis=1, keepdims=True)


_tc1a = pl.pallas_call(
    _tc1a_body,
    grid=(NB,),
    in_specs=[
        pl.BlockSpec((BN, 128), lambda i: (i, 0)),
        pl.BlockSpec((128, 128), lambda i: (0, 0)),
    ],
    out_specs=pl.BlockSpec((BN, 128), lambda i: (i, 0)),
    out_shape=jax.ShapeDtypeStruct((N, 128), jnp.float32),
)

_tc1b = pl.pallas_call(
    _tc1b_body,
    grid=(NB,),
    in_specs=[
        pl.BlockSpec((BN, 128), lambda i: (i, 0)),
        pl.BlockSpec((NC, BN, 16), lambda i: (0, i, 0)),
    ],
    out_specs=pl.BlockSpec((BN, 128), lambda i: (i, 0)),
    out_shape=jax.ShapeDtypeStruct((N, 128), jnp.float32),
)

_tc2 = pl.pallas_call(
    _tc2_body,
    grid=(NB,),
    in_specs=[
        pl.BlockSpec((NC, BN, 128), lambda i: (0, i, 0)),
        pl.BlockSpec((BN, 128), lambda i: (i, 0)),
        pl.BlockSpec((NC, BN, 16), lambda i: (0, i, 0)),
        pl.BlockSpec((1, 128), lambda i: (0, 0)),
        pl.BlockSpec((128, 64), lambda i: (0, 0)),
    ],
    out_specs=pl.BlockSpec((BN, 64), lambda i: (i, 0)),
    out_shape=jax.ShapeDtypeStruct((N, 64), jnp.float32),
)

_tc3 = pl.pallas_call(
    _tc3_body,
    grid=(NB,),
    in_specs=[
        pl.BlockSpec((NC, BN, 64), lambda i: (0, i, 0)),
        pl.BlockSpec((BN, 64), lambda i: (i, 0)),
        pl.BlockSpec((NC, BN, 16), lambda i: (0, i, 0)),
        pl.BlockSpec((1, 64), lambda i: (0, 0)),
        pl.BlockSpec((1, 1, BN), lambda i: (i, 0, 0)),
    ],
    out_specs=[
        pl.BlockSpec((G, 64), lambda i: (0, 0)),
        pl.BlockSpec((G, 1), lambda i: (0, 0)),
    ],
    out_shape=[
        jax.ShapeDtypeStruct((G, 64), jnp.float32),
        jax.ShapeDtypeStruct((G, 1), jnp.float32),
    ],
    compiler_params=pltpu.CompilerParams(
        dimension_semantics=("arbitrary",)),
)


def kernel(x, edge_index, batch, W1, b1, W2, b2):
    ei3 = edge_index.astype(jnp.int32).reshape(2, E // C, C)
    batch3d = batch.astype(jnp.int32).reshape(NB, 1, BN)

    degacc = _sc_deg(ei3).reshape(NC, NP, 16)
    xw1 = _tc1a(x, W1)
    y1 = _tc1b(xw1, degacc)
    s1 = _sc_edge_1(ei3, y1).reshape(NC, NP, 128)
    y2 = _tc2(s1, y1, degacc, b1.reshape(1, 128), W2)
    s2 = _sc_edge_2(ei3, y2).reshape(NC, NP, 64)
    pooled, counts = _tc3(s2, y2, degacc, b2.reshape(1, 64), batch3d)
    return pooled / jnp.maximum(counts, 1.0)

# --- scband reference (transcript-rebuilt; emitter-appended) ---
"""Pipeline reference for scband-gcnencoder-24386824307023 (READ-ONLY COPY).

The authoritative reference and input builder live on the scoring server;
editing this copy changes nothing except your own understanding.
"""

import jax, jax.numpy as jnp
import numpy as np

N = 10000
E = 320000
NUM_GRAPHS = 64
D_IN = 128
D_HID = 128
D_OUT = 64


def setup_inputs(seed: int = 0) -> dict:
    key = jax.random.key(seed)
    k = jax.random.split(key, 8)
    x = jax.random.normal(k[0], (N, D_IN), dtype=jnp.float32)
    edge_index = jax.random.randint(k[1], (2, E), 0, N)
    batch = jnp.sort(jax.random.randint(k[2], (N,), 0, NUM_GRAPHS))
    W1 = jax.random.normal(k[3], (D_IN, D_HID), dtype=jnp.float32) * (1.0 / np.sqrt(D_IN))
    b1 = jnp.zeros((D_HID,), dtype=jnp.float32)
    W2 = jax.random.normal(k[4], (D_HID, D_OUT), dtype=jnp.float32) * (1.0 / np.sqrt(D_HID))
    b2 = jnp.zeros((D_OUT,), dtype=jnp.float32)
    return {"x": x, "edge_index": edge_index, "batch": batch, "W1": W1, "b1": b1, "W2": W2, "b2": b2}


def _gcn_conv(x, edge_index, W, b):
    # PyG GCNConv: add self-loops, symmetric normalization D^-1/2 (A+I) D^-1/2 X W + b
    num_nodes = x.shape[0]
    self_loops = jnp.arange(num_nodes, dtype=edge_index.dtype)
    row = jnp.concatenate([edge_index[0], self_loops])
    col = jnp.concatenate([edge_index[1], self_loops])
    deg = jax.ops.segment_sum(jnp.ones(row.shape[0], dtype=x.dtype), col, num_segments=num_nodes)
    deg_inv_sqrt = jnp.where(deg > 0, 1.0 / jnp.sqrt(deg), 0.0)
    norm = deg_inv_sqrt[row] * deg_inv_sqrt[col]
    xw = x @ W
    msgs = xw[row] * norm[:, None]
    out = jax.ops.segment_sum(msgs, col, num_segments=num_nodes)
    return out + b


def reference(x, edge_index, batch, W1, b1, W2, b2):
    h = jax.nn.relu(_gcn_conv(x, edge_index, W1, b1))
    h = jax.nn.relu(_gcn_conv(h, edge_index, W2, b2))
    # global_mean_pool
    summed = jax.ops.segment_sum(h, batch, num_segments=NUM_GRAPHS)
    counts = jax.ops.segment_sum(jnp.ones((h.shape[0],), dtype=h.dtype), batch, num_segments=NUM_GRAPHS)
    return summed / jnp.maximum(counts, 1.0)[:, None]

if __name__ == "__main__":
    import jax
    _d = setup_inputs()
    print(jax.jit(kernel)(*tuple(_d.values())))

</pallas_src>

<mosaic_0001>
#map = affine_map<(d0, d1) -> (0, 0, 0)>
#map1 = affine_map<(d0, d1) -> (0, 0)>
module attributes {stable_mosaic.version = 14 : i64} {
  func.func @edge_kernel(%arg0: i32, %arg1: i32, %arg2: memref<2x2560x125xi32, #tpu.memory_space<hbm>>, %arg3: memref<10000x64xf32, #tpu.memory_space<hbm>>, %arg4: memref<20480x64xf32, #tpu.memory_space<hbm>>, %arg5: memref<10240x64xf32, #tpu.memory_space<vmem_shared>>, %arg6: memref<2x16x125xi32, #tpu.memory_space<vmem>>, %arg7: memref<2x16x125xi32, #tpu.memory_space<vmem>>, %arg8: memref<125x64xf32, #tpu.memory_space<vmem>>, %arg9: memref<125x64xf32, #tpu.memory_space<vmem>>, %arg10: memref<64x64xf32, #tpu.memory_space<vmem>>, %arg11: memref<!tpu.dma_semaphore, #tpu.memory_space<semaphore_mem>>, %arg12: memref<!tpu.dma_semaphore, #tpu.memory_space<semaphore_mem>>, %arg13: memref<!tpu.dma_semaphore, #tpu.memory_space<semaphore_mem>>, %arg14: memref<!tpu.dma_semaphore, #tpu.memory_space<semaphore_mem>>) attributes {dimension_semantics = [#tpu.dimension_semantics<core_parallel>, #tpu.dimension_semantics<subcore_parallel>], iteration_bounds = array<i64: 2, 16>, scalar_prefetch = 0 : i64, scratch_operands = 10 : i64, tpu.core_type = #tpu.core_type<sc_vector_subcore>, window_params = [{transform_indices = #map}, {transform_indices = #map1}, {transform_indices = #map1}]} {
    %mul3A = arith.constant 2 : i32
    %mul3A_0 = arith.muli %arg1, %mul3A : i32
    %add3A = arith.addi %mul3A_0, %arg0 : i32
    %mul3A_1 = arith.constant 80 : i32
    %mul3A_2 = arith.muli %add3A, %mul3A_1 : i32
    %dma_start3A = arith.constant 0 : i32
    %dma_start3A_3 = arith.constant 0 : i32
    %dma_start3A_4 = arith.constant 0 : i32
    %dma_start3A_5 = arith.constant 0 : i32
    %dma_start3A_6 = tpu.memref_slice %arg6[%dma_start3A_3, %dma_start3A_4, %dma_start3A_5] : memref<2x16x125xi32, #tpu.memory_space<vmem>> -> memref<1x16x125xi32, #tpu.memory_space<vmem>>
    %dma_start3A_7 = tpu.memref_squeeze %dma_start3A_6 : memref<1x16x125xi32, #tpu.memory_space<vmem>> -> memref<16x125xi32, #tpu.memory_space<vmem>>
    %dma_start3A_8 = arith.constant 0 : i32
    %dma_start3A_9 = arith.constant 0 : i32
    %dma_start3A_10 = tpu.memref_slice %arg2[%dma_start3A, %dma_start3A_8, %dma_start3A_9] : memref<2x2560x125xi32, #tpu.memory_space<hbm>> -> memref<1x2560x125xi32, #tpu.memory_space<hbm>>
    %dma_start3A_11 = tpu.memref_squeeze %dma_start3A_10 : memref<1x2560x125xi32, #tpu.memory_space<hbm>> -> memref<2560x125xi32, #tpu.memory_space<hbm>>
    %dma_start3A_12 = arith.constant 0 : i32
    %dma_start3A_13 = tpu.memref_slice %dma_start3A_11[%mul3A_2, %dma_start3A_12] : memref<2560x125xi32, #tpu.memory_space<hbm>> -> memref<16x125xi32, #tpu.memory_space<hbm>>
    %dma_start3A_14 = arith.constant 0 : i32
    %dma_start3A_15 = arith.constant 0 : i32
    %dma_start3A_16 = tpu.memref_slice %arg6[%dma_start3A_3, %dma_start3A_14, %dma_start3A_15] : memref<2x16x125xi32, #tpu.memory_space<vmem>> -> memref<1x16x125xi32, #tpu.memory_space<vmem>>
    %dma_start3A_17 = tpu.memref_squeeze %dma_start3A_16 : memref<1x16x125xi32, #tpu.memory_space<vmem>> -> memref<16x125xi32, #tpu.memory_space<vmem>>
    %dma_start3A_18 = arith.constant 0 : i32
    %dma_start3A_19 = arith.constant 0 : i32
    %dma_start3A_20 = tpu.memref_slice %arg2[%dma_start3A, %dma_start3A_18, %dma_start3A_19] : memref<2x2560x125xi32, #tpu.memory_space<hbm>> -> memref<1x2560x125xi32, #tpu.memory_space<hbm>>
    %dma_start3A_21 = tpu.memref_squeeze %dma_start3A_20 : memref<1x2560x125xi32, #tpu.memory_space<hbm>> -> memref<2560x125xi32, #tpu.memory_space<hbm>>
    %dma_start3A_22 = arith.constant 0 : i32
    %dma_start3A_23 = tpu.memref_slice %dma_start3A_21[%mul3A_2, %dma_start3A_22] : memref<2560x125xi32, #tpu.memory_space<hbm>> -> memref<16x125xi32, #tpu.memory_space<hbm>>
    tpu.enqueue_dma source(%dma_start3A_23 : memref<16x125xi32, #tpu.memory_space<hbm>>) target(%dma_start3A_17 : memref<16x125xi32, #tpu.memory_space<vmem>>) target_semaphore(%arg11 : memref<!tpu.dma_semaphore, #tpu.memory_space<semaphore_mem>>)
    %dma_start3A_24 = arith.constant 1 : i32
    %dma_start3A_25 = arith.constant 0 : i32
    %dma_start3A_26 = arith.constant 0 : i32
    %dma_start3A_27 = arith.constant 0 : i32
    %dma_start3A_28 = tpu.memref_slice %arg7[%dma_start3A_25, %dma_start3A_26, %dma_start3A_27] : memref<2x16x125xi32, #tpu.memory_space<vmem>> -> memref<1x16x125xi32, #tpu.memory_space<vmem>>
    %dma_start3A_29 = tpu.memref_squeeze %dma_start3A_28 : memref<1x16x125xi32, #tpu.memory_space<vmem>> -> memref<16x125xi32, #tpu.memory_space<vmem>>
    %dma_start3A_30 = arith.constant 0 : i32
    %dma_start3A_31 = arith.constant 0 : i32
    %dma_start3A_32 = tpu.memref_slice %arg2[%dma_start3A_24, %dma_start3A_30, %dma_start3A_31] : memref<2x2560x125xi32, #tpu.memory_space<hbm>> -> memref<1x2560x125xi32, #tpu.memory_space<hbm>>
    %dma_start3A_33 = tpu.memref_squeeze %dma_start3A_32 : memref<1x2560x125xi32, #tpu.memory_space<hbm>> -> memref<2560x125xi32, #tpu.memory_space<hbm>>
    %dma_start3A_34 = arith.constant 0 : i32
    %dma_start3A_35 = tpu.memref_slice %dma_start3A_33[%mul3A_2, %dma_start3A_34] : memref<2560x125xi32, #tpu.memory_space<hbm>> -> memref<16x125xi32, #tpu.memory_space<hbm>>
    %dma_start3A_36 = arith.constant 0 : i32
    %dma_start3A_37 = arith.constant 0 : i32
    %dma_start3A_38 = tpu.memref_slice %arg7[%dma_start3A_25, %dma_start3A_36, %dma_start3A_37] : memref<2x16x125xi32, #tpu.memory_space<vmem>> -> memref<1x16x125xi32, #tpu.memory_space<vmem>>
    %dma_start3A_39 = tpu.memref_squeeze %dma_start3A_38 : memref<1x16x125xi32, #tpu.memory_space<vmem>> -> memref<16x125xi32, #tpu.memory_space<vmem>>
    %dma_start3A_40 = arith.constant 0 : i32
    %dma_start3A_41 = arith.constant 0 : i32
    %dma_start3A_42 = tpu.memref_slice %arg2[%dma_start3A_24, %dma_start3A_40, %dma_start3A_41] : memref<2x2560x125xi32, #tpu.memory_space<hbm>> -> memref<1x2560x125xi32, #tpu.memory_space<hbm>>
    %dma_start3A_43 = tpu.memref_squeeze %dma_start3A_42 : memref<1x2560x125xi32, #tpu.memory_space<hbm>> -> memref<2560x125xi32, #tpu.memory_space<hbm>>
    %dma_start3A_44 = arith.constant 0 : i32
    %dma_start3A_45 = tpu.memref_slice %dma_start3A_43[%mul3A_2, %dma_start3A_44] : memref<2560x125xi32, #tpu.memory_space<hbm>> -> memref<16x125xi32, #tpu.memory_space<hbm>>
    tpu.enqueue_dma source(%dma_start3A_45 : memref<16x125xi32, #tpu.memory_space<hbm>>) target(%dma_start3A_39 : memref<16x125xi32, #tpu.memory_space<vmem>>) target_semaphore(%arg11 : memref<!tpu.dma_semaphore, #tpu.memory_space<semaphore_mem>>)
    %add3A_46 = arith.constant 16 : i32
    %add3A_47 = arith.addi %mul3A_2, %add3A_46 : i32
    %dma_start3A_48 = arith.constant 0 : i32
    %dma_start3A_49 = arith.constant 1 : i32
    %dma_start3A_50 = arith.constant 0 : i32
    %dma_start3A_51 = arith.constant 0 : i32
    %dma_start3A_52 = tpu.memref_slice %arg6[%dma_start3A_49, %dma_start3A_50, %dma_start3A_51] : memref<2x16x125xi32, #tpu.memory_space<vmem>> -> memref<1x16x125xi32, #tpu.memory_space<vmem>>
    %dma_start3A_53 = tpu.memref_squeeze %dma_start3A_52 : memref<1x16x125xi32, #tpu.memory_space<vmem>> -> memref<16x125xi32, #tpu.memory_space<vmem>>
    %dma_start3A_54 = arith.constant 0 : i32
    %dma_start3A_55 = arith.constant 0 : i32
    %dma_start3A_56 = tpu.memref_slice %arg2[%dma_start3A_48, %dma_start3A_54, %dma_start3A_55] : memref<2x2560x125xi32, #tpu.memory_space<hbm>> -> memref<1x2560x125xi32, #tpu.memory_space<hbm>>
    %dma_start3A_57 = tpu.memref_squeeze %dma_start3A_56 : memref<1x2560x125xi32, #tpu.memory_space<hbm>> -> memref<2560x125xi32, #tpu.memory_space<hbm>>
    %dma_start3A_58 = arith.constant 0 : i32
    %dma_start3A_59 = tpu.memref_slice %dma_start3A_57[%add3A_47, %dma_start3A_58] : memref<2560x125xi32, #tpu.memory_space<hbm>> -> memref<16x125xi32, #tpu.memory_space<hbm>>
    %dma_start3A_60 = arith.constant 0 : i32
    %dma_start3A_61 = arith.constant 0 : i32
    %dma_start3A_62 = tpu.memref_slice %arg6[%dma_start3A_49, %dma_start3A_60, %dma_start3A_61] : memref<2x16x125xi32, #tpu.memory_space<vmem>> -> memref<1x16x125xi32, #tpu.memory_space<vmem>>
    %dma_start3A_63 = tpu.memref_squeeze %dma_start3A_62 : memref<1x16x125xi32, #tpu.memory_space<vmem>> -> memref<16x125xi32, #tpu.memory_space<vmem>>
    %dma_start3A_64 = arith.constant 0 : i32
    %dma_start3A_65 = arith.constant 0 : i32
    %dma_start3A_66 = tpu.memref_slice %arg2[%dma_start3A_48, %dma_start3A_64, %dma_start3A_65] : memref<2x2560x125xi32, #tpu.memory_space<hbm>> -> memref<1x2560x125xi32, #tpu.memory_space<hbm>>
    %dma_start3A_67 = tpu.memref_squeeze %dma_start3A_66 : memref<1x2560x125xi32, #tpu.memory_space<hbm>> -> memref<2560x125xi32, #tpu.memory_space<hbm>>
    %dma_start3A_68 = arith.constant 0 : i32
    %dma_start3A_69 = tpu.memref_slice %dma_start3A_67[%add3A_47, %dma_start3A_68] : memref<2560x125xi32, #tpu.memory_space<hbm>> -> memref<16x125xi32, #tpu.memory_space<hbm>>
    tpu.enqueue_dma source(%dma_start3A_69 : memref<16x125xi32, #tpu.memory_space<hbm>>) target(%dma_start3A_63 : memref<16x125xi32, #tpu.memory_space<vmem>>) target_semaphore(%arg13 : memref<!tpu.dma_semaphore, #tpu.memory_space<semaphore_mem>>)
    %add3A_70 = arith.constant 16 : i32
    %add3A_71 = arith.addi %mul3A_2, %add3A_70 : i32
    %dma_start3A_72 = arith.constant 1 : i32
    %dma_start3A_73 = arith.constant 1 : i32
    %dma_start3A_74 = arith.constant 0 : i32
    %dma_start3A_75 = arith.constant 0 : i32
    %dma_start3A_76 = tpu.memref_slice %arg7[%dma_start3A_73, %dma_start3A_74, %dma_start3A_75] : memref<2x16x125xi32, #tpu.memory_space<vmem>> -> memref<1x16x125xi32, #tpu.memory_space<vmem>>
    %dma_start3A_77 = tpu.memref_squeeze %dma_start3A_76 : memref<1x16x125xi32, #tpu.memory_space<vmem>> -> memref<16x125xi32, #tpu.memory_space<vmem>>
    %dma_start3A_78 = arith.constant 0 : i32
    %dma_start3A_79 = arith.constant 0 : i32
    %dma_start3A_80 = tpu.memref_slice %arg2[%dma_start3A_72, %dma_start3A_78, %dma_start3A_79] : memref<2x2560x125xi32, #tpu.memory_space<hbm>> -> memref<1x2560x125xi32, #tpu.memory_space<hbm>>
    %dma_start3A_81 = tpu.memref_squeeze %dma_start3A_80 : memref<1x2560x125xi32, #tpu.memory_space<hbm>> -> memref<2560x125xi32, #tpu.memory_space<hbm>>
    %dma_start3A_82 = arith.constant 0 : i32
    %dma_start3A_83 = tpu.memref_slice %dma_start3A_81[%add3A_71, %dma_start3A_82] : memref<2560x125xi32, #tpu.memory_space<hbm>> -> memref<16x125xi32, #tpu.memory_space<hbm>>
    %dma_start3A_84 = arith.constant 0 : i32
    %dma_start3A_85 = arith.constant 0 : i32
    %dma_start3A_86 = tpu.memref_slice %arg7[%dma_start3A_73, %dma_start3A_84, %dma_start3A_85] : memref<2x16x125xi32, #tpu.memory_space<vmem>> -> memref<1x16x125xi32, #tpu.memory_space<vmem>>
    %dma_start3A_87 = tpu.memref_squeeze %dma_start3A_86 : memref<1x16x125xi32, #tpu.memory_space<vmem>> -> memref<16x125xi32, #tpu.memory_space<vmem>>
    %dma_start3A_88 = arith.constant 0 : i32
    %dma_start3A_89 = arith.constant 0 : i32
    %dma_start3A_90 = tpu.memref_slice %arg2[%dma_start3A_72, %dma_start3A_88, %dma_start3A_89] : memref<2x2560x125xi32, #tpu.memory_space<hbm>> -> memref<1x2560x125xi32, #tpu.memory_space<hbm>>
    %dma_start3A_91 = tpu.memref_squeeze %dma_start3A_90 : memref<1x2560x125xi32, #tpu.memory_space<hbm>> -> memref<2560x125xi32, #tpu.memory_space<hbm>>
    %dma_start3A_92 = arith.constant 0 : i32
    %dma_start3A_93 = tpu.memref_slice %dma_start3A_91[%add3A_71, %dma_start3A_92] : memref<2560x125xi32, #tpu.memory_space<hbm>> -> memref<16x125xi32, #tpu.memory_space<hbm>>
    tpu.enqueue_dma source(%dma_start3A_93 : memref<16x125xi32, #tpu.memory_space<hbm>>) target(%dma_start3A_87 : memref<16x125xi32, #tpu.memory_space<vmem>>) target_semaphore(%arg13 : memref<!tpu.dma_semaphore, #tpu.memory_space<semaphore_mem>>)
    %scan3A = arith.constant 0 : i32
    %scan3A_94 = arith.constant 0 : i32
    %scan3A_95 = arith.constant 64 : i32
    %scan3A_96 = arith.addi %scan3A_94, %scan3A_95 : i32
    %scan3A_97 = arith.constant 1 : i32
    %scan3A_98 = scf.for %scan3A_738 = %scan3A_94 to %scan3A_96 step %scan3A_97 iter_args(%scan3A_739 = %scan3A) -> (i32)  : i32 {
      %broadcast_in_dim3A = arith.constant 0.000000e+00 : f32
      %broadcast_in_dim3A_740 = vector.broadcast %broadcast_in_dim3A : f32 to vector<16xf32>
      %swap3A = arith.index_cast %scan3A_738 : i32 to index
      %swap3A_741 = arith.constant 0 : index
      %swap3A_742 = tpu.vector_load %arg10[%swap3A, %swap3A_741] {strides = array<i32>} : memref<64x64xf32, #tpu.memory_space<vmem>>, vector<1x16xf32>,
      %swap3A_743 = vector.shape_cast %swap3A_742 : vector<1x16xf32> to vector<16xf32>
      %swap3A_744 = vector.shape_cast %broadcast_in_dim3A_740 : vector<16xf32> to vector<1x16xf32>
      tpu.vector_store %arg10[%swap3A, %swap3A_741], %swap3A_744 {strides = array<i32>} : memref<64x64xf32, #tpu.memory_space<vmem>>, vector<1x16xf32>,
      %broadcast_in_dim3A_745 = arith.constant 0.000000e+00 : f32
      %broadcast_in_dim3A_746 = vector.broadcast %broadcast_in_dim3A_745 : f32 to vector<16xf32>
      %swap3A_747 = arith.index_cast %scan3A_738 : i32 to index
      %swap3A_748 = arith.constant 16 : index
      %swap3A_749 = tpu.vector_load %arg10[%swap3A_747, %swap3A_748] {strides = array<i32>} : memref<64x64xf32, #tpu.memory_space<vmem>>, vector<1x16xf32>,
      %swap3A_750 = vector.shape_cast %swap3A_749 : vector<1x16xf32> to vector<16xf32>
      %swap3A_751 = vector.shape_cast %broadcast_in_dim3A_746 : vector<16xf32> to vector<1x16xf32>
      tpu.vector_store %arg10[%swap3A_747, %swap3A_748], %swap3A_751 {strides = array<i32>} : memref<64x64xf32, #tpu.memory_space<vmem>>, vector<1x16xf32>,
      %broadcast_in_dim3A_752 = arith.constant 0.000000e+00 : f32
      %broadcast_in_dim3A_753 = vector.broadcast %broadcast_in_dim3A_752 : f32 to vector<16xf32>
      %swap3A_754 = arith.index_cast %scan3A_738 : i32 to index
      %swap3A_755 = arith.constant 32 : index
      %swap3A_756 = tpu.vector_load %arg10[%swap3A_754, %swap3A_755] {strides = array<i32>} : memref<64x64xf32, #tpu.memory_space<vmem>>, vector<1x16xf32>,
      %swap3A_757 = vector.shape_cast %swap3A_756 : vector<1x16xf32> to vector<16xf32>
      %swap3A_758 = vector.shape_cast %broadcast_in_dim3A_753 : vector<16xf32> to vector<1x16xf32>
      tpu.vector_store %arg10[%swap3A_754, %swap3A_755], %swap3A_758 {strides = array<i32>} : memref<64x64xf32, #tpu.memory_space<vmem>>, vector<1x16xf32>,
      %broadcast_in_dim3A_759 = arith.constant 0.000000e+00 : f32
      %broadcast_in_dim3A_760 = vector.broadcast %broadcast_in_dim3A_759 : f32 to vector<16xf32>
      %swap3A_761 = arith.index_cast %scan3A_738 : i32 to index
      %swap3A_762 = arith.constant 48 : index
      %swap3A_763 = tpu.vector_load %arg10[%swap3A_761, %swap3A_762] {strides = array<i32>} : memref<64x64xf32, #tpu.memory_space<vmem>>, vector<1x16xf32>,
      %swap3A_764 = vector.shape_cast %swap3A_763 : vector<1x16xf32> to vector<16xf32>
      %swap3A_765 = vector.shape_cast %broadcast_in_dim3A_760 : vector<16xf32> to vector<1x16xf32>
      tpu.vector_store %arg10[%swap3A_761, %swap3A_762], %swap3A_765 {strides = array<i32>} : memref<64x64xf32, #tpu.memory_space<vmem>>, vector<1x16xf32>,
      %scan3A_766 = arith.constant 0 : i32
      scf.yield %scan3A_766 : i32
    }
    %scan3A_99 = arith.constant 64 : i32
    %mul3A_100 = arith.constant 640 : i32
    %mul3A_101 = arith.muli %arg1, %mul3A_100 : i32
    %add3A_102 = arith.constant 0 : i32
    %add3A_103 = arith.addi %mul3A_101, %add3A_102 : i32
    %dma_start3A_104 = arith.constant 0 : i32
    %dma_start3A_105 = tpu.memref_slice %arg5[%add3A_103, %dma_start3A_104] : memref<10240x64xf32, #tpu.memory_space<vmem_shared>> -> memref<64x64xf32, #tpu.memory_space<vmem_shared>>
    %dma_start3A_106 = arith.constant 0 : i32
    %dma_start3A_107 = tpu.memref_slice %arg5[%add3A_103, %dma_start3A_106] : memref<10240x64xf32, #tpu.memory_space<vmem_shared>> -> memref<64x64xf32, #tpu.memory_space<vmem_shared>>
    tpu.enqueue_dma source(%arg10 : memref<64x64xf32, #tpu.memory_space<vmem>>) target(%dma_start3A_107 : memref<64x64xf32, #tpu.memory_space<vmem_shared>>) target_semaphore(%arg14 : memref<!tpu.dma_semaphore, #tpu.memory_space<semaphore_mem>>)
    %add3A_108 = arith.constant 64 : i32
    %add3A_109 = arith.addi %mul3A_101, %add3A_108 : i32
    %dma_start3A_110 = arith.constant 0 : i32
    %dma_start3A_111 = tpu.memref_slice %arg5[%add3A_109, %dma_start3A_110] : memref<10240x64xf32, #tpu.memory_space<vmem_shared>> -> memref<64x64xf32, #tpu.memory_space<vmem_shared>>
    %dma_start3A_112 = arith.constant 0 : i32
    %dma_start3A_113 = tpu.memref_slice %arg5[%add3A_109, %dma_start3A_112] : memref<10240x64xf32, #tpu.memory_space<vmem_shared>> -> memref<64x64xf32, #tpu.memory_space<vmem_shared>>
    tpu.enqueue_dma source(%arg10 : memref<64x64xf32, #tpu.memory_space<vmem>>) target(%dma_start3A_113 : memref<64x64xf32, #tpu.memory_space<vmem_shared>>) target_semaphore(%arg14 : memref<!tpu.dma_semaphore, #tpu.memory_space<semaphore_mem>>)
    %add3A_114 = arith.constant 128 : i32
    %add3A_115 = arith.addi %mul3A_101, %add3A_114 : i32
    %dma_start3A_116 = arith.constant 0 : i32
    %dma_start3A_117 = tpu.memref_slice %arg5[%add3A_115, %dma_start3A_116] : memref<10240x64xf32, #tpu.memory_space<vmem_shared>> -> memref<64x64xf32, #tpu.memory_space<vmem_shared>>
    %dma_start3A_118 = arith.constant 0 : i32
    %dma_start3A_119 = tpu.memref_slice %arg5[%add3A_115, %dma_start3A_118] : memref<10240x64xf32, #tpu.memory_space<vmem_shared>> -> memref<64x64xf32, #tpu.memory_space<vmem_shared>>
    tpu.enqueue_dma source(%arg10 : memref<64x64xf32, #tpu.memory_space<vmem>>) target(%dma_start3A_119 : memref<64x64xf32, #tpu.memory_space<vmem_shared>>) target_semaphore(%arg14 : memref<!tpu.dma_semaphore, #tpu.memory_space<semaphore_mem>>)
    %add3A_120 = arith.constant 192 : i32
    %add3A_121 = arith.addi %mul3A_101, %add3A_120 : i32
    %dma_start3A_122 = arith.constant 0 : i32
    %dma_start3A_123 = tpu.memref_slice %arg5[%add3A_121, %dma_start3A_122] : memref<10240x64xf32, #tpu.memory_space<vmem_shared>> -> memref<64x64xf32, #tpu.memory_space<vmem_shared>>
    %dma_start3A_124 = arith.constant 0 : i32
    %dma_start3A_125 = tpu.memref_slice %arg5[%add3A_121, %dma_start3A_124] : memref<10240x64xf32, #tpu.memory_space<vmem_shared>> -> memref<64x64xf32, #tpu.memory_space<vmem_shared>>
    tpu.enqueue_dma source(%arg10 : memref<64x64xf32, #tpu.memory_space<vmem>>) target(%dma_start3A_125 : memref<64x64xf32, #tpu.memory_space<vmem_shared>>) target_semaphore(%arg14 : memref<!tpu.dma_semaphore, #tpu.memory_space<semaphore_mem>>)
    %add3A_126 = arith.constant 256 : i32
    %add3A_127 = arith.addi %mul3A_101, %add3A_126 : i32
    %dma_start3A_128 = arith.constant 0 : i32
    %dma_start3A_129 = tpu.memref_slice %arg5[%add3A_127, %dma_start3A_128] : memref<10240x64xf32, #tpu.memory_space<vmem_shared>> -> memref<64x64xf32, #tpu.memory_space<vmem_shared>>
    %dma_start3A_130 = arith.constant 0 : i32
    %dma_start3A_131 = tpu.memref_slice %arg5[%add3A_127, %dma_start3A_130] : memref<10240x64xf32, #tpu.memory_space<vmem_shared>> -> memref<64x64xf32, #tpu.memory_space<vmem_shared>>
    tpu.enqueue_dma source(%arg10 : memref<64x64xf32, #tpu.memory_space<vmem>>) target(%dma_start3A_131 : memref<64x64xf32, #tpu.memory_space<vmem_shared>>) target_semaphore(%arg14 : memref<!tpu.dma_semaphore, #tpu.memory_space<semaphore_mem>>)
    %add3A_132 = arith.constant 320 : i32
    %add3A_133 = arith.addi %mul3A_101, %add3A_132 : i32
    %dma_start3A_134 = arith.constant 0 : i32
    %dma_start3A_135 = tpu.memref_slice %arg5[%add3A_133, %dma_start3A_134] : memref<10240x64xf32, #tpu.memory_space<vmem_shared>> -> memref<64x64xf32, #tpu.memory_space<vmem_shared>>
    %dma_start3A_136 = arith.constant 0 : i32
    %dma_start3A_137 = tpu.memref_slice %arg5[%add3A_133, %dma_start3A_136] : memref<10240x64xf32, #tpu.memory_space<vmem_shared>> -> memref<64x64xf32, #tpu.memory_space<vmem_shared>>
    tpu.enqueue_dma source(%arg10 : memref<64x64xf32, #tpu.memory_space<vmem>>) target(%dma_start3A_137 : memref<64x64xf32, #tpu.memory_space<vmem_shared>>) target_semaphore(%arg14 : memref<!tpu.dma_semaphore, #tpu.memory_space<semaphore_mem>>)
    %add3A_138 = arith.constant 384 : i32
    %add3A_139 = arith.addi %mul3A_101, %add3A_138 : i32
    %dma_start3A_140 = arith.constant 0 : i32
    %dma_start3A_141 = tpu.memref_slice %arg5[%add3A_139, %dma_start3A_140] : memref<10240x64xf32, #tpu.memory_space<vmem_shared>> -> memref<64x64xf32, #tpu.memory_space<vmem_shared>>
    %dma_start3A_142 = arith.constant 0 : i32
    %dma_start3A_143 = tpu.memref_slice %arg5[%add3A_139, %dma_start3A_142] : memref<10240x64xf32, #tpu.memory_space<vmem_shared>> -> memref<64x64xf32, #tpu.memory_space<vmem_shared>>
    tpu.enqueue_dma source(%arg10 : memref<64x64xf32, #tpu.memory_space<vmem>>) target(%dma_start3A_143 : memref<64x64xf32, #tpu.memory_space<vmem_shared>>) target_semaphore(%arg14 : memref<!tpu.dma_semaphore, #tpu.memory_space<semaphore_mem>>)
    %add3A_144 = arith.constant 448 : i32
    %add3A_145 = arith.addi %mul3A_101, %add3A_144 : i32
    %dma_start3A_146 = arith.constant 0 : i32
    %dma_start3A_147 = tpu.memref_slice %arg5[%add3A_145, %dma_start3A_146] : memref<10240x64xf32, #tpu.memory_space<vmem_shared>> -> memref<64x64xf32, #tpu.memory_space<vmem_shared>>
    %dma_start3A_148 = arith.constant 0 : i32
    %dma_start3A_149 = tpu.memref_slice %arg5[%add3A_145, %dma_start3A_148] : memref<10240x64xf32, #tpu.memory_space<vmem_shared>> -> memref<64x64xf32, #tpu.memory_space<vmem_shared>>
    tpu.enqueue_dma source(%arg10 : memref<64x64xf32, #tpu.memory_space<vmem>>) target(%dma_start3A_149 : memref<64x64xf32, #tpu.memory_space<vmem_shared>>) target_semaphore(%arg14 : memref<!tpu.dma_semaphore, #tpu.memory_space<semaphore_mem>>)
    %add3A_150 = arith.constant 512 : i32
    %add3A_151 = arith.addi %mul3A_101, %add3A_150 : i32
    %dma_start3A_152 = arith.constant 0 : i32
    %dma_start3A_153 = tpu.memref_slice %arg5[%add3A_151, %dma_start3A_152] : memref<10240x64xf32, #tpu.memory_space<vmem_shared>> -> memref<64x64xf32, #tpu.memory_space<vmem_shared>>
    %dma_start3A_154 = arith.constant 0 : i32
    %dma_start3A_155 = tpu.memref_slice %arg5[%add3A_151, %dma_start3A_154] : memref<10240x64xf32, #tpu.memory_space<vmem_shared>> -> memref<64x64xf32, #tpu.memory_space<vmem_shared>>
    tpu.enqueue_dma source(%arg10 : memref<64x64xf32, #tpu.memory_space<vmem>>) target(%dma_start3A_155 : memref<64x64xf32, #tpu.memory_space<vmem_shared>>) target_semaphore(%arg14 : memref<!tpu.dma_semaphore, #tpu.memory_space<semaphore_mem>>)
    %add3A_156 = arith.constant 576 : i32
    %add3A_157 = arith.addi %mul3A_101, %add3A_156 : i32
    %dma_start3A_158 = arith.constant 0 : i32
    %dma_start3A_159 = tpu.memref_slice %arg5[%add3A_157, %dma_start3A_158] : memref<10240x64xf32, #tpu.memory_space<vmem_shared>> -> memref<64x64xf32, #tpu.memory_space<vmem_shared>>
    %dma_start3A_160 = arith.constant 0 : i32
    %dma_start3A_161 = tpu.memref_slice %arg5[%add3A_157, %dma_start3A_160] : memref<10240x64xf32, #tpu.memory_space<vmem_shared>> -> memref<64x64xf32, #tpu.memory_space<vmem_shared>>
    tpu.enqueue_dma source(%arg10 : memref<64x64xf32, #tpu.memory_space<vmem>>) target(%dma_start3A_161 : memref<64x64xf32, #tpu.memory_space<vmem_shared>>) target_semaphore(%arg14 : memref<!tpu.dma_semaphore, #tpu.memory_space<semaphore_mem>>)
    %add3A_162 = arith.constant 0 : i32
    %add3A_163 = arith.addi %mul3A_101, %add3A_162 : i32
    %dma_wait3A = arith.constant 0 : i32
    %dma_wait3A_164 = tpu.memref_slice %arg5[%add3A_163, %dma_wait3A] : memref<10240x64xf32, #tpu.memory_space<vmem_shared>> -> memref<64x64xf32, #tpu.memory_space<vmem_shared>>
    %dma_wait3A_165 = arith.constant 0 : i32
    %dma_wait3A_166 = tpu.memref_slice %arg5[%add3A_163, %dma_wait3A_165] : memref<10240x64xf32, #tpu.memory_space<vmem_shared>> -> memref<64x64xf32, #tpu.memory_space<vmem_shared>>
    tpu.wait_dma2 semaphore(%arg14 : memref<!tpu.dma_semaphore, #tpu.memory_space<semaphore_mem>>) src(%arg10 : memref<64x64xf32, #tpu.memory_space<vmem>>) dst(%dma_wait3A_166 : memref<64x64xf32, #tpu.memory_space<vmem_shared>>)
    %add3A_167 = arith.constant 64 : i32
    %add3A_168 = arith.addi %mul3A_101, %add3A_167 : i32
    %dma_wait3A_169 = arith.constant 0 : i32
    %dma_wait3A_170 = tpu.memref_slice %arg5[%add3A_168, %dma_wait3A_169] : memref<10240x64xf32, #tpu.memory_space<vmem_shared>> -> memref<64x64xf32, #tpu.memory_space<vmem_shared>>
    %dma_wait3A_171 = arith.constant 0 : i32
    %dma_wait3A_172 = tpu.memref_slice %arg5[%add3A_168, %dma_wait3A_171] : memref<10240x64xf32, #tpu.memory_space<vmem_shared>> -> memref<64x64xf32, #tpu.memory_space<vmem_shared>>
    tpu.wait_dma2 semaphore(%arg14 : memref<!tpu.dma_semaphore, #tpu.memory_space<semaphore_mem>>) src(%arg10 : memref<64x64xf32, #tpu.memory_space<vmem>>) dst(%dma_wait3A_172 : memref<64x64xf32, #tpu.memory_space<vmem_shared>>)
    %add3A_173 = arith.constant 128 : i32
    %add3A_174 = arith.addi %mul3A_101, %add3A_173 : i32
    %dma_wait3A_175 = arith.constant 0 : i32
    %dma_wait3A_176 = tpu.memref_slice %arg5[%add3A_174, %dma_wait3A_175] : memref<10240x64xf32, #tpu.memory_space<vmem_shared>> -> memref<64x64xf32, #tpu.memory_space<vmem_shared>>
    %dma_wait3A_177 = arith.constant 0 : i32
    %dma_wait3A_178 = tpu.memref_slice %arg5[%add3A_174, %dma_wait3A_177] : memref<10240x64xf32, #tpu.memory_space<vmem_shared>> -> memref<64x64xf32, #tpu.memory_space<vmem_shared>>
    tpu.wait_dma2 semaphore(%arg14 : memref<!tpu.dma_semaphore, #tpu.memory_space<semaphore_mem>>) src(%arg10 : memref<64x64xf32, #tpu.memory_space<vmem>>) dst(%dma_wait3A_178 : memref<64x64xf32, #tpu.memory_space<vmem_shared>>)
    %add3A_179 = arith.constant 192 : i32
    %add3A_180 = arith.addi %mul3A_101, %add3A_179 : i32
    %dma_wait3A_181 = arith.constant 0 : i32
    %dma_wait3A_182 = tpu.memref_slice %arg5[%add3A_180, %dma_wait3A_181] : memref<10240x64xf32, #tpu.memory_space<vmem_shared>> -> memref<64x64xf32, #tpu.memory_space<vmem_shared>>
    %dma_wait3A_183 = arith.constant 0 : i32
    %dma_wait3A_184 = tpu.memref_slice %arg5[%add3A_180, %dma_wait3A_183] : memref<10240x64xf32, #tpu.memory_space<vmem_shared>> -> memref<64x64xf32, #tpu.memory_space<vmem_shared>>
    tpu.wait_dma2 semaphore(%arg14 : memref<!tpu.dma_semaphore, #tpu.memory_space<semaphore_mem>>) src(%arg10 : memref<64x64xf32, #tpu.memory_space<vmem>>) dst(%dma_wait3A_184 : memref<64x64xf32, #tpu.memory_space<vmem_shared>>)
    %add3A_185 = arith.constant 256 : i32
    %add3A_186 = arith.addi %mul3A_101, %add3A_185 : i32
    %dma_wait3A_187 = arith.constant 0 : i32
    %dma_wait3A_188 = tpu.memref_slice %arg5[%add3A_186, %dma_wait3A_187] : memref<10240x64xf32, #tpu.memory_space<vmem_shared>> -> memref<64x64xf32, #tpu.memory_space<vmem_shared>>
    %dma_wait3A_189 = arith.constant 0 : i32
    %dma_wait3A_190 = tpu.memref_slice %arg5[%add3A_186, %dma_wait3A_189] : memref<10240x64xf32, #tpu.memory_space<vmem_shared>> -> memref<64x64xf32, #tpu.memory_space<vmem_shared>>
    tpu.wait_dma2 semaphore(%arg14 : memref<!tpu.dma_semaphore, #tpu.memory_space<semaphore_mem>>) src(%arg10 : memref<64x64xf32, #tpu.memory_space<vmem>>) dst(%dma_wait3A_190 : memref<64x64xf32, #tpu.memory_space<vmem_shared>>)
    %add3A_191 = arith.constant 320 : i32
    %add3A_192 = arith.addi %mul3A_101, %add3A_191 : i32
    %dma_wait3A_193 = arith.constant 0 : i32
    %dma_wait3A_194 = tpu.memref_slice %arg5[%add3A_192, %dma_wait3A_193] : memref<10240x64xf32, #tpu.memory_space<vmem_shared>> -> memref<64x64xf32, #tpu.memory_space<vmem_shared>>
    %dma_wait3A_195 = arith.constant 0 : i32
    %dma_wait3A_196 = tpu.memref_slice %arg5[%add3A_192, %dma_wait3A_195] : memref<10240x64xf32, #tpu.memory_space<vmem_shared>> -> memref<64x64xf32, #tpu.memory_space<vmem_shared>>
    tpu.wait_dma2 semaphore(%arg14 : memref<!tpu.dma_semaphore, #tpu.memory_space<semaphore_mem>>) src(%arg10 : memref<64x64xf32, #tpu.memory_space<vmem>>) dst(%dma_wait3A_196 : memref<64x64xf32, #tpu.memory_space<vmem_shared>>)
    %add3A_197 = arith.constant 384 : i32
    %add3A_198 = arith.addi %mul3A_101, %add3A_197 : i32
    %dma_wait3A_199 = arith.constant 0 : i32
    %dma_wait3A_200 = tpu.memref_slice %arg5[%add3A_198, %dma_wait3A_199] : memref<10240x64xf32, #tpu.memory_space<vmem_shared>> -> memref<64x64xf32, #tpu.memory_space<vmem_shared>>
    %dma_wait3A_201 = arith.constant 0 : i32
    %dma_wait3A_202 = tpu.memref_slice %arg5[%add3A_198, %dma_wait3A_201] : memref<10240x64xf32, #tpu.memory_space<vmem_shared>> -> memref<64x64xf32, #tpu.memory_space<vmem_shared>>
    tpu.wait_dma2 semaphore(%arg14 : memref<!tpu.dma_semaphore, #tpu.memory_space<semaphore_mem>>) src(%arg10 : memref<64x64xf32, #tpu.memory_space<vmem>>) dst(%dma_wait3A_202 : memref<64x64xf32, #tpu.memory_space<vmem_shared>>)
    %add3A_203 = arith.constant 448 : i32
    %add3A_204 = arith.addi %mul3A_101, %add3A_203 : i32
    %dma_wait3A_205 = arith.constant 0 : i32
    %dma_wait3A_206 = tpu.memref_slice %arg5[%add3A_204, %dma_wait3A_205] : memref<10240x64xf32, #tpu.memory_space<vmem_shared>> -> memref<64x64xf32, #tpu.memory_space<vmem_shared>>
    %dma_wait3A_207 = arith.constant 0 : i32
    %dma_wait3A_208 = tpu.memref_slice %arg5[%add3A_204, %dma_wait3A_207] : memref<10240x64xf32, #tpu.memory_space<vmem_shared>> -> memref<64x64xf32, #tpu.memory_space<vmem_shared>>
    tpu.wait_dma2 semaphore(%arg14 : memref<!tpu.dma_semaphore, #tpu.memory_space<semaphore_mem>>) src(%arg10 : memref<64x64xf32, #tpu.memory_space<vmem>>) dst(%dma_wait3A_208 : memref<64x64xf32, #tpu.memory_space<vmem_shared>>)
    %add3A_209 = arith.constant 512 : i32
    %add3A_210 = arith.addi %mul3A_101, %add3A_209 : i32
    %dma_wait3A_211 = arith.constant 0 : i32
    %dma_wait3A_212 = tpu.memref_slice %arg5[%add3A_210, %dma_wait3A_211] : memref<10240x64xf32, #tpu.memory_space<vmem_shared>> -> memref<64x64xf32, #tpu.memory_space<vmem_shared>>
    %dma_wait3A_213 = arith.constant 0 : i32
    %dma_wait3A_214 = tpu.memref_slice %arg5[%add3A_210, %dma_wait3A_213] : memref<10240x64xf32, #tpu.memory_space<vmem_shared>> -> memref<64x64xf32, #tpu.memory_space<vmem_shared>>
    tpu.wait_dma2 semaphore(%arg14 : memref<!tpu.dma_semaphore, #tpu.memory_space<semaphore_mem>>) src(%arg10 : memref<64x64xf32, #tpu.memory_space<vmem>>) dst(%dma_wait3A_214 : memref<64x64xf32, #tpu.memory_space<vmem_shared>>)
    %add3A_215 = arith.constant 576 : i32
    %add3A_216 = arith.addi %mul3A_101, %add3A_215 : i32
    %dma_wait3A_217 = arith.constant 0 : i32
    %dma_wait3A_218 = tpu.memref_slice %arg5[%add3A_216, %dma_wait3A_217] : memref<10240x64xf32, #tpu.memory_space<vmem_shared>> -> memref<64x64xf32, #tpu.memory_space<vmem_shared>>
    %dma_wait3A_219 = arith.constant 0 : i32
    %dma_wait3A_220 = tpu.memref_slice %arg5[%add3A_216, %dma_wait3A_219] : memref<10240x64xf32, #tpu.memory_space<vmem_shared>> -> memref<64x64xf32, #tpu.memory_space<vmem_shared>>
    tpu.wait_dma2 semaphore(%arg14 : memref<!tpu.dma_semaphore, #tpu.memory_space<semaphore_mem>>) src(%arg10 : memref<64x64xf32, #tpu.memory_space<vmem>>) dst(%dma_wait3A_220 : memref<64x64xf32, #tpu.memory_space<vmem_shared>>)
    %barrier3A = arith.constant 0 : index
    tpu.barrier barrier_id(%barrier3A)
    %dma_wait3A_221 = arith.constant 0 : i32
    %dma_wait3A_222 = arith.constant 0 : i32
    %dma_wait3A_223 = arith.constant 0 : i32
    %dma_wait3A_224 = arith.constant 0 : i32
    %dma_wait3A_225 = tpu.memref_slice %arg6[%dma_wait3A_222, %dma_wait3A_223, %dma_wait3A_224] : memref<2x16x125xi32, #tpu.memory_space<vmem>> -> memref<1x16x125xi32, #tpu.memory_space<vmem>>
    %dma_wait3A_226 = tpu.memref_squeeze %dma_wait3A_225 : memref<1x16x125xi32, #tpu.memory_space<vmem>> -> memref<16x125xi32, #tpu.memory_space<vmem>>
    %dma_wait3A_227 = arith.constant 0 : i32
    %dma_wait3A_228 = arith.constant 0 : i32
    %dma_wait3A_229 = tpu.memref_slice %arg2[%dma_wait3A_221, %dma_wait3A_227, %dma_wait3A_228] : memref<2x2560x125xi32, #tpu.memory_space<hbm>> -> memref<1x2560x125xi32, #tpu.memory_space<hbm>>
    %dma_wait3A_230 = tpu.memref_squeeze %dma_wait3A_229 : memref<1x2560x125xi32, #tpu.memory_space<hbm>> -> memref<2560x125xi32, #tpu.memory_space<hbm>>
    %dma_wait3A_231 = arith.constant 0 : i32
    %dma_wait3A_232 = tpu.memref_slice %dma_wait3A_230[%mul3A_2, %dma_wait3A_231] : memref<2560x125xi32, #tpu.memory_space<hbm>> -> memref<16x125xi32, #tpu.memory_space<hbm>>
    %dma_wait3A_233 = arith.constant 0 : i32
    %dma_wait3A_234 = arith.constant 0 : i32
    %dma_wait3A_235 = tpu.memref_slice %arg6[%dma_wait3A_222, %dma_wait3A_233, %dma_wait3A_234] : memref<2x16x125xi32, #tpu.memory_space<vmem>> -> memref<1x16x125xi32, #tpu.memory_space<vmem>>
    %dma_wait3A_236 = tpu.memref_squeeze %dma_wait3A_235 : memref<1x16x125xi32, #tpu.memory_space<vmem>> -> memref<16x125xi32, #tpu.memory_space<vmem>>
    %dma_wait3A_237 = arith.constant 0 : i32
    %dma_wait3A_238 = arith.constant 0 : i32
    %dma_wait3A_239 = tpu.memref_slice %arg2[%dma_wait3A_221, %dma_wait3A_237, %dma_wait3A_238] : memref<2x2560x125xi32, #tpu.memory_space<hbm>> -> memref<1x2560x125xi32, #tpu.memory_space<hbm>>
    %dma_wait3A_240 = tpu.memref_squeeze %dma_wait3A_239 : memref<1x2560x125xi32, #tpu.memory_space<hbm>> -> memref<2560x125xi32, #tpu.memory_space<hbm>>
    %dma_wait3A_241 = arith.constant 0 : i32
    %dma_wait3A_242 = tpu.memref_slice %dma_wait3A_240[%mul3A_2, %dma_wait3A_241] : memref<2560x125xi32, #tpu.memory_space<hbm>> -> memref<16x125xi32, #tpu.memory_space<hbm>>
    tpu.wait_dma2 semaphore(%arg11 : memref<!tpu.dma_semaphore, #tpu.memory_space<semaphore_mem>>) src(%dma_wait3A_242 : memref<16x125xi32, #tpu.memory_space<hbm>>) dst(%dma_wait3A_236 : memref<16x125xi32, #tpu.memory_space<vmem>>)
    %dma_wait3A_243 = arith.constant 1 : i32
    %dma_wait3A_244 = arith.constant 0 : i32
    %dma_wait3A_245 = arith.constant 0 : i32
    %dma_wait3A_246 = arith.constant 0 : i32
    %dma_wait3A_247 = tpu.memref_slice %arg7[%dma_wait3A_244, %dma_wait3A_245, %dma_wait3A_246] : memref<2x16x125xi32, #tpu.memory_space<vmem>> -> memref<1x16x125xi32, #tpu.memory_space<vmem>>
    %dma_wait3A_248 = tpu.memref_squeeze %dma_wait3A_247 : memref<1x16x125xi32, #tpu.memory_space<vmem>> -> memref<16x125xi32, #tpu.memory_space<vmem>>
    %dma_wait3A_249 = arith.constant 0 : i32
    %dma_wait3A_250 = arith.constant 0 : i32
    %dma_wait3A_251 = tpu.memref_slice %arg2[%dma_wait3A_243, %dma_wait3A_249, %dma_wait3A_250] : memref<2x2560x125xi32, #tpu.memory_space<hbm>> -> memref<1x2560x125xi32, #tpu.memory_space<hbm>>
    %dma_wait3A_252 = tpu.memref_squeeze %dma_wait3A_251 : memref<1x2560x125xi32, #tpu.memory_space<hbm>> -> memref<2560x125xi32, #tpu.memory_space<hbm>>
    %dma_wait3A_253 = arith.constant 0 : i32
    %dma_wait3A_254 = tpu.memref_slice %dma_wait3A_252[%mul3A_2, %dma_wait3A_253] : memref<2560x125xi32, #tpu.memory_space<hbm>> -> memref<16x125xi32, #tpu.memory_space<hbm>>
    %dma_wait3A_255 = arith.constant 0 : i32
    %dma_wait3A_256 = arith.constant 0 : i32
    %dma_wait3A_257 = tpu.memref_slice %arg7[%dma_wait3A_244, %dma_wait3A_255, %dma_wait3A_256] : memref<2x16x125xi32, #tpu.memory_space<vmem>> -> memref<1x16x125xi32, #tpu.memory_space<vmem>>
    %dma_wait3A_258 = tpu.memref_squeeze %dma_wait3A_257 : memref<1x16x125xi32, #tpu.memory_space<vmem>> -> memref<16x125xi32, #tpu.memory_space<vmem>>
    %dma_wait3A_259 = arith.constant 0 : i32
    %dma_wait3A_260 = arith.constant 0 : i32
    %dma_wait3A_261 = tpu.memref_slice %arg2[%dma_wait3A_243, %dma_wait3A_259, %dma_wait3A_260] : memref<2x2560x125xi32, #tpu.memory_space<hbm>> -> memref<1x2560x125xi32, #tpu.memory_space<hbm>>
    %dma_wait3A_262 = tpu.memref_squeeze %dma_wait3A_261 : memref<1x2560x125xi32, #tpu.memory_space<hbm>> -> memref<2560x125xi32, #tpu.memory_space<hbm>>
    %dma_wait3A_263 = arith.constant 0 : i32
    %dma_wait3A_264 = tpu.memref_slice %dma_wait3A_262[%mul3A_2, %dma_wait3A_263] : memref<2560x125xi32, #tpu.memory_space<hbm>> -> memref<16x125xi32, #tpu.memory_space<hbm>>
    tpu.wait_dma2 semaphore(%arg11 : memref<!tpu.dma_semaphore, #tpu.memory_space<semaphore_mem>>) src(%dma_wait3A_264 : memref<16x125xi32, #tpu.memory_space<hbm>>) dst(%dma_wait3A_258 : memref<16x125xi32, #tpu.memory_space<vmem>>)
    %dma_start3A_265 = arith.constant 0 : i32
    %dma_start3A_266 = arith.constant 0 : i32
    %dma_start3A_267 = arith.constant 0 : i32
    %dma_start3A_268 = tpu.memref_slice %arg6[%dma_start3A_265, %dma_start3A_266, %dma_start3A_267] : memref<2x16x125xi32, #tpu.memory_space<vmem>> -> memref<1x1x125xi32, #tpu.memory_space<vmem>>
    %dma_start3A_269 = tpu.memref_squeeze %dma_start3A_268 : memref<1x1x125xi32, #tpu.memory_space<vmem>> -> memref<125xi32, #tpu.memory_space<vmem>>
    %dma_start3A_270 = arith.constant 0 : i32
    %dma_start3A_271 = arith.constant 0 : i32
    %dma_start3A_272 = tpu.memref_slice %arg3[%dma_start3A_270, %dma_start3A_271] : memref<10000x64xf32, #tpu.memory_space<hbm>> -> memref<10000x64xf32, #tpu.memory_space<hbm>>
    tpu.enqueue_indirect_dma source(%dma_start3A_272 : memref<10000x64xf32, #tpu.memory_space<hbm>>) target(%arg8 : memref<125x64xf32, #tpu.memory_space<vmem>>) offsets(%dma_start3A_269 : memref<125xi32, #tpu.memory_space<vmem>>) semaphore(%arg11 : memref<!tpu.dma_semaphore, #tpu.memory_space<semaphore_mem>>)
    %scan3A_273 = arith.constant 0 : i32
    %scan3A_274 = arith.constant 0 : i32
    %scan3A_275 = arith.constant 8 : i32
    %scan3A_276 = arith.addi %scan3A_274, %scan3A_275 : i32
    %scan3A_277 = arith.constant 1 : i32
    %scan3A_278 = scf.for %scan3A_738 = %scan3A_274 to %scan3A_276 step %scan3A_277 iter_args(%scan3A_739 = %scan3A_273) -> (i32)  : i32 {
      %mul3A_740 = arith.constant 2 : i32
      %mul3A_741 = arith.muli %mul3A_740, %scan3A_738 : i32
      %add3A_742 = arith.constant 1 : i32
      %add3A_743 = arith.addi %mul3A_741, %add3A_742 : i32
      %dma_start3A_744 = arith.constant 0 : i32
      %dma_start3A_745 = arith.constant 0 : i32
      %dma_start3A_746 = tpu.memref_slice %arg6[%dma_start3A_744, %add3A_743, %dma_start3A_745] : memref<2x16x125xi32, #tpu.memory_space<vmem>> -> memref<1x1x125xi32, #tpu.memory_space<vmem>>
      %dma_start3A_747 = tpu.memref_squeeze %dma_start3A_746 : memref<1x1x125xi32, #tpu.memory_space<vmem>> -> memref<125xi32, #tpu.memory_space<vmem>>
      %dma_start3A_748 = arith.constant 0 : i32
      %dma_start3A_749 = arith.constant 0 : i32
      %dma_start3A_750 = tpu.memref_slice %arg3[%dma_start3A_748, %dma_start3A_749] : memref<10000x64xf32, #tpu.memory_space<hbm>> -> memref<10000x64xf32, #tpu.memory_space<hbm>>
      tpu.enqueue_indirect_dma source(%dma_start3A_750 : memref<10000x64xf32, #tpu.memory_space<hbm>>) target(%arg9 : memref<125x64xf32, #tpu.memory_space<vmem>>) offsets(%dma_start3A_747 : memref<125xi32, #tpu.memory_space<vmem>>) semaphore(%arg12 : memref<!tpu.dma_semaphore, #tpu.memory_space<semaphore_mem>>)
      %dma_wait3A_751 = arith.constant 0 : i32
      %dma_wait3A_752 = arith.constant 0 : i32
      %dma_wait3A_753 = tpu.memref_slice %arg6[%dma_wait3A_751, %mul3A_741, %dma_wait3A_752] : memref<2x16x125xi32, #tpu.memory_space<vmem>> -> memref<1x1x125xi32, #tpu.memory_space<vmem>>
      %dma_wait3A_754 = tpu.memref_squeeze %dma_wait3A_753 : memref<1x1x125xi32, #tpu.memory_space<vmem>> -> memref<125xi32, #tpu.memory_space<vmem>>
      %dma_wait3A_755 = arith.constant 0 : i32
      %dma_wait3A_756 = arith.constant 0 : i32
      %dma_wait3A_757 = tpu.memref_slice %arg3[%dma_wait3A_755, %dma_wait3A_756] : memref<10000x64xf32, #tpu.memory_space<hbm>> -> memref<10000x64xf32, #tpu.memory_space<hbm>>
      tpu.wait_indirect_dma semaphore(%arg11 : memref<!tpu.dma_semaphore, #tpu.memory_space<semaphore_mem>>) src(%dma_wait3A_757 : memref<10000x64xf32, #tpu.memory_space<hbm>>) dst(%arg8 : memref<125x64xf32, #tpu.memory_space<vmem>>)
      %run_scoped3A = arith.constant 0 : i32
      "tpu.region"() ({
        %run_scoped3A_775 = tpu.sem_alloc : memref<!tpu.dma_semaphore, #tpu.memory_space<semaphore_mem>>
        %dma_start3A_776 = arith.constant 0 : i32
        %dma_start3A_777 = tpu.memref_slice %arg7[%run_scoped3A, %mul3A_741, %dma_start3A_776] : memref<2x16x125xi32, #tpu.memory_space<vmem>> -> memref<1x1x125xi32, #tpu.memory_space<vmem>>
        %dma_start3A_778 = tpu.memref_squeeze %dma_start3A_777 : memref<1x1x125xi32, #tpu.memory_space<vmem>> -> memref<125xi32, #tpu.memory_space<vmem>>
        %dma_start3A_779 = arith.constant 0 : i32
        %dma_start3A_780 = arith.constant 0 : i32
        %dma_start3A_781 = tpu.memref_slice %arg5[%dma_start3A_779, %dma_start3A_780] : memref<10240x64xf32, #tpu.memory_space<vmem_shared>> -> memref<10240x64xf32, #tpu.memory_space<vmem_shared>>
        tpu.enqueue_indirect_dma source(%arg8 : memref<125x64xf32, #tpu.memory_space<vmem>>) target(%dma_start3A_781 : memref<10240x64xf32, #tpu.memory_space<vmem_shared>>) offsets(%dma_start3A_778 : memref<125xi32, #tpu.memory_space<vmem>>) semaphore(%run_scoped3A_775 : memref<!tpu.dma_semaphore, #tpu.memory_space<semaphore_mem>>) {add = true}
        %dma_wait3A_782 = arith.constant 0 : i32
        %dma_wait3A_783 = tpu.memref_slice %arg7[%run_scoped3A, %mul3A_741, %dma_wait3A_782] : memref<2x16x125xi32, #tpu.memory_space<vmem>> -> memref<1x1x125xi32, #tpu.memory_space<vmem>>
        %dma_wait3A_784 = tpu.memref_squeeze %dma_wait3A_783 : memref<1x1x125xi32, #tpu.memory_space<vmem>> -> memref<125xi32, #tpu.memory_space<vmem>>
        %dma_wait3A_785 = arith.constant 0 : i32
        %dma_wait3A_786 = arith.constant 0 : i32
        %dma_wait3A_787 = tpu.memref_slice %arg5[%dma_wait3A_785, %dma_wait3A_786] : memref<10240x64xf32, #tpu.memory_space<vmem_shared>> -> memref<10240x64xf32, #tpu.memory_space<vmem_shared>>
        tpu.wait_indirect_dma semaphore(%run_scoped3A_775 : memref<!tpu.dma_semaphore, #tpu.memory_space<semaphore_mem>>) src(%arg8 : memref<125x64xf32, #tpu.memory_space<vmem>>) dst(%dma_wait3A_787 : memref<10240x64xf32, #tpu.memory_space<vmem_shared>>)
        tpu.yield
      }) : () -> ()
      %add3A_758 = arith.constant 2 : i32
      %add3A_759 = arith.addi %mul3A_741, %add3A_758 : i32
      %lt3A = arith.constant 16 : i32
      %lt3A_760 = arith.cmpi slt, %add3A_759, %lt3A : i32
      %convert_element_type3A = arith.extui %lt3A_760 : i1 to i32
      %cond3A = arith.constant 0 : i32
      %cond3A_761 = arith.cmpi ne, %convert_element_type3A, %cond3A : i32
      scf.if %cond3A_761 {
        %add3A_775 = arith.constant 2 : i32
        %add3A_776 = arith.addi %mul3A_741, %add3A_775 : i32
        %dma_start3A_777 = arith.constant 0 : i32
        %dma_start3A_778 = arith.constant 0 : i32
        %dma_start3A_779 = tpu.memref_slice %arg6[%dma_start3A_777, %add3A_776, %dma_start3A_778] : memref<2x16x125xi32, #tpu.memory_space<vmem>> -> memref<1x1x125xi32, #tpu.memory_space<vmem>>
        %dma_start3A_780 = tpu.memref_squeeze %dma_start3A_779 : memref<1x1x125xi32, #tpu.memory_space<vmem>> -> memref<125xi32, #tpu.memory_space<vmem>>
        %dma_start3A_781 = arith.constant 0 : i32
        %dma_start3A_782 = arith.constant 0 : i32
        %dma_start3A_783 = tpu.memref_slice %arg3[%dma_start3A_781, %dma_start3A_782] : memref<10000x64xf32, #tpu.memory_space<hbm>> -> memref<10000x64xf32, #tpu.memory_space<hbm>>
        tpu.enqueue_indirect_dma source(%dma_start3A_783 : memref<10000x64xf32, #tpu.memory_space<hbm>>) target(%arg8 : memref<125x64xf32, #tpu.memory_space<vmem>>) offsets(%dma_start3A_780 : memref<125xi32, #tpu.memory_space<vmem>>) semaphore(%arg11 : memref<!tpu.dma_semaphore, #tpu.memory_space<semaphore_mem>>)
      } else {
      }
      %add3A_762 = arith.constant 1 : i32
      %add3A_763 = arith.addi %mul3A_741, %add3A_762 : i32
      %dma_wait3A_764 = arith.constant 0 : i32
      %dma_wait3A_765 = arith.constant 0 : i32
      %dma_wait3A_766 = tpu.memref_slice %arg6[%dma_wait3A_764, %add3A_763, %dma_wait3A_765] : memref<2x16x125xi32, #tpu.memory_space<vmem>> -> memref<1x1x125xi32, #tpu.memory_space<vmem>>
      %dma_wait3A_767 = tpu.memref_squeeze %dma_wait3A_766 : memref<1x1x125xi32, #tpu.memory_space<vmem>> -> memref<125xi32, #tpu.memory_space<vmem>>
      %dma_wait3A_768 = arith.constant 0 : i32
      %dma_wait3A_769 = arith.constant 0 : i32
      %dma_wait3A_770 = tpu.memref_slice %arg3[%dma_wait3A_768, %dma_wait3A_769] : memref<10000x64xf32, #tpu.memory_space<hbm>> -> memref<10000x64xf32, #tpu.memory_space<hbm>>
      tpu.wait_indirect_dma semaphore(%arg12 : memref<!tpu.dma_semaphore, #tpu.memory_space<semaphore_mem>>) src(%dma_wait3A_770 : memref<10000x64xf32, #tpu.memory_space<hbm>>) dst(%arg9 : memref<125x64xf32, #tpu.memory_space<vmem>>)
      %add3A_771 = arith.constant 1 : i32
      %add3A_772 = arith.addi %mul3A_741, %add3A_771 : i32
      %run_scoped3A_773 = arith.constant 0 : i32
      "tpu.region"() ({
        %run_scoped3A_775 = tpu.sem_alloc : memref<!tpu.dma_semaphore, #tpu.memory_space<semaphore_mem>>
        %dma_start3A_776 = arith.constant 0 : i32
        %dma_start3A_777 = tpu.memref_slice %arg7[%run_scoped3A_773, %add3A_772, %dma_start3A_776] : memref<2x16x125xi32, #tpu.memory_space<vmem>> -> memref<1x1x125xi32, #tpu.memory_space<vmem>>
        %dma_start3A_778 = tpu.memref_squeeze %dma_start3A_777 : memref<1x1x125xi32, #tpu.memory_space<vmem>> -> memref<125xi32, #tpu.memory_space<vmem>>
        %dma_start3A_779 = arith.constant 0 : i32
        %dma_start3A_780 = arith.constant 0 : i32
        %dma_start3A_781 = tpu.memref_slice %arg5[%dma_start3A_779, %dma_start3A_780] : memref<10240x64xf32, #tpu.memory_space<vmem_shared>> -> memref<10240x64xf32, #tpu.memory_space<vmem_shared>>
        tpu.enqueue_indirect_dma source(%arg9 : memref<125x64xf32, #tpu.memory_space<vmem>>) target(%dma_start3A_781 : memref<10240x64xf32, #tpu.memory_space<vmem_shared>>) offsets(%dma_start3A_778 : memref<125xi32, #tpu.memory_space<vmem>>) semaphore(%run_scoped3A_775 : memref<!tpu.dma_semaphore, #tpu.memory_space<semaphore_mem>>) {add = true}
        %dma_wait3A_782 = arith.constant 0 : i32
        %dma_wait3A_783 = tpu.memref_slice %arg7[%run_scoped3A_773, %add3A_772, %dma_wait3A_782] : memref<2x16x125xi32, #tpu.memory_space<vmem>> -> memref<1x1x125xi32, #tpu.memory_space<vmem>>
        %dma_wait3A_784 = tpu.memref_squeeze %dma_wait3A_783 : memref<1x1x125xi32, #tpu.memory_space<vmem>> -> memref<125xi32, #tpu.memory_space<vmem>>
        %dma_wait3A_785 = arith.constant 0 : i32
        %dma_wait3A_786 = arith.constant 0 : i32
        %dma_wait3A_787 = tpu.memref_slice %arg5[%dma_wait3A_785, %dma_wait3A_786] : memref<10240x64xf32, #tpu.memory_space<vmem_shared>> -> memref<10240x64xf32, #tpu.memory_space<vmem_shared>>
        tpu.wait_indirect_dma semaphore(%run_scoped3A_775 : memref<!tpu.dma_semaphore, #tpu.memory_space<semaphore_mem>>) src(%arg9 : memref<125x64xf32, #tpu.memory_space<vmem>>) dst(%dma_wait3A_787 : memref<10240x64xf32, #tpu.memory_space<vmem_shared>>)
        tpu.yield
      }) : () -> ()
      %scan3A_774 = arith.constant 0 : i32
      scf.yield %scan3A_774 : i32
    }
    %scan3A_279 = arith.constant 8 : i32
    %dma_wait3A_280 = arith.constant 0 : i32
    %dma_wait3A_281 = arith.constant 1 : i32
    %dma_wait3A_282 = arith.constant 0 : i32
    %dma_wait3A_283 = arith.constant 0 : i32
    %dma_wait3A_284 = tpu.memref_slice %arg6[%dma_wait3A_281, %dma_wait3A_282, %dma_wait3A_283] : memref<2x16x125xi32, #tpu.memory_space<vmem>> -> memref<1x16x125xi32, #tpu.memory_space<vmem>>
    %dma_wait3A_285 = tpu.memref_squeeze %dma_wait3A_284 : memref<1x16x125xi32, #tpu.memory_space<vmem>> -> memref<16x125xi32, #tpu.memory_space<vmem>>
    %dma_wait3A_286 = arith.constant 0 : i32
    %dma_wait3A_287 = arith.constant 0 : i32
    %dma_wait3A_288 = tpu.memref_slice %arg2[%dma_wait3A_280, %dma_wait3A_286, %dma_wait3A_287] : memref<2x2560x125xi32, #tpu.memory_space<hbm>> -> memref<1x2560x125xi32, #tpu.memory_space<hbm>>
    %dma_wait3A_289 = tpu.memref_squeeze %dma_wait3A_288 : memref<1x2560x125xi32, #tpu.memory_space<hbm>> -> memref<2560x125xi32, #tpu.memory_space<hbm>>
    %dma_wait3A_290 = arith.constant 0 : i32
    %dma_wait3A_291 = tpu.memref_slice %dma_wait3A_289[%mul3A_2, %dma_wait3A_290] : memref<2560x125xi32, #tpu.memory_space<hbm>> -> memref<16x125xi32, #tpu.memory_space<hbm>>
    %dma_wait3A_292 = arith.constant 0 : i32
    %dma_wait3A_293 = arith.constant 0 : i32
    %dma_wait3A_294 = tpu.memref_slice %arg6[%dma_wait3A_281, %dma_wait3A_292, %dma_wait3A_293] : memref<2x16x125xi32, #tpu.memory_space<vmem>> -> memref<1x16x125xi32, #tpu.memory_space<vmem>>
    %dma_wait3A_295 = tpu.memref_squeeze %dma_wait3A_294 : memref<1x16x125xi32, #tpu.memory_space<vmem>> -> memref<16x125xi32, #tpu.memory_space<vmem>>
    %dma_wait3A_296 = arith.constant 0 : i32
    %dma_wait3A_297 = arith.constant 0 : i32
    %dma_wait3A_298 = tpu.memref_slice %arg2[%dma_wait3A_280, %dma_wait3A_296, %dma_wait3A_297] : memref<2x2560x125xi32, #tpu.memory_space<hbm>> -> memref<1x2560x125xi32, #tpu.memory_space<hbm>>
    %dma_wait3A_299 = tpu.memref_squeeze %dma_wait3A_298 : memref<1x2560x125xi32, #tpu.memory_space<hbm>> -> memref<2560x125xi32, #tpu.memory_space<hbm>>
    %dma_wait3A_300 = arith.constant 0 : i32
    %dma_wait3A_301 = tpu.memref_slice %dma_wait3A_299[%mul3A_2, %dma_wait3A_300] : memref<2560x125xi32, #tpu.memory_space<hbm>> -> memref<16x125xi32, #tpu.memory_space<hbm>>
    tpu.wait_dma2 semaphore(%arg13 : memref<!tpu.dma_semaphore, #tpu.memory_space<semaphore_mem>>) src(%dma_wait3A_301 : memref<16x125xi32, #tpu.memory_space<hbm>>) dst(%dma_wait3A_295 : memref<16x125xi32, #tpu.memory_space<vmem>>)
    %dma_wait3A_302 = arith.constant 1 : i32
    %dma_wait3A_303 = arith.constant 1 : i32
    %dma_wait3A_304 = arith.constant 0 : i32
    %dma_wait3A_305 = arith.constant 0 : i32
    %dma_wait3A_306 = tpu.memref_slice %arg7[%dma_wait3A_303, %dma_wait3A_304, %dma_wait3A_305] : memref<2x16x125xi32, #tpu.memory_space<vmem>> -> memref<1x16x125xi32, #tpu.memory_space<vmem>>
    %dma_wait3A_307 = tpu.memref_squeeze %dma_wait3A_306 : memref<1x16x125xi32, #tpu.memory_space<vmem>> -> memref<16x125xi32, #tpu.memory_space<vmem>>
    %dma_wait3A_308 = arith.constant 0 : i32
    %dma_wait3A_309 = arith.constant 0 : i32
    %dma_wait3A_310 = tpu.memref_slice %arg2[%dma_wait3A_302, %dma_wait3A_308, %dma_wait3A_309] : memref<2x2560x125xi32, #tpu.memory_space<hbm>> -> memref<1x2560x125xi32, #tpu.memory_space<hbm>>
    %dma_wait3A_311 = tpu.memref_squeeze %dma_wait3A_310 : memref<1x2560x125xi32, #tpu.memory_space<hbm>> -> memref<2560x125xi32, #tpu.memory_space<hbm>>
    %dma_wait3A_312 = arith.constant 0 : i32
    %dma_wait3A_313 = tpu.memref_slice %dma_wait3A_311[%mul3A_2, %dma_wait3A_312] : memref<2560x125xi32, #tpu.memory_space<hbm>> -> memref<16x125xi32, #tpu.memory_space<hbm>>
    %dma_wait3A_314 = arith.constant 0 : i32
    %dma_wait3A_315 = arith.constant 0 : i32
    %dma_wait3A_316 = tpu.memref_slice %arg7[%dma_wait3A_303, %dma_wait3A_314, %dma_wait3A_315] : memref<2x16x125xi32, #tpu.memory_space<vmem>> -> memref<1x16x125xi32, #tpu.memory_space<vmem>>
    %dma_wait3A_317 = tpu.memref_squeeze %dma_wait3A_316 : memref<1x16x125xi32, #tpu.memory_space<vmem>> -> memref<16x125xi32, #tpu.memory_space<vmem>>
    %dma_wait3A_318 = arith.constant 0 : i32
    %dma_wait3A_319 = arith.constant 0 : i32
    %dma_wait3A_320 = tpu.memref_slice %arg2[%dma_wait3A_302, %dma_wait3A_318, %dma_wait3A_319] : memref<2x2560x125xi32, #tpu.memory_space<hbm>> -> memref<1x2560x125xi32, #tpu.memory_space<hbm>>
    %dma_wait3A_321 = tpu.memref_squeeze %dma_wait3A_320 : memref<1x2560x125xi32, #tpu.memory_space<hbm>> -> memref<2560x125xi32, #tpu.memory_space<hbm>>
    %dma_wait3A_322 = arith.constant 0 : i32
    %dma_wait3A_323 = tpu.memref_slice %dma_wait3A_321[%mul3A_2, %dma_wait3A_322] : memref<2560x125xi32, #tpu.memory_space<hbm>> -> memref<16x125xi32, #tpu.memory_space<hbm>>
    tpu.wait_dma2 semaphore(%arg13 : memref<!tpu.dma_semaphore, #tpu.memory_space<semaphore_mem>>) src(%dma_wait3A_323 : memref<16x125xi32, #tpu.memory_space<hbm>>) dst(%dma_wait3A_317 : memref<16x125xi32, #tpu.memory_space<vmem>>)
    %dma_start3A_324 = arith.constant 1 : i32
    %dma_start3A_325 = arith.constant 0 : i32
    %dma_start3A_326 = arith.constant 0 : i32
    %dma_start3A_327 = tpu.memref_slice %arg6[%dma_start3A_324, %dma_start3A_325, %dma_start3A_326] : memref<2x16x125xi32, #tpu.memory_space<vmem>> -> memref<1x1x125xi32, #tpu.memory_space<vmem>>
    %dma_start3A_328 = tpu.memref_squeeze %dma_start3A_327 : memref<1x1x125xi32, #tpu.memory_space<vmem>> -> memref<125xi32, #tpu.memory_space<vmem>>
    %dma_start3A_329 = arith.constant 0 : i32
    %dma_start3A_330 = arith.constant 0 : i32
    %dma_start3A_331 = tpu.memref_slice %arg3[%dma_start3A_329, %dma_start3A_330] : memref<10000x64xf32, #tpu.memory_space<hbm>> -> memref<10000x64xf32, #tpu.memory_space<hbm>>
    tpu.enqueue_indirect_dma source(%dma_start3A_331 : memref<10000x64xf32, #tpu.memory_space<hbm>>) target(%arg8 : memref<125x64xf32, #tpu.memory_space<vmem>>) offsets(%dma_start3A_328 : memref<125xi32, #tpu.memory_space<vmem>>) semaphore(%arg11 : memref<!tpu.dma_semaphore, #tpu.memory_space<semaphore_mem>>)
    %add3A_332 = arith.constant 32 : i32
    %add3A_333 = arith.addi %mul3A_2, %add3A_332 : i32
    %dma_start3A_334 = arith.constant 0 : i32
    %dma_start3A_335 = arith.constant 0 : i32
    %dma_start3A_336 = arith.constant 0 : i32
    %dma_start3A_337 = arith.constant 0 : i32
    %dma_start3A_338 = tpu.memref_slice %arg6[%dma_start3A_335, %dma_start3A_336, %dma_start3A_337] : memref<2x16x125xi32, #tpu.memory_space<vmem>> -> memref<1x16x125xi32, #tpu.memory_space<vmem>>
    %dma_start3A_339 = tpu.memref_squeeze %dma_start3A_338 : memref<1x16x125xi32, #tpu.memory_space<vmem>> -> memref<16x125xi32, #tpu.memory_space<vmem>>
    %dma_start3A_340 = arith.constant 0 : i32
    %dma_start3A_341 = arith.constant 0 : i32
    %dma_start3A_342 = tpu.memref_slice %arg2[%dma_start3A_334, %dma_start3A_340, %dma_start3A_341] : memref<2x2560x125xi32, #tpu.memory_space<hbm>> -> memref<1x2560x125xi32, #tpu.memory_space<hbm>>
    %dma_start3A_343 = tpu.memref_squeeze %dma_start3A_342 : memref<1x2560x125xi32, #tpu.memory_space<hbm>> -> memref<2560x125xi32, #tpu.memory_space<hbm>>
    %dma_start3A_344 = arith.constant 0 : i32
    %dma_start3A_345 = tpu.memref_slice %dma_start3A_343[%add3A_333, %dma_start3A_344] : memref<2560x125xi32, #tpu.memory_space<hbm>> -> memref<16x125xi32, #tpu.memory_space<hbm>>
    %dma_start3A_346 = arith.constant 0 : i32
    %dma_start3A_347 = arith.constant 0 : i32
    %dma_start3A_348 = tpu.memref_slice %arg6[%dma_start3A_335, %dma_start3A_346, %dma_start3A_347] : memref<2x16x125xi32, #tpu.memory_space<vmem>> -> memref<1x16x125xi32, #tpu.memory_space<vmem>>
    %dma_start3A_349 = tpu.memref_squeeze %dma_start3A_348 : memref<1x16x125xi32, #tpu.memory_space<vmem>> -> memref<16x125xi32, #tpu.memory_space<vmem>>
    %dma_start3A_350 = arith.constant 0 : i32
    %dma_start3A_351 = arith.constant 0 : i32
    %dma_start3A_352 = tpu.memref_slice %arg2[%dma_start3A_334, %dma_start3A_350, %dma_start3A_351] : memref<2x2560x125xi32, #tpu.memory_space<hbm>> -> memref<1x2560x125xi32, #tpu.memory_space<hbm>>
    %dma_start3A_353 = tpu.memref_squeeze %dma_start3A_352 : memref<1x2560x125xi32, #tpu.memory_space<hbm>> -> memref<2560x125xi32, #tpu.memory_space<hbm>>
    %dma_start3A_354 = arith.constant 0 : i32
    %dma_start3A_355 = tpu.memref_slice %dma_start3A_353[%add3A_333, %dma_start3A_354] : memref<2560x125xi32, #tpu.memory_space<hbm>> -> memref<16x125xi32, #tpu.memory_space<hbm>>
    tpu.enqueue_dma source(%dma_start3A_355 : memref<16x125xi32, #tpu.memory_space<hbm>>) target(%dma_start3A_349 : memref<16x125xi32, #tpu.memory_space<vmem>>) target_semaphore(%arg13 : memref<!tpu.dma_semaphore, #tpu.memory_space<semaphore_mem>>)
    %dma_start3A_356 = arith.constant 1 : i32
    %dma_start3A_357 = arith.constant 0 : i32
    %dma_start3A_358 = arith.constant 0 : i32
    %dma_start3A_359 = arith.constant 0 : i32
    %dma_start3A_360 = tpu.memref_slice %arg7[%dma_start3A_357, %dma_start3A_358, %dma_start3A_359] : memref<2x16x125xi32, #tpu.memory_space<vmem>> -> memref<1x16x125xi32, #tpu.memory_space<vmem>>
    %dma_start3A_361 = tpu.memref_squeeze %dma_start3A_360 : memref<1x16x125xi32, #tpu.memory_space<vmem>> -> memref<16x125xi32, #tpu.memory_space<vmem>>
    %dma_start3A_362 = arith.constant 0 : i32
    %dma_start3A_363 = arith.constant 0 : i32
    %dma_start3A_364 = tpu.memref_slice %arg2[%dma_start3A_356, %dma_start3A_362, %dma_start3A_363] : memref<2x2560x125xi32, #tpu.memory_space<hbm>> -> memref<1x2560x125xi32, #tpu.memory_space<hbm>>
    %dma_start3A_365 = tpu.memref_squeeze %dma_start3A_364 : memref<1x2560x125xi32, #tpu.memory_space<hbm>> -> memref<2560x125xi32, #tpu.memory_space<hbm>>
    %dma_start3A_366 = arith.constant 0 : i32
    %dma_start3A_367 = tpu.memref_slice %dma_start3A_365[%add3A_333, %dma_start3A_366] : memref<2560x125xi32, #tpu.memory_space<hbm>> -> memref<16x125xi32, #tpu.memory_space<hbm>>
    %dma_start3A_368 = arith.constant 0 : i32
    %dma_start3A_369 = arith.constant 0 : i32
    %dma_start3A_370 = tpu.memref_slice %arg7[%dma_start3A_357, %dma_start3A_368, %dma_start3A_369] : memref<2x16x125xi32, #tpu.memory_space<vmem>> -> memref<1x16x125xi32, #tpu.memory_space<vmem>>
    %dma_start3A_371 = tpu.memref_squeeze %dma_start3A_370 : memref<1x16x125xi32, #tpu.memory_space<vmem>> -> memref<16x125xi32, #tpu.memory_space<vmem>>
    %dma_start3A_372 = arith.constant 0 : i32
    %dma_start3A_373 = arith.constant 0 : i32
    %dma_start3A_374 = tpu.memref_slice %arg2[%dma_start3A_356, %dma_start3A_372, %dma_start3A_373] : memref<2x2560x125xi32, #tpu.memory_space<hbm>> -> memref<1x2560x125xi32, #tpu.memory_space<hbm>>
    %dma_start3A_375 = tpu.memref_squeeze %dma_start3A_374 : memref<1x2560x125xi32, #tpu.memory_space<hbm>> -> memref<2560x125xi32, #tpu.memory_space<hbm>>
    %dma_start3A_376 = arith.constant 0 : i32
    %dma_start3A_377 = tpu.memref_slice %dma_start3A_375[%add3A_333, %dma_start3A_376] : memref<2560x125xi32, #tpu.memory_space<hbm>> -> memref<16x125xi32, #tpu.memory_space<hbm>>
    tpu.enqueue_dma source(%dma_start3A_377 : memref<16x125xi32, #tpu.memory_space<hbm>>) target(%dma_start3A_371 : memref<16x125xi32, #tpu.memory_space<vmem>>) target_semaphore(%arg13 : memref<!tpu.dma_semaphore, #tpu.memory_space<semaphore_mem>>)
    %scan3A_378 = arith.constant 0 : i32
    %scan3A_379 = arith.constant 0 : i32
    %scan3A_380 = arith.constant 8 : i32
    %scan3A_381 = arith.addi %scan3A_379, %scan3A_380 : i32
    %scan3A_382 = arith.constant 1 : i32
    %scan3A_383 = scf.for %scan3A_738 = %scan3A_379 to %scan3A_381 step %scan3A_382 iter_args(%scan3A_739 = %scan3A_378) -> (i32)  : i32 {
      %mul3A_740 = arith.constant 2 : i32
      %mul3A_741 = arith.muli %mul3A_740, %scan3A_738 : i32
      %add3A_742 = arith.constant 1 : i32
      %add3A_743 = arith.addi %mul3A_741, %add3A_742 : i32
      %dma_start3A_744 = arith.constant 1 : i32
      %dma_start3A_745 = arith.constant 0 : i32
      %dma_start3A_746 = tpu.memref_slice %arg6[%dma_start3A_744, %add3A_743, %dma_start3A_745] : memref<2x16x125xi32, #tpu.memory_space<vmem>> -> memref<1x1x125xi32, #tpu.memory_space<vmem>>
      %dma_start3A_747 = tpu.memref_squeeze %dma_start3A_746 : memref<1x1x125xi32, #tpu.memory_space<vmem>> -> memref<125xi32, #tpu.memory_space<vmem>>
      %dma_start3A_748 = arith.constant 0 : i32
      %dma_start3A_749 = arith.constant 0 : i32
      %dma_start3A_750 = tpu.memref_slice %arg3[%dma_start3A_748, %dma_start3A_749] : memref<10000x64xf32, #tpu.memory_space<hbm>> -> memref<10000x64xf32, #tpu.memory_space<hbm>>
      tpu.enqueue_indirect_dma source(%dma_start3A_750 : memref<10000x64xf32, #tpu.memory_space<hbm>>) target(%arg9 : memref<125x64xf32, #tpu.memory_space<vmem>>) offsets(%dma_start3A_747 : memref<125xi32, #tpu.memory_space<vmem>>) semaphore(%arg12 : memref<!tpu.dma_semaphore, #tpu.memory_space<semaphore_mem>>)
      %dma_wait3A_751 = arith.constant 1 : i32
      %dma_wait3A_752 = arith.constant 0 : i32
      %dma_wait3A_753 = tpu.memref_slice %arg6[%dma_wait3A_751, %mul3A_741, %dma_wait3A_752] : memref<2x16x125xi32, #tpu.memory_space<vmem>> -> memref<1x1x125xi32, #tpu.memory_space<vmem>>
      %dma_wait3A_754 = tpu.memref_squeeze %dma_wait3A_753 : memref<1x1x125xi32, #tpu.memory_space<vmem>> -> memref<125xi32, #tpu.memory_space<vmem>>
      %dma_wait3A_755 = arith.constant 0 : i32
      %dma_wait3A_756 = arith.constant 0 : i32
      %dma_wait3A_757 = tpu.memref_slice %arg3[%dma_wait3A_755, %dma_wait3A_756] : memref<10000x64xf32, #tpu.memory_space<hbm>> -> memref<10000x64xf32, #tpu.memory_space<hbm>>
      tpu.wait_indirect_dma semaphore(%arg11 : memref<!tpu.dma_semaphore, #tpu.memory_space<semaphore_mem>>) src(%dma_wait3A_757 : memref<10000x64xf32, #tpu.memory_space<hbm>>) dst(%arg8 : memref<125x64xf32, #tpu.memory_space<vmem>>)
      %run_scoped3A = arith.constant 1 : i32
      "tpu.region"() ({
        %run_scoped3A_775 = tpu.sem_alloc : memref<!tpu.dma_semaphore, #tpu.memory_space<semaphore_mem>>
        %dma_start3A_776 = arith.constant 0 : i32
        %dma_start3A_777 = tpu.memref_slice %arg7[%run_scoped3A, %mul3A_741, %dma_start3A_776] : memref<2x16x125xi32, #tpu.memory_space<vmem>> -> memref<1x1x125xi32, #tpu.memory_space<vmem>>
        %dma_start3A_778 = tpu.memref_squeeze %dma_start3A_777 : memref<1x1x125xi32, #tpu.memory_space<vmem>> -> memref<125xi32, #tpu.memory_space<vmem>>
        %dma_start3A_779 = arith.constant 0 : i32
        %dma_start3A_780 = arith.constant 0 : i32
        %dma_start3A_781 = tpu.memref_slice %arg5[%dma_start3A_779, %dma_start3A_780] : memref<10240x64xf32, #tpu.memory_space<vmem_shared>> -> memref<10240x64xf32, #tpu.memory_space<vmem_shared>>
        tpu.enqueue_indirect_dma source(%arg8 : memref<125x64xf32, #tpu.memory_space<vmem>>) target(%dma_start3A_781 : memref<10240x64xf32, #tpu.memory_space<vmem_shared>>) offsets(%dma_start3A_778 : memref<125xi32, #tpu.memory_space<vmem>>) semaphore(%run_scoped3A_775 : memref<!tpu.dma_semaphore, #tpu.memory_space<semaphore_mem>>) {add = true}
        %dma_wait3A_782 = arith.constant 0 : i32
        %dma_wait3A_783 = tpu.memref_slice %arg7[%run_scoped3A, %mul3A_741, %dma_wait3A_782] : memref<2x16x125xi32, #tpu.memory_space<vmem>> -> memref<1x1x125xi32, #tpu.memory_space<vmem>>
        %dma_wait3A_784 = tpu.memref_squeeze %dma_wait3A_783 : memref<1x1x125xi32, #tpu.memory_space<vmem>> -> memref<125xi32, #tpu.memory_space<vmem>>
        %dma_wait3A_785 = arith.constant 0 : i32
        %dma_wait3A_786 = arith.constant 0 : i32
        %dma_wait3A_787 = tpu.memref_slice %arg5[%dma_wait3A_785, %dma_wait3A_786] : memref<10240x64xf32, #tpu.memory_space<vmem_shared>> -> memref<10240x64xf32, #tpu.memory_space<vmem_shared>>
        tpu.wait_indirect_dma semaphore(%run_scoped3A_775 : memref<!tpu.dma_semaphore, #tpu.memory_space<semaphore_mem>>) src(%arg8 : memref<125x64xf32, #tpu.memory_space<vmem>>) dst(%dma_wait3A_787 : memref<10240x64xf32, #tpu.memory_space<vmem_shared>>)
        tpu.yield
      }) : () -> ()
      %add3A_758 = arith.constant 2 : i32
      %add3A_759 = arith.addi %mul3A_741, %add3A_758 : i32
      %lt3A = arith.constant 16 : i32
      %lt3A_760 = arith.cmpi slt, %add3A_759, %lt3A : i32
      %convert_element_type3A = arith.extui %lt3A_760 : i1 to i32
      %cond3A = arith.constant 0 : i32
      %cond3A_761 = arith.cmpi ne, %convert_element_type3A, %cond3A : i32
      scf.if %cond3A_761 {
        %add3A_775 = arith.constant 2 : i32
        %add3A_776 = arith.addi %mul3A_741, %add3A_775 : i32
        %dma_start3A_777 = arith.constant 1 : i32
        %dma_start3A_778 = arith.constant 0 : i32
        %dma_start3A_779 = tpu.memref_slice %arg6[%dma_start3A_777, %add3A_776, %dma_start3A_778] : memref<2x16x125xi32, #tpu.memory_space<vmem>> -> memref<1x1x125xi32, #tpu.memory_space<vmem>>
        %dma_start3A_780 = tpu.memref_squeeze %dma_start3A_779 : memref<1x1x125xi32, #tpu.memory_space<vmem>> -> memref<125xi32, #tpu.memory_space<vmem>>
        %dma_start3A_781 = arith.constant 0 : i32
        %dma_start3A_782 = arith.constant 0 : i32
        %dma_start3A_783 = tpu.memref_slice %arg3[%dma_start3A_781, %dma_start3A_782] : memref<10000x64xf32, #tpu.memory_space<hbm>> -> memref<10000x64xf32, #tpu.memory_space<hbm>>
        tpu.enqueue_indirect_dma source(%dma_start3A_783 : memref<10000x64xf32, #tpu.memory_space<hbm>>) target(%arg8 : memref<125x64xf32, #tpu.memory_space<vmem>>) offsets(%dma_start3A_780 : memref<125xi32, #tpu.memory_space<vmem>>) semaphore(%arg11 : memref<!tpu.dma_semaphore, #tpu.memory_space<semaphore_mem>>)
      } else {
      }
      %add3A_762 = arith.constant 1 : i32
      %add3A_763 = arith.addi %mul3A_741, %add3A_762 : i32
      %dma_wait3A_764 = arith.constant 1 : i32
      %dma_wait3A_765 = arith.constant 0 : i32
      %dma_wait3A_766 = tpu.memref_slice %arg6[%dma_wait3A_764, %add3A_763, %dma_wait3A_765] : memref<2x16x125xi32, #tpu.memory_space<vmem>> -> memref<1x1x125xi32, #tpu.memory_space<vmem>>
      %dma_wait3A_767 = tpu.memref_squeeze %dma_wait3A_766 : memref<1x1x125xi32, #tpu.memory_space<vmem>> -> memref<125xi32, #tpu.memory_space<vmem>>
      %dma_wait3A_768 = arith.constant 0 : i32
      %dma_wait3A_769 = arith.constant 0 : i32
      %dma_wait3A_770 = tpu.memref_slice %arg3[%dma_wait3A_768, %dma_wait3A_769] : memref<10000x64xf32, #tpu.memory_space<hbm>> -> memref<10000x64xf32, #tpu.memory_space<hbm>>
      tpu.wait_indirect_dma semaphore(%arg12 : memref<!tpu.dma_semaphore, #tpu.memory_space<semaphore_mem>>) src(%dma_wait3A_770 : memref<10000x64xf32, #tpu.memory_space<hbm>>) dst(%arg9 : memref<125x64xf32, #tpu.memory_space<vmem>>)
      %add3A_771 = arith.constant 1 : i32
      %add3A_772 = arith.addi %mul3A_741, %add3A_771 : i32
      %run_scoped3A_773 = arith.constant 1 : i32
      "tpu.region"() ({
        %run_scoped3A_775 = tpu.sem_alloc : memref<!tpu.dma_semaphore, #tpu.memory_space<semaphore_mem>>
        %dma_start3A_776 = arith.constant 0 : i32
        %dma_start3A_777 = tpu.memref_slice %arg7[%run_scoped3A_773, %add3A_772, %dma_start3A_776] : memref<2x16x125xi32, #tpu.memory_space<vmem>> -> memref<1x1x125xi32, #tpu.memory_space<vmem>>
        %dma_start3A_778 = tpu.memref_squeeze %dma_start3A_777 : memref<1x1x125xi32, #tpu.memory_space<vmem>> -> memref<125xi32, #tpu.memory_space<vmem>>
        %dma_start3A_779 = arith.constant 0 : i32
        %dma_start3A_780 = arith.constant 0 : i32
        %dma_start3A_781 = tpu.memref_slice %arg5[%dma_start3A_779, %dma_start3A_780] : memref<10240x64xf32, #tpu.memory_space<vmem_shared>> -> memref<10240x64xf32, #tpu.memory_space<vmem_shared>>
        tpu.enqueue_indirect_dma source(%arg9 : memref<125x64xf32, #tpu.memory_space<vmem>>) target(%dma_start3A_781 : memref<10240x64xf32, #tpu.memory_space<vmem_shared>>) offsets(%dma_start3A_778 : memref<125xi32, #tpu.memory_space<vmem>>) semaphore(%run_scoped3A_775 : memref<!tpu.dma_semaphore, #tpu.memory_space<semaphore_mem>>) {add = true}
        %dma_wait3A_782 = arith.constant 0 : i32
        %dma_wait3A_783 = tpu.memref_slice %arg7[%run_scoped3A_773, %add3A_772, %dma_wait3A_782] : memref<2x16x125xi32, #tpu.memory_space<vmem>> -> memref<1x1x125xi32, #tpu.memory_space<vmem>>
        %dma_wait3A_784 = tpu.memref_squeeze %dma_wait3A_783 : memref<1x1x125xi32, #tpu.memory_space<vmem>> -> memref<125xi32, #tpu.memory_space<vmem>>
        %dma_wait3A_785 = arith.constant 0 : i32
        %dma_wait3A_786 = arith.constant 0 : i32
        %dma_wait3A_787 = tpu.memref_slice %arg5[%dma_wait3A_785, %dma_wait3A_786] : memref<10240x64xf32, #tpu.memory_space<vmem_shared>> -> memref<10240x64xf32, #tpu.memory_space<vmem_shared>>
        tpu.wait_indirect_dma semaphore(%run_scoped3A_775 : memref<!tpu.dma_semaphore, #tpu.memory_space<semaphore_mem>>) src(%arg9 : memref<125x64xf32, #tpu.memory_space<vmem>>) dst(%dma_wait3A_787 : memref<10240x64xf32, #tpu.memory_space<vmem_shared>>)
        tpu.yield
      }) : () -> ()
      %scan3A_774 = arith.constant 0 : i32
      scf.yield %scan3A_774 : i32
    }
    %scan3A_384 = arith.constant 8 : i32
    %dma_wait3A_385 = arith.constant 0 : i32
    %dma_wait3A_386 = arith.constant 0 : i32
    %dma_wait3A_387 = arith.constant 0 : i32
    %dma_wait3A_388 = arith.constant 0 : i32
    %dma_wait3A_389 = tpu.memref_slice %arg6[%dma_wait3A_386, %dma_wait3A_387, %dma_wait3A_388] : memref<2x16x125xi32, #tpu.memory_space<vmem>> -> memref<1x16x125xi32, #tpu.memory_space<vmem>>
    %dma_wait3A_390 = tpu.memref_squeeze %dma_wait3A_389 : memref<1x16x125xi32, #tpu.memory_space<vmem>> -> memref<16x125xi32, #tpu.memory_space<vmem>>
    %dma_wait3A_391 = arith.constant 0 : i32
    %dma_wait3A_392 = arith.constant 0 : i32
    %dma_wait3A_393 = tpu.memref_slice %arg2[%dma_wait3A_385, %dma_wait3A_391, %dma_wait3A_392] : memref<2x2560x125xi32, #tpu.memory_space<hbm>> -> memref<1x2560x125xi32, #tpu.memory_space<hbm>>
    %dma_wait3A_394 = tpu.memref_squeeze %dma_wait3A_393 : memref<1x2560x125xi32, #tpu.memory_space<hbm>> -> memref<2560x125xi32, #tpu.memory_space<hbm>>
    %dma_wait3A_395 = arith.constant 0 : i32
    %dma_wait3A_396 = tpu.memref_slice %dma_wait3A_394[%mul3A_2, %dma_wait3A_395] : memref<2560x125xi32, #tpu.memory_space<hbm>> -> memref<16x125xi32, #tpu.memory_space<hbm>>
    %dma_wait3A_397 = arith.constant 0 : i32
    %dma_wait3A_398 = arith.constant 0 : i32
    %dma_wait3A_399 = tpu.memref_slice %arg6[%dma_wait3A_386, %dma_wait3A_397, %dma_wait3A_398] : memref<2x16x125xi32, #tpu.memory_space<vmem>> -> memref<1x16x125xi32, #tpu.memory_space<vmem>>
    %dma_wait3A_400 = tpu.memref_squeeze %dma_wait3A_399 : memref<1x16x125xi32, #tpu.memory_space<vmem>> -> memref<16x125xi32, #tpu.memory_space<vmem>>
    %dma_wait3A_401 = arith.constant 0 : i32
    %dma_wait3A_402 = arith.constant 0 : i32
    %dma_wait3A_403 = tpu.memref_slice %arg2[%dma_wait3A_385, %dma_wait3A_401, %dma_wait3A_402] : memref<2x2560x125xi32, #tpu.memory_space<hbm>> -> memref<1x2560x125xi32, #tpu.memory_space<hbm>>
    %dma_wait3A_404 = tpu.memref_squeeze %dma_wait3A_403 : memref<1x2560x125xi32, #tpu.memory_space<hbm>> -> memref<2560x125xi32, #tpu.memory_space<hbm>>
    %dma_wait3A_405 = arith.constant 0 : i32
    %dma_wait3A_406 = tpu.memref_slice %dma_wait3A_404[%mul3A_2, %dma_wait3A_405] : memref<2560x125xi32, #tpu.memory_space<hbm>> -> memref<16x125xi32, #tpu.memory_space<hbm>>
    tpu.wait_dma2 semaphore(%arg13 : memref<!tpu.dma_semaphore, #tpu.memory_space<semaphore_mem>>) src(%dma_wait3A_406 : memref<16x125xi32, #tpu.memory_space<hbm>>) dst(%dma_wait3A_400 : memref<16x125xi32, #tpu.memory_space<vmem>>)
    %dma_wait3A_407 = arith.constant 1 : i32
    %dma_wait3A_408 = arith.constant 0 : i32
    %dma_wait3A_409 = arith.constant 0 : i32
    %dma_wait3A_410 = arith.constant 0 : i32
    %dma_wait3A_411 = tpu.memref_slice %arg7[%dma_wait3A_408, %dma_wait3A_409, %dma_wait3A_410] : memref<2x16x125xi32, #tpu.memory_space<vmem>> -> memref<1x16x125xi32, #tpu.memory_space<vmem>>
    %dma_wait3A_412 = tpu.memref_squeeze %dma_wait3A_411 : memref<1x16x125xi32, #tpu.memory_space<vmem>> -> memref<16x125xi32, #tpu.memory_space<vmem>>
    %dma_wait3A_413 = arith.constant 0 : i32
    %dma_wait3A_414 = arith.constant 0 : i32
    %dma_wait3A_415 = tpu.memref_slice %arg2[%dma_wait3A_407, %dma_wait3A_413, %dma_wait3A_414] : memref<2x2560x125xi32, #tpu.memory_space<hbm>> -> memref<1x2560x125xi32, #tpu.memory_space<hbm>>
    %dma_wait3A_416 = tpu.memref_squeeze %dma_wait3A_415 : memref<1x2560x125xi32, #tpu.memory_space<hbm>> -> memref<2560x125xi32, #tpu.memory_space<hbm>>
    %dma_wait3A_417 = arith.constant 0 : i32
    %dma_wait3A_418 = tpu.memref_slice %dma_wait3A_416[%mul3A_2, %dma_wait3A_417] : memref<2560x125xi32, #tpu.memory_space<hbm>> -> memref<16x125xi32, #tpu.memory_space<hbm>>
    %dma_wait3A_419 = arith.constant 0 : i32
    %dma_wait3A_420 = arith.constant 0 : i32
    %dma_wait3A_421 = tpu.memref_slice %arg7[%dma_wait3A_408, %dma_wait3A_419, %dma_wait3A_420] : memref<2x16x125xi32, #tpu.memory_space<vmem>> -> memref<1x16x125xi32, #tpu.memory_space<vmem>>
    %dma_wait3A_422 = tpu.memref_squeeze %dma_wait3A_421 : memref<1x16x125xi32, #tpu.memory_space<vmem>> -> memref<16x125xi32, #tpu.memory_space<vmem>>
    %dma_wait3A_423 = arith.constant 0 : i32
    %dma_wait3A_424 = arith.constant 0 : i32
    %dma_wait3A_425 = tpu.memref_slice %arg2[%dma_wait3A_407, %dma_wait3A_423, %dma_wait3A_424] : memref<2x2560x125xi32, #tpu.memory_space<hbm>> -> memref<1x2560x125xi32, #tpu.memory_space<hbm>>
    %dma_wait3A_426 = tpu.memref_squeeze %dma_wait3A_425 : memref<1x2560x125xi32, #tpu.memory_space<hbm>> -> memref<2560x125xi32, #tpu.memory_space<hbm>>
    %dma_wait3A_427 = arith.constant 0 : i32
    %dma_wait3A_428 = tpu.memref_slice %dma_wait3A_426[%mul3A_2, %dma_wait3A_427] : memref<2560x125xi32, #tpu.memory_space<hbm>> -> memref<16x125xi32, #tpu.memory_space<hbm>>
    tpu.wait_dma2 semaphore(%arg13 : memref<!tpu.dma_semaphore, #tpu.memory_space<semaphore_mem>>) src(%dma_wait3A_428 : memref<16x125xi32, #tpu.memory_space<hbm>>) dst(%dma_wait3A_422 : memref<16x125xi32, #tpu.memory_space<vmem>>)
    %dma_start3A_429 = arith.constant 0 : i32
    %dma_start3A_430 = arith.constant 0 : i32
    %dma_start3A_431 = arith.constant 0 : i32
    %dma_start3A_432 = tpu.memref_slice %arg6[%dma_start3A_429, %dma_start3A_430, %dma_start3A_431] : memref<2x16x125xi32, #tpu.memory_space<vmem>> -> memref<1x1x125xi32, #tpu.memory_space<vmem>>
    %dma_start3A_433 = tpu.memref_squeeze %dma_start3A_432 : memref<1x1x125xi32, #tpu.memory_space<vmem>> -> memref<125xi32, #tpu.memory_space<vmem>>
    %dma_start3A_434 = arith.constant 0 : i32
    %dma_start3A_435 = arith.constant 0 : i32
    %dma_start3A_436 = tpu.memref_slice %arg3[%dma_start3A_434, %dma_start3A_435] : memref<10000x64xf32, #tpu.memory_space<hbm>> -> memref<10000x64xf32, #tpu.memory_space<hbm>>
    tpu.enqueue_indirect_dma source(%dma_start3A_436 : memref<10000x64xf32, #tpu.memory_space<hbm>>) target(%arg8 : memref<125x64xf32, #tpu.memory_space<vmem>>) offsets(%dma_start3A_433 : memref<125xi32, #tpu.memory_space<vmem>>) semaphore(%arg11 : memref<!tpu.dma_semaphore, #tpu.memory_space<semaphore_mem>>)
    %add3A_437 = arith.constant 48 : i32
    %add3A_438 = arith.addi %mul3A_2, %add3A_437 : i32
    %dma_start3A_439 = arith.constant 0 : i32
    %dma_start3A_440 = arith.constant 1 : i32
    %dma_start3A_441 = arith.constant 0 : i32
    %dma_start3A_442 = arith.constant 0 : i32
    %dma_start3A_443 = tpu.memref_slice %arg6[%dma_start3A_440, %dma_start3A_441, %dma_start3A_442] : memref<2x16x125xi32, #tpu.memory_space<vmem>> -> memref<1x16x125xi32, #tpu.memory_space<vmem>>
    %dma_start3A_444 = tpu.memref_squeeze %dma_start3A_443 : memref<1x16x125xi32, #tpu.memory_space<vmem>> -> memref<16x125xi32, #tpu.memory_space<vmem>>
    %dma_start3A_445 = arith.constant 0 : i32
    %dma_start3A_446 = arith.constant 0 : i32
    %dma_start3A_447 = tpu.memref_slice %arg2[%dma_start3A_439, %dma_start3A_445, %dma_start3A_446] : memref<2x2560x125xi32, #tpu.memory_space<hbm>> -> memref<1x2560x125xi32, #tpu.memory_space<hbm>>
    %dma_start3A_448 = tpu.memref_squeeze %dma_start3A_447 : memref<1x2560x125xi32, #tpu.memory_space<hbm>> -> memref<2560x125xi32, #tpu.memory_space<hbm>>
    %dma_start3A_449 = arith.constant 0 : i32
    %dma_start3A_450 = tpu.memref_slice %dma_start3A_448[%add3A_438, %dma_start3A_449] : memref<2560x125xi32, #tpu.memory_space<hbm>> -> memref<16x125xi32, #tpu.memory_space<hbm>>
    %dma_start3A_451 = arith.constant 0 : i32
    %dma_start3A_452 = arith.constant 0 : i32
    %dma_start3A_453 = tpu.memref_slice %arg6[%dma_start3A_440, %dma_start3A_451, %dma_start3A_452] : memref<2x16x125xi32, #tpu.memory_space<vmem>> -> memref<1x16x125xi32, #tpu.memory_space<vmem>>
    %dma_start3A_454 = tpu.memref_squeeze %dma_start3A_453 : memref<1x16x125xi32, #tpu.memory_space<vmem>> -> memref<16x125xi32, #tpu.memory_space<vmem>>
    %dma_start3A_455 = arith.constant 0 : i32
    %dma_start3A_456 = arith.constant 0 : i32
    %dma_start3A_457 = tpu.memref_slice %arg2[%dma_start3A_439, %dma_start3A_455, %dma_start3A_456] : memref<2x2560x125xi32, #tpu.memory_space<hbm>> -> memref<1x2560x125xi32, #tpu.memory_space<hbm>>
    %dma_start3A_458 = tpu.memref_squeeze %dma_start3A_457 : memref<1x2560x125xi32, #tpu.memory_space<hbm>> -> memref<2560x125xi32, #tpu.memory_space<hbm>>
    %dma_start3A_459 = arith.constant 0 : i32
    %dma_start3A_460 = tpu.memref_slice %dma_start3A_458[%add3A_438, %dma_start3A_459] : memref<2560x125xi32, #tpu.memory_space<hbm>> -> memref<16x125xi32, #tpu.memory_space<hbm>>
    tpu.enqueue_dma source(%dma_start3A_460 : memref<16x125xi32, #tpu.memory_space<hbm>>) target(%dma_start3A_454 : memref<16x125xi32, #tpu.memory_space<vmem>>) target_semaphore(%arg13 : memref<!tpu.dma_semaphore, #tpu.memory_space<semaphore_mem>>)
    %dma_start3A_461 = arith.constant 1 : i32
    %dma_start3A_462 = arith.constant 1 : i32
    %dma_start3A_463 = arith.constant 0 : i32
    %dma_start3A_464 = arith.constant 0 : i32
    %dma_start3A_465 = tpu.memref_slice %arg7[%dma_start3A_462, %dma_start3A_463, %dma_start3A_464] : memref<2x16x125xi32, #tpu.memory_space<vmem>> -> memref<1x16x125xi32, #tpu.memory_space<vmem>>
    %dma_start3A_466 = tpu.memref_squeeze %dma_start3A_465 : memref<1x16x125xi32, #tpu.memory_space<vmem>> -> memref<16x125xi32, #tpu.memory_space<vmem>>
    %dma_start3A_467 = arith.constant 0 : i32
    %dma_start3A_468 = arith.constant 0 : i32
    %dma_start3A_469 = tpu.memref_slice %arg2[%dma_start3A_461, %dma_start3A_467, %dma_start3A_468] : memref<2x2560x125xi32, #tpu.memory_space<hbm>> -> memref<1x2560x125xi32, #tpu.memory_space<hbm>>
    %dma_start3A_470 = tpu.memref_squeeze %dma_start3A_469 : memref<1x2560x125xi32, #tpu.memory_space<hbm>> -> memref<2560x125xi32, #tpu.memory_space<hbm>>
    %dma_start3A_471 = arith.constant 0 : i32
    %dma_start3A_472 = tpu.memref_slice %dma_start3A_470[%add3A_438, %dma_start3A_471] : memref<2560x125xi32, #tpu.memory_space<hbm>> -> memref<16x125xi32, #tpu.memory_space<hbm>>
    %dma_start3A_473 = arith.constant 0 : i32
    %dma_start3A_474 = arith.constant 0 : i32
    %dma_start3A_475 = tpu.memref_slice %arg7[%dma_start3A_462, %dma_start3A_473, %dma_start3A_474] : memref<2x16x125xi32, #tpu.memory_space<vmem>> -> memref<1x16x125xi32, #tpu.memory_space<vmem>>
    %dma_start3A_476 = tpu.memref_squeeze %dma_start3A_475 : memref<1x16x125xi32, #tpu.memory_space<vmem>> -> memref<16x125xi32, #tpu.memory_space<vmem>>
    %dma_start3A_477 = arith.constant 0 : i32
    %dma_start3A_478 = arith.constant 0 : i32
    %dma_start3A_479 = tpu.memref_slice %arg2[%dma_start3A_461, %dma_start3A_477, %dma_start3A_478] : memref<2x2560x125xi32, #tpu.memory_space<hbm>> -> memref<1x2560x125xi32, #tpu.memory_space<hbm>>
    %dma_start3A_480 = tpu.memref_squeeze %dma_start3A_479 : memref<1x2560x125xi32, #tpu.memory_space<hbm>> -> memref<2560x125xi32, #tpu.memory_space<hbm>>
    %dma_start3A_481 = arith.constant 0 : i32
    %dma_start3A_482 = tpu.memref_slice %dma_start3A_480[%add3A_438, %dma_start3A_481] : memref<2560x125xi32, #tpu.memory_space<hbm>> -> memref<16x125xi32, #tpu.memory_space<hbm>>
    tpu.enqueue_dma source(%dma_start3A_482 : memref<16x125xi32, #tpu.memory_space<hbm>>) target(%dma_start3A_476 : memref<16x125xi32, #tpu.memory_space<vmem>>) target_semaphore(%arg13 : memref<!tpu.dma_semaphore, #tpu.memory_space<semaphore_mem>>)
    %scan3A_483 = arith.constant 0 : i32
    %scan3A_484 = arith.constant 0 : i32
    %scan3A_485 = arith.constant 8 : i32
    %scan3A_486 = arith.addi %scan3A_484, %scan3A_485 : i32
    %scan3A_487 = arith.constant 1 : i32
    %scan3A_488 = scf.for %scan3A_738 = %scan3A_484 to %scan3A_486 step %scan3A_487 iter_args(%scan3A_739 = %scan3A_483) -> (i32)  : i32 {
      %mul3A_740 = arith.constant 2 : i32
      %mul3A_741 = arith.muli %mul3A_740, %scan3A_738 : i32
      %add3A_742 = arith.constant 1 : i32
      %add3A_743 = arith.addi %mul3A_741, %add3A_742 : i32
      %dma_start3A_744 = arith.constant 0 : i32
      %dma_start3A_745 = arith.constant 0 : i32
      %dma_start3A_746 = tpu.memref_slice %arg6[%dma_start3A_744, %add3A_743, %dma_start3A_745] : memref<2x16x125xi32, #tpu.memory_space<vmem>> -> memref<1x1x125xi32, #tpu.memory_space<vmem>>
      %dma_start3A_747 = tpu.memref_squeeze %dma_start3A_746 : memref<1x1x125xi32, #tpu.memory_space<vmem>> -> memref<125xi32, #tpu.memory_space<vmem>>
      %dma_start3A_748 = arith.constant 0 : i32
      %dma_start3A_749 = arith.constant 0 : i32
      %dma_start3A_750 = tpu.memref_slice %arg3[%dma_start3A_748, %dma_start3A_749] : memref<10000x64xf32, #tpu.memory_space<hbm>> -> memref<10000x64xf32, #tpu.memory_space<hbm>>
      tpu.enqueue_indirect_dma source(%dma_start3A_750 : memref<10000x64xf32, #tpu.memory_space<hbm>>) target(%arg9 : memref<125x64xf32, #tpu.memory_space<vmem>>) offsets(%dma_start3A_747 : memref<125xi32, #tpu.memory_space<vmem>>) semaphore(%arg12 : memref<!tpu.dma_semaphore, #tpu.memory_space<semaphore_mem>>)
      %dma_wait3A_751 = arith.constant 0 : i32
      %dma_wait3A_752 = arith.constant 0 : i32
      %dma_wait3A_753 = tpu.memref_slice %arg6[%dma_wait3A_751, %mul3A_741, %dma_wait3A_752] : memref<2x16x125xi32, #tpu.memory_space<vmem>> -> memref<1x1x125xi32, #tpu.memory_space<vmem>>
      %dma_wait3A_754 = tpu.memref_squeeze %dma_wait3A_753 : memref<1x1x125xi32, #tpu.memory_space<vmem>> -> memref<125xi32, #tpu.memory_space<vmem>>
      %dma_wait3A_755 = arith.constant 0 : i32
      %dma_wait3A_756 = arith.constant 0 : i32
      %dma_wait3A_757 = tpu.memref_slice %arg3[%dma_wait3A_755, %dma_wait3A_756] : memref<10000x64xf32, #tpu.memory_space<hbm>> -> memref<10000x64xf32, #tpu.memory_space<hbm>>
      tpu.wait_indirect_dma semaphore(%arg11 : memref<!tpu.dma_semaphore, #tpu.memory_space<semaphore_mem>>) src(%dma_wait3A_757 : memref<10000x64xf32, #tpu.memory_space<hbm>>) dst(%arg8 : memref<125x64xf32, #tpu.memory_space<vmem>>)
      %run_scoped3A = arith.constant 0 : i32
      "tpu.region"() ({
        %run_scoped3A_775 = tpu.sem_alloc : memref<!tpu.dma_semaphore, #tpu.memory_space<semaphore_mem>>
        %dma_start3A_776 = arith.constant 0 : i32
        %dma_start3A_777 = tpu.memref_slice %arg7[%run_scoped3A, %mul3A_741, %dma_start3A_776] : memref<2x16x125xi32, #tpu.memory_space<vmem>> -> memref<1x1x125xi32, #tpu.memory_space<vmem>>
        %dma_start3A_778 = tpu.memref_squeeze %dma_start3A_777 : memref<1x1x125xi32, #tpu.memory_space<vmem>> -> memref<125xi32, #tpu.memory_space<vmem>>
        %dma_start3A_779 = arith.constant 0 : i32
        %dma_start3A_780 = arith.constant 0 : i32
        %dma_start3A_781 = tpu.memref_slice %arg5[%dma_start3A_779, %dma_start3A_780] : memref<10240x64xf32, #tpu.memory_space<vmem_shared>> -> memref<10240x64xf32, #tpu.memory_space<vmem_shared>>
        tpu.enqueue_indirect_dma source(%arg8 : memref<125x64xf32, #tpu.memory_space<vmem>>) target(%dma_start3A_781 : memref<10240x64xf32, #tpu.memory_space<vmem_shared>>) offsets(%dma_start3A_778 : memref<125xi32, #tpu.memory_space<vmem>>) semaphore(%run_scoped3A_775 : memref<!tpu.dma_semaphore, #tpu.memory_space<semaphore_mem>>) {add = true}
        %dma_wait3A_782 = arith.constant 0 : i32
        %dma_wait3A_783 = tpu.memref_slice %arg7[%run_scoped3A, %mul3A_741, %dma_wait3A_782] : memref<2x16x125xi32, #tpu.memory_space<vmem>> -> memref<1x1x125xi32, #tpu.memory_space<vmem>>
        %dma_wait3A_784 = tpu.memref_squeeze %dma_wait3A_783 : memref<1x1x125xi32, #tpu.memory_space<vmem>> -> memref<125xi32, #tpu.memory_space<vmem>>
        %dma_wait3A_785 = arith.constant 0 : i32
        %dma_wait3A_786 = arith.constant 0 : i32
        %dma_wait3A_787 = tpu.memref_slice %arg5[%dma_wait3A_785, %dma_wait3A_786] : memref<10240x64xf32, #tpu.memory_space<vmem_shared>> -> memref<10240x64xf32, #tpu.memory_space<vmem_shared>>
        tpu.wait_indirect_dma semaphore(%run_scoped3A_775 : memref<!tpu.dma_semaphore, #tpu.memory_space<semaphore_mem>>) src(%arg8 : memref<125x64xf32, #tpu.memory_space<vmem>>) dst(%dma_wait3A_787 : memref<10240x64xf32, #tpu.memory_space<vmem_shared>>)
        tpu.yield
      }) : () -> ()
      %add3A_758 = arith.constant 2 : i32
      %add3A_759 = arith.addi %mul3A_741, %add3A_758 : i32
      %lt3A = arith.constant 16 : i32
      %lt3A_760 = arith.cmpi slt, %add3A_759, %lt3A : i32
      %convert_element_type3A = arith.extui %lt3A_760 : i1 to i32
      %cond3A = arith.constant 0 : i32
      %cond3A_761 = arith.cmpi ne, %convert_element_type3A, %cond3A : i32
      scf.if %cond3A_761 {
        %add3A_775 = arith.constant 2 : i32
        %add3A_776 = arith.addi %mul3A_741, %add3A_775 : i32
        %dma_start3A_777 = arith.constant 0 : i32
        %dma_start3A_778 = arith.constant 0 : i32
        %dma_start3A_779 = tpu.memref_slice %arg6[%dma_start3A_777, %add3A_776, %dma_start3A_778] : memref<2x16x125xi32, #tpu.memory_space<vmem>> -> memref<1x1x125xi32, #tpu.memory_space<vmem>>
        %dma_start3A_780 = tpu.memref_squeeze %dma_start3A_779 : memref<1x1x125xi32, #tpu.memory_space<vmem>> -> memref<125xi32, #tpu.memory_space<vmem>>
        %dma_start3A_781 = arith.constant 0 : i32
        %dma_start3A_782 = arith.constant 0 : i32
        %dma_start3A_783 = tpu.memref_slice %arg3[%dma_start3A_781, %dma_start3A_782] : memref<10000x64xf32, #tpu.memory_space<hbm>> -> memref<10000x64xf32, #tpu.memory_space<hbm>>
        tpu.enqueue_indirect_dma source(%dma_start3A_783 : memref<10000x64xf32, #tpu.memory_space<hbm>>) target(%arg8 : memref<125x64xf32, #tpu.memory_space<vmem>>) offsets(%dma_start3A_780 : memref<125xi32, #tpu.memory_space<vmem>>) semaphore(%arg11 : memref<!tpu.dma_semaphore, #tpu.memory_space<semaphore_mem>>)
      } else {
      }
      %add3A_762 = arith.constant 1 : i32
      %add3A_763 = arith.addi %mul3A_741, %add3A_762 : i32
      %dma_wait3A_764 = arith.constant 0 : i32
      %dma_wait3A_765 = arith.constant 0 : i32
      %dma_wait3A_766 = tpu.memref_slice %arg6[%dma_wait3A_764, %add3A_763, %dma_wait3A_765] : memref<2x16x125xi32, #tpu.memory_space<vmem>> -> memref<1x1x125xi32, #tpu.memory_space<vmem>>
      %dma_wait3A_767 = tpu.memref_squeeze %dma_wait3A_766 : memref<1x1x125xi32, #tpu.memory_space<vmem>> -> memref<125xi32, #tpu.memory_space<vmem>>
      %dma_wait3A_768 = arith.constant 0 : i32
      %dma_wait3A_769 = arith.constant 0 : i32
      %dma_wait3A_770 = tpu.memref_slice %arg3[%dma_wait3A_768, %dma_wait3A_769] : memref<10000x64xf32, #tpu.memory_space<hbm>> -> memref<10000x64xf32, #tpu.memory_space<hbm>>
      tpu.wait_indirect_dma semaphore(%arg12 : memref<!tpu.dma_semaphore, #tpu.memory_space<semaphore_mem>>) src(%dma_wait3A_770 : memref<10000x64xf32, #tpu.memory_space<hbm>>) dst(%arg9 : memref<125x64xf32, #tpu.memory_space<vmem>>)
      %add3A_771 = arith.constant 1 : i32
      %add3A_772 = arith.addi %mul3A_741, %add3A_771 : i32
      %run_scoped3A_773 = arith.constant 0 : i32
      "tpu.region"() ({
        %run_scoped3A_775 = tpu.sem_alloc : memref<!tpu.dma_semaphore, #tpu.memory_space<semaphore_mem>>
        %dma_start3A_776 = arith.constant 0 : i32
        %dma_start3A_777 = tpu.memref_slice %arg7[%run_scoped3A_773, %add3A_772, %dma_start3A_776] : memref<2x16x125xi32, #tpu.memory_space<vmem>> -> memref<1x1x125xi32, #tpu.memory_space<vmem>>
        %dma_start3A_778 = tpu.memref_squeeze %dma_start3A_777 : memref<1x1x125xi32, #tpu.memory_space<vmem>> -> memref<125xi32, #tpu.memory_space<vmem>>
        %dma_start3A_779 = arith.constant 0 : i32
        %dma_start3A_780 = arith.constant 0 : i32
        %dma_start3A_781 = tpu.memref_slice %arg5[%dma_start3A_779, %dma_start3A_780] : memref<10240x64xf32, #tpu.memory_space<vmem_shared>> -> memref<10240x64xf32, #tpu.memory_space<vmem_shared>>
        tpu.enqueue_indirect_dma source(%arg9 : memref<125x64xf32, #tpu.memory_space<vmem>>) target(%dma_start3A_781 : memref<10240x64xf32, #tpu.memory_space<vmem_shared>>) offsets(%dma_start3A_778 : memref<125xi32, #tpu.memory_space<vmem>>) semaphore(%run_scoped3A_775 : memref<!tpu.dma_semaphore, #tpu.memory_space<semaphore_mem>>) {add = true}
        %dma_wait3A_782 = arith.constant 0 : i32
        %dma_wait3A_783 = tpu.memref_slice %arg7[%run_scoped3A_773, %add3A_772, %dma_wait3A_782] : memref<2x16x125xi32, #tpu.memory_space<vmem>> -> memref<1x1x125xi32, #tpu.memory_space<vmem>>
        %dma_wait3A_784 = tpu.memref_squeeze %dma_wait3A_783 : memref<1x1x125xi32, #tpu.memory_space<vmem>> -> memref<125xi32, #tpu.memory_space<vmem>>
        %dma_wait3A_785 = arith.constant 0 : i32
        %dma_wait3A_786 = arith.constant 0 : i32
        %dma_wait3A_787 = tpu.memref_slice %arg5[%dma_wait3A_785, %dma_wait3A_786] : memref<10240x64xf32, #tpu.memory_space<vmem_shared>> -> memref<10240x64xf32, #tpu.memory_space<vmem_shared>>
        tpu.wait_indirect_dma semaphore(%run_scoped3A_775 : memref<!tpu.dma_semaphore, #tpu.memory_space<semaphore_mem>>) src(%arg9 : memref<125x64xf32, #tpu.memory_space<vmem>>) dst(%dma_wait3A_787 : memref<10240x64xf32, #tpu.memory_space<vmem_shared>>)
        tpu.yield
      }) : () -> ()
      %scan3A_774 = arith.constant 0 : i32
      scf.yield %scan3A_774 : i32
    }
    %scan3A_489 = arith.constant 8 : i32
    %dma_wait3A_490 = arith.constant 0 : i32
    %dma_wait3A_491 = arith.constant 1 : i32
    %dma_wait3A_492 = arith.constant 0 : i32
    %dma_wait3A_493 = arith.constant 0 : i32
    %dma_wait3A_494 = tpu.memref_slice %arg6[%dma_wait3A_491, %dma_wait3A_492, %dma_wait3A_493] : memref<2x16x125xi32, #tpu.memory_space<vmem>> -> memref<1x16x125xi32, #tpu.memory_space<vmem>>
    %dma_wait3A_495 = tpu.memref_squeeze %dma_wait3A_494 : memref<1x16x125xi32, #tpu.memory_space<vmem>> -> memref<16x125xi32, #tpu.memory_space<vmem>>
    %dma_wait3A_496 = arith.constant 0 : i32
    %dma_wait3A_497 = arith.constant 0 : i32
    %dma_wait3A_498 = tpu.memref_slice %arg2[%dma_wait3A_490, %dma_wait3A_496, %dma_wait3A_497] : memref<2x2560x125xi32, #tpu.memory_space<hbm>> -> memref<1x2560x125xi32, #tpu.memory_space<hbm>>
    %dma_wait3A_499 = tpu.memref_squeeze %dma_wait3A_498 : memref<1x2560x125xi32, #tpu.memory_space<hbm>> -> memref<2560x125xi32, #tpu.memory_space<hbm>>
    %dma_wait3A_500 = arith.constant 0 : i32
    %dma_wait3A_501 = tpu.memref_slice %dma_wait3A_499[%mul3A_2, %dma_wait3A_500] : memref<2560x125xi32, #tpu.memory_space<hbm>> -> memref<16x125xi32, #tpu.memory_space<hbm>>
    %dma_wait3A_502 = arith.constant 0 : i32
    %dma_wait3A_503 = arith.constant 0 : i32
    %dma_wait3A_504 = tpu.memref_slice %arg6[%dma_wait3A_491, %dma_wait3A_502, %dma_wait3A_503] : memref<2x16x125xi32, #tpu.memory_space<vmem>> -> memref<1x16x125xi32, #tpu.memory_space<vmem>>
    %dma_wait3A_505 = tpu.memref_squeeze %dma_wait3A_504 : memref<1x16x125xi32, #tpu.memory_space<vmem>> -> memref<16x125xi32, #tpu.memory_space<vmem>>
    %dma_wait3A_506 = arith.constant 0 : i32
    %dma_wait3A_507 = arith.constant 0 : i32
    %dma_wait3A_508 = tpu.memref_slice %arg2[%dma_wait3A_490, %dma_wait3A_506, %dma_wait3A_507] : memref<2x2560x125xi32, #tpu.memory_space<hbm>> -> memref<1x2560x125xi32, #tpu.memory_space<hbm>>
    %dma_wait3A_509 = tpu.memref_squeeze %dma_wait3A_508 : memref<1x2560x125xi32, #tpu.memory_space<hbm>> -> memref<2560x125xi32, #tpu.memory_space<hbm>>
    %dma_wait3A_510 = arith.constant 0 : i32
    %dma_wait3A_511 = tpu.memref_slice %dma_wait3A_509[%mul3A_2, %dma_wait3A_510] : memref<2560x125xi32, #tpu.memory_space<hbm>> -> memref<16x125xi32, #tpu.memory_space<hbm>>
    tpu.wait_dma2 semaphore(%arg13 : memref<!tpu.dma_semaphore, #tpu.memory_space<semaphore_mem>>) src(%dma_wait3A_511 : memref<16x125xi32, #tpu.memory_space<hbm>>) dst(%dma_wait3A_505 : memref<16x125xi32, #tpu.memory_space<vmem>>)
    %dma_wait3A_512 = arith.constant 1 : i32
    %dma_wait3A_513 = arith.constant 1 : i32
    %dma_wait3A_514 = arith.constant 0 : i32
    %dma_wait3A_515 = arith.constant 0 : i32
    %dma_wait3A_516 = tpu.memref_slice %arg7[%dma_wait3A_513, %dma_wait3A_514, %dma_wait3A_515] : memref<2x16x125xi32, #tpu.memory_space<vmem>> -> memref<1x16x125xi32, #tpu.memory_space<vmem>>
    %dma_wait3A_517 = tpu.memref_squeeze %dma_wait3A_516 : memref<1x16x125xi32, #tpu.memory_space<vmem>> -> memref<16x125xi32, #tpu.memory_space<vmem>>
    %dma_wait3A_518 = arith.constant 0 : i32
    %dma_wait3A_519 = arith.constant 0 : i32
    %dma_wait3A_520 = tpu.memref_slice %arg2[%dma_wait3A_512, %dma_wait3A_518, %dma_wait3A_519] : memref<2x2560x125xi32, #tpu.memory_space<hbm>> -> memref<1x2560x125xi32, #tpu.memory_space<hbm>>
    %dma_wait3A_521 = tpu.memref_squeeze %dma_wait3A_520 : memref<1x2560x125xi32, #tpu.memory_space<hbm>> -> memref<2560x125xi32, #tpu.memory_space<hbm>>
    %dma_wait3A_522 = arith.constant 0 : i32
    %dma_wait3A_523 = tpu.memref_slice %dma_wait3A_521[%mul3A_2, %dma_wait3A_522] : memref<2560x125xi32, #tpu.memory_space<hbm>> -> memref<16x125xi32, #tpu.memory_space<hbm>>
    %dma_wait3A_524 = arith.constant 0 : i32
    %dma_wait3A_525 = arith.constant 0 : i32
    %dma_wait3A_526 = tpu.memref_slice %arg7[%dma_wait3A_513, %dma_wait3A_524, %dma_wait3A_525] : memref<2x16x125xi32, #tpu.memory_space<vmem>> -> memref<1x16x125xi32, #tpu.memory_space<vmem>>
    %dma_wait3A_527 = tpu.memref_squeeze %dma_wait3A_526 : memref<1x16x125xi32, #tpu.memory_space<vmem>> -> memref<16x125xi32, #tpu.memory_space<vmem>>
    %dma_wait3A_528 = arith.constant 0 : i32
    %dma_wait3A_529 = arith.constant 0 : i32
    %dma_wait3A_530 = tpu.memref_slice %arg2[%dma_wait3A_512, %dma_wait3A_528, %dma_wait3A_529] : memref<2x2560x125xi32, #tpu.memory_space<hbm>> -> memref<1x2560x125xi32, #tpu.memory_space<hbm>>
    %dma_wait3A_531 = tpu.memref_squeeze %dma_wait3A_530 : memref<1x2560x125xi32, #tpu.memory_space<hbm>> -> memref<2560x125xi32, #tpu.memory_space<hbm>>
    %dma_wait3A_532 = arith.constant 0 : i32
    %dma_wait3A_533 = tpu.memref_slice %dma_wait3A_531[%mul3A_2, %dma_wait3A_532] : memref<2560x125xi32, #tpu.memory_space<hbm>> -> memref<16x125xi32, #tpu.memory_space<hbm>>
    tpu.wait_dma2 semaphore(%arg13 : memref<!tpu.dma_semaphore, #tpu.memory_space<semaphore_mem>>) src(%dma_wait3A_533 : memref<16x125xi32, #tpu.memory_space<hbm>>) dst(%dma_wait3A_527 : memref<16x125xi32, #tpu.memory_space<vmem>>)
    %dma_start3A_534 = arith.constant 1 : i32
    %dma_start3A_535 = arith.constant 0 : i32
    %dma_start3A_536 = arith.constant 0 : i32
    %dma_start3A_537 = tpu.memref_slice %arg6[%dma_start3A_534, %dma_start3A_535, %dma_start3A_536] : memref<2x16x125xi32, #tpu.memory_space<vmem>> -> memref<1x1x125xi32, #tpu.memory_space<vmem>>
    %dma_start3A_538 = tpu.memref_squeeze %dma_start3A_537 : memref<1x1x125xi32, #tpu.memory_space<vmem>> -> memref<125xi32, #tpu.memory_space<vmem>>
    %dma_start3A_539 = arith.constant 0 : i32
    %dma_start3A_540 = arith.constant 0 : i32
    %dma_start3A_541 = tpu.memref_slice %arg3[%dma_start3A_539, %dma_start3A_540] : memref<10000x64xf32, #tpu.memory_space<hbm>> -> memref<10000x64xf32, #tpu.memory_space<hbm>>
    tpu.enqueue_indirect_dma source(%dma_start3A_541 : memref<10000x64xf32, #tpu.memory_space<hbm>>) target(%arg8 : memref<125x64xf32, #tpu.memory_space<vmem>>) offsets(%dma_start3A_538 : memref<125xi32, #tpu.memory_space<vmem>>) semaphore(%arg11 : memref<!tpu.dma_semaphore, #tpu.memory_space<semaphore_mem>>)
    %add3A_542 = arith.constant 64 : i32
    %add3A_543 = arith.addi %mul3A_2, %add3A_542 : i32
    %dma_start3A_544 = arith.constant 0 : i32
    %dma_start3A_545 = arith.constant 0 : i32
    %dma_start3A_546 = arith.constant 0 : i32
    %dma_start3A_547 = arith.constant 0 : i32
    %dma_start3A_548 = tpu.memref_slice %arg6[%dma_start3A_545, %dma_start3A_546, %dma_start3A_547] : memref<2x16x125xi32, #tpu.memory_space<vmem>> -> memref<1x16x125xi32, #tpu.memory_space<vmem>>
    %dma_start3A_549 = tpu.memref_squeeze %dma_start3A_548 : memref<1x16x125xi32, #tpu.memory_space<vmem>> -> memref<16x125xi32, #tpu.memory_space<vmem>>
    %dma_start3A_550 = arith.constant 0 : i32
    %dma_start3A_551 = arith.constant 0 : i32
    %dma_start3A_552 = tpu.memref_slice %arg2[%dma_start3A_544, %dma_start3A_550, %dma_start3A_551] : memref<2x2560x125xi32, #tpu.memory_space<hbm>> -> memref<1x2560x125xi32, #tpu.memory_space<hbm>>
    %dma_start3A_553 = tpu.memref_squeeze %dma_start3A_552 : memref<1x2560x125xi32, #tpu.memory_space<hbm>> -> memref<2560x125xi32, #tpu.memory_space<hbm>>
    %dma_start3A_554 = arith.constant 0 : i32
    %dma_start3A_555 = tpu.memref_slice %dma_start3A_553[%add3A_543, %dma_start3A_554] : memref<2560x125xi32, #tpu.memory_space<hbm>> -> memref<16x125xi32, #tpu.memory_space<hbm>>
    %dma_start3A_556 = arith.constant 0 : i32
    %dma_start3A_557 = arith.constant 0 : i32
    %dma_start3A_558 = tpu.memref_slice %arg6[%dma_start3A_545, %dma_start3A_556, %dma_start3A_557] : memref<2x16x125xi32, #tpu.memory_space<vmem>> -> memref<1x16x125xi32, #tpu.memory_space<vmem>>
    %dma_start3A_559 = tpu.memref_squeeze %dma_start3A_558 : memref<1x16x125xi32, #tpu.memory_space<vmem>> -> memref<16x125xi32, #tpu.memory_space<vmem>>
    %dma_start3A_560 = arith.constant 0 : i32
    %dma_start3A_561 = arith.constant 0 : i32
    %dma_start3A_562 = tpu.memref_slice %arg2[%dma_start3A_544, %dma_start3A_560, %dma_start3A_561] : memref<2x2560x125xi32, #tpu.memory_space<hbm>> -> memref<1x2560x125xi32, #tpu.memory_space<hbm>>
    %dma_start3A_563 = tpu.memref_squeeze %dma_start3A_562 : memref<1x2560x125xi32, #tpu.memory_space<hbm>> -> memref<2560x125xi32, #tpu.memory_space<hbm>>
    %dma_start3A_564 = arith.constant 0 : i32
    %dma_start3A_565 = tpu.memref_slice %dma_start3A_563[%add3A_543, %dma_start3A_564] : memref<2560x125xi32, #tpu.memory_space<hbm>> -> memref<16x125xi32, #tpu.memory_space<hbm>>
    tpu.enqueue_dma source(%dma_start3A_565 : memref<16x125xi32, #tpu.memory_space<hbm>>) target(%dma_start3A_559 : memref<16x125xi32, #tpu.memory_space<vmem>>) target_semaphore(%arg13 : memref<!tpu.dma_semaphore, #tpu.memory_space<semaphore_mem>>)
    %dma_start3A_566 = arith.constant 1 : i32
    %dma_start3A_567 = arith.constant 0 : i32
    %dma_start3A_568 = arith.constant 0 : i32
    %dma_start3A_569 = arith.constant 0 : i32
    %dma_start3A_570 = tpu.memref_slice %arg7[%dma_start3A_567, %dma_start3A_568, %dma_start3A_569] : memref<2x16x125xi32, #tpu.memory_space<vmem>> -> memref<1x16x125xi32, #tpu.memory_space<vmem>>
    %dma_start3A_571 = tpu.memref_squeeze %dma_start3A_570 : memref<1x16x125xi32, #tpu.memory_space<vmem>> -> memref<16x125xi32, #tpu.memory_space<vmem>>
    %dma_start3A_572 = arith.constant 0 : i32
    %dma_start3A_573 = arith.constant 0 : i32
    %dma_start3A_574 = tpu.memref_slice %arg2[%dma_start3A_566, %dma_start3A_572, %dma_start3A_573] : memref<2x2560x125xi32, #tpu.memory_space<hbm>> -> memref<1x2560x125xi32, #tpu.memory_space<hbm>>
    %dma_start3A_575 = tpu.memref_squeeze %dma_start3A_574 : memref<1x2560x125xi32, #tpu.memory_space<hbm>> -> memref<2560x125xi32, #tpu.memory_space<hbm>>
    %dma_start3A_576 = arith.constant 0 : i32
    %dma_start3A_577 = tpu.memref_slice %dma_start3A_575[%add3A_543, %dma_start3A_576] : memref<2560x125xi32, #tpu.memory_space<hbm>> -> memref<16x125xi32, #tpu.memory_space<hbm>>
    %dma_start3A_578 = arith.constant 0 : i32
    %dma_start3A_579 = arith.constant 0 : i32
    %dma_start3A_580 = tpu.memref_slice %arg7[%dma_start3A_567, %dma_start3A_578, %dma_start3A_579] : memref<2x16x125xi32, #tpu.memory_space<vmem>> -> memref<1x16x125xi32, #tpu.memory_space<vmem>>
    %dma_start3A_581 = tpu.memref_squeeze %dma_start3A_580 : memref<1x16x125xi32, #tpu.memory_space<vmem>> -> memref<16x125xi32, #tpu.memory_space<vmem>>
    %dma_start3A_582 = arith.constant 0 : i32
    %dma_start3A_583 = arith.constant 0 : i32
    %dma_start3A_584 = tpu.memref_slice %arg2[%dma_start3A_566, %dma_start3A_582, %dma_start3A_583] : memref<2x2560x125xi32, #tpu.memory_space<hbm>> -> memref<1x2560x125xi32, #tpu.memory_space<hbm>>
    %dma_start3A_585 = tpu.memref_squeeze %dma_start3A_584 : memref<1x2560x125xi32, #tpu.memory_space<hbm>> -> memref<2560x125xi32, #tpu.memory_space<hbm>>
    %dma_start3A_586 = arith.constant 0 : i32
    %dma_start3A_587 = tpu.memref_slice %dma_start3A_585[%add3A_543, %dma_start3A_586] : memref<2560x125xi32, #tpu.memory_space<hbm>> -> memref<16x125xi32, #tpu.memory_space<hbm>>
    tpu.enqueue_dma source(%dma_start3A_587 : memref<16x125xi32, #tpu.memory_space<hbm>>) target(%dma_start3A_581 : memref<16x125xi32, #tpu.memory_space<vmem>>) target_semaphore(%arg13 : memref<!tpu.dma_semaphore, #tpu.memory_space<semaphore_mem>>)
    %scan3A_588 = arith.constant 0 : i32
    %scan3A_589 = arith.constant 0 : i32
    %scan3A_590 = arith.constant 8 : i32
    %scan3A_591 = arith.addi %scan3A_589, %scan3A_590 : i32
    %scan3A_592 = arith.constant 1 : i32
    %scan3A_593 = scf.for %scan3A_738 = %scan3A_589 to %scan3A_591 step %scan3A_592 iter_args(%scan3A_739 = %scan3A_588) -> (i32)  : i32 {
      %mul3A_740 = arith.constant 2 : i32
      %mul3A_741 = arith.muli %mul3A_740, %scan3A_738 : i32
      %add3A_742 = arith.constant 1 : i32
      %add3A_743 = arith.addi %mul3A_741, %add3A_742 : i32
      %dma_start3A_744 = arith.constant 1 : i32
      %dma_start3A_745 = arith.constant 0 : i32
      %dma_start3A_746 = tpu.memref_slice %arg6[%dma_start3A_744, %add3A_743, %dma_start3A_745] : memref<2x16x125xi32, #tpu.memory_space<vmem>> -> memref<1x1x125xi32, #tpu.memory_space<vmem>>
      %dma_start3A_747 = tpu.memref_squeeze %dma_start3A_746 : memref<1x1x125xi32, #tpu.memory_space<vmem>> -> memref<125xi32, #tpu.memory_space<vmem>>
      %dma_start3A_748 = arith.constant 0 : i32
      %dma_start3A_749 = arith.constant 0 : i32
      %dma_start3A_750 = tpu.memref_slice %arg3[%dma_start3A_748, %dma_start3A_749] : memref<10000x64xf32, #tpu.memory_space<hbm>> -> memref<10000x64xf32, #tpu.memory_space<hbm>>
      tpu.enqueue_indirect_dma source(%dma_start3A_750 : memref<10000x64xf32, #tpu.memory_space<hbm>>) target(%arg9 : memref<125x64xf32, #tpu.memory_space<vmem>>) offsets(%dma_start3A_747 : memref<125xi32, #tpu.memory_space<vmem>>) semaphore(%arg12 : memref<!tpu.dma_semaphore, #tpu.memory_space<semaphore_mem>>)
      %dma_wait3A_751 = arith.constant 1 : i32
      %dma_wait3A_752 = arith.constant 0 : i32
      %dma_wait3A_753 = tpu.memref_slice %arg6[%dma_wait3A_751, %mul3A_741, %dma_wait3A_752] : memref<2x16x125xi32, #tpu.memory_space<vmem>> -> memref<1x1x125xi32, #tpu.memory_space<vmem>>
      %dma_wait3A_754 = tpu.memref_squeeze %dma_wait3A_753 : memref<1x1x125xi32, #tpu.memory_space<vmem>> -> memref<125xi32, #tpu.memory_space<vmem>>
      %dma_wait3A_755 = arith.constant 0 : i32
      %dma_wait3A_756 = arith.constant 0 : i32
      %dma_wait3A_757 = tpu.memref_slice %arg3[%dma_wait3A_755, %dma_wait3A_756] : memref<10000x64xf32, #tpu.memory_space<hbm>> -> memref<10000x64xf32, #tpu.memory_space<hbm>>
      tpu.wait_indirect_dma semaphore(%arg11 : memref<!tpu.dma_semaphore, #tpu.memory_space<semaphore_mem>>) src(%dma_wait3A_757 : memref<10000x64xf32, #tpu.memory_space<hbm>>) dst(%arg8 : memref<125x64xf32, #tpu.memory_space<vmem>>)
      %run_scoped3A = arith.constant 1 : i32
      "tpu.region"() ({
        %run_scoped3A_775 = tpu.sem_alloc : memref<!tpu.dma_semaphore, #tpu.memory_space<semaphore_mem>>
        %dma_start3A_776 = arith.constant 0 : i32
        %dma_start3A_777 = tpu.memref_slice %arg7[%run_scoped3A, %mul3A_741, %dma_start3A_776] : memref<2x16x125xi32, #tpu.memory_space<vmem>> -> memref<1x1x125xi32, #tpu.memory_space<vmem>>
        %dma_start3A_778 = tpu.memref_squeeze %dma_start3A_777 : memref<1x1x125xi32, #tpu.memory_space<vmem>> -> memref<125xi32, #tpu.memory_space<vmem>>
        %dma_start3A_779 = arith.constant 0 : i32
        %dma_start3A_780 = arith.constant 0 : i32
        %dma_start3A_781 = tpu.memref_slice %arg5[%dma_start3A_779, %dma_start3A_780] : memref<10240x64xf32, #tpu.memory_space<vmem_shared>> -> memref<10240x64xf32, #tpu.memory_space<vmem_shared>>
        tpu.enqueue_indirect_dma source(%arg8 : memref<125x64xf32, #tpu.memory_space<vmem>>) target(%dma_start3A_781 : memref<10240x64xf32, #tpu.memory_space<vmem_shared>>) offsets(%dma_start3A_778 : memref<125xi32, #tpu.memory_space<vmem>>) semaphore(%run_scoped3A_775 : memref<!tpu.dma_semaphore, #tpu.memory_space<semaphore_mem>>) {add = true}
        %dma_wait3A_782 = arith.constant 0 : i32
        %dma_wait3A_783 = tpu.memref_slice %arg7[%run_scoped3A, %mul3A_741, %dma_wait3A_782] : memref<2x16x125xi32, #tpu.memory_space<vmem>> -> memref<1x1x125xi32, #tpu.memory_space<vmem>>
        %dma_wait3A_784 = tpu.memref_squeeze %dma_wait3A_783 : memref<1x1x125xi32, #tpu.memory_space<vmem>> -> memref<125xi32, #tpu.memory_space<vmem>>
        %dma_wait3A_785 = arith.constant 0 : i32
        %dma_wait3A_786 = arith.constant 0 : i32
        %dma_wait3A_787 = tpu.memref_slice %arg5[%dma_wait3A_785, %dma_wait3A_786] : memref<10240x64xf32, #tpu.memory_space<vmem_shared>> -> memref<10240x64xf32, #tpu.memory_space<vmem_shared>>
        tpu.wait_indirect_dma semaphore(%run_scoped3A_775 : memref<!tpu.dma_semaphore, #tpu.memory_space<semaphore_mem>>) src(%arg8 : memref<125x64xf32, #tpu.memory_space<vmem>>) dst(%dma_wait3A_787 : memref<10240x64xf32, #tpu.memory_space<vmem_shared>>)
        tpu.yield
      }) : () -> ()
      %add3A_758 = arith.constant 2 : i32
      %add3A_759 = arith.addi %mul3A_741, %add3A_758 : i32
      %lt3A = arith.constant 16 : i32
      %lt3A_760 = arith.cmpi slt, %add3A_759, %lt3A : i32
      %convert_element_type3A = arith.extui %lt3A_760 : i1 to i32
      %cond3A = arith.constant 0 : i32
      %cond3A_761 = arith.cmpi ne, %convert_element_type3A, %cond3A : i32
      scf.if %cond3A_761 {
        %add3A_775 = arith.constant 2 : i32
        %add3A_776 = arith.addi %mul3A_741, %add3A_775 : i32
        %dma_start3A_777 = arith.constant 1 : i32
        %dma_start3A_778 = arith.constant 0 : i32
        %dma_start3A_779 = tpu.memref_slice %arg6[%dma_start3A_777, %add3A_776, %dma_start3A_778] : memref<2x16x125xi32, #tpu.memory_space<vmem>> -> memref<1x1x125xi32, #tpu.memory_space<vmem>>
        %dma_start3A_780 = tpu.memref_squeeze %dma_start3A_779 : memref<1x1x125xi32, #tpu.memory_space<vmem>> -> memref<125xi32, #tpu.memory_space<vmem>>
        %dma_start3A_781 = arith.constant 0 : i32
        %dma_start3A_782 = arith.constant 0 : i32
        %dma_start3A_783 = tpu.memref_slice %arg3[%dma_start3A_781, %dma_start3A_782] : memref<10000x64xf32, #tpu.memory_space<hbm>> -> memref<10000x64xf32, #tpu.memory_space<hbm>>
        tpu.enqueue_indirect_dma source(%dma_start3A_783 : memref<10000x64xf32, #tpu.memory_space<hbm>>) target(%arg8 : memref<125x64xf32, #tpu.memory_space<vmem>>) offsets(%dma_start3A_780 : memref<125xi32, #tpu.memory_space<vmem>>) semaphore(%arg11 : memref<!tpu.dma_semaphore, #tpu.memory_space<semaphore_mem>>)
      } else {
      }
      %add3A_762 = arith.constant 1 : i32
      %add3A_763 = arith.addi %mul3A_741, %add3A_762 : i32
      %dma_wait3A_764 = arith.constant 1 : i32
      %dma_wait3A_765 = arith.constant 0 : i32
      %dma_wait3A_766 = tpu.memref_slice %arg6[%dma_wait3A_764, %add3A_763, %dma_wait3A_765] : memref<2x16x125xi32, #tpu.memory_space<vmem>> -> memref<1x1x125xi32, #tpu.memory_space<vmem>>
      %dma_wait3A_767 = tpu.memref_squeeze %dma_wait3A_766 : memref<1x1x125xi32, #tpu.memory_space<vmem>> -> memref<125xi32, #tpu.memory_space<vmem>>
      %dma_wait3A_768 = arith.constant 0 : i32
      %dma_wait3A_769 = arith.constant 0 : i32
      %dma_wait3A_770 = tpu.memref_slice %arg3[%dma_wait3A_768, %dma_wait3A_769] : memref<10000x64xf32, #tpu.memory_space<hbm>> -> memref<10000x64xf32, #tpu.memory_space<hbm>>
      tpu.wait_indirect_dma semaphore(%arg12 : memref<!tpu.dma_semaphore, #tpu.memory_space<semaphore_mem>>) src(%dma_wait3A_770 : memref<10000x64xf32, #tpu.memory_space<hbm>>) dst(%arg9 : memref<125x64xf32, #tpu.memory_space<vmem>>)
      %add3A_771 = arith.constant 1 : i32
      %add3A_772 = arith.addi %mul3A_741, %add3A_771 : i32
      %run_scoped3A_773 = arith.constant 1 : i32
      "tpu.region"() ({
        %run_scoped3A_775 = tpu.sem_alloc : memref<!tpu.dma_semaphore, #tpu.memory_space<semaphore_mem>>
        %dma_start3A_776 = arith.constant 0 : i32
        %dma_start3A_777 = tpu.memref_slice %arg7[%run_scoped3A_773, %add3A_772, %dma_start3A_776] : memref<2x16x125xi32, #tpu.memory_space<vmem>> -> memref<1x1x125xi32, #tpu.memory_space<vmem>>
        %dma_start3A_778 = tpu.memref_squeeze %dma_start3A_777 : memref<1x1x125xi32, #tpu.memory_space<vmem>> -> memref<125xi32, #tpu.memory_space<vmem>>
        %dma_start3A_779 = arith.constant 0 : i32
        %dma_start3A_780 = arith.constant 0 : i32
        %dma_start3A_781 = tpu.memref_slice %arg5[%dma_start3A_779, %dma_start3A_780] : memref<10240x64xf32, #tpu.memory_space<vmem_shared>> -> memref<10240x64xf32, #tpu.memory_space<vmem_shared>>
        tpu.enqueue_indirect_dma source(%arg9 : memref<125x64xf32, #tpu.memory_space<vmem>>) target(%dma_start3A_781 : memref<10240x64xf32, #tpu.memory_space<vmem_shared>>) offsets(%dma_start3A_778 : memref<125xi32, #tpu.memory_space<vmem>>) semaphore(%run_scoped3A_775 : memref<!tpu.dma_semaphore, #tpu.memory_space<semaphore_mem>>) {add = true}
        %dma_wait3A_782 = arith.constant 0 : i32
        %dma_wait3A_783 = tpu.memref_slice %arg7[%run_scoped3A_773, %add3A_772, %dma_wait3A_782] : memref<2x16x125xi32, #tpu.memory_space<vmem>> -> memref<1x1x125xi32, #tpu.memory_space<vmem>>
        %dma_wait3A_784 = tpu.memref_squeeze %dma_wait3A_783 : memref<1x1x125xi32, #tpu.memory_space<vmem>> -> memref<125xi32, #tpu.memory_space<vmem>>
        %dma_wait3A_785 = arith.constant 0 : i32
        %dma_wait3A_786 = arith.constant 0 : i32
        %dma_wait3A_787 = tpu.memref_slice %arg5[%dma_wait3A_785, %dma_wait3A_786] : memref<10240x64xf32, #tpu.memory_space<vmem_shared>> -> memref<10240x64xf32, #tpu.memory_space<vmem_shared>>
        tpu.wait_indirect_dma semaphore(%run_scoped3A_775 : memref<!tpu.dma_semaphore, #tpu.memory_space<semaphore_mem>>) src(%arg9 : memref<125x64xf32, #tpu.memory_space<vmem>>) dst(%dma_wait3A_787 : memref<10240x64xf32, #tpu.memory_space<vmem_shared>>)
        tpu.yield
      }) : () -> ()
      %scan3A_774 = arith.constant 0 : i32
      scf.yield %scan3A_774 : i32
    }
    %scan3A_594 = arith.constant 8 : i32
    %dma_wait3A_595 = arith.constant 0 : i32
    %dma_wait3A_596 = arith.constant 0 : i32
    %dma_wait3A_597 = arith.constant 0 : i32
    %dma_wait3A_598 = arith.constant 0 : i32
    %dma_wait3A_599 = tpu.memref_slice %arg6[%dma_wait3A_596, %dma_wait3A_597, %dma_wait3A_598] : memref<2x16x125xi32, #tpu.memory_space<vmem>> -> memref<1x16x125xi32, #tpu.memory_space<vmem>>
    %dma_wait3A_600 = tpu.memref_squeeze %dma_wait3A_599 : memref<1x16x125xi32, #tpu.memory_space<vmem>> -> memref<16x125xi32, #tpu.memory_space<vmem>>
    %dma_wait3A_601 = arith.constant 0 : i32
    %dma_wait3A_602 = arith.constant 0 : i32
    %dma_wait3A_603 = tpu.memref_slice %arg2[%dma_wait3A_595, %dma_wait3A_601, %dma_wait3A_602] : memref<2x2560x125xi32, #tpu.memory_space<hbm>> -> memref<1x2560x125xi32, #tpu.memory_space<hbm>>
    %dma_wait3A_604 = tpu.memref_squeeze %dma_wait3A_603 : memref<1x2560x125xi32, #tpu.memory_space<hbm>> -> memref<2560x125xi32, #tpu.memory_space<hbm>>
    %dma_wait3A_605 = arith.constant 0 : i32
    %dma_wait3A_606 = tpu.memref_slice %dma_wait3A_604[%mul3A_2, %dma_wait3A_605] : memref<2560x125xi32, #tpu.memory_space<hbm>> -> memref<16x125xi32, #tpu.memory_space<hbm>>
    %dma_wait3A_607 = arith.constant 0 : i32
    %dma_wait3A_608 = arith.constant 0 : i32
    %dma_wait3A_609 = tpu.memref_slice %arg6[%dma_wait3A_596, %dma_wait3A_607, %dma_wait3A_608] : memref<2x16x125xi32, #tpu.memory_space<vmem>> -> memref<1x16x125xi32, #tpu.memory_space<vmem>>
    %dma_wait3A_610 = tpu.memref_squeeze %dma_wait3A_609 : memref<1x16x125xi32, #tpu.memory_space<vmem>> -> memref<16x125xi32, #tpu.memory_space<vmem>>
    %dma_wait3A_611 = arith.constant 0 : i32
    %dma_wait3A_612 = arith.constant 0 : i32
    %dma_wait3A_613 = tpu.memref_slice %arg2[%dma_wait3A_595, %dma_wait3A_611, %dma_wait3A_612] : memref<2x2560x125xi32, #tpu.memory_space<hbm>> -> memref<1x2560x125xi32, #tpu.memory_space<hbm>>
    %dma_wait3A_614 = tpu.memref_squeeze %dma_wait3A_613 : memref<1x2560x125xi32, #tpu.memory_space<hbm>> -> memref<2560x125xi32, #tpu.memory_space<hbm>>
    %dma_wait3A_615 = arith.constant 0 : i32
    %dma_wait3A_616 = tpu.memref_slice %dma_wait3A_614[%mul3A_2, %dma_wait3A_615] : memref<2560x125xi32, #tpu.memory_space<hbm>> -> memref<16x125xi32, #tpu.memory_space<hbm>>
    tpu.wait_dma2 semaphore(%arg13 : memref<!tpu.dma_semaphore, #tpu.memory_space<semaphore_mem>>) src(%dma_wait3A_616 : memref<16x125xi32, #tpu.memory_space<hbm>>) dst(%dma_wait3A_610 : memref<16x125xi32, #tpu.memory_space<vmem>>)
    %dma_wait3A_617 = arith.constant 1 : i32
    %dma_wait3A_618 = arith.constant 0 : i32
    %dma_wait3A_619 = arith.constant 0 : i32
    %dma_wait3A_620 = arith.constant 0 : i32
    %dma_wait3A_621 = tpu.memref_slice %arg7[%dma_wait3A_618, %dma_wait3A_619, %dma_wait3A_620] : memref<2x16x125xi32, #tpu.memory_space<vmem>> -> memref<1x16x125xi32, #tpu.memory_space<vmem>>
    %dma_wait3A_622 = tpu.memref_squeeze %dma_wait3A_621 : memref<1x16x125xi32, #tpu.memory_space<vmem>> -> memref<16x125xi32, #tpu.memory_space<vmem>>
    %dma_wait3A_623 = arith.constant 0 : i32
    %dma_wait3A_624 = arith.constant 0 : i32
    %dma_wait3A_625 = tpu.memref_slice %arg2[%dma_wait3A_617, %dma_wait3A_623, %dma_wait3A_624] : memref<2x2560x125xi32, #tpu.memory_space<hbm>> -> memref<1x2560x125xi32, #tpu.memory_space<hbm>>
    %dma_wait3A_626 = tpu.memref_squeeze %dma_wait3A_625 : memref<1x2560x125xi32, #tpu.memory_space<hbm>> -> memref<2560x125xi32, #tpu.memory_space<hbm>>
    %dma_wait3A_627 = arith.constant 0 : i32
    %dma_wait3A_628 = tpu.memref_slice %dma_wait3A_626[%mul3A_2, %dma_wait3A_627] : memref<2560x125xi32, #tpu.memory_space<hbm>> -> memref<16x125xi32, #tpu.memory_space<hbm>>
    %dma_wait3A_629 = arith.constant 0 : i32
    %dma_wait3A_630 = arith.constant 0 : i32
    %dma_wait3A_631 = tpu.memref_slice %arg7[%dma_wait3A_618, %dma_wait3A_629, %dma_wait3A_630] : memref<2x16x125xi32, #tpu.memory_space<vmem>> -> memref<1x16x125xi32, #tpu.memory_space<vmem>>
    %dma_wait3A_632 = tpu.memref_squeeze %dma_wait3A_631 : memref<1x16x125xi32, #tpu.memory_space<vmem>> -> memref<16x125xi32, #tpu.memory_space<vmem>>
    %dma_wait3A_633 = arith.constant 0 : i32
    %dma_wait3A_634 = arith.constant 0 : i32
    %dma_wait3A_635 = tpu.memref_slice %arg2[%dma_wait3A_617, %dma_wait3A_633, %dma_wait3A_634] : memref<2x2560x125xi32, #tpu.memory_space<hbm>> -> memref<1x2560x125xi32, #tpu.memory_space<hbm>>
    %dma_wait3A_636 = tpu.memref_squeeze %dma_wait3A_635 : memref<1x2560x125xi32, #tpu.memory_space<hbm>> -> memref<2560x125xi32, #tpu.memory_space<hbm>>
    %dma_wait3A_637 = arith.constant 0 : i32
    %dma_wait3A_638 = tpu.memref_slice %dma_wait3A_636[%mul3A_2, %dma_wait3A_637] : memref<2560x125xi32, #tpu.memory_space<hbm>> -> memref<16x125xi32, #tpu.memory_space<hbm>>
    tpu.wait_dma2 semaphore(%arg13 : memref<!tpu.dma_semaphore, #tpu.memory_space<semaphore_mem>>) src(%dma_wait3A_638 : memref<16x125xi32, #tpu.memory_space<hbm>>) dst(%dma_wait3A_632 : memref<16x125xi32, #tpu.memory_space<vmem>>)
    %dma_start3A_639 = arith.constant 0 : i32
    %dma_start3A_640 = arith.constant 0 : i32
    %dma_start3A_641 = arith.constant 0 : i32
    %dma_start3A_642 = tpu.memref_slice %arg6[%dma_start3A_639, %dma_start3A_640, %dma_start3A_641] : memref<2x16x125xi32, #tpu.memory_space<vmem>> -> memref<1x1x125xi32, #tpu.memory_space<vmem>>
    %dma_start3A_643 = tpu.memref_squeeze %dma_start3A_642 : memref<1x1x125xi32, #tpu.memory_space<vmem>> -> memref<125xi32, #tpu.memory_space<vmem>>
    %dma_start3A_644 = arith.constant 0 : i32
    %dma_start3A_645 = arith.constant 0 : i32
    %dma_start3A_646 = tpu.memref_slice %arg3[%dma_start3A_644, %dma_start3A_645] : memref<10000x64xf32, #tpu.memory_space<hbm>> -> memref<10000x64xf32, #tpu.memory_space<hbm>>
    tpu.enqueue_indirect_dma source(%dma_start3A_646 : memref<10000x64xf32, #tpu.memory_space<hbm>>) target(%arg8 : memref<125x64xf32, #tpu.memory_space<vmem>>) offsets(%dma_start3A_643 : memref<125xi32, #tpu.memory_space<vmem>>) semaphore(%arg11 : memref<!tpu.dma_semaphore, #tpu.memory_space<semaphore_mem>>)
    %scan3A_647 = arith.constant 0 : i32
    %scan3A_648 = arith.constant 0 : i32
    %scan3A_649 = arith.constant 8 : i32
    %scan3A_650 = arith.addi %scan3A_648, %scan3A_649 : i32
    %scan3A_651 = arith.constant 1 : i32
    %scan3A_652 = scf.for %scan3A_738 = %scan3A_648 to %scan3A_650 step %scan3A_651 iter_args(%scan3A_739 = %scan3A_647) -> (i32)  : i32 {
      %mul3A_740 = arith.constant 2 : i32
      %mul3A_741 = arith.muli %mul3A_740, %scan3A_738 : i32
      %add3A_742 = arith.constant 1 : i32
      %add3A_743 = arith.addi %mul3A_741, %add3A_742 : i32
      %dma_start3A_744 = arith.constant 0 : i32
      %dma_start3A_745 = arith.constant 0 : i32
      %dma_start3A_746 = tpu.memref_slice %arg6[%dma_start3A_744, %add3A_743, %dma_start3A_745] : memref<2x16x125xi32, #tpu.memory_space<vmem>> -> memref<1x1x125xi32, #tpu.memory_space<vmem>>
      %dma_start3A_747 = tpu.memref_squeeze %dma_start3A_746 : memref<1x1x125xi32, #tpu.memory_space<vmem>> -> memref<125xi32, #tpu.memory_space<vmem>>
      %dma_start3A_748 = arith.constant 0 : i32
      %dma_start3A_749 = arith.constant 0 : i32
      %dma_start3A_750 = tpu.memref_slice %arg3[%dma_start3A_748, %dma_start3A_749] : memref<10000x64xf32, #tpu.memory_space<hbm>> -> memref<10000x64xf32, #tpu.memory_space<hbm>>
      tpu.enqueue_indirect_dma source(%dma_start3A_750 : memref<10000x64xf32, #tpu.memory_space<hbm>>) target(%arg9 : memref<125x64xf32, #tpu.memory_space<vmem>>) offsets(%dma_start3A_747 : memref<125xi32, #tpu.memory_space<vmem>>) semaphore(%arg12 : memref<!tpu.dma_semaphore, #tpu.memory_space<semaphore_mem>>)
      %dma_wait3A_751 = arith.constant 0 : i32
      %dma_wait3A_752 = arith.constant 0 : i32
      %dma_wait3A_753 = tpu.memref_slice %arg6[%dma_wait3A_751, %mul3A_741, %dma_wait3A_752] : memref<2x16x125xi32, #tpu.memory_space<vmem>> -> memref<1x1x125xi32, #tpu.memory_space<vmem>>
      %dma_wait3A_754 = tpu.memref_squeeze %dma_wait3A_753 : memref<1x1x125xi32, #tpu.memory_space<vmem>> -> memref<125xi32, #tpu.memory_space<vmem>>
      %dma_wait3A_755 = arith.constant 0 : i32
      %dma_wait3A_756 = arith.constant 0 : i32
      %dma_wait3A_757 = tpu.memref_slice %arg3[%dma_wait3A_755, %dma_wait3A_756] : memref<10000x64xf32, #tpu.memory_space<hbm>> -> memref<10000x64xf32, #tpu.memory_space<hbm>>
      tpu.wait_indirect_dma semaphore(%arg11 : memref<!tpu.dma_semaphore, #tpu.memory_space<semaphore_mem>>) src(%dma_wait3A_757 : memref<10000x64xf32, #tpu.memory_space<hbm>>) dst(%arg8 : memref<125x64xf32, #tpu.memory_space<vmem>>)
      %run_scoped3A = arith.constant 0 : i32
      "tpu.region"() ({
        %run_scoped3A_775 = tpu.sem_alloc : memref<!tpu.dma_semaphore, #tpu.memory_space<semaphore_mem>>
        %dma_start3A_776 = arith.constant 0 : i32
        %dma_start3A_777 = tpu.memref_slice %arg7[%run_scoped3A, %mul3A_741, %dma_start3A_776] : memref<2x16x125xi32, #tpu.memory_space<vmem>> -> memref<1x1x125xi32, #tpu.memory_space<vmem>>
        %dma_start3A_778 = tpu.memref_squeeze %dma_start3A_777 : memref<1x1x125xi32, #tpu.memory_space<vmem>> -> memref<125xi32, #tpu.memory_space<vmem>>
        %dma_start3A_779 = arith.constant 0 : i32
        %dma_start3A_780 = arith.constant 0 : i32
        %dma_start3A_781 = tpu.memref_slice %arg5[%dma_start3A_779, %dma_start3A_780] : memref<10240x64xf32, #tpu.memory_space<vmem_shared>> -> memref<10240x64xf32, #tpu.memory_space<vmem_shared>>
        tpu.enqueue_indirect_dma source(%arg8 : memref<125x64xf32, #tpu.memory_space<vmem>>) target(%dma_start3A_781 : memref<10240x64xf32, #tpu.memory_space<vmem_shared>>) offsets(%dma_start3A_778 : memref<125xi32, #tpu.memory_space<vmem>>) semaphore(%run_scoped3A_775 : memref<!tpu.dma_semaphore, #tpu.memory_space<semaphore_mem>>) {add = true}
        %dma_wait3A_782 = arith.constant 0 : i32
        %dma_wait3A_783 = tpu.memref_slice %arg7[%run_scoped3A, %mul3A_741, %dma_wait3A_782] : memref<2x16x125xi32, #tpu.memory_space<vmem>> -> memref<1x1x125xi32, #tpu.memory_space<vmem>>
        %dma_wait3A_784 = tpu.memref_squeeze %dma_wait3A_783 : memref<1x1x125xi32, #tpu.memory_space<vmem>> -> memref<125xi32, #tpu.memory_space<vmem>>
        %dma_wait3A_785 = arith.constant 0 : i32
        %dma_wait3A_786 = arith.constant 0 : i32
        %dma_wait3A_787 = tpu.memref_slice %arg5[%dma_wait3A_785, %dma_wait3A_786] : memref<10240x64xf32, #tpu.memory_space<vmem_shared>> -> memref<10240x64xf32, #tpu.memory_space<vmem_shared>>
        tpu.wait_indirect_dma semaphore(%run_scoped3A_775 : memref<!tpu.dma_semaphore, #tpu.memory_space<semaphore_mem>>) src(%arg8 : memref<125x64xf32, #tpu.memory_space<vmem>>) dst(%dma_wait3A_787 : memref<10240x64xf32, #tpu.memory_space<vmem_shared>>)
        tpu.yield
      }) : () -> ()
      %add3A_758 = arith.constant 2 : i32
      %add3A_759 = arith.addi %mul3A_741, %add3A_758 : i32
      %lt3A = arith.constant 16 : i32
      %lt3A_760 = arith.cmpi slt, %add3A_759, %lt3A : i32
      %convert_element_type3A = arith.extui %lt3A_760 : i1 to i32
      %cond3A = arith.constant 0 : i32
      %cond3A_761 = arith.cmpi ne, %convert_element_type3A, %cond3A : i32
      scf.if %cond3A_761 {
        %add3A_775 = arith.constant 2 : i32
        %add3A_776 = arith.addi %mul3A_741, %add3A_775 : i32
        %dma_start3A_777 = arith.constant 0 : i32
        %dma_start3A_778 = arith.constant 0 : i32
        %dma_start3A_779 = tpu.memref_slice %arg6[%dma_start3A_777, %add3A_776, %dma_start3A_778] : memref<2x16x125xi32, #tpu.memory_space<vmem>> -> memref<1x1x125xi32, #tpu.memory_space<vmem>>
        %dma_start3A_780 = tpu.memref_squeeze %dma_start3A_779 : memref<1x1x125xi32, #tpu.memory_space<vmem>> -> memref<125xi32, #tpu.memory_space<vmem>>
        %dma_start3A_781 = arith.constant 0 : i32
        %dma_start3A_782 = arith.constant 0 : i32
        %dma_start3A_783 = tpu.memref_slice %arg3[%dma_start3A_781, %dma_start3A_782] : memref<10000x64xf32, #tpu.memory_space<hbm>> -> memref<10000x64xf32, #tpu.memory_space<hbm>>
        tpu.enqueue_indirect_dma source(%dma_start3A_783 : memref<10000x64xf32, #tpu.memory_space<hbm>>) target(%arg8 : memref<125x64xf32, #tpu.memory_space<vmem>>) offsets(%dma_start3A_780 : memref<125xi32, #tpu.memory_space<vmem>>) semaphore(%arg11 : memref<!tpu.dma_semaphore, #tpu.memory_space<semaphore_mem>>)
      } else {
      }
      %add3A_762 = arith.constant 1 : i32
      %add3A_763 = arith.addi %mul3A_741, %add3A_762 : i32
      %dma_wait3A_764 = arith.constant 0 : i32
      %dma_wait3A_765 = arith.constant 0 : i32
      %dma_wait3A_766 = tpu.memref_slice %arg6[%dma_wait3A_764, %add3A_763, %dma_wait3A_765] : memref<2x16x125xi32, #tpu.memory_space<vmem>> -> memref<1x1x125xi32, #tpu.memory_space<vmem>>
      %dma_wait3A_767 = tpu.memref_squeeze %dma_wait3A_766 : memref<1x1x125xi32, #tpu.memory_space<vmem>> -> memref<125xi32, #tpu.memory_space<vmem>>
      %dma_wait3A_768 = arith.constant 0 : i32
      %dma_wait3A_769 = arith.constant 0 : i32
      %dma_wait3A_770 = tpu.memref_slice %arg3[%dma_wait3A_768, %dma_wait3A_769] : memref<10000x64xf32, #tpu.memory_space<hbm>> -> memref<10000x64xf32, #tpu.memory_space<hbm>>
      tpu.wait_indirect_dma semaphore(%arg12 : memref<!tpu.dma_semaphore, #tpu.memory_space<semaphore_mem>>) src(%dma_wait3A_770 : memref<10000x64xf32, #tpu.memory_space<hbm>>) dst(%arg9 : memref<125x64xf32, #tpu.memory_space<vmem>>)
      %add3A_771 = arith.constant 1 : i32
      %add3A_772 = arith.addi %mul3A_741, %add3A_771 : i32
      %run_scoped3A_773 = arith.constant 0 : i32
      "tpu.region"() ({
        %run_scoped3A_775 = tpu.sem_alloc : memref<!tpu.dma_semaphore, #tpu.memory_space<semaphore_mem>>
        %dma_start3A_776 = arith.constant 0 : i32
        %dma_start3A_777 = tpu.memref_slice %arg7[%run_scoped3A_773, %add3A_772, %dma_start3A_776] : memref<2x16x125xi32, #tpu.memory_space<vmem>> -> memref<1x1x125xi32, #tpu.memory_space<vmem>>
        %dma_start3A_778 = tpu.memref_squeeze %dma_start3A_777 : memref<1x1x125xi32, #tpu.memory_space<vmem>> -> memref<125xi32, #tpu.memory_space<vmem>>
        %dma_start3A_779 = arith.constant 0 : i32
        %dma_start3A_780 = arith.constant 0 : i32
        %dma_start3A_781 = tpu.memref_slice %arg5[%dma_start3A_779, %dma_start3A_780] : memref<10240x64xf32, #tpu.memory_space<vmem_shared>> -> memref<10240x64xf32, #tpu.memory_space<vmem_shared>>
        tpu.enqueue_indirect_dma source(%arg9 : memref<125x64xf32, #tpu.memory_space<vmem>>) target(%dma_start3A_781 : memref<10240x64xf32, #tpu.memory_space<vmem_shared>>) offsets(%dma_start3A_778 : memref<125xi32, #tpu.memory_space<vmem>>) semaphore(%run_scoped3A_775 : memref<!tpu.dma_semaphore, #tpu.memory_space<semaphore_mem>>) {add = true}
        %dma_wait3A_782 = arith.constant 0 : i32
        %dma_wait3A_783 = tpu.memref_slice %arg7[%run_scoped3A_773, %add3A_772, %dma_wait3A_782] : memref<2x16x125xi32, #tpu.memory_space<vmem>> -> memref<1x1x125xi32, #tpu.memory_space<vmem>>
        %dma_wait3A_784 = tpu.memref_squeeze %dma_wait3A_783 : memref<1x1x125xi32, #tpu.memory_space<vmem>> -> memref<125xi32, #tpu.memory_space<vmem>>
        %dma_wait3A_785 = arith.constant 0 : i32
        %dma_wait3A_786 = arith.constant 0 : i32
        %dma_wait3A_787 = tpu.memref_slice %arg5[%dma_wait3A_785, %dma_wait3A_786] : memref<10240x64xf32, #tpu.memory_space<vmem_shared>> -> memref<10240x64xf32, #tpu.memory_space<vmem_shared>>
        tpu.wait_indirect_dma semaphore(%run_scoped3A_775 : memref<!tpu.dma_semaphore, #tpu.memory_space<semaphore_mem>>) src(%arg9 : memref<125x64xf32, #tpu.memory_space<vmem>>) dst(%dma_wait3A_787 : memref<10240x64xf32, #tpu.memory_space<vmem_shared>>)
        tpu.yield
      }) : () -> ()
      %scan3A_774 = arith.constant 0 : i32
      scf.yield %scan3A_774 : i32
    }
    %scan3A_653 = arith.constant 8 : i32
    %barrier3A_654 = arith.constant 0 : index
    tpu.barrier barrier_id(%barrier3A_654)
    %mul3A_655 = arith.constant 10240 : i32
    %mul3A_656 = arith.muli %arg0, %mul3A_655 : i32
    %add3A_657 = arith.addi %mul3A_656, %mul3A_101 : i32
    %add3A_658 = arith.constant 0 : i32
    %add3A_659 = arith.addi %mul3A_101, %add3A_658 : i32
    %add3A_660 = arith.constant 0 : i32
    %add3A_661 = arith.addi %add3A_657, %add3A_660 : i32
    %dma_start3A_662 = arith.constant 0 : i32
    %dma_start3A_663 = tpu.memref_slice %arg4[%add3A_661, %dma_start3A_662] : memref<20480x64xf32, #tpu.memory_space<hbm>> -> memref<128x64xf32, #tpu.memory_space<hbm>>
    %dma_start3A_664 = arith.constant 0 : i32
    %dma_start3A_665 = tpu.memref_slice %arg5[%add3A_659, %dma_start3A_664] : memref<10240x64xf32, #tpu.memory_space<vmem_shared>> -> memref<128x64xf32, #tpu.memory_space<vmem_shared>>
    tpu.enqueue_dma source(%dma_start3A_665 : memref<128x64xf32, #tpu.memory_space<vmem_shared>>) target(%dma_start3A_663 : memref<128x64xf32, #tpu.memory_space<hbm>>) target_semaphore(%arg14 : memref<!tpu.dma_semaphore, #tpu.memory_space<semaphore_mem>>)
    %add3A_666 = arith.constant 128 : i32
    %add3A_667 = arith.addi %mul3A_101, %add3A_666 : i32
    %add3A_668 = arith.constant 128 : i32
    %add3A_669 = arith.addi %add3A_657, %add3A_668 : i32
    %dma_start3A_670 = arith.constant 0 : i32
    %dma_start3A_671 = tpu.memref_slice %arg4[%add3A_669, %dma_start3A_670] : memref<20480x64xf32, #tpu.memory_space<hbm>> -> memref<128x64xf32, #tpu.memory_space<hbm>>
    %dma_start3A_672 = arith.constant 0 : i32
    %dma_start3A_673 = tpu.memref_slice %arg5[%add3A_667, %dma_start3A_672] : memref<10240x64xf32, #tpu.memory_space<vmem_shared>> -> memref<128x64xf32, #tpu.memory_space<vmem_shared>>
    tpu.enqueue_dma source(%dma_start3A_673 : memref<128x64xf32, #tpu.memory_space<vmem_shared>>) target(%dma_start3A_671 : memref<128x64xf32, #tpu.memory_space<hbm>>) target_semaphore(%arg14 : memref<!tpu.dma_semaphore, #tpu.memory_space<semaphore_mem>>)
    %add3A_674 = arith.constant 256 : i32
    %add3A_675 = arith.addi %mul3A_101, %add3A_674 : i32
    %add3A_676 = arith.constant 256 : i32
    %add3A_677 = arith.addi %add3A_657, %add3A_676 : i32
    %dma_start3A_678 = arith.constant 0 : i32
    %dma_start3A_679 = tpu.memref_slice %arg4[%add3A_677, %dma_start3A_678] : memref<20480x64xf32, #tpu.memory_space<hbm>> -> memref<128x64xf32, #tpu.memory_space<hbm>>
    %dma_start3A_680 = arith.constant 0 : i32
    %dma_start3A_681 = tpu.memref_slice %arg5[%add3A_675, %dma_start3A_680] : memref<10240x64xf32, #tpu.memory_space<vmem_shared>> -> memref<128x64xf32, #tpu.memory_space<vmem_shared>>
    tpu.enqueue_dma source(%dma_start3A_681 : memref<128x64xf32, #tpu.memory_space<vmem_shared>>) target(%dma_start3A_679 : memref<128x64xf32, #tpu.memory_space<hbm>>) target_semaphore(%arg14 : memref<!tpu.dma_semaphore, #tpu.memory_space<semaphore_mem>>)
    %add3A_682 = arith.constant 384 : i32
    %add3A_683 = arith.addi %mul3A_101, %add3A_682 : i32
    %add3A_684 = arith.constant 384 : i32
    %add3A_685 = arith.addi %add3A_657, %add3A_684 : i32
    %dma_start3A_686 = arith.constant 0 : i32
    %dma_start3A_687 = tpu.memref_slice %arg4[%add3A_685, %dma_start3A_686] : memref<20480x64xf32, #tpu.memory_space<hbm>> -> memref<128x64xf32, #tpu.memory_space<hbm>>
    %dma_start3A_688 = arith.constant 0 : i32
    %dma_start3A_689 = tpu.memref_slice %arg5[%add3A_683, %dma_start3A_688] : memref<10240x64xf32, #tpu.memory_space<vmem_shared>> -> memref<128x64xf32, #tpu.memory_space<vmem_shared>>
    tpu.enqueue_dma source(%dma_start3A_689 : memref<128x64xf32, #tpu.memory_space<vmem_shared>>) target(%dma_start3A_687 : memref<128x64xf32, #tpu.memory_space<hbm>>) target_semaphore(%arg14 : memref<!tpu.dma_semaphore, #tpu.memory_space<semaphore_mem>>)
    %add3A_690 = arith.constant 512 : i32
    %add3A_691 = arith.addi %mul3A_101, %add3A_690 : i32
    %add3A_692 = arith.constant 512 : i32
    %add3A_693 = arith.addi %add3A_657, %add3A_692 : i32
    %dma_start3A_694 = arith.constant 0 : i32
    %dma_start3A_695 = tpu.memref_slice %arg4[%add3A_693, %dma_start3A_694] : memref<20480x64xf32, #tpu.memory_space<hbm>> -> memref<128x64xf32, #tpu.memory_space<hbm>>
    %dma_start3A_696 = arith.constant 0 : i32
    %dma_start3A_697 = tpu.memref_slice %arg5[%add3A_691, %dma_start3A_696] : memref<10240x64xf32, #tpu.memory_space<vmem_shared>> -> memref<128x64xf32, #tpu.memory_space<vmem_shared>>
    tpu.enqueue_dma source(%dma_start3A_697 : memref<128x64xf32, #tpu.memory_space<vmem_shared>>) target(%dma_start3A_695 : memref<128x64xf32, #tpu.memory_space<hbm>>) target_semaphore(%arg14 : memref<!tpu.dma_semaphore, #tpu.memory_space<semaphore_mem>>)
    %add3A_698 = arith.constant 0 : i32
    %add3A_699 = arith.addi %mul3A_101, %add3A_698 : i32
    %add3A_700 = arith.constant 0 : i32
    %add3A_701 = arith.addi %add3A_657, %add3A_700 : i32
    %dma_wait3A_702 = arith.constant 0 : i32
    %dma_wait3A_703 = tpu.memref_slice %arg4[%add3A_701, %dma_wait3A_702] : memref<20480x64xf32, #tpu.memory_space<hbm>> -> memref<128x64xf32, #tpu.memory_space<hbm>>
    %dma_wait3A_704 = arith.constant 0 : i32
    %dma_wait3A_705 = tpu.memref_slice %arg5[%add3A_699, %dma_wait3A_704] : memref<10240x64xf32, #tpu.memory_space<vmem_shared>> -> memref<128x64xf32, #tpu.memory_space<vmem_shared>>
    tpu.wait_dma2 semaphore(%arg14 : memref<!tpu.dma_semaphore, #tpu.memory_space<semaphore_mem>>) src(%dma_wait3A_705 : memref<128x64xf32, #tpu.memory_space<vmem_shared>>) dst(%dma_wait3A_703 : memref<128x64xf32, #tpu.memory_space<hbm>>)
    %add3A_706 = arith.constant 128 : i32
    %add3A_707 = arith.addi %mul3A_101, %add3A_706 : i32
    %add3A_708 = arith.constant 128 : i32
    %add3A_709 = arith.addi %add3A_657, %add3A_708 : i32
    %dma_wait3A_710 = arith.constant 0 : i32
    %dma_wait3A_711 = tpu.memref_slice %arg4[%add3A_709, %dma_wait3A_710] : memref<20480x64xf32, #tpu.memory_space<hbm>> -> memref<128x64xf32, #tpu.memory_space<hbm>>
    %dma_wait3A_712 = arith.constant 0 : i32
    %dma_wait3A_713 = tpu.memref_slice %arg5[%add3A_707, %dma_wait3A_712] : memref<10240x64xf32, #tpu.memory_space<vmem_shared>> -> memref<128x64xf32, #tpu.memory_space<vmem_shared>>
    tpu.wait_dma2 semaphore(%arg14 : memref<!tpu.dma_semaphore, #tpu.memory_space<semaphore_mem>>) src(%dma_wait3A_713 : memref<128x64xf32, #tpu.memory_space<vmem_shared>>) dst(%dma_wait3A_711 : memref<128x64xf32, #tpu.memory_space<hbm>>)
    %add3A_714 = arith.constant 256 : i32
    %add3A_715 = arith.addi %mul3A_101, %add3A_714 : i32
    %add3A_716 = arith.constant 256 : i32
    %add3A_717 = arith.addi %add3A_657, %add3A_716 : i32
    %dma_wait3A_718 = arith.constant 0 : i32
    %dma_wait3A_719 = tpu.memref_slice %arg4[%add3A_717, %dma_wait3A_718] : memref<20480x64xf32, #tpu.memory_space<hbm>> -> memref<128x64xf32, #tpu.memory_space<hbm>>
    %dma_wait3A_720 = arith.constant 0 : i32
    %dma_wait3A_721 = tpu.memref_slice %arg5[%add3A_715, %dma_wait3A_720] : memref<10240x64xf32, #tpu.memory_space<vmem_shared>> -> memref<128x64xf32, #tpu.memory_space<vmem_shared>>
    tpu.wait_dma2 semaphore(%arg14 : memref<!tpu.dma_semaphore, #tpu.memory_space<semaphore_mem>>) src(%dma_wait3A_721 : memref<128x64xf32, #tpu.memory_space<vmem_shared>>) dst(%dma_wait3A_719 : memref<128x64xf32, #tpu.memory_space<hbm>>)
    %add3A_722 = arith.constant 384 : i32
    %add3A_723 = arith.addi %mul3A_101, %add3A_722 : i32
    %add3A_724 = arith.constant 384 : i32
    %add3A_725 = arith.addi %add3A_657, %add3A_724 : i32
    %dma_wait3A_726 = arith.constant 0 : i32
    %dma_wait3A_727 = tpu.memref_slice %arg4[%add3A_725, %dma_wait3A_726] : memref<20480x64xf32, #tpu.memory_space<hbm>> -> memref<128x64xf32, #tpu.memory_space<hbm>>
    %dma_wait3A_728 = arith.constant 0 : i32
    %dma_wait3A_729 = tpu.memref_slice %arg5[%add3A_723, %dma_wait3A_728] : memref<10240x64xf32, #tpu.memory_space<vmem_shared>> -> memref<128x64xf32, #tpu.memory_space<vmem_shared>>
    tpu.wait_dma2 semaphore(%arg14 : memref<!tpu.dma_semaphore, #tpu.memory_space<semaphore_mem>>) src(%dma_wait3A_729 : memref<128x64xf32, #tpu.memory_space<vmem_shared>>) dst(%dma_wait3A_727 : memref<128x64xf32, #tpu.memory_space<hbm>>)
    %add3A_730 = arith.constant 512 : i32
    %add3A_731 = arith.addi %mul3A_101, %add3A_730 : i32
    %add3A_732 = arith.constant 512 : i32
    %add3A_733 = arith.addi %add3A_657, %add3A_732 : i32
    %dma_wait3A_734 = arith.constant 0 : i32
    %dma_wait3A_735 = tpu.memref_slice %arg4[%add3A_733, %dma_wait3A_734] : memref<20480x64xf32, #tpu.memory_space<hbm>> -> memref<128x64xf32, #tpu.memory_space<hbm>>
    %dma_wait3A_736 = arith.constant 0 : i32
    %dma_wait3A_737 = tpu.memref_slice %arg5[%add3A_731, %dma_wait3A_736] : memref<10240x64xf32, #tpu.memory_space<vmem_shared>> -> memref<128x64xf32, #tpu.memory_space<vmem_shared>>
    tpu.wait_dma2 semaphore(%arg14 : memref<!tpu.dma_semaphore, #tpu.memory_space<semaphore_mem>>) src(%dma_wait3A_737 : memref<128x64xf32, #tpu.memory_space<vmem_shared>>) dst(%dma_wait3A_735 : memref<128x64xf32, #tpu.memory_space<hbm>>)
    return
  }
}

#map = affine_map<(d0, d1) -> (0, 0, 0)>
#map1 = affine_map<(d0, d1) -> (0, 0)>
module attributes {stable_mosaic.version = 14 : i64} {
  func.func @_sc_deg(%arg0: i32, %arg1: i32, %arg2: memref<2x2560x125xi32, #tpu.memory_space<hbm>>, %arg3: memref<20480x16xf32, #tpu.memory_space<hbm>>, %arg4: memref<10240x16xf32, #tpu.memory_space<vmem_shared>>, %arg5: memref<80x125xi32, #tpu.memory_space<vmem>>, %arg6: memref<125x16xf32, #tpu.memory_space<vmem>>, %arg7: memref<640x16xf32, #tpu.memory_space<vmem>>) attributes {dimension_semantics = [#tpu.dimension_semantics<core_parallel>, #tpu.dimension_semantics<subcore_parallel>], iteration_bounds = array<i64: 2, 16>, scalar_prefetch = 0 : i64, scratch_operands = 4 : i64, tpu.core_type = #tpu.core_type<sc_vector_subcore>, window_params = [{transform_indices = #map}, {transform_indices = #map1}]} {
    %mul3A = arith.constant 2 : i32
    %mul3A_0 = arith.muli %arg1, %mul3A : i32
    %add3A = arith.addi %mul3A_0, %arg0 : i32
    %scan3A = arith.constant 0 : i32
    %scan3A_1 = arith.constant 0 : i32
    %scan3A_2 = arith.constant 640 : i32
    %scan3A_3 = arith.addi %scan3A_1, %scan3A_2 : i32
    %scan3A_4 = arith.constant 1 : i32
    %scan3A_5 = scf.for %scan3A_29 = %scan3A_1 to %scan3A_3 step %scan3A_4 iter_args(%scan3A_30 = %scan3A) -> (i32)  : i32 {
      %broadcast_in_dim3A = arith.constant 0.000000e+00 : f32
      %broadcast_in_dim3A_31 = vector.broadcast %broadcast_in_dim3A : f32 to vector<16xf32>
      %swap3A = arith.index_cast %scan3A_29 : i32 to index
      %swap3A_32 = arith.constant 0 : index
      %swap3A_33 = tpu.vector_load %arg7[%swap3A, %swap3A_32] {strides = array<i32>} : memref<640x16xf32, #tpu.memory_space<vmem>>, vector<1x16xf32>,
      %swap3A_34 = vector.shape_cast %swap3A_33 : vector<1x16xf32> to vector<16xf32>
      %swap3A_35 = vector.shape_cast %broadcast_in_dim3A_31 : vector<16xf32> to vector<1x16xf32>
      tpu.vector_store %arg7[%swap3A, %swap3A_32], %swap3A_35 {strides = array<i32>} : memref<640x16xf32, #tpu.memory_space<vmem>>, vector<1x16xf32>,
      %scan3A_36 = arith.constant 0 : i32
      scf.yield %scan3A_36 : i32
    }
    %scan3A_6 = arith.constant 640 : i32
    %scan3A_7 = arith.constant 0 : i32
    %scan3A_8 = arith.constant 0 : i32
    %scan3A_9 = arith.constant 125 : i32
    %scan3A_10 = arith.addi %scan3A_8, %scan3A_9 : i32
    %scan3A_11 = arith.constant 1 : i32
    %scan3A_12 = scf.for %scan3A_29 = %scan3A_8 to %scan3A_10 step %scan3A_11 iter_args(%scan3A_30 = %scan3A_7) -> (i32)  : i32 {
      %broadcast_in_dim3A = arith.constant 1.000000e+00 : f32
      %broadcast_in_dim3A_31 = vector.broadcast %broadcast_in_dim3A : f32 to vector<16xf32>
      %swap3A = arith.index_cast %scan3A_29 : i32 to index
      %swap3A_32 = arith.constant 0 : index
      %swap3A_33 = tpu.vector_load %arg6[%swap3A, %swap3A_32] {strides = array<i32>} : memref<125x16xf32, #tpu.memory_space<vmem>>, vector<1x16xf32>,
      %swap3A_34 = vector.shape_cast %swap3A_33 : vector<1x16xf32> to vector<16xf32>
      %swap3A_35 = vector.shape_cast %broadcast_in_dim3A_31 : vector<16xf32> to vector<1x16xf32>
      tpu.vector_store %arg6[%swap3A, %swap3A_32], %swap3A_35 {strides = array<i32>} : memref<125x16xf32, #tpu.memory_space<vmem>>, vector<1x16xf32>,
      %scan3A_36 = arith.constant 0 : i32
      scf.yield %scan3A_36 : i32
    }
    %scan3A_13 = arith.constant 125 : i32
    %mul3A_14 = arith.constant 640 : i32
    %mul3A_15 = arith.muli %arg1, %mul3A_14 : i32
    "tpu.region"() ({
      %run_scoped3A_29 = tpu.sem_alloc : memref<!tpu.dma_semaphore, #tpu.memory_space<semaphore_mem>>
      %dma_start3A = arith.constant 0 : i32
      %dma_start3A_30 = tpu.memref_slice %arg4[%mul3A_15, %dma_start3A] : memref<10240x16xf32, #tpu.memory_space<vmem_shared>> -> memref<640x16xf32, #tpu.memory_space<vmem_shared>>
      %dma_start3A_31 = arith.constant 0 : i32
      %dma_start3A_32 = tpu.memref_slice %arg4[%mul3A_15, %dma_start3A_31] : memref<10240x16xf32, #tpu.memory_space<vmem_shared>> -> memref<640x16xf32, #tpu.memory_space<vmem_shared>>
      tpu.enqueue_dma source(%arg7 : memref<640x16xf32, #tpu.memory_space<vmem>>) target(%dma_start3A_32 : memref<640x16xf32, #tpu.memory_space<vmem_shared>>) target_semaphore(%run_scoped3A_29 : memref<!tpu.dma_semaphore, #tpu.memory_space<semaphore_mem>>)
      %dma_wait3A = arith.constant 0 : i32
      %dma_wait3A_33 = tpu.memref_slice %arg4[%mul3A_15, %dma_wait3A] : memref<10240x16xf32, #tpu.memory_space<vmem_shared>> -> memref<640x16xf32, #tpu.memory_space<vmem_shared>>
      %dma_wait3A_34 = arith.constant 0 : i32
      %dma_wait3A_35 = tpu.memref_slice %arg4[%mul3A_15, %dma_wait3A_34] : memref<10240x16xf32, #tpu.memory_space<vmem_shared>> -> memref<640x16xf32, #tpu.memory_space<vmem_shared>>
      tpu.wait_dma2 semaphore(%run_scoped3A_29 : memref<!tpu.dma_semaphore, #tpu.memory_space<semaphore_mem>>) src(%arg7 : memref<640x16xf32, #tpu.memory_space<vmem>>) dst(%dma_wait3A_35 : memref<640x16xf32, #tpu.memory_space<vmem_shared>>)
      tpu.yield
    }) : () -> ()
    %barrier3A = arith.constant 0 : index
    tpu.barrier barrier_id(%barrier3A)
    %mul3A_16 = arith.constant 80 : i32
    %mul3A_17 = arith.muli %add3A, %mul3A_16 : i32
    %run_scoped3A = arith.constant 1 : i32
    "tpu.region"() ({
      %run_scoped3A_29 = tpu.sem_alloc : memref<!tpu.dma_semaphore, #tpu.memory_space<semaphore_mem>>
      %dma_start3A = arith.constant 0 : i32
      %dma_start3A_30 = arith.constant 0 : i32
      %dma_start3A_31 = tpu.memref_slice %arg2[%run_scoped3A, %dma_start3A, %dma_start3A_30] : memref<2x2560x125xi32, #tpu.memory_space<hbm>> -> memref<1x2560x125xi32, #tpu.memory_space<hbm>>
      %dma_start3A_32 = tpu.memref_squeeze %dma_start3A_31 : memref<1x2560x125xi32, #tpu.memory_space<hbm>> -> memref<2560x125xi32, #tpu.memory_space<hbm>>
      %dma_start3A_33 = arith.constant 0 : i32
      %dma_start3A_34 = tpu.memref_slice %dma_start3A_32[%mul3A_17, %dma_start3A_33] : memref<2560x125xi32, #tpu.memory_space<hbm>> -> memref<80x125xi32, #tpu.memory_space<hbm>>
      %dma_start3A_35 = arith.constant 0 : i32
      %dma_start3A_36 = arith.constant 0 : i32
      %dma_start3A_37 = tpu.memref_slice %arg2[%run_scoped3A, %dma_start3A_35, %dma_start3A_36] : memref<2x2560x125xi32, #tpu.memory_space<hbm>> -> memref<1x2560x125xi32, #tpu.memory_space<hbm>>
      %dma_start3A_38 = tpu.memref_squeeze %dma_start3A_37 : memref<1x2560x125xi32, #tpu.memory_space<hbm>> -> memref<2560x125xi32, #tpu.memory_space<hbm>>
      %dma_start3A_39 = arith.constant 0 : i32
      %dma_start3A_40 = tpu.memref_slice %dma_start3A_38[%mul3A_17, %dma_start3A_39] : memref<2560x125xi32, #tpu.memory_space<hbm>> -> memref<80x125xi32, #tpu.memory_space<hbm>>
      tpu.enqueue_dma source(%dma_start3A_40 : memref<80x125xi32, #tpu.memory_space<hbm>>) target(%arg5 : memref<80x125xi32, #tpu.memory_space<vmem>>) target_semaphore(%run_scoped3A_29 : memref<!tpu.dma_semaphore, #tpu.memory_space<semaphore_mem>>)
      %dma_wait3A = arith.constant 0 : i32
      %dma_wait3A_41 = arith.constant 0 : i32
      %dma_wait3A_42 = tpu.memref_slice %arg2[%run_scoped3A, %dma_wait3A, %dma_wait3A_41] : memref<2x2560x125xi32, #tpu.memory_space<hbm>> -> memref<1x2560x125xi32, #tpu.memory_space<hbm>>
      %dma_wait3A_43 = tpu.memref_squeeze %dma_wait3A_42 : memref<1x2560x125xi32, #tpu.memory_space<hbm>> -> memref<2560x125xi32, #tpu.memory_space<hbm>>
      %dma_wait3A_44 = arith.constant 0 : i32
      %dma_wait3A_45 = tpu.memref_slice %dma_wait3A_43[%mul3A_17, %dma_wait3A_44] : memref<2560x125xi32, #tpu.memory_space<hbm>> -> memref<80x125xi32, #tpu.memory_space<hbm>>
      %dma_wait3A_46 = arith.constant 0 : i32
      %dma_wait3A_47 = arith.constant 0 : i32
      %dma_wait3A_48 = tpu.memref_slice %arg2[%run_scoped3A, %dma_wait3A_46, %dma_wait3A_47] : memref<2x2560x125xi32, #tpu.memory_space<hbm>> -> memref<1x2560x125xi32, #tpu.memory_space<hbm>>
      %dma_wait3A_49 = tpu.memref_squeeze %dma_wait3A_48 : memref<1x2560x125xi32, #tpu.memory_space<hbm>> -> memref<2560x125xi32, #tpu.memory_space<hbm>>
      %dma_wait3A_50 = arith.constant 0 : i32
      %dma_wait3A_51 = tpu.memref_slice %dma_wait3A_49[%mul3A_17, %dma_wait3A_50] : memref<2560x125xi32, #tpu.memory_space<hbm>> -> memref<80x125xi32, #tpu.memory_space<hbm>>
      tpu.wait_dma2 semaphore(%run_scoped3A_29 : memref<!tpu.dma_semaphore, #tpu.memory_space<semaphore_mem>>) src(%dma_wait3A_51 : memref<80x125xi32, #tpu.memory_space<hbm>>) dst(%arg5 : memref<80x125xi32, #tpu.memory_space<vmem>>)
      tpu.yield
    }) : () -> ()
    %scan3A_18 = arith.constant 0 : i32
    %scan3A_19 = arith.constant 0 : i32
    %scan3A_20 = arith.constant 80 : i32
    %scan3A_21 = arith.addi %scan3A_19, %scan3A_20 : i32
    %scan3A_22 = arith.constant 1 : i32
    %scan3A_23 = scf.for %scan3A_29 = %scan3A_19 to %scan3A_21 step %scan3A_22 iter_args(%scan3A_30 = %scan3A_18) -> (i32)  : i32 {
      "tpu.region"() ({
        %run_scoped3A_32 = tpu.sem_alloc : memref<!tpu.dma_semaphore, #tpu.memory_space<semaphore_mem>>
        %dma_start3A = arith.constant 0 : i32
        %dma_start3A_33 = tpu.memref_slice %arg5[%scan3A_29, %dma_start3A] : memref<80x125xi32, #tpu.memory_space<vmem>> -> memref<1x125xi32, #tpu.memory_space<vmem>>
        %dma_start3A_34 = tpu.memref_squeeze %dma_start3A_33 : memref<1x125xi32, #tpu.memory_space<vmem>> -> memref<125xi32, #tpu.memory_space<vmem>>
        %dma_start3A_35 = arith.constant 0 : i32
        %dma_start3A_36 = arith.constant 0 : i32
        %dma_start3A_37 = tpu.memref_slice %arg4[%dma_start3A_35, %dma_start3A_36] : memref<10240x16xf32, #tpu.memory_space<vmem_shared>> -> memref<10240x16xf32, #tpu.memory_space<vmem_shared>>
        tpu.enqueue_indirect_dma source(%arg6 : memref<125x16xf32, #tpu.memory_space<vmem>>) target(%dma_start3A_37 : memref<10240x16xf32, #tpu.memory_space<vmem_shared>>) offsets(%dma_start3A_34 : memref<125xi32, #tpu.memory_space<vmem>>) semaphore(%run_scoped3A_32 : memref<!tpu.dma_semaphore, #tpu.memory_space<semaphore_mem>>) {add = true}
        %dma_wait3A = arith.constant 0 : i32
        %dma_wait3A_38 = tpu.memref_slice %arg5[%scan3A_29, %dma_wait3A] : memref<80x125xi32, #tpu.memory_space<vmem>> -> memref<1x125xi32, #tpu.memory_space<vmem>>
        %dma_wait3A_39 = tpu.memref_squeeze %dma_wait3A_38 : memref<1x125xi32, #tpu.memory_space<vmem>> -> memref<125xi32, #tpu.memory_space<vmem>>
        %dma_wait3A_40 = arith.constant 0 : i32
        %dma_wait3A_41 = arith.constant 0 : i32
        %dma_wait3A_42 = tpu.memref_slice %arg4[%dma_wait3A_40, %dma_wait3A_41] : memref<10240x16xf32, #tpu.memory_space<vmem_shared>> -> memref<10240x16xf32, #tpu.memory_space<vmem_shared>>
        tpu.wait_indirect_dma semaphore(%run_scoped3A_32 : memref<!tpu.dma_semaphore, #tpu.memory_space<semaphore_mem>>) src(%arg6 : memref<125x16xf32, #tpu.memory_space<vmem>>) dst(%dma_wait3A_42 : memref<10240x16xf32, #tpu.memory_space<vmem_shared>>)
        tpu.yield
      }) : () -> ()
      %scan3A_31 = arith.constant 0 : i32
      scf.yield %scan3A_31 : i32
    }
    %scan3A_24 = arith.constant 80 : i32
    %barrier3A_25 = arith.constant 0 : index
    tpu.barrier barrier_id(%barrier3A_25)
    %mul3A_26 = arith.constant 10240 : i32
    %mul3A_27 = arith.muli %arg0, %mul3A_26 : i32
    %add3A_28 = arith.addi %mul3A_27, %mul3A_15 : i32
    "tpu.region"() ({
      %run_scoped3A_29 = tpu.sem_alloc : memref<!tpu.dma_semaphore, #tpu.memory_space<semaphore_mem>>
      %dma_start3A = arith.constant 0 : i32
      %dma_start3A_30 = tpu.memref_slice %arg3[%add3A_28, %dma_start3A] : memref<20480x16xf32, #tpu.memory_space<hbm>> -> memref<640x16xf32, #tpu.memory_space<hbm>>
      %dma_start3A_31 = arith.constant 0 : i32
      %dma_start3A_32 = tpu.memref_slice %arg4[%mul3A_15, %dma_start3A_31] : memref<10240x16xf32, #tpu.memory_space<vmem_shared>> -> memref<640x16xf32, #tpu.memory_space<vmem_shared>>
      tpu.enqueue_dma source(%dma_start3A_32 : memref<640x16xf32, #tpu.memory_space<vmem_shared>>) target(%dma_start3A_30 : memref<640x16xf32, #tpu.memory_space<hbm>>) target_semaphore(%run_scoped3A_29 : memref<!tpu.dma_semaphore, #tpu.memory_space<semaphore_mem>>)
      %dma_wait3A = arith.constant 0 : i32
      %dma_wait3A_33 = tpu.memref_slice %arg3[%add3A_28, %dma_wait3A] : memref<20480x16xf32, #tpu.memory_space<hbm>> -> memref<640x16xf32, #tpu.memory_space<hbm>>
      %dma_wait3A_34 = arith.constant 0 : i32
      %dma_wait3A_35 = tpu.memref_slice %arg4[%mul3A_15, %dma_wait3A_34] : memref<10240x16xf32, #tpu.memory_space<vmem_shared>> -> memref<640x16xf32, #tpu.memory_space<vmem_shared>>
      tpu.wait_dma2 semaphore(%run_scoped3A_29 : memref<!tpu.dma_semaphore, #tpu.memory_space<semaphore_mem>>) src(%dma_wait3A_35 : memref<640x16xf32, #tpu.memory_space<vmem_shared>>) dst(%dma_wait3A_33 : memref<640x16xf32, #tpu.memory_space<hbm>>)
      tpu.yield
    }) : () -> ()
    return
  }
}

#map = affine_map<(d0, d1) -> (0, 0, 0)>
#map1 = affine_map<(d0, d1) -> (0, 0)>
module attributes {stable_mosaic.version = 14 : i64} {
  func.func @edge_kernel(%arg0: i32, %arg1: i32, %arg2: memref<2x2560x125xi32, #tpu.memory_space<hbm>>, %arg3: memref<10000x128xf32, #tpu.memory_space<hbm>>, %arg4: memref<20480x128xf32, #tpu.memory_space<hbm>>, %arg5: memref<10240x128xf32, #tpu.memory_space<vmem_shared>>, %arg6: memref<2x16x125xi32, #tpu.memory_space<vmem>>, %arg7: memref<2x16x125xi32, #tpu.memory_space<vmem>>, %arg8: memref<125x128xf32, #tpu.memory_space<vmem>>, %arg9: memref<125x128xf32, #tpu.memory_space<vmem>>, %arg10: memref<64x128xf32, #tpu.memory_space<vmem>>, %arg11: memref<!tpu.dma_semaphore, #tpu.memory_space<semaphore_mem>>, %arg12: memref<!tpu.dma_semaphore, #tpu.memory_space<semaphore_mem>>, %arg13: memref<!tpu.dma_semaphore, #tpu.memory_space<semaphore_mem>>, %arg14: memref<!tpu.dma_semaphore, #tpu.memory_space<semaphore_mem>>) attributes {dimension_semantics = [#tpu.dimension_semantics<core_parallel>, #tpu.dimension_semantics<subcore_parallel>], iteration_bounds = array<i64: 2, 16>, scalar_prefetch = 0 : i64, scratch_operands = 10 : i64, tpu.core_type = #tpu.core_type<sc_vector_subcore>, window_params = [{transform_indices = #map}, {transform_indices = #map1}, {transform_indices = #map1}]} {
    %mul3A = arith.constant 2 : i32
    %mul3A_0 = arith.muli %arg1, %mul3A : i32
    %add3A = arith.addi %mul3A_0, %arg0 : i32
    %mul3A_1 = arith.constant 80 : i32
    %mul3A_2 = arith.muli %add3A, %mul3A_1 : i32
    %dma_start3A = arith.constant 0 : i32
    %dma_start3A_3 = arith.constant 0 : i32
    %dma_start3A_4 = arith.constant 0 : i32
    %dma_start3A_5 = arith.constant 0 : i32
    %dma_start3A_6 = tpu.memref_slice %arg6[%dma_start3A_3, %dma_start3A_4, %dma_start3A_5] : memref<2x16x125xi32, #tpu.memory_space<vmem>> -> memref<1x16x125xi32, #tpu.memory_space<vmem>>
    %dma_start3A_7 = tpu.memref_squeeze %dma_start3A_6 : memref<1x16x125xi32, #tpu.memory_space<vmem>> -> memref<16x125xi32, #tpu.memory_space<vmem>>
    %dma_start3A_8 = arith.constant 0 : i32
    %dma_start3A_9 = arith.constant 0 : i32
    %dma_start3A_10 = tpu.memref_slice %arg2[%dma_start3A, %dma_start3A_8, %dma_start3A_9] : memref<2x2560x125xi32, #tpu.memory_space<hbm>> -> memref<1x2560x125xi32, #tpu.memory_space<hbm>>
    %dma_start3A_11 = tpu.memref_squeeze %dma_start3A_10 : memref<1x2560x125xi32, #tpu.memory_space<hbm>> -> memref<2560x125xi32, #tpu.memory_space<hbm>>
    %dma_start3A_12 = arith.constant 0 : i32
    %dma_start3A_13 = tpu.memref_slice %dma_start3A_11[%mul3A_2, %dma_start3A_12] : memref<2560x125xi32, #tpu.memory_space<hbm>> -> memref<16x125xi32, #tpu.memory_space<hbm>>
    %dma_start3A_14 = arith.constant 0 : i32
    %dma_start3A_15 = arith.constant 0 : i32
    %dma_start3A_16 = tpu.memref_slice %arg6[%dma_start3A_3, %dma_start3A_14, %dma_start3A_15] : memref<2x16x125xi32, #tpu.memory_space<vmem>> -> memref<1x16x125xi32, #tpu.memory_space<vmem>>
    %dma_start3A_17 = tpu.memref_squeeze %dma_start3A_16 : memref<1x16x125xi32, #tpu.memory_space<vmem>> -> memref<16x125xi32, #tpu.memory_space<vmem>>
    %dma_start3A_18 = arith.constant 0 : i32
    %dma_start3A_19 = arith.constant 0 : i32
    %dma_start3A_20 = tpu.memref_slice %arg2[%dma_start3A, %dma_start3A_18, %dma_start3A_19] : memref<2x2560x125xi32, #tpu.memory_space<hbm>> -> memref<1x2560x125xi32, #tpu.memory_space<hbm>>
    %dma_start3A_21 = tpu.memref_squeeze %dma_start3A_20 : memref<1x2560x125xi32, #tpu.memory_space<hbm>> -> memref<2560x125xi32, #tpu.memory_space<hbm>>
    %dma_start3A_22 = arith.constant 0 : i32
    %dma_start3A_23 = tpu.memref_slice %dma_start3A_21[%mul3A_2, %dma_start3A_22] : memref<2560x125xi32, #tpu.memory_space<hbm>> -> memref<16x125xi32, #tpu.memory_space<hbm>>
    tpu.enqueue_dma source(%dma_start3A_23 : memref<16x125xi32, #tpu.memory_space<hbm>>) target(%dma_start3A_17 : memref<16x125xi32, #tpu.memory_space<vmem>>) target_semaphore(%arg11 : memref<!tpu.dma_semaphore, #tpu.memory_space<semaphore_mem>>)
    %dma_start3A_24 = arith.constant 1 : i32
    %dma_start3A_25 = arith.constant 0 : i32
    %dma_start3A_26 = arith.constant 0 : i32
    %dma_start3A_27 = arith.constant 0 : i32
    %dma_start3A_28 = tpu.memref_slice %arg7[%dma_start3A_25, %dma_start3A_26, %dma_start3A_27] : memref<2x16x125xi32, #tpu.memory_space<vmem>> -> memref<1x16x125xi32, #tpu.memory_space<vmem>>
    %dma_start3A_29 = tpu.memref_squeeze %dma_start3A_28 : memref<1x16x125xi32, #tpu.memory_space<vmem>> -> memref<16x125xi32, #tpu.memory_space<vmem>>
    %dma_start3A_30 = arith.constant 0 : i32
    %dma_start3A_31 = arith.constant 0 : i32
    %dma_start3A_32 = tpu.memref_slice %arg2[%dma_start3A_24, %dma_start3A_30, %dma_start3A_31] : memref<2x2560x125xi32, #tpu.memory_space<hbm>> -> memref<1x2560x125xi32, #tpu.memory_space<hbm>>
    %dma_start3A_33 = tpu.memref_squeeze %dma_start3A_32 : memref<1x2560x125xi32, #tpu.memory_space<hbm>> -> memref<2560x125xi32, #tpu.memory_space<hbm>>
    %dma_start3A_34 = arith.constant 0 : i32
    %dma_start3A_35 = tpu.memref_slice %dma_start3A_33[%mul3A_2, %dma_start3A_34] : memref<2560x125xi32, #tpu.memory_space<hbm>> -> memref<16x125xi32, #tpu.memory_space<hbm>>
    %dma_start3A_36 = arith.constant 0 : i32
    %dma_start3A_37 = arith.constant 0 : i32
    %dma_start3A_38 = tpu.memref_slice %arg7[%dma_start3A_25, %dma_start3A_36, %dma_start3A_37] : memref<2x16x125xi32, #tpu.memory_space<vmem>> -> memref<1x16x125xi32, #tpu.memory_space<vmem>>
    %dma_start3A_39 = tpu.memref_squeeze %dma_start3A_38 : memref<1x16x125xi32, #tpu.memory_space<vmem>> -> memref<16x125xi32, #tpu.memory_space<vmem>>
    %dma_start3A_40 = arith.constant 0 : i32
    %dma_start3A_41 = arith.constant 0 : i32
    %dma_start3A_42 = tpu.memref_slice %arg2[%dma_start3A_24, %dma_start3A_40, %dma_start3A_41] : memref<2x2560x125xi32, #tpu.memory_space<hbm>> -> memref<1x2560x125xi32, #tpu.memory_space<hbm>>
    %dma_start3A_43 = tpu.memref_squeeze %dma_start3A_42 : memref<1x2560x125xi32, #tpu.memory_space<hbm>> -> memref<2560x125xi32, #tpu.memory_space<hbm>>
    %dma_start3A_44 = arith.constant 0 : i32
    %dma_start3A_45 = tpu.memref_slice %dma_start3A_43[%mul3A_2, %dma_start3A_44] : memref<2560x125xi32, #tpu.memory_space<hbm>> -> memref<16x125xi32, #tpu.memory_space<hbm>>
    tpu.enqueue_dma source(%dma_start3A_45 : memref<16x125xi32, #tpu.memory_space<hbm>>) target(%dma_start3A_39 : memref<16x125xi32, #tpu.memory_space<vmem>>) target_semaphore(%arg11 : memref<!tpu.dma_semaphore, #tpu.memory_space<semaphore_mem>>)
    %add3A_46 = arith.constant 16 : i32
    %add3A_47 = arith.addi %mul3A_2, %add3A_46 : i32
    %dma_start3A_48 = arith.constant 0 : i32
    %dma_start3A_49 = arith.constant 1 : i32
    %dma_start3A_50 = arith.constant 0 : i32
    %dma_start3A_51 = arith.constant 0 : i32
    %dma_start3A_52 = tpu.memref_slice %arg6[%dma_start3A_49, %dma_start3A_50, %dma_start3A_51] : memref<2x16x125xi32, #tpu.memory_space<vmem>> -> memref<1x16x125xi32, #tpu.memory_space<vmem>>
    %dma_start3A_53 = tpu.memref_squeeze %dma_start3A_52 : memref<1x16x125xi32, #tpu.memory_space<vmem>> -> memref<16x125xi32, #tpu.memory_space<vmem>>
    %dma_start3A_54 = arith.constant 0 : i32
    %dma_start3A_55 = arith.constant 0 : i32
    %dma_start3A_56 = tpu.memref_slice %arg2[%dma_start3A_48, %dma_start3A_54, %dma_start3A_55] : memref<2x2560x125xi32, #tpu.memory_space<hbm>> -> memref<1x2560x125xi32, #tpu.memory_space<hbm>>
    %dma_start3A_57 = tpu.memref_squeeze %dma_start3A_56 : memref<1x2560x125xi32, #tpu.memory_space<hbm>> -> memref<2560x125xi32, #tpu.memory_space<hbm>>
    %dma_start3A_58 = arith.constant 0 : i32
    %dma_start3A_59 = tpu.memref_slice %dma_start3A_57[%add3A_47, %dma_start3A_58] : memref<2560x125xi32, #tpu.memory_space<hbm>> -> memref<16x125xi32, #tpu.memory_space<hbm>>
    %dma_start3A_60 = arith.constant 0 : i32
    %dma_start3A_61 = arith.constant 0 : i32
    %dma_start3A_62 = tpu.memref_slice %arg6[%dma_start3A_49, %dma_start3A_60, %dma_start3A_61] : memref<2x16x125xi32, #tpu.memory_space<vmem>> -> memref<1x16x125xi32, #tpu.memory_space<vmem>>
    %dma_start3A_63 = tpu.memref_squeeze %dma_start3A_62 : memref<1x16x125xi32, #tpu.memory_space<vmem>> -> memref<16x125xi32, #tpu.memory_space<vmem>>
    %dma_start3A_64 = arith.constant 0 : i32
    %dma_start3A_65 = arith.constant 0 : i32
    %dma_start3A_66 = tpu.memref_slice %arg2[%dma_start3A_48, %dma_start3A_64, %dma_start3A_65] : memref<2x2560x125xi32, #tpu.memory_space<hbm>> -> memref<1x2560x125xi32, #tpu.memory_space<hbm>>
    %dma_start3A_67 = tpu.memref_squeeze %dma_start3A_66 : memref<1x2560x125xi32, #tpu.memory_space<hbm>> -> memref<2560x125xi32, #tpu.memory_space<hbm>>
    %dma_start3A_68 = arith.constant 0 : i32
    %dma_start3A_69 = tpu.memref_slice %dma_start3A_67[%add3A_47, %dma_start3A_68] : memref<2560x125xi32, #tpu.memory_space<hbm>> -> memref<16x125xi32, #tpu.memory_space<hbm>>
    tpu.enqueue_dma source(%dma_start3A_69 : memref<16x125xi32, #tpu.memory_space<hbm>>) target(%dma_start3A_63 : memref<16x125xi32, #tpu.memory_space<vmem>>) target_semaphore(%arg13 : memref<!tpu.dma_semaphore, #tpu.memory_space<semaphore_mem>>)
    %add3A_70 = arith.constant 16 : i32
    %add3A_71 = arith.addi %mul3A_2, %add3A_70 : i32
    %dma_start3A_72 = arith.constant 1 : i32
    %dma_start3A_73 = arith.constant 1 : i32
    %dma_start3A_74 = arith.constant 0 : i32
    %dma_start3A_75 = arith.constant 0 : i32
    %dma_start3A_76 = tpu.memref_slice %arg7[%dma_start3A_73, %dma_start3A_74, %dma_start3A_75] : memref<2x16x125xi32, #tpu.memory_space<vmem>> -> memref<1x16x125xi32, #tpu.memory_space<vmem>>
    %dma_start3A_77 = tpu.memref_squeeze %dma_start3A_76 : memref<1x16x125xi32, #tpu.memory_space<vmem>> -> memref<16x125xi32, #tpu.memory_space<vmem>>
    %dma_start3A_78 = arith.constant 0 : i32
    %dma_start3A_79 = arith.constant 0 : i32
    %dma_start3A_80 = tpu.memref_slice %arg2[%dma_start3A_72, %dma_start3A_78, %dma_start3A_79] : memref<2x2560x125xi32, #tpu.memory_space<hbm>> -> memref<1x2560x125xi32, #tpu.memory_space<hbm>>
    %dma_start3A_81 = tpu.memref_squeeze %dma_start3A_80 : memref<1x2560x125xi32, #tpu.memory_space<hbm>> -> memref<2560x125xi32, #tpu.memory_space<hbm>>
    %dma_start3A_82 = arith.constant 0 : i32
    %dma_start3A_83 = tpu.memref_slice %dma_start3A_81[%add3A_71, %dma_start3A_82] : memref<2560x125xi32, #tpu.memory_space<hbm>> -> memref<16x125xi32, #tpu.memory_space<hbm>>
    %dma_start3A_84 = arith.constant 0 : i32
    %dma_start3A_85 = arith.constant 0 : i32
    %dma_start3A_86 = tpu.memref_slice %arg7[%dma_start3A_73, %dma_start3A_84, %dma_start3A_85] : memref<2x16x125xi32, #tpu.memory_space<vmem>> -> memref<1x16x125xi32, #tpu.memory_space<vmem>>
    %dma_start3A_87 = tpu.memref_squeeze %dma_start3A_86 : memref<1x16x125xi32, #tpu.memory_space<vmem>> -> memref<16x125xi32, #tpu.memory_space<vmem>>
    %dma_start3A_88 = arith.constant 0 : i32
    %dma_start3A_89 = arith.constant 0 : i32
    %dma_start3A_90 = tpu.memref_slice %arg2[%dma_start3A_72, %dma_start3A_88, %dma_start3A_89] : memref<2x2560x125xi32, #tpu.memory_space<hbm>> -> memref<1x2560x125xi32, #tpu.memory_space<hbm>>
    %dma_start3A_91 = tpu.memref_squeeze %dma_start3A_90 : memref<1x2560x125xi32, #tpu.memory_space<hbm>> -> memref<2560x125xi32, #tpu.memory_space<hbm>>
    %dma_start3A_92 = arith.constant 0 : i32
    %dma_start3A_93 = tpu.memref_slice %dma_start3A_91[%add3A_71, %dma_start3A_92] : memref<2560x125xi32, #tpu.memory_space<hbm>> -> memref<16x125xi32, #tpu.memory_space<hbm>>
    tpu.enqueue_dma source(%dma_start3A_93 : memref<16x125xi32, #tpu.memory_space<hbm>>) target(%dma_start3A_87 : memref<16x125xi32, #tpu.memory_space<vmem>>) target_semaphore(%arg13 : memref<!tpu.dma_semaphore, #tpu.memory_space<semaphore_mem>>)
    %scan3A = arith.constant 0 : i32
    %scan3A_94 = arith.constant 0 : i32
    %scan3A_95 = arith.constant 64 : i32
    %scan3A_96 = arith.addi %scan3A_94, %scan3A_95 : i32
    %scan3A_97 = arith.constant 1 : i32
    %scan3A_98 = scf.for %scan3A_738 = %scan3A_94 to %scan3A_96 step %scan3A_97 iter_args(%scan3A_739 = %scan3A) -> (i32)  : i32 {
      %broadcast_in_dim3A = arith.constant 0.000000e+00 : f32
      %broadcast_in_dim3A_740 = vector.broadcast %broadcast_in_dim3A : f32 to vector<16xf32>
      %swap3A = arith.index_cast %scan3A_738 : i32 to index
      %swap3A_741 = arith.constant 0 : index
      %swap3A_742 = tpu.vector_load %arg10[%swap3A, %swap3A_741] {strides = array<i32>} : memref<64x128xf32, #tpu.memory_space<vmem>>, vector<1x16xf32>,
      %swap3A_743 = vector.shape_cast %swap3A_742 : vector<1x16xf32> to vector<16xf32>
      %swap3A_744 = vector.shape_cast %broadcast_in_dim3A_740 : vector<16xf32> to vector<1x16xf32>
      tpu.vector_store %arg10[%swap3A, %swap3A_741], %swap3A_744 {strides = array<i32>} : memref<64x128xf32, #tpu.memory_space<vmem>>, vector<1x16xf32>,
      %broadcast_in_dim3A_745 = arith.constant 0.000000e+00 : f32
      %broadcast_in_dim3A_746 = vector.broadcast %broadcast_in_dim3A_745 : f32 to vector<16xf32>
      %swap3A_747 = arith.index_cast %scan3A_738 : i32 to index
      %swap3A_748 = arith.constant 16 : index
      %swap3A_749 = tpu.vector_load %arg10[%swap3A_747, %swap3A_748] {strides = array<i32>} : memref<64x128xf32, #tpu.memory_space<vmem>>, vector<1x16xf32>,
      %swap3A_750 = vector.shape_cast %swap3A_749 : vector<1x16xf32> to vector<16xf32>
      %swap3A_751 = vector.shape_cast %broadcast_in_dim3A_746 : vector<16xf32> to vector<1x16xf32>
      tpu.vector_store %arg10[%swap3A_747, %swap3A_748], %swap3A_751 {strides = array<i32>} : memref<64x128xf32, #tpu.memory_space<vmem>>, vector<1x16xf32>,
      %broadcast_in_dim3A_752 = arith.constant 0.000000e+00 : f32
      %broadcast_in_dim3A_753 = vector.broadcast %broadcast_in_dim3A_752 : f32 to vector<16xf32>
      %swap3A_754 = arith.index_cast %scan3A_738 : i32 to index
      %swap3A_755 = arith.constant 32 : index
      %swap3A_756 = tpu.vector_load %arg10[%swap3A_754, %swap3A_755] {strides = array<i32>} : memref<64x128xf32, #tpu.memory_space<vmem>>, vector<1x16xf32>,
      %swap3A_757 = vector.shape_cast %swap3A_756 : vector<1x16xf32> to vector<16xf32>
      %swap3A_758 = vector.shape_cast %broadcast_in_dim3A_753 : vector<16xf32> to vector<1x16xf32>
      tpu.vector_store %arg10[%swap3A_754, %swap3A_755], %swap3A_758 {strides = array<i32>} : memref<64x128xf32, #tpu.memory_space<vmem>>, vector<1x16xf32>,
      %broadcast_in_dim3A_759 = arith.constant 0.000000e+00 : f32
      %broadcast_in_dim3A_760 = vector.broadcast %broadcast_in_dim3A_759 : f32 to vector<16xf32>
      %swap3A_761 = arith.index_cast %scan3A_738 : i32 to index
      %swap3A_762 = arith.constant 48 : index
      %swap3A_763 = tpu.vector_load %arg10[%swap3A_761, %swap3A_762] {strides = array<i32>} : memref<64x128xf32, #tpu.memory_space<vmem>>, vector<1x16xf32>,
      %swap3A_764 = vector.shape_cast %swap3A_763 : vector<1x16xf32> to vector<16xf32>
      %swap3A_765 = vector.shape_cast %broadcast_in_dim3A_760 : vector<16xf32> to vector<1x16xf32>
      tpu.vector_store %arg10[%swap3A_761, %swap3A_762], %swap3A_765 {strides = array<i32>} : memref<64x128xf32, #tpu.memory_space<vmem>>, vector<1x16xf32>,
      %broadcast_in_dim3A_766 = arith.constant 0.000000e+00 : f32
      %broadcast_in_dim3A_767 = vector.broadcast %broadcast_in_dim3A_766 : f32 to vector<16xf32>
      %swap3A_768 = arith.index_cast %scan3A_738 : i32 to index
      %swap3A_769 = arith.constant 64 : index
      %swap3A_770 = tpu.vector_load %arg10[%swap3A_768, %swap3A_769] {strides = array<i32>} : memref<64x128xf32, #tpu.memory_space<vmem>>, vector<1x16xf32>,
      %swap3A_771 = vector.shape_cast %swap3A_770 : vector<1x16xf32> to vector<16xf32>
      %swap3A_772 = vector.shape_cast %broadcast_in_dim3A_767 : vector<16xf32> to vector<1x16xf32>
      tpu.vector_store %arg10[%swap3A_768, %swap3A_769], %swap3A_772 {strides = array<i32>} : memref<64x128xf32, #tpu.memory_space<vmem>>, vector<1x16xf32>,
      %broadcast_in_dim3A_773 = arith.constant 0.000000e+00 : f32
      %broadcast_in_dim3A_774 = vector.broadcast %broadcast_in_dim3A_773 : f32 to vector<16xf32>
      %swap3A_775 = arith.index_cast %scan3A_738 : i32 to index
      %swap3A_776 = arith.constant 80 : index
      %swap3A_777 = tpu.vector_load %arg10[%swap3A_775, %swap3A_776] {strides = array<i32>} : memref<64x128xf32, #tpu.memory_space<vmem>>, vector<1x16xf32>,
      %swap3A_778 = vector.shape_cast %swap3A_777 : vector<1x16xf32> to vector<16xf32>
      %swap3A_779 = vector.shape_cast %broadcast_in_dim3A_774 : vector<16xf32> to vector<1x16xf32>
      tpu.vector_store %arg10[%swap3A_775, %swap3A_776], %swap3A_779 {strides = array<i32>} : memref<64x128xf32, #tpu.memory_space<vmem>>, vector<1x16xf32>,
      %broadcast_in_dim3A_780 = arith.constant 0.000000e+00 : f32
      %broadcast_in_dim3A_781 = vector.broadcast %broadcast_in_dim3A_780 : f32 to vector<16xf32>
      %swap3A_782 = arith.index_cast %scan3A_738 : i32 to index
      %swap3A_783 = arith.constant 96 : index
      %swap3A_784 = tpu.vector_load %arg10[%swap3A_782, %swap3A_783] {strides = array<i32>} : memref<64x128xf32, #tpu.memory_space<vmem>>, vector<1x16xf32>,
      %swap3A_785 = vector.shape_cast %swap3A_784 : vector<1x16xf32> to vector<16xf32>
      %swap3A_786 = vector.shape_cast %broadcast_in_dim3A_781 : vector<16xf32> to vector<1x16xf32>
      tpu.vector_store %arg10[%swap3A_782, %swap3A_783], %swap3A_786 {strides = array<i32>} : memref<64x128xf32, #tpu.memory_space<vmem>>, vector<1x16xf32>,
      %broadcast_in_dim3A_787 = arith.constant 0.000000e+00 : f32
      %broadcast_in_dim3A_788 = vector.broadcast %broadcast_in_dim3A_787 : f32 to vector<16xf32>
      %swap3A_789 = arith.index_cast %scan3A_738 : i32 to index
      %swap3A_790 = arith.constant 112 : index
      %swap3A_791 = tpu.vector_load %arg10[%swap3A_789, %swap3A_790] {strides = array<i32>} : memref<64x128xf32, #tpu.memory_space<vmem>>, vector<1x16xf32>,
      %swap3A_792 = vector.shape_cast %swap3A_791 : vector<1x16xf32> to vector<16xf32>
      %swap3A_793 = vector.shape_cast %broadcast_in_dim3A_788 : vector<16xf32> to vector<1x16xf32>
      tpu.vector_store %arg10[%swap3A_789, %swap3A_790], %swap3A_793 {strides = array<i32>} : memref<64x128xf32, #tpu.memory_space<vmem>>, vector<1x16xf32>,
      %scan3A_794 = arith.constant 0 : i32
      scf.yield %scan3A_794 : i32
    }
    %scan3A_99 = arith.constant 64 : i32
    %mul3A_100 = arith.constant 640 : i32
    %mul3A_101 = arith.muli %arg1, %mul3A_100 : i32
    %add3A_102 = arith.constant 0 : i32
    %add3A_103 = arith.addi %mul3A_101, %add3A_102 : i32
    %dma_start3A_104 = arith.constant 0 : i32
    %dma_start3A_105 = tpu.memref_slice %arg5[%add3A_103, %dma_start3A_104] : memref<10240x128xf32, #tpu.memory_space<vmem_shared>> -> memref<64x128xf32, #tpu.memory_space<vmem_shared>>
    %dma_start3A_106 = arith.constant 0 : i32
    %dma_start3A_107 = tpu.memref_slice %arg5[%add3A_103, %dma_start3A_106] : memref<10240x128xf32, #tpu.memory_space<vmem_shared>> -> memref<64x128xf32, #tpu.memory_space<vmem_shared>>
    tpu.enqueue_dma source(%arg10 : memref<64x128xf32, #tpu.memory_space<vmem>>) target(%dma_start3A_107 : memref<64x128xf32, #tpu.memory_space<vmem_shared>>) target_semaphore(%arg14 : memref<!tpu.dma_semaphore, #tpu.memory_space<semaphore_mem>>)
    %add3A_108 = arith.constant 64 : i32
    %add3A_109 = arith.addi %mul3A_101, %add3A_108 : i32
    %dma_start3A_110 = arith.constant 0 : i32
    %dma_start3A_111 = tpu.memref_slice %arg5[%add3A_109, %dma_start3A_110] : memref<10240x128xf32, #tpu.memory_space<vmem_shared>> -> memref<64x128xf32, #tpu.memory_space<vmem_shared>>
    %dma_start3A_112 = arith.constant 0 : i32
    %dma_start3A_113 = tpu.memref_slice %arg5[%add3A_109, %dma_start3A_112] : memref<10240x128xf32, #tpu.memory_space<vmem_shared>> -> memref<64x128xf32, #tpu.memory_space<vmem_shared>>
    tpu.enqueue_dma source(%arg10 : memref<64x128xf32, #tpu.memory_space<vmem>>) target(%dma_start3A_113 : memref<64x128xf32, #tpu.memory_space<vmem_shared>>) target_semaphore(%arg14 : memref<!tpu.dma_semaphore, #tpu.memory_space<semaphore_mem>>)
    %add3A_114 = arith.constant 128 : i32
    %add3A_115 = arith.addi %mul3A_101, %add3A_114 : i32
    %dma_start3A_116 = arith.constant 0 : i32
    %dma_start3A_117 = tpu.memref_slice %arg5[%add3A_115, %dma_start3A_116] : memref<10240x128xf32, #tpu.memory_space<vmem_shared>> -> memref<64x128xf32, #tpu.memory_space<vmem_shared>>
    %dma_start3A_118 = arith.constant 0 : i32
    %dma_start3A_119 = tpu.memref_slice %arg5[%add3A_115, %dma_start3A_118] : memref<10240x128xf32, #tpu.memory_space<vmem_shared>> -> memref<64x128xf32, #tpu.memory_space<vmem_shared>>
    tpu.enqueue_dma source(%arg10 : memref<64x128xf32, #tpu.memory_space<vmem>>) target(%dma_start3A_119 : memref<64x128xf32, #tpu.memory_space<vmem_shared>>) target_semaphore(%arg14 : memref<!tpu.dma_semaphore, #tpu.memory_space<semaphore_mem>>)
    %add3A_120 = arith.constant 192 : i32
    %add3A_121 = arith.addi %mul3A_101, %add3A_120 : i32
    %dma_start3A_122 = arith.constant 0 : i32
    %dma_start3A_123 = tpu.memref_slice %arg5[%add3A_121, %dma_start3A_122] : memref<10240x128xf32, #tpu.memory_space<vmem_shared>> -> memref<64x128xf32, #tpu.memory_space<vmem_shared>>
    %dma_start3A_124 = arith.constant 0 : i32
    %dma_start3A_125 = tpu.memref_slice %arg5[%add3A_121, %dma_start3A_124] : memref<10240x128xf32, #tpu.memory_space<vmem_shared>> -> memref<64x128xf32, #tpu.memory_space<vmem_shared>>
    tpu.enqueue_dma source(%arg10 : memref<64x128xf32, #tpu.memory_space<vmem>>) target(%dma_start3A_125 : memref<64x128xf32, #tpu.memory_space<vmem_shared>>) target_semaphore(%arg14 : memref<!tpu.dma_semaphore, #tpu.memory_space<semaphore_mem>>)
    %add3A_126 = arith.constant 256 : i32
    %add3A_127 = arith.addi %mul3A_101, %add3A_126 : i32
    %dma_start3A_128 = arith.constant 0 : i32
    %dma_start3A_129 = tpu.memref_slice %arg5[%add3A_127, %dma_start3A_128] : memref<10240x128xf32, #tpu.memory_space<vmem_shared>> -> memref<64x128xf32, #tpu.memory_space<vmem_shared>>
    %dma_start3A_130 = arith.constant 0 : i32
    %dma_start3A_131 = tpu.memref_slice %arg5[%add3A_127, %dma_start3A_130] : memref<10240x128xf32, #tpu.memory_space<vmem_shared>> -> memref<64x128xf32, #tpu.memory_space<vmem_shared>>
    tpu.enqueue_dma source(%arg10 : memref<64x128xf32, #tpu.memory_space<vmem>>) target(%dma_start3A_131 : memref<64x128xf32, #tpu.memory_space<vmem_shared>>) target_semaphore(%arg14 : memref<!tpu.dma_semaphore, #tpu.memory_space<semaphore_mem>>)
    %add3A_132 = arith.constant 320 : i32
    %add3A_133 = arith.addi %mul3A_101, %add3A_132 : i32
    %dma_start3A_134 = arith.constant 0 : i32
    %dma_start3A_135 = tpu.memref_slice %arg5[%add3A_133, %dma_start3A_134] : memref<10240x128xf32, #tpu.memory_space<vmem_shared>> -> memref<64x128xf32, #tpu.memory_space<vmem_shared>>
    %dma_start3A_136 = arith.constant 0 : i32
    %dma_start3A_137 = tpu.memref_slice %arg5[%add3A_133, %dma_start3A_136] : memref<10240x128xf32, #tpu.memory_space<vmem_shared>> -> memref<64x128xf32, #tpu.memory_space<vmem_shared>>
    tpu.enqueue_dma source(%arg10 : memref<64x128xf32, #tpu.memory_space<vmem>>) target(%dma_start3A_137 : memref<64x128xf32, #tpu.memory_space<vmem_shared>>) target_semaphore(%arg14 : memref<!tpu.dma_semaphore, #tpu.memory_space<semaphore_mem>>)
    %add3A_138 = arith.constant 384 : i32
    %add3A_139 = arith.addi %mul3A_101, %add3A_138 : i32
    %dma_start3A_140 = arith.constant 0 : i32
    %dma_start3A_141 = tpu.memref_slice %arg5[%add3A_139, %dma_start3A_140] : memref<10240x128xf32, #tpu.memory_space<vmem_shared>> -> memref<64x128xf32, #tpu.memory_space<vmem_shared>>
    %dma_start3A_142 = arith.constant 0 : i32
    %dma_start3A_143 = tpu.memref_slice %arg5[%add3A_139, %dma_start3A_142] : memref<10240x128xf32, #tpu.memory_space<vmem_shared>> -> memref<64x128xf32, #tpu.memory_space<vmem_shared>>
    tpu.enqueue_dma source(%arg10 : memref<64x128xf32, #tpu.memory_space<vmem>>) target(%dma_start3A_143 : memref<64x128xf32, #tpu.memory_space<vmem_shared>>) target_semaphore(%arg14 : memref<!tpu.dma_semaphore, #tpu.memory_space<semaphore_mem>>)
    %add3A_144 = arith.constant 448 : i32
    %add3A_145 = arith.addi %mul3A_101, %add3A_144 : i32
    %dma_start3A_146 = arith.constant 0 : i32
    %dma_start3A_147 = tpu.memref_slice %arg5[%add3A_145, %dma_start3A_146] : memref<10240x128xf32, #tpu.memory_space<vmem_shared>> -> memref<64x128xf32, #tpu.memory_space<vmem_shared>>
    %dma_start3A_148 = arith.constant 0 : i32
    %dma_start3A_149 = tpu.memref_slice %arg5[%add3A_145, %dma_start3A_148] : memref<10240x128xf32, #tpu.memory_space<vmem_shared>> -> memref<64x128xf32, #tpu.memory_space<vmem_shared>>
    tpu.enqueue_dma source(%arg10 : memref<64x128xf32, #tpu.memory_space<vmem>>) target(%dma_start3A_149 : memref<64x128xf32, #tpu.memory_space<vmem_shared>>) target_semaphore(%arg14 : memref<!tpu.dma_semaphore, #tpu.memory_space<semaphore_mem>>)
    %add3A_150 = arith.constant 512 : i32
    %add3A_151 = arith.addi %mul3A_101, %add3A_150 : i32
    %dma_start3A_152 = arith.constant 0 : i32
    %dma_start3A_153 = tpu.memref_slice %arg5[%add3A_151, %dma_start3A_152] : memref<10240x128xf32, #tpu.memory_space<vmem_shared>> -> memref<64x128xf32, #tpu.memory_space<vmem_shared>>
    %dma_start3A_154 = arith.constant 0 : i32
    %dma_start3A_155 = tpu.memref_slice %arg5[%add3A_151, %dma_start3A_154] : memref<10240x128xf32, #tpu.memory_space<vmem_shared>> -> memref<64x128xf32, #tpu.memory_space<vmem_shared>>
    tpu.enqueue_dma source(%arg10 : memref<64x128xf32, #tpu.memory_space<vmem>>) target(%dma_start3A_155 : memref<64x128xf32, #tpu.memory_space<vmem_shared>>) target_semaphore(%arg14 : memref<!tpu.dma_semaphore, #tpu.memory_space<semaphore_mem>>)
    %add3A_156 = arith.constant 576 : i32
    %add3A_157 = arith.addi %mul3A_101, %add3A_156 : i32
    %dma_start3A_158 = arith.constant 0 : i32
    %dma_start3A_159 = tpu.memref_slice %arg5[%add3A_157, %dma_start3A_158] : memref<10240x128xf32, #tpu.memory_space<vmem_shared>> -> memref<64x128xf32, #tpu.memory_space<vmem_shared>>
    %dma_start3A_160 = arith.constant 0 : i32
    %dma_start3A_161 = tpu.memref_slice %arg5[%add3A_157, %dma_start3A_160] : memref<10240x128xf32, #tpu.memory_space<vmem_shared>> -> memref<64x128xf32, #tpu.memory_space<vmem_shared>>
    tpu.enqueue_dma source(%arg10 : memref<64x128xf32, #tpu.memory_space<vmem>>) target(%dma_start3A_161 : memref<64x128xf32, #tpu.memory_space<vmem_shared>>) target_semaphore(%arg14 : memref<!tpu.dma_semaphore, #tpu.memory_space<semaphore_mem>>)
    %add3A_162 = arith.constant 0 : i32
    %add3A_163 = arith.addi %mul3A_101, %add3A_162 : i32
    %dma_wait3A = arith.constant 0 : i32
    %dma_wait3A_164 = tpu.memref_slice %arg5[%add3A_163, %dma_wait3A] : memref<10240x128xf32, #tpu.memory_space<vmem_shared>> -> memref<64x128xf32, #tpu.memory_space<vmem_shared>>
    %dma_wait3A_165 = arith.constant 0 : i32
    %dma_wait3A_166 = tpu.memref_slice %arg5[%add3A_163, %dma_wait3A_165] : memref<10240x128xf32, #tpu.memory_space<vmem_shared>> -> memref<64x128xf32, #tpu.memory_space<vmem_shared>>
    tpu.wait_dma2 semaphore(%arg14 : memref<!tpu.dma_semaphore, #tpu.memory_space<semaphore_mem>>) src(%arg10 : memref<64x128xf32, #tpu.memory_space<vmem>>) dst(%dma_wait3A_166 : memref<64x128xf32, #tpu.memory_space<vmem_shared>>)
    %add3A_167 = arith.constant 64 : i32
    %add3A_168 = arith.addi %mul3A_101, %add3A_167 : i32
    %dma_wait3A_169 = arith.constant 0 : i32
    %dma_wait3A_170 = tpu.memref_slice %arg5[%add3A_168, %dma_wait3A_169] : memref<10240x128xf32, #tpu.memory_space<vmem_shared>> -> memref<64x128xf32, #tpu.memory_space<vmem_shared>>
    %dma_wait3A_171 = arith.constant 0 : i32
    %dma_wait3A_172 = tpu.memref_slice %arg5[%add3A_168, %dma_wait3A_171] : memref<10240x128xf32, #tpu.memory_space<vmem_shared>> -> memref<64x128xf32, #tpu.memory_space<vmem_shared>>
    tpu.wait_dma2 semaphore(%arg14 : memref<!tpu.dma_semaphore, #tpu.memory_space<semaphore_mem>>) src(%arg10 : memref<64x128xf32, #tpu.memory_space<vmem>>) dst(%dma_wait3A_172 : memref<64x128xf32, #tpu.memory_space<vmem_shared>>)
    %add3A_173 = arith.constant 128 : i32
    %add3A_174 = arith.addi %mul3A_101, %add3A_173 : i32
    %dma_wait3A_175 = arith.constant 0 : i32
    %dma_wait3A_176 = tpu.memref_slice %arg5[%add3A_174, %dma_wait3A_175] : memref<10240x128xf32, #tpu.memory_space<vmem_shared>> -> memref<64x128xf32, #tpu.memory_space<vmem_shared>>
    %dma_wait3A_177 = arith.constant 0 : i32
    %dma_wait3A_178 = tpu.memref_slice %arg5[%add3A_174, %dma_wait3A_177] : memref<10240x128xf32, #tpu.memory_space<vmem_shared>> -> memref<64x128xf32, #tpu.memory_space<vmem_shared>>
    tpu.wait_dma2 semaphore(%arg14 : memref<!tpu.dma_semaphore, #tpu.memory_space<semaphore_mem>>) src(%arg10 : memref<64x128xf32, #tpu.memory_space<vmem>>) dst(%dma_wait3A_178 : memref<64x128xf32, #tpu.memory_space<vmem_shared>>)
    %add3A_179 = arith.constant 192 : i32
    %add3A_180 = arith.addi %mul3A_101, %add3A_179 : i32
    %dma_wait3A_181 = arith.constant 0 : i32
    %dma_wait3A_182 = tpu.memref_slice %arg5[%add3A_180, %dma_wait3A_181] : memref<10240x128xf32, #tpu.memory_space<vmem_shared>> -> memref<64x128xf32, #tpu.memory_space<vmem_shared>>
    %dma_wait3A_183 = arith.constant 0 : i32
    %dma_wait3A_184 = tpu.memref_slice %arg5[%add3A_180, %dma_wait3A_183] : memref<10240x128xf32, #tpu.memory_space<vmem_shared>> -> memref<64x128xf32, #tpu.memory_space<vmem_shared>>
    tpu.wait_dma2 semaphore(%arg14 : memref<!tpu.dma_semaphore, #tpu.memory_space<semaphore_mem>>) src(%arg10 : memref<64x128xf32, #tpu.memory_space<vmem>>) dst(%dma_wait3A_184 : memref<64x128xf32, #tpu.memory_space<vmem_shared>>)
    %add3A_185 = arith.constant 256 : i32
    %add3A_186 = arith.addi %mul3A_101, %add3A_185 : i32
    %dma_wait3A_187 = arith.constant 0 : i32
    %dma_wait3A_188 = tpu.memref_slice %arg5[%add3A_186, %dma_wait3A_187] : memref<10240x128xf32, #tpu.memory_space<vmem_shared>> -> memref<64x128xf32, #tpu.memory_space<vmem_shared>>
    %dma_wait3A_189 = arith.constant 0 : i32
    %dma_wait3A_190 = tpu.memref_slice %arg5[%add3A_186, %dma_wait3A_189] : memref<10240x128xf32, #tpu.memory_space<vmem_shared>> -> memref<64x128xf32, #tpu.memory_space<vmem_shared>>
    tpu.wait_dma2 semaphore(%arg14 : memref<!tpu.dma_semaphore, #tpu.memory_space<semaphore_mem>>) src(%arg10 : memref<64x128xf32, #tpu.memory_space<vmem>>) dst(%dma_wait3A_190 : memref<64x128xf32, #tpu.memory_space<vmem_shared>>)
    %add3A_191 = arith.constant 320 : i32
    %add3A_192 = arith.addi %mul3A_101, %add3A_191 : i32
    %dma_wait3A_193 = arith.constant 0 : i32
    %dma_wait3A_194 = tpu.memref_slice %arg5[%add3A_192, %dma_wait3A_193] : memref<10240x128xf32, #tpu.memory_space<vmem_shared>> -> memref<64x128xf32, #tpu.memory_space<vmem_shared>>
    %dma_wait3A_195 = arith.constant 0 : i32
    %dma_wait3A_196 = tpu.memref_slice %arg5[%add3A_192, %dma_wait3A_195] : memref<10240x128xf32, #tpu.memory_space<vmem_shared>> -> memref<64x128xf32, #tpu.memory_space<vmem_shared>>
    tpu.wait_dma2 semaphore(%arg14 : memref<!tpu.dma_semaphore, #tpu.memory_space<semaphore_mem>>) src(%arg10 : memref<64x128xf32, #tpu.memory_space<vmem>>) dst(%dma_wait3A_196 : memref<64x128xf32, #tpu.memory_space<vmem_shared>>)
    %add3A_197 = arith.constant 384 : i32
    %add3A_198 = arith.addi %mul3A_101, %add3A_197 : i32
    %dma_wait3A_199 = arith.constant 0 : i32
    %dma_wait3A_200 = tpu.memref_slice %arg5[%add3A_198, %dma_wait3A_199] : memref<10240x128xf32, #tpu.memory_space<vmem_shared>> -> memref<64x128xf32, #tpu.memory_space<vmem_shared>>
    %dma_wait3A_201 = arith.constant 0 : i32
    %dma_wait3A_202 = tpu.memref_slice %arg5[%add3A_198, %dma_wait3A_201] : memref<10240x128xf32, #tpu.memory_space<vmem_shared>> -> memref<64x128xf32, #tpu.memory_space<vmem_shared>>
    tpu.wait_dma2 semaphore(%arg14 : memref<!tpu.dma_semaphore, #tpu.memory_space<semaphore_mem>>) src(%arg10 : memref<64x128xf32, #tpu.memory_space<vmem>>) dst(%dma_wait3A_202 : memref<64x128xf32, #tpu.memory_space<vmem_shared>>)
    %add3A_203 = arith.constant 448 : i32
    %add3A_204 = arith.addi %mul3A_101, %add3A_203 : i32
    %dma_wait3A_205 = arith.constant 0 : i32
    %dma_wait3A_206 = tpu.memref_slice %arg5[%add3A_204, %dma_wait3A_205] : memref<10240x128xf32, #tpu.memory_space<vmem_shared>> -> memref<64x128xf32, #tpu.memory_space<vmem_shared>>
    %dma_wait3A_207 = arith.constant 0 : i32
    %dma_wait3A_208 = tpu.memref_slice %arg5[%add3A_204, %dma_wait3A_207] : memref<10240x128xf32, #tpu.memory_space<vmem_shared>> -> memref<64x128xf32, #tpu.memory_space<vmem_shared>>
    tpu.wait_dma2 semaphore(%arg14 : memref<!tpu.dma_semaphore, #tpu.memory_space<semaphore_mem>>) src(%arg10 : memref<64x128xf32, #tpu.memory_space<vmem>>) dst(%dma_wait3A_208 : memref<64x128xf32, #tpu.memory_space<vmem_shared>>)
    %add3A_209 = arith.constant 512 : i32
    %add3A_210 = arith.addi %mul3A_101, %add3A_209 : i32
    %dma_wait3A_211 = arith.constant 0 : i32
    %dma_wait3A_212 = tpu.memref_slice %arg5[%add3A_210, %dma_wait3A_211] : memref<10240x128xf32, #tpu.memory_space<vmem_shared>> -> memref<64x128xf32, #tpu.memory_space<vmem_shared>>
    %dma_wait3A_213 = arith.constant 0 : i32
    %dma_wait3A_214 = tpu.memref_slice %arg5[%add3A_210, %dma_wait3A_213] : memref<10240x128xf32, #tpu.memory_space<vmem_shared>> -> memref<64x128xf32, #tpu.memory_space<vmem_shared>>
    tpu.wait_dma2 semaphore(%arg14 : memref<!tpu.dma_semaphore, #tpu.memory_space<semaphore_mem>>) src(%arg10 : memref<64x128xf32, #tpu.memory_space<vmem>>) dst(%dma_wait3A_214 : memref<64x128xf32, #tpu.memory_space<vmem_shared>>)
    %add3A_215 = arith.constant 576 : i32
    %add3A_216 = arith.addi %mul3A_101, %add3A_215 : i32
    %dma_wait3A_217 = arith.constant 0 : i32
    %dma_wait3A_218 = tpu.memref_slice %arg5[%add3A_216, %dma_wait3A_217] : memref<10240x128xf32, #tpu.memory_space<vmem_shared>> -> memref<64x128xf32, #tpu.memory_space<vmem_shared>>
    %dma_wait3A_219 = arith.constant 0 : i32
    %dma_wait3A_220 = tpu.memref_slice %arg5[%add3A_216, %dma_wait3A_219] : memref<10240x128xf32, #tpu.memory_space<vmem_shared>> -> memref<64x128xf32, #tpu.memory_space<vmem_shared>>
    tpu.wait_dma2 semaphore(%arg14 : memref<!tpu.dma_semaphore, #tpu.memory_space<semaphore_mem>>) src(%arg10 : memref<64x128xf32, #tpu.memory_space<vmem>>) dst(%dma_wait3A_220 : memref<64x128xf32, #tpu.memory_space<vmem_shared>>)
    %barrier3A = arith.constant 0 : index
    tpu.barrier barrier_id(%barrier3A)
    %dma_wait3A_221 = arith.constant 0 : i32
    %dma_wait3A_222 = arith.constant 0 : i32
    %dma_wait3A_223 = arith.constant 0 : i32
    %dma_wait3A_224 = arith.constant 0 : i32
    %dma_wait3A_225 = tpu.memref_slice %arg6[%dma_wait3A_222, %dma_wait3A_223, %dma_wait3A_224] : memref<2x16x125xi32, #tpu.memory_space<vmem>> -> memref<1x16x125xi32, #tpu.memory_space<vmem>>
    %dma_wait3A_226 = tpu.memref_squeeze %dma_wait3A_225 : memref<1x16x125xi32, #tpu.memory_space<vmem>> -> memref<16x125xi32, #tpu.memory_space<vmem>>
    %dma_wait3A_227 = arith.constant 0 : i32
    %dma_wait3A_228 = arith.constant 0 : i32
    %dma_wait3A_229 = tpu.memref_slice %arg2[%dma_wait3A_221, %dma_wait3A_227, %dma_wait3A_228] : memref<2x2560x125xi32, #tpu.memory_space<hbm>> -> memref<1x2560x125xi32, #tpu.memory_space<hbm>>
    %dma_wait3A_230 = tpu.memref_squeeze %dma_wait3A_229 : memref<1x2560x125xi32, #tpu.memory_space<hbm>> -> memref<2560x125xi32, #tpu.memory_space<hbm>>
    %dma_wait3A_231 = arith.constant 0 : i32
    %dma_wait3A_232 = tpu.memref_slice %dma_wait3A_230[%mul3A_2, %dma_wait3A_231] : memref<2560x125xi32, #tpu.memory_space<hbm>> -> memref<16x125xi32, #tpu.memory_space<hbm>>
    %dma_wait3A_233 = arith.constant 0 : i32
    %dma_wait3A_234 = arith.constant 0 : i32
    %dma_wait3A_235 = tpu.memref_slice %arg6[%dma_wait3A_222, %dma_wait3A_233, %dma_wait3A_234] : memref<2x16x125xi32, #tpu.memory_space<vmem>> -> memref<1x16x125xi32, #tpu.memory_space<vmem>>
    %dma_wait3A_236 = tpu.memref_squeeze %dma_wait3A_235 : memref<1x16x125xi32, #tpu.memory_space<vmem>> -> memref<16x125xi32, #tpu.memory_space<vmem>>
    %dma_wait3A_237 = arith.constant 0 : i32
    %dma_wait3A_238 = arith.constant 0 : i32
    %dma_wait3A_239 = tpu.memref_slice %arg2[%dma_wait3A_221, %dma_wait3A_237, %dma_wait3A_238] : memref<2x2560x125xi32, #tpu.memory_space<hbm>> -> memref<1x2560x125xi32, #tpu.memory_space<hbm>>
    %dma_wait3A_240 = tpu.memref_squeeze %dma_wait3A_239 : memref<1x2560x125xi32, #tpu.memory_space<hbm>> -> memref<2560x125xi32, #tpu.memory_space<hbm>>
    %dma_wait3A_241 = arith.constant 0 : i32
    %dma_wait3A_242 = tpu.memref_slice %dma_wait3A_240[%mul3A_2, %dma_wait3A_241] : memref<2560x125xi32, #tpu.memory_space<hbm>> -> memref<16x125xi32, #tpu.memory_space<hbm>>
    tpu.wait_dma2 semaphore(%arg11 : memref<!tpu.dma_semaphore, #tpu.memory_space<semaphore_mem>>) src(%dma_wait3A_242 : memref<16x125xi32, #tpu.memory_space<hbm>>) dst(%dma_wait3A_236 : memref<16x125xi32, #tpu.memory_space<vmem>>)
    %dma_wait3A_243 = arith.constant 1 : i32
    %dma_wait3A_244 = arith.constant 0 : i32
    %dma_wait3A_245 = arith.constant 0 : i32
    %dma_wait3A_246 = arith.constant 0 : i32
    %dma_wait3A_247 = tpu.memref_slice %arg7[%dma_wait3A_244, %dma_wait3A_245, %dma_wait3A_246] : memref<2x16x125xi32, #tpu.memory_space<vmem>> -> memref<1x16x125xi32, #tpu.memory_space<vmem>>
    %dma_wait3A_248 = tpu.memref_squeeze %dma_wait3A_247 : memref<1x16x125xi32, #tpu.memory_space<vmem>> -> memref<16x125xi32, #tpu.memory_space<vmem>>
    %dma_wait3A_249 = arith.constant 0 : i32
    %dma_wait3A_250 = arith.constant 0 : i32
    %dma_wait3A_251 = tpu.memref_slice %arg2[%dma_wait3A_243, %dma_wait3A_249, %dma_wait3A_250] : memref<2x2560x125xi32, #tpu.memory_space<hbm>> -> memref<1x2560x125xi32, #tpu.memory_space<hbm>>
    %dma_wait3A_252 = tpu.memref_squeeze %dma_wait3A_251 : memref<1x2560x125xi32, #tpu.memory_space<hbm>> -> memref<2560x125xi32, #tpu.memory_space<hbm>>
    %dma_wait3A_253 = arith.constant 0 : i32
    %dma_wait3A_254 = tpu.memref_slice %dma_wait3A_252[%mul3A_2, %dma_wait3A_253] : memref<2560x125xi32, #tpu.memory_space<hbm>> -> memref<16x125xi32, #tpu.memory_space<hbm>>
    %dma_wait3A_255 = arith.constant 0 : i32
    %dma_wait3A_256 = arith.constant 0 : i32
    %dma_wait3A_257 = tpu.memref_slice %arg7[%dma_wait3A_244, %dma_wait3A_255, %dma_wait3A_256] : memref<2x16x125xi32, #tpu.memory_space<vmem>> -> memref<1x16x125xi32, #tpu.memory_space<vmem>>
    %dma_wait3A_258 = tpu.memref_squeeze %dma_wait3A_257 : memref<1x16x125xi32, #tpu.memory_space<vmem>> -> memref<16x125xi32, #tpu.memory_space<vmem>>
    %dma_wait3A_259 = arith.constant 0 : i32
    %dma_wait3A_260 = arith.constant 0 : i32
    %dma_wait3A_261 = tpu.memref_slice %arg2[%dma_wait3A_243, %dma_wait3A_259, %dma_wait3A_260] : memref<2x2560x125xi32, #tpu.memory_space<hbm>> -> memref<1x2560x125xi32, #tpu.memory_space<hbm>>
    %dma_wait3A_262 = tpu.memref_squeeze %dma_wait3A_261 : memref<1x2560x125xi32, #tpu.memory_space<hbm>> -> memref<2560x125xi32, #tpu.memory_space<hbm>>
    %dma_wait3A_263 = arith.constant 0 : i32
    %dma_wait3A_264 = tpu.memref_slice %dma_wait3A_262[%mul3A_2, %dma_wait3A_263] : memref<2560x125xi32, #tpu.memory_space<hbm>> -> memref<16x125xi32, #tpu.memory_space<hbm>>
    tpu.wait_dma2 semaphore(%arg11 : memref<!tpu.dma_semaphore, #tpu.memory_space<semaphore_mem>>) src(%dma_wait3A_264 : memref<16x125xi32, #tpu.memory_space<hbm>>) dst(%dma_wait3A_258 : memref<16x125xi32, #tpu.memory_space<vmem>>)
    %dma_start3A_265 = arith.constant 0 : i32
    %dma_start3A_266 = arith.constant 0 : i32
    %dma_start3A_267 = arith.constant 0 : i32
    %dma_start3A_268 = tpu.memref_slice %arg6[%dma_start3A_265, %dma_start3A_266, %dma_start3A_267] : memref<2x16x125xi32, #tpu.memory_space<vmem>> -> memref<1x1x125xi32, #tpu.memory_space<vmem>>
    %dma_start3A_269 = tpu.memref_squeeze %dma_start3A_268 : memref<1x1x125xi32, #tpu.memory_space<vmem>> -> memref<125xi32, #tpu.memory_space<vmem>>
    %dma_start3A_270 = arith.constant 0 : i32
    %dma_start3A_271 = arith.constant 0 : i32
    %dma_start3A_272 = tpu.memref_slice %arg3[%dma_start3A_270, %dma_start3A_271] : memref<10000x128xf32, #tpu.memory_space<hbm>> -> memref<10000x128xf32, #tpu.memory_space<hbm>>
    tpu.enqueue_indirect_dma source(%dma_start3A_272 : memref<10000x128xf32, #tpu.memory_space<hbm>>) target(%arg8 : memref<125x128xf32, #tpu.memory_space<vmem>>) offsets(%dma_start3A_269 : memref<125xi32, #tpu.memory_space<vmem>>) semaphore(%arg11 : memref<!tpu.dma_semaphore, #tpu.memory_space<semaphore_mem>>)
    %scan3A_273 = arith.constant 0 : i32
    %scan3A_274 = arith.constant 0 : i32
    %scan3A_275 = arith.constant 8 : i32
    %scan3A_276 = arith.addi %scan3A_274, %scan3A_275 : i32
    %scan3A_277 = arith.constant 1 : i32
    %scan3A_278 = scf.for %scan3A_738 = %scan3A_274 to %scan3A_276 step %scan3A_277 iter_args(%scan3A_739 = %scan3A_273) -> (i32)  : i32 {
      %mul3A_740 = arith.constant 2 : i32
      %mul3A_741 = arith.muli %mul3A_740, %scan3A_738 : i32
      %add3A_742 = arith.constant 1 : i32
      %add3A_743 = arith.addi %mul3A_741, %add3A_742 : i32
      %dma_start3A_744 = arith.constant 0 : i32
      %dma_start3A_745 = arith.constant 0 : i32
      %dma_start3A_746 = tpu.memref_slice %arg6[%dma_start3A_744, %add3A_743, %dma_start3A_745] : memref<2x16x125xi32, #tpu.memory_space<vmem>> -> memref<1x1x125xi32, #tpu.memory_space<vmem>>
      %dma_start3A_747 = tpu.memref_squeeze %dma_start3A_746 : memref<1x1x125xi32, #tpu.memory_space<vmem>> -> memref<125xi32, #tpu.memory_space<vmem>>
      %dma_start3A_748 = arith.constant 0 : i32
      %dma_start3A_749 = arith.constant 0 : i32
      %dma_start3A_750 = tpu.memref_slice %arg3[%dma_start3A_748, %dma_start3A_749] : memref<10000x128xf32, #tpu.memory_space<hbm>> -> memref<10000x128xf32, #tpu.memory_space<hbm>>
      tpu.enqueue_indirect_dma source(%dma_start3A_750 : memref<10000x128xf32, #tpu.memory_space<hbm>>) target(%arg9 : memref<125x128xf32, #tpu.memory_space<vmem>>) offsets(%dma_start3A_747 : memref<125xi32, #tpu.memory_space<vmem>>) semaphore(%arg12 : memref<!tpu.dma_semaphore, #tpu.memory_space<semaphore_mem>>)
      %dma_wait3A_751 = arith.constant 0 : i32
      %dma_wait3A_752 = arith.constant 0 : i32
      %dma_wait3A_753 = tpu.memref_slice %arg6[%dma_wait3A_751, %mul3A_741, %dma_wait3A_752] : memref<2x16x125xi32, #tpu.memory_space<vmem>> -> memref<1x1x125xi32, #tpu.memory_space<vmem>>
      %dma_wait3A_754 = tpu.memref_squeeze %dma_wait3A_753 : memref<1x1x125xi32, #tpu.memory_space<vmem>> -> memref<125xi32, #tpu.memory_space<vmem>>
      %dma_wait3A_755 = arith.constant 0 : i32
      %dma_wait3A_756 = arith.constant 0 : i32
      %dma_wait3A_757 = tpu.memref_slice %arg3[%dma_wait3A_755, %dma_wait3A_756] : memref<10000x128xf32, #tpu.memory_space<hbm>> -> memref<10000x128xf32, #tpu.memory_space<hbm>>
      tpu.wait_indirect_dma semaphore(%arg11 : memref<!tpu.dma_semaphore, #tpu.memory_space<semaphore_mem>>) src(%dma_wait3A_757 : memref<10000x128xf32, #tpu.memory_space<hbm>>) dst(%arg8 : memref<125x128xf32, #tpu.memory_space<vmem>>)
      %run_scoped3A = arith.constant 0 : i32
      "tpu.region"() ({
        %run_scoped3A_775 = tpu.sem_alloc : memref<!tpu.dma_semaphore, #tpu.memory_space<semaphore_mem>>
        %dma_start3A_776 = arith.constant 0 : i32
        %dma_start3A_777 = tpu.memref_slice %arg7[%run_scoped3A, %mul3A_741, %dma_start3A_776] : memref<2x16x125xi32, #tpu.memory_space<vmem>> -> memref<1x1x125xi32, #tpu.memory_space<vmem>>
        %dma_start3A_778 = tpu.memref_squeeze %dma_start3A_777 : memref<1x1x125xi32, #tpu.memory_space<vmem>> -> memref<125xi32, #tpu.memory_space<vmem>>
        %dma_start3A_779 = arith.constant 0 : i32
        %dma_start3A_780 = arith.constant 0 : i32
        %dma_start3A_781 = tpu.memref_slice %arg5[%dma_start3A_779, %dma_start3A_780] : memref<10240x128xf32, #tpu.memory_space<vmem_shared>> -> memref<10240x128xf32, #tpu.memory_space<vmem_shared>>
        tpu.enqueue_indirect_dma source(%arg8 : memref<125x128xf32, #tpu.memory_space<vmem>>) target(%dma_start3A_781 : memref<10240x128xf32, #tpu.memory_space<vmem_shared>>) offsets(%dma_start3A_778 : memref<125xi32, #tpu.memory_space<vmem>>) semaphore(%run_scoped3A_775 : memref<!tpu.dma_semaphore, #tpu.memory_space<semaphore_mem>>) {add = true}
        %dma_wait3A_782 = arith.constant 0 : i32
        %dma_wait3A_783 = tpu.memref_slice %arg7[%run_scoped3A, %mul3A_741, %dma_wait3A_782] : memref<2x16x125xi32, #tpu.memory_space<vmem>> -> memref<1x1x125xi32, #tpu.memory_space<vmem>>
        %dma_wait3A_784 = tpu.memref_squeeze %dma_wait3A_783 : memref<1x1x125xi32, #tpu.memory_space<vmem>> -> memref<125xi32, #tpu.memory_space<vmem>>
        %dma_wait3A_785 = arith.constant 0 : i32
        %dma_wait3A_786 = arith.constant 0 : i32
        %dma_wait3A_787 = tpu.memref_slice %arg5[%dma_wait3A_785, %dma_wait3A_786] : memref<10240x128xf32, #tpu.memory_space<vmem_shared>> -> memref<10240x128xf32, #tpu.memory_space<vmem_shared>>
        tpu.wait_indirect_dma semaphore(%run_scoped3A_775 : memref<!tpu.dma_semaphore, #tpu.memory_space<semaphore_mem>>) src(%arg8 : memref<125x128xf32, #tpu.memory_space<vmem>>) dst(%dma_wait3A_787 : memref<10240x128xf32, #tpu.memory_space<vmem_shared>>)
        tpu.yield
      }) : () -> ()
      %add3A_758 = arith.constant 2 : i32
      %add3A_759 = arith.addi %mul3A_741, %add3A_758 : i32
      %lt3A = arith.constant 16 : i32
      %lt3A_760 = arith.cmpi slt, %add3A_759, %lt3A : i32
      %convert_element_type3A = arith.extui %lt3A_760 : i1 to i32
      %cond3A = arith.constant 0 : i32
      %cond3A_761 = arith.cmpi ne, %convert_element_type3A, %cond3A : i32
      scf.if %cond3A_761 {
        %add3A_775 = arith.constant 2 : i32
        %add3A_776 = arith.addi %mul3A_741, %add3A_775 : i32
        %dma_start3A_777 = arith.constant 0 : i32
        %dma_start3A_778 = arith.constant 0 : i32
        %dma_start3A_779 = tpu.memref_slice %arg6[%dma_start3A_777, %add3A_776, %dma_start3A_778] : memref<2x16x125xi32, #tpu.memory_space<vmem>> -> memref<1x1x125xi32, #tpu.memory_space<vmem>>
        %dma_start3A_780 = tpu.memref_squeeze %dma_start3A_779 : memref<1x1x125xi32, #tpu.memory_space<vmem>> -> memref<125xi32, #tpu.memory_space<vmem>>
        %dma_start3A_781 = arith.constant 0 : i32
        %dma_start3A_782 = arith.constant 0 : i32
        %dma_start3A_783 = tpu.memref_slice %arg3[%dma_start3A_781, %dma_start3A_782] : memref<10000x128xf32, #tpu.memory_space<hbm>> -> memref<10000x128xf32, #tpu.memory_space<hbm>>
        tpu.enqueue_indirect_dma source(%dma_start3A_783 : memref<10000x128xf32, #tpu.memory_space<hbm>>) target(%arg8 : memref<125x128xf32, #tpu.memory_space<vmem>>) offsets(%dma_start3A_780 : memref<125xi32, #tpu.memory_space<vmem>>) semaphore(%arg11 : memref<!tpu.dma_semaphore, #tpu.memory_space<semaphore_mem>>)
      } else {
      }
      %add3A_762 = arith.constant 1 : i32
      %add3A_763 = arith.addi %mul3A_741, %add3A_762 : i32
      %dma_wait3A_764 = arith.constant 0 : i32
      %dma_wait3A_765 = arith.constant 0 : i32
      %dma_wait3A_766 = tpu.memref_slice %arg6[%dma_wait3A_764, %add3A_763, %dma_wait3A_765] : memref<2x16x125xi32, #tpu.memory_space<vmem>> -> memref<1x1x125xi32, #tpu.memory_space<vmem>>
      %dma_wait3A_767 = tpu.memref_squeeze %dma_wait3A_766 : memref<1x1x125xi32, #tpu.memory_space<vmem>> -> memref<125xi32, #tpu.memory_space<vmem>>
      %dma_wait3A_768 = arith.constant 0 : i32
      %dma_wait3A_769 = arith.constant 0 : i32
      %dma_wait3A_770 = tpu.memref_slice %arg3[%dma_wait3A_768, %dma_wait3A_769] : memref<10000x128xf32, #tpu.memory_space<hbm>> -> memref<10000x128xf32, #tpu.memory_space<hbm>>
      tpu.wait_indirect_dma semaphore(%arg12 : memref<!tpu.dma_semaphore, #tpu.memory_space<semaphore_mem>>) src(%dma_wait3A_770 : memref<10000x128xf32, #tpu.memory_space<hbm>>) dst(%arg9 : memref<125x128xf32, #tpu.memory_space<vmem>>)
      %add3A_771 = arith.constant 1 : i32
      %add3A_772 = arith.addi %mul3A_741, %add3A_771 : i32
      %run_scoped3A_773 = arith.constant 0 : i32
      "tpu.region"() ({
        %run_scoped3A_775 = tpu.sem_alloc : memref<!tpu.dma_semaphore, #tpu.memory_space<semaphore_mem>>
        %dma_start3A_776 = arith.constant 0 : i32
        %dma_start3A_777 = tpu.memref_slice %arg7[%run_scoped3A_773, %add3A_772, %dma_start3A_776] : memref<2x16x125xi32, #tpu.memory_space<vmem>> -> memref<1x1x125xi32, #tpu.memory_space<vmem>>
        %dma_start3A_778 = tpu.memref_squeeze %dma_start3A_777 : memref<1x1x125xi32, #tpu.memory_space<vmem>> -> memref<125xi32, #tpu.memory_space<vmem>>
        %dma_start3A_779 = arith.constant 0 : i32
        %dma_start3A_780 = arith.constant 0 : i32
        %dma_start3A_781 = tpu.memref_slice %arg5[%dma_start3A_779, %dma_start3A_780] : memref<10240x128xf32, #tpu.memory_space<vmem_shared>> -> memref<10240x128xf32, #tpu.memory_space<vmem_shared>>
        tpu.enqueue_indirect_dma source(%arg9 : memref<125x128xf32, #tpu.memory_space<vmem>>) target(%dma_start3A_781 : memref<10240x128xf32, #tpu.memory_space<vmem_shared>>) offsets(%dma_start3A_778 : memref<125xi32, #tpu.memory_space<vmem>>) semaphore(%run_scoped3A_775 : memref<!tpu.dma_semaphore, #tpu.memory_space<semaphore_mem>>) {add = true}
        %dma_wait3A_782 = arith.constant 0 : i32
        %dma_wait3A_783 = tpu.memref_slice %arg7[%run_scoped3A_773, %add3A_772, %dma_wait3A_782] : memref<2x16x125xi32, #tpu.memory_space<vmem>> -> memref<1x1x125xi32, #tpu.memory_space<vmem>>
        %dma_wait3A_784 = tpu.memref_squeeze %dma_wait3A_783 : memref<1x1x125xi32, #tpu.memory_space<vmem>> -> memref<125xi32, #tpu.memory_space<vmem>>
        %dma_wait3A_785 = arith.constant 0 : i32
        %dma_wait3A_786 = arith.constant 0 : i32
        %dma_wait3A_787 = tpu.memref_slice %arg5[%dma_wait3A_785, %dma_wait3A_786] : memref<10240x128xf32, #tpu.memory_space<vmem_shared>> -> memref<10240x128xf32, #tpu.memory_space<vmem_shared>>
        tpu.wait_indirect_dma semaphore(%run_scoped3A_775 : memref<!tpu.dma_semaphore, #tpu.memory_space<semaphore_mem>>) src(%arg9 : memref<125x128xf32, #tpu.memory_space<vmem>>) dst(%dma_wait3A_787 : memref<10240x128xf32, #tpu.memory_space<vmem_shared>>)
        tpu.yield
      }) : () -> ()
      %scan3A_774 = arith.constant 0 : i32
      scf.yield %scan3A_774 : i32
    }
    %scan3A_279 = arith.constant 8 : i32
    %dma_wait3A_280 = arith.constant 0 : i32
    %dma_wait3A_281 = arith.constant 1 : i32
    %dma_wait3A_282 = arith.constant 0 : i32
    %dma_wait3A_283 = arith.constant 0 : i32
    %dma_wait3A_284 = tpu.memref_slice %arg6[%dma_wait3A_281, %dma_wait3A_282, %dma_wait3A_283] : memref<2x16x125xi32, #tpu.memory_space<vmem>> -> memref<1x16x125xi32, #tpu.memory_space<vmem>>
    %dma_wait3A_285 = tpu.memref_squeeze %dma_wait3A_284 : memref<1x16x125xi32, #tpu.memory_space<vmem>> -> memref<16x125xi32, #tpu.memory_space<vmem>>
    %dma_wait3A_286 = arith.constant 0 : i32
    %dma_wait3A_287 = arith.constant 0 : i32
    %dma_wait3A_288 = tpu.memref_slice %arg2[%dma_wait3A_280, %dma_wait3A_286, %dma_wait3A_287] : memref<2x2560x125xi32, #tpu.memory_space<hbm>> -> memref<1x2560x125xi32, #tpu.memory_space<hbm>>
    %dma_wait3A_289 = tpu.memref_squeeze %dma_wait3A_288 : memref<1x2560x125xi32, #tpu.memory_space<hbm>> -> memref<2560x125xi32, #tpu.memory_space<hbm>>
    %dma_wait3A_290 = arith.constant 0 : i32
    %dma_wait3A_291 = tpu.memref_slice %dma_wait3A_289[%mul3A_2, %dma_wait3A_290] : memref<2560x125xi32, #tpu.memory_space<hbm>> -> memref<16x125xi32, #tpu.memory_space<hbm>>
    %dma_wait3A_292 = arith.constant 0 : i32
    %dma_wait3A_293 = arith.constant 0 : i32
    %dma_wait3A_294 = tpu.memref_slice %arg6[%dma_wait3A_281, %dma_wait3A_292, %dma_wait3A_293] : memref<2x16x125xi32, #tpu.memory_space<vmem>> -> memref<1x16x125xi32, #tpu.memory_space<vmem>>
    %dma_wait3A_295 = tpu.memref_squeeze %dma_wait3A_294 : memref<1x16x125xi32, #tpu.memory_space<vmem>> -> memref<16x125xi32, #tpu.memory_space<vmem>>
    %dma_wait3A_296 = arith.constant 0 : i32
    %dma_wait3A_297 = arith.constant 0 : i32
    %dma_wait3A_298 = tpu.memref_slice %arg2[%dma_wait3A_280, %dma_wait3A_296, %dma_wait3A_297] : memref<2x2560x125xi32, #tpu.memory_space<hbm>> -> memref<1x2560x125xi32, #tpu.memory_space<hbm>>
    %dma_wait3A_299 = tpu.memref_squeeze %dma_wait3A_298 : memref<1x2560x125xi32, #tpu.memory_space<hbm>> -> memref<2560x125xi32, #tpu.memory_space<hbm>>
    %dma_wait3A_300 = arith.constant 0 : i32
    %dma_wait3A_301 = tpu.memref_slice %dma_wait3A_299[%mul3A_2, %dma_wait3A_300] : memref<2560x125xi32, #tpu.memory_space<hbm>> -> memref<16x125xi32, #tpu.memory_space<hbm>>
    tpu.wait_dma2 semaphore(%arg13 : memref<!tpu.dma_semaphore, #tpu.memory_space<semaphore_mem>>) src(%dma_wait3A_301 : memref<16x125xi32, #tpu.memory_space<hbm>>) dst(%dma_wait3A_295 : memref<16x125xi32, #tpu.memory_space<vmem>>)
    %dma_wait3A_302 = arith.constant 1 : i32
    %dma_wait3A_303 = arith.constant 1 : i32
    %dma_wait3A_304 = arith.constant 0 : i32
    %dma_wait3A_305 = arith.constant 0 : i32
    %dma_wait3A_306 = tpu.memref_slice %arg7[%dma_wait3A_303, %dma_wait3A_304, %dma_wait3A_305] : memref<2x16x125xi32, #tpu.memory_space<vmem>> -> memref<1x16x125xi32, #tpu.memory_space<vmem>>
    %dma_wait3A_307 = tpu.memref_squeeze %dma_wait3A_306 : memref<1x16x125xi32, #tpu.memory_space<vmem>> -> memref<16x125xi32, #tpu.memory_space<vmem>>
    %dma_wait3A_308 = arith.constant 0 : i32
    %dma_wait3A_309 = arith.constant 0 : i32
    %dma_wait3A_310 = tpu.memref_slice %arg2[%dma_wait3A_302, %dma_wait3A_308, %dma_wait3A_309] : memref<2x2560x125xi32, #tpu.memory_space<hbm>> -> memref<1x2560x125xi32, #tpu.memory_space<hbm>>
    %dma_wait3A_311 = tpu.memref_squeeze %dma_wait3A_310 : memref<1x2560x125xi32, #tpu.memory_space<hbm>> -> memref<2560x125xi32, #tpu.memory_space<hbm>>
    %dma_wait3A_312 = arith.constant 0 : i32
    %dma_wait3A_313 = tpu.memref_slice %dma_wait3A_311[%mul3A_2, %dma_wait3A_312] : memref<2560x125xi32, #tpu.memory_space<hbm>> -> memref<16x125xi32, #tpu.memory_space<hbm>>
    %dma_wait3A_314 = arith.constant 0 : i32
    %dma_wait3A_315 = arith.constant 0 : i32
    %dma_wait3A_316 = tpu.memref_slice %arg7[%dma_wait3A_303, %dma_wait3A_314, %dma_wait3A_315] : memref<2x16x125xi32, #tpu.memory_space<vmem>> -> memref<1x16x125xi32, #tpu.memory_space<vmem>>
    %dma_wait3A_317 = tpu.memref_squeeze %dma_wait3A_316 : memref<1x16x125xi32, #tpu.memory_space<vmem>> -> memref<16x125xi32, #tpu.memory_space<vmem>>
    %dma_wait3A_318 = arith.constant 0 : i32
    %dma_wait3A_319 = arith.constant 0 : i32
    %dma_wait3A_320 = tpu.memref_slice %arg2[%dma_wait3A_302, %dma_wait3A_318, %dma_wait3A_319] : memref<2x2560x125xi32, #tpu.memory_space<hbm>> -> memref<1x2560x125xi32, #tpu.memory_space<hbm>>
    %dma_wait3A_321 = tpu.memref_squeeze %dma_wait3A_320 : memref<1x2560x125xi32, #tpu.memory_space<hbm>> -> memref<2560x125xi32, #tpu.memory_space<hbm>>
    %dma_wait3A_322 = arith.constant 0 : i32
    %dma_wait3A_323 = tpu.memref_slice %dma_wait3A_321[%mul3A_2, %dma_wait3A_322] : memref<2560x125xi32, #tpu.memory_space<hbm>> -> memref<16x125xi32, #tpu.memory_space<hbm>>
    tpu.wait_dma2 semaphore(%arg13 : memref<!tpu.dma_semaphore, #tpu.memory_space<semaphore_mem>>) src(%dma_wait3A_323 : memref<16x125xi32, #tpu.memory_space<hbm>>) dst(%dma_wait3A_317 : memref<16x125xi32, #tpu.memory_space<vmem>>)
    %dma_start3A_324 = arith.constant 1 : i32
    %dma_start3A_325 = arith.constant 0 : i32
    %dma_start3A_326 = arith.constant 0 : i32
    %dma_start3A_327 = tpu.memref_slice %arg6[%dma_start3A_324, %dma_start3A_325, %dma_start3A_326] : memref<2x16x125xi32, #tpu.memory_space<vmem>> -> memref<1x1x125xi32, #tpu.memory_space<vmem>>
    %dma_start3A_328 = tpu.memref_squeeze %dma_start3A_327 : memref<1x1x125xi32, #tpu.memory_space<vmem>> -> memref<125xi32, #tpu.memory_space<vmem>>
    %dma_start3A_329 = arith.constant 0 : i32
    %dma_start3A_330 = arith.constant 0 : i32
    %dma_start3A_331 = tpu.memref_slice %arg3[%dma_start3A_329, %dma_start3A_330] : memref<10000x128xf32, #tpu.memory_space<hbm>> -> memref<10000x128xf32, #tpu.memory_space<hbm>>
    tpu.enqueue_indirect_dma source(%dma_start3A_331 : memref<10000x128xf32, #tpu.memory_space<hbm>>) target(%arg8 : memref<125x128xf32, #tpu.memory_space<vmem>>) offsets(%dma_start3A_328 : memref<125xi32, #tpu.memory_space<vmem>>) semaphore(%arg11 : memref<!tpu.dma_semaphore, #tpu.memory_space<semaphore_mem>>)
    %add3A_332 = arith.constant 32 : i32
    %add3A_333 = arith.addi %mul3A_2, %add3A_332 : i32
    %dma_start3A_334 = arith.constant 0 : i32
    %dma_start3A_335 = arith.constant 0 : i32
    %dma_start3A_336 = arith.constant 0 : i32
    %dma_start3A_337 = arith.constant 0 : i32
    %dma_start3A_338 = tpu.memref_slice %arg6[%dma_start3A_335, %dma_start3A_336, %dma_start3A_337] : memref<2x16x125xi32, #tpu.memory_space<vmem>> -> memref<1x16x125xi32, #tpu.memory_space<vmem>>
    %dma_start3A_339 = tpu.memref_squeeze %dma_start3A_338 : memref<1x16x125xi32, #tpu.memory_space<vmem>> -> memref<16x125xi32, #tpu.memory_space<vmem>>
    %dma_start3A_340 = arith.constant 0 : i32
    %dma_start3A_341 = arith.constant 0 : i32
    %dma_start3A_342 = tpu.memref_slice %arg2[%dma_start3A_334, %dma_start3A_340, %dma_start3A_341] : memref<2x2560x125xi32, #tpu.memory_space<hbm>> -> memref<1x2560x125xi32, #tpu.memory_space<hbm>>
    %dma_start3A_343 = tpu.memref_squeeze %dma_start3A_342 : memref<1x2560x125xi32, #tpu.memory_space<hbm>> -> memref<2560x125xi32, #tpu.memory_space<hbm>>
    %dma_start3A_344 = arith.constant 0 : i32
    %dma_start3A_345 = tpu.memref_slice %dma_start3A_343[%add3A_333, %dma_start3A_344] : memref<2560x125xi32, #tpu.memory_space<hbm>> -> memref<16x125xi32, #tpu.memory_space<hbm>>
    %dma_start3A_346 = arith.constant 0 : i32
    %dma_start3A_347 = arith.constant 0 : i32
    %dma_start3A_348 = tpu.memref_slice %arg6[%dma_start3A_335, %dma_start3A_346, %dma_start3A_347] : memref<2x16x125xi32, #tpu.memory_space<vmem>> -> memref<1x16x125xi32, #tpu.memory_space<vmem>>
    %dma_start3A_349 = tpu.memref_squeeze %dma_start3A_348 : memref<1x16x125xi32, #tpu.memory_space<vmem>> -> memref<16x125xi32, #tpu.memory_space<vmem>>
    %dma_start3A_350 = arith.constant 0 : i32
    %dma_start3A_351 = arith.constant 0 : i32
    %dma_start3A_352 = tpu.memref_slice %arg2[%dma_start3A_334, %dma_start3A_350, %dma_start3A_351] : memref<2x2560x125xi32, #tpu.memory_space<hbm>> -> memref<1x2560x125xi32, #tpu.memory_space<hbm>>
    %dma_start3A_353 = tpu.memref_squeeze %dma_start3A_352 : memref<1x2560x125xi32, #tpu.memory_space<hbm>> -> memref<2560x125xi32, #tpu.memory_space<hbm>>
    %dma_start3A_354 = arith.constant 0 : i32
    %dma_start3A_355 = tpu.memref_slice %dma_start3A_353[%add3A_333, %dma_start3A_354] : memref<2560x125xi32, #tpu.memory_space<hbm>> -> memref<16x125xi32, #tpu.memory_space<hbm>>
    tpu.enqueue_dma source(%dma_start3A_355 : memref<16x125xi32, #tpu.memory_space<hbm>>) target(%dma_start3A_349 : memref<16x125xi32, #tpu.memory_space<vmem>>) target_semaphore(%arg13 : memref<!tpu.dma_semaphore, #tpu.memory_space<semaphore_mem>>)
    %dma_start3A_356 = arith.constant 1 : i32
    %dma_start3A_357 = arith.constant 0 : i32
    %dma_start3A_358 = arith.constant 0 : i32
    %dma_start3A_359 = arith.constant 0 : i32
    %dma_start3A_360 = tpu.memref_slice %arg7[%dma_start3A_357, %dma_start3A_358, %dma_start3A_359] : memref<2x16x125xi32, #tpu.memory_space<vmem>> -> memref<1x16x125xi32, #tpu.memory_space<vmem>>
    %dma_start3A_361 = tpu.memref_squeeze %dma_start3A_360 : memref<1x16x125xi32, #tpu.memory_space<vmem>> -> memref<16x125xi32, #tpu.memory_space<vmem>>
    %dma_start3A_362 = arith.constant 0 : i32
    %dma_start3A_363 = arith.constant 0 : i32
    %dma_start3A_364 = tpu.memref_slice %arg2[%dma_start3A_356, %dma_start3A_362, %dma_start3A_363] : memref<2x2560x125xi32, #tpu.memory_space<hbm>> -> memref<1x2560x125xi32, #tpu.memory_space<hbm>>
    %dma_start3A_365 = tpu.memref_squeeze %dma_start3A_364 : memref<1x2560x125xi32, #tpu.memory_space<hbm>> -> memref<2560x125xi32, #tpu.memory_space<hbm>>
    %dma_start3A_366 = arith.constant 0 : i32
    %dma_start3A_367 = tpu.memref_slice %dma_start3A_365[%add3A_333, %dma_start3A_366] : memref<2560x125xi32, #tpu.memory_space<hbm>> -> memref<16x125xi32, #tpu.memory_space<hbm>>
    %dma_start3A_368 = arith.constant 0 : i32
    %dma_start3A_369 = arith.constant 0 : i32
    %dma_start3A_370 = tpu.memref_slice %arg7[%dma_start3A_357, %dma_start3A_368, %dma_start3A_369] : memref<2x16x125xi32, #tpu.memory_space<vmem>> -> memref<1x16x125xi32, #tpu.memory_space<vmem>>
    %dma_start3A_371 = tpu.memref_squeeze %dma_start3A_370 : memref<1x16x125xi32, #tpu.memory_space<vmem>> -> memref<16x125xi32, #tpu.memory_space<vmem>>
    %dma_start3A_372 = arith.constant 0 : i32
    %dma_start3A_373 = arith.constant 0 : i32
    %dma_start3A_374 = tpu.memref_slice %arg2[%dma_start3A_356, %dma_start3A_372, %dma_start3A_373] : memref<2x2560x125xi32, #tpu.memory_space<hbm>> -> memref<1x2560x125xi32, #tpu.memory_space<hbm>>
    %dma_start3A_375 = tpu.memref_squeeze %dma_start3A_374 : memref<1x2560x125xi32, #tpu.memory_space<hbm>> -> memref<2560x125xi32, #tpu.memory_space<hbm>>
    %dma_start3A_376 = arith.constant 0 : i32
    %dma_start3A_377 = tpu.memref_slice %dma_start3A_375[%add3A_333, %dma_start3A_376] : memref<2560x125xi32, #tpu.memory_space<hbm>> -> memref<16x125xi32, #tpu.memory_space<hbm>>
    tpu.enqueue_dma source(%dma_start3A_377 : memref<16x125xi32, #tpu.memory_space<hbm>>) target(%dma_start3A_371 : memref<16x125xi32, #tpu.memory_space<vmem>>) target_semaphore(%arg13 : memref<!tpu.dma_semaphore, #tpu.memory_space<semaphore_mem>>)
    %scan3A_378 = arith.constant 0 : i32
    %scan3A_379 = arith.constant 0 : i32
    %scan3A_380 = arith.constant 8 : i32
    %scan3A_381 = arith.addi %scan3A_379, %scan3A_380 : i32
    %scan3A_382 = arith.constant 1 : i32
    %scan3A_383 = scf.for %scan3A_738 = %scan3A_379 to %scan3A_381 step %scan3A_382 iter_args(%scan3A_739 = %scan3A_378) -> (i32)  : i32 {
      %mul3A_740 = arith.constant 2 : i32
      %mul3A_741 = arith.muli %mul3A_740, %scan3A_738 : i32
      %add3A_742 = arith.constant 1 : i32
      %add3A_743 = arith.addi %mul3A_741, %add3A_742 : i32
      %dma_start3A_744 = arith.constant 1 : i32
      %dma_start3A_745 = arith.constant 0 : i32
      %dma_start3A_746 = tpu.memref_slice %arg6[%dma_start3A_744, %add3A_743, %dma_start3A_745] : memref<2x16x125xi32, #tpu.memory_space<vmem>> -> memref<1x1x125xi32, #tpu.memory_space<vmem>>
      %dma_start3A_747 = tpu.memref_squeeze %dma_start3A_746 : memref<1x1x125xi32, #tpu.memory_space<vmem>> -> memref<125xi32, #tpu.memory_space<vmem>>
      %dma_start3A_748 = arith.constant 0 : i32
      %dma_start3A_749 = arith.constant 0 : i32
      %dma_start3A_750 = tpu.memref_slice %arg3[%dma_start3A_748, %dma_start3A_749] : memref<10000x128xf32, #tpu.memory_space<hbm>> -> memref<10000x128xf32, #tpu.memory_space<hbm>>
      tpu.enqueue_indirect_dma source(%dma_start3A_750 : memref<10000x128xf32, #tpu.memory_space<hbm>>) target(%arg9 : memref<125x128xf32, #tpu.memory_space<vmem>>) offsets(%dma_start3A_747 : memref<125xi32, #tpu.memory_space<vmem>>) semaphore(%arg12 : memref<!tpu.dma_semaphore, #tpu.memory_space<semaphore_mem>>)
      %dma_wait3A_751 = arith.constant 1 : i32
      %dma_wait3A_752 = arith.constant 0 : i32
      %dma_wait3A_753 = tpu.memref_slice %arg6[%dma_wait3A_751, %mul3A_741, %dma_wait3A_752] : memref<2x16x125xi32, #tpu.memory_space<vmem>> -> memref<1x1x125xi32, #tpu.memory_space<vmem>>
      %dma_wait3A_754 = tpu.memref_squeeze %dma_wait3A_753 : memref<1x1x125xi32, #tpu.memory_space<vmem>> -> memref<125xi32, #tpu.memory_space<vmem>>
      %dma_wait3A_755 = arith.constant 0 : i32
      %dma_wait3A_756 = arith.constant 0 : i32
      %dma_wait3A_757 = tpu.memref_slice %arg3[%dma_wait3A_755, %dma_wait3A_756] : memref<10000x128xf32, #tpu.memory_space<hbm>> -> memref<10000x128xf32, #tpu.memory_space<hbm>>
      tpu.wait_indirect_dma semaphore(%arg11 : memref<!tpu.dma_semaphore, #tpu.memory_space<semaphore_mem>>) src(%dma_wait3A_757 : memref<10000x128xf32, #tpu.memory_space<hbm>>) dst(%arg8 : memref<125x128xf32, #tpu.memory_space<vmem>>)
      %run_scoped3A = arith.constant 1 : i32
      "tpu.region"() ({
        %run_scoped3A_775 = tpu.sem_alloc : memref<!tpu.dma_semaphore, #tpu.memory_space<semaphore_mem>>
        %dma_start3A_776 = arith.constant 0 : i32
        %dma_start3A_777 = tpu.memref_slice %arg7[%run_scoped3A, %mul3A_741, %dma_start3A_776] : memref<2x16x125xi32, #tpu.memory_space<vmem>> -> memref<1x1x125xi32, #tpu.memory_space<vmem>>
        %dma_start3A_778 = tpu.memref_squeeze %dma_start3A_777 : memref<1x1x125xi32, #tpu.memory_space<vmem>> -> memref<125xi32, #tpu.memory_space<vmem>>
        %dma_start3A_779 = arith.constant 0 : i32
        %dma_start3A_780 = arith.constant 0 : i32
        %dma_start3A_781 = tpu.memref_slice %arg5[%dma_start3A_779, %dma_start3A_780] : memref<10240x128xf32, #tpu.memory_space<vmem_shared>> -> memref<10240x128xf32, #tpu.memory_space<vmem_shared>>
        tpu.enqueue_indirect_dma source(%arg8 : memref<125x128xf32, #tpu.memory_space<vmem>>) target(%dma_start3A_781 : memref<10240x128xf32, #tpu.memory_space<vmem_shared>>) offsets(%dma_start3A_778 : memref<125xi32, #tpu.memory_space<vmem>>) semaphore(%run_scoped3A_775 : memref<!tpu.dma_semaphore, #tpu.memory_space<semaphore_mem>>) {add = true}
        %dma_wait3A_782 = arith.constant 0 : i32
        %dma_wait3A_783 = tpu.memref_slice %arg7[%run_scoped3A, %mul3A_741, %dma_wait3A_782] : memref<2x16x125xi32, #tpu.memory_space<vmem>> -> memref<1x1x125xi32, #tpu.memory_space<vmem>>
        %dma_wait3A_784 = tpu.memref_squeeze %dma_wait3A_783 : memref<1x1x125xi32, #tpu.memory_space<vmem>> -> memref<125xi32, #tpu.memory_space<vmem>>
        %dma_wait3A_785 = arith.constant 0 : i32
        %dma_wait3A_786 = arith.constant 0 : i32
        %dma_wait3A_787 = tpu.memref_slice %arg5[%dma_wait3A_785, %dma_wait3A_786] : memref<10240x128xf32, #tpu.memory_space<vmem_shared>> -> memref<10240x128xf32, #tpu.memory_space<vmem_shared>>
        tpu.wait_indirect_dma semaphore(%run_scoped3A_775 : memref<!tpu.dma_semaphore, #tpu.memory_space<semaphore_mem>>) src(%arg8 : memref<125x128xf32, #tpu.memory_space<vmem>>) dst(%dma_wait3A_787 : memref<10240x128xf32, #tpu.memory_space<vmem_shared>>)
        tpu.yield
      }) : () -> ()
      %add3A_758 = arith.constant 2 : i32
      %add3A_759 = arith.addi %mul3A_741, %add3A_758 : i32
      %lt3A = arith.constant 16 : i32
      %lt3A_760 = arith.cmpi slt, %add3A_759, %lt3A : i32
      %convert_element_type3A = arith.extui %lt3A_760 : i1 to i32
      %cond3A = arith.constant 0 : i32
      %cond3A_761 = arith.cmpi ne, %convert_element_type3A, %cond3A : i32
      scf.if %cond3A_761 {
        %add3A_775 = arith.constant 2 : i32
        %add3A_776 = arith.addi %mul3A_741, %add3A_775 : i32
        %dma_start3A_777 = arith.constant 1 : i32
        %dma_start3A_778 = arith.constant 0 : i32
        %dma_start3A_779 = tpu.memref_slice %arg6[%dma_start3A_777, %add3A_776, %dma_start3A_778] : memref<2x16x125xi32, #tpu.memory_space<vmem>> -> memref<1x1x125xi32, #tpu.memory_space<vmem>>
        %dma_start3A_780 = tpu.memref_squeeze %dma_start3A_779 : memref<1x1x125xi32, #tpu.memory_space<vmem>> -> memref<125xi32, #tpu.memory_space<vmem>>
        %dma_start3A_781 = arith.constant 0 : i32
        %dma_start3A_782 = arith.constant 0 : i32
        %dma_start3A_783 = tpu.memref_slice %arg3[%dma_start3A_781, %dma_start3A_782] : memref<10000x128xf32, #tpu.memory_space<hbm>> -> memref<10000x128xf32, #tpu.memory_space<hbm>>
        tpu.enqueue_indirect_dma source(%dma_start3A_783 : memref<10000x128xf32, #tpu.memory_space<hbm>>) target(%arg8 : memref<125x128xf32, #tpu.memory_space<vmem>>) offsets(%dma_start3A_780 : memref<125xi32, #tpu.memory_space<vmem>>) semaphore(%arg11 : memref<!tpu.dma_semaphore, #tpu.memory_space<semaphore_mem>>)
      } else {
      }
      %add3A_762 = arith.constant 1 : i32
      %add3A_763 = arith.addi %mul3A_741, %add3A_762 : i32
      %dma_wait3A_764 = arith.constant 1 : i32
      %dma_wait3A_765 = arith.constant 0 : i32
      %dma_wait3A_766 = tpu.memref_slice %arg6[%dma_wait3A_764, %add3A_763, %dma_wait3A_765] : memref<2x16x125xi32, #tpu.memory_space<vmem>> -> memref<1x1x125xi32, #tpu.memory_space<vmem>>
      %dma_wait3A_767 = tpu.memref_squeeze %dma_wait3A_766 : memref<1x1x125xi32, #tpu.memory_space<vmem>> -> memref<125xi32, #tpu.memory_space<vmem>>
      %dma_wait3A_768 = arith.constant 0 : i32
      %dma_wait3A_769 = arith.constant 0 : i32
      %dma_wait3A_770 = tpu.memref_slice %arg3[%dma_wait3A_768, %dma_wait3A_769] : memref<10000x128xf32, #tpu.memory_space<hbm>> -> memref<10000x128xf32, #tpu.memory_space<hbm>>
      tpu.wait_indirect_dma semaphore(%arg12 : memref<!tpu.dma_semaphore, #tpu.memory_space<semaphore_mem>>) src(%dma_wait3A_770 : memref<10000x128xf32, #tpu.memory_space<hbm>>) dst(%arg9 : memref<125x128xf32, #tpu.memory_space<vmem>>)
      %add3A_771 = arith.constant 1 : i32
      %add3A_772 = arith.addi %mul3A_741, %add3A_771 : i32
      %run_scoped3A_773 = arith.constant 1 : i32
      "tpu.region"() ({
        %run_scoped3A_775 = tpu.sem_alloc : memref<!tpu.dma_semaphore, #tpu.memory_space<semaphore_mem>>
        %dma_start3A_776 = arith.constant 0 : i32
        %dma_start3A_777 = tpu.memref_slice %arg7[%run_scoped3A_773, %add3A_772, %dma_start3A_776] : memref<2x16x125xi32, #tpu.memory_space<vmem>> -> memref<1x1x125xi32, #tpu.memory_space<vmem>>
        %dma_start3A_778 = tpu.memref_squeeze %dma_start3A_777 : memref<1x1x125xi32, #tpu.memory_space<vmem>> -> memref<125xi32, #tpu.memory_space<vmem>>
        %dma_start3A_779 = arith.constant 0 : i32
        %dma_start3A_780 = arith.constant 0 : i32
        %dma_start3A_781 = tpu.memref_slice %arg5[%dma_start3A_779, %dma_start3A_780] : memref<10240x128xf32, #tpu.memory_space<vmem_shared>> -> memref<10240x128xf32, #tpu.memory_space<vmem_shared>>
        tpu.enqueue_indirect_dma source(%arg9 : memref<125x128xf32, #tpu.memory_space<vmem>>) target(%dma_start3A_781 : memref<10240x128xf32, #tpu.memory_space<vmem_shared>>) offsets(%dma_start3A_778 : memref<125xi32, #tpu.memory_space<vmem>>) semaphore(%run_scoped3A_775 : memref<!tpu.dma_semaphore, #tpu.memory_space<semaphore_mem>>) {add = true}
        %dma_wait3A_782 = arith.constant 0 : i32
        %dma_wait3A_783 = tpu.memref_slice %arg7[%run_scoped3A_773, %add3A_772, %dma_wait3A_782] : memref<2x16x125xi32, #tpu.memory_space<vmem>> -> memref<1x1x125xi32, #tpu.memory_space<vmem>>
        %dma_wait3A_784 = tpu.memref_squeeze %dma_wait3A_783 : memref<1x1x125xi32, #tpu.memory_space<vmem>> -> memref<125xi32, #tpu.memory_space<vmem>>
        %dma_wait3A_785 = arith.constant 0 : i32
        %dma_wait3A_786 = arith.constant 0 : i32
        %dma_wait3A_787 = tpu.memref_slice %arg5[%dma_wait3A_785, %dma_wait3A_786] : memref<10240x128xf32, #tpu.memory_space<vmem_shared>> -> memref<10240x128xf32, #tpu.memory_space<vmem_shared>>
        tpu.wait_indirect_dma semaphore(%run_scoped3A_775 : memref<!tpu.dma_semaphore, #tpu.memory_space<semaphore_mem>>) src(%arg9 : memref<125x128xf32, #tpu.memory_space<vmem>>) dst(%dma_wait3A_787 : memref<10240x128xf32, #tpu.memory_space<vmem_shared>>)
        tpu.yield
      }) : () -> ()
      %scan3A_774 = arith.constant 0 : i32
      scf.yield %scan3A_774 : i32
    }
    %scan3A_384 = arith.constant 8 : i32
    %dma_wait3A_385 = arith.constant 0 : i32
    %dma_wait3A_386 = arith.constant 0 : i32
    %dma_wait3A_387 = arith.constant 0 : i32
    %dma_wait3A_388 = arith.constant 0 : i32
    %dma_wait3A_389 = tpu.memref_slice %arg6[%dma_wait3A_386, %dma_wait3A_387, %dma_wait3A_388] : memref<2x16x125xi32, #tpu.memory_space<vmem>> -> memref<1x16x125xi32, #tpu.memory_space<vmem>>
    %dma_wait3A_390 = tpu.memref_squeeze %dma_wait3A_389 : memref<1x16x125xi32, #tpu.memory_space<vmem>> -> memref<16x125xi32, #tpu.memory_space<vmem>>
    %dma_wait3A_391 = arith.constant 0 : i32
    %dma_wait3A_392 = arith.constant 0 : i32
    %dma_wait3A_393 = tpu.memref_slice %arg2[%dma_wait3A_385, %dma_wait3A_391, %dma_wait3A_392] : memref<2x2560x125xi32, #tpu.memory_space<hbm>> -> memref<1x2560x125xi32, #tpu.memory_space<hbm>>
    %dma_wait3A_394 = tpu.memref_squeeze %dma_wait3A_393 : memref<1x2560x125xi32, #tpu.memory_space<hbm>> -> memref<2560x125xi32, #tpu.memory_space<hbm>>
    %dma_wait3A_395 = arith.constant 0 : i32
    %dma_wait3A_396 = tpu.memref_slice %dma_wait3A_394[%mul3A_2, %dma_wait3A_395] : memref<2560x125xi32, #tpu.memory_space<hbm>> -> memref<16x125xi32, #tpu.memory_space<hbm>>
    %dma_wait3A_397 = arith.constant 0 : i32
    %dma_wait3A_398 = arith.constant 0 : i32
    %dma_wait3A_399 = tpu.memref_slice %arg6[%dma_wait3A_386, %dma_wait3A_397, %dma_wait3A_398] : memref<2x16x125xi32, #tpu.memory_space<vmem>> -> memref<1x16x125xi32, #tpu.memory_space<vmem>>
    %dma_wait3A_400 = tpu.memref_squeeze %dma_wait3A_399 : memref<1x16x125xi32, #tpu.memory_space<vmem>> -> memref<16x125xi32, #tpu.memory_space<vmem>>
    %dma_wait3A_401 = arith.constant 0 : i32
    %dma_wait3A_402 = arith.constant 0 : i32
    %dma_wait3A_403 = tpu.memref_slice %arg2[%dma_wait3A_385, %dma_wait3A_401, %dma_wait3A_402] : memref<2x2560x125xi32, #tpu.memory_space<hbm>> -> memref<1x2560x125xi32, #tpu.memory_space<hbm>>
    %dma_wait3A_404 = tpu.memref_squeeze %dma_wait3A_403 : memref<1x2560x125xi32, #tpu.memory_space<hbm>> -> memref<2560x125xi32, #tpu.memory_space<hbm>>
    %dma_wait3A_405 = arith.constant 0 : i32
    %dma_wait3A_406 = tpu.memref_slice %dma_wait3A_404[%mul3A_2, %dma_wait3A_405] : memref<2560x125xi32, #tpu.memory_space<hbm>> -> memref<16x125xi32, #tpu.memory_space<hbm>>
    tpu.wait_dma2 semaphore(%arg13 : memref<!tpu.dma_semaphore, #tpu.memory_space<semaphore_mem>>) src(%dma_wait3A_406 : memref<16x125xi32, #tpu.memory_space<hbm>>) dst(%dma_wait3A_400 : memref<16x125xi32, #tpu.memory_space<vmem>>)
    %dma_wait3A_407 = arith.constant 1 : i32
    %dma_wait3A_408 = arith.constant 0 : i32
    %dma_wait3A_409 = arith.constant 0 : i32
    %dma_wait3A_410 = arith.constant 0 : i32
    %dma_wait3A_411 = tpu.memref_slice %arg7[%dma_wait3A_408, %dma_wait3A_409, %dma_wait3A_410] : memref<2x16x125xi32, #tpu.memory_space<vmem>> -> memref<1x16x125xi32, #tpu.memory_space<vmem>>
    %dma_wait3A_412 = tpu.memref_squeeze %dma_wait3A_411 : memref<1x16x125xi32, #tpu.memory_space<vmem>> -> memref<16x125xi32, #tpu.memory_space<vmem>>
    %dma_wait3A_413 = arith.constant 0 : i32
    %dma_wait3A_414 = arith.constant 0 : i32
    %dma_wait3A_415 = tpu.memref_slice %arg2[%dma_wait3A_407, %dma_wait3A_413, %dma_wait3A_414] : memref<2x2560x125xi32, #tpu.memory_space<hbm>> -> memref<1x2560x125xi32, #tpu.memory_space<hbm>>
    %dma_wait3A_416 = tpu.memref_squeeze %dma_wait3A_415 : memref<1x2560x125xi32, #tpu.memory_space<hbm>> -> memref<2560x125xi32, #tpu.memory_space<hbm>>
    %dma_wait3A_417 = arith.constant 0 : i32
    %dma_wait3A_418 = tpu.memref_slice %dma_wait3A_416[%mul3A_2, %dma_wait3A_417] : memref<2560x125xi32, #tpu.memory_space<hbm>> -> memref<16x125xi32, #tpu.memory_space<hbm>>
    %dma_wait3A_419 = arith.constant 0 : i32
    %dma_wait3A_420 = arith.constant 0 : i32
    %dma_wait3A_421 = tpu.memref_slice %arg7[%dma_wait3A_408, %dma_wait3A_419, %dma_wait3A_420] : memref<2x16x125xi32, #tpu.memory_space<vmem>> -> memref<1x16x125xi32, #tpu.memory_space<vmem>>
    %dma_wait3A_422 = tpu.memref_squeeze %dma_wait3A_421 : memref<1x16x125xi32, #tpu.memory_space<vmem>> -> memref<16x125xi32, #tpu.memory_space<vmem>>
    %dma_wait3A_423 = arith.constant 0 : i32
    %dma_wait3A_424 = arith.constant 0 : i32
    %dma_wait3A_425 = tpu.memref_slice %arg2[%dma_wait3A_407, %dma_wait3A_423, %dma_wait3A_424] : memref<2x2560x125xi32, #tpu.memory_space<hbm>> -> memref<1x2560x125xi32, #tpu.memory_space<hbm>>
    %dma_wait3A_426 = tpu.memref_squeeze %dma_wait3A_425 : memref<1x2560x125xi32, #tpu.memory_space<hbm>> -> memref<2560x125xi32, #tpu.memory_space<hbm>>
    %dma_wait3A_427 = arith.constant 0 : i32
    %dma_wait3A_428 = tpu.memref_slice %dma_wait3A_426[%mul3A_2, %dma_wait3A_427] : memref<2560x125xi32, #tpu.memory_space<hbm>> -> memref<16x125xi32, #tpu.memory_space<hbm>>
    tpu.wait_dma2 semaphore(%arg13 : memref<!tpu.dma_semaphore, #tpu.memory_space<semaphore_mem>>) src(%dma_wait3A_428 : memref<16x125xi32, #tpu.memory_space<hbm>>) dst(%dma_wait3A_422 : memref<16x125xi32, #tpu.memory_space<vmem>>)
    %dma_start3A_429 = arith.constant 0 : i32
    %dma_start3A_430 = arith.constant 0 : i32
    %dma_start3A_431 = arith.constant 0 : i32
    %dma_start3A_432 = tpu.memref_slice %arg6[%dma_start3A_429, %dma_start3A_430, %dma_start3A_431] : memref<2x16x125xi32, #tpu.memory_space<vmem>> -> memref<1x1x125xi32, #tpu.memory_space<vmem>>
    %dma_start3A_433 = tpu.memref_squeeze %dma_start3A_432 : memref<1x1x125xi32, #tpu.memory_space<vmem>> -> memref<125xi32, #tpu.memory_space<vmem>>
    %dma_start3A_434 = arith.constant 0 : i32
    %dma_start3A_435 = arith.constant 0 : i32
    %dma_start3A_436 = tpu.memref_slice %arg3[%dma_start3A_434, %dma_start3A_435] : memref<10000x128xf32, #tpu.memory_space<hbm>> -> memref<10000x128xf32, #tpu.memory_space<hbm>>
    tpu.enqueue_indirect_dma source(%dma_start3A_436 : memref<10000x128xf32, #tpu.memory_space<hbm>>) target(%arg8 : memref<125x128xf32, #tpu.memory_space<vmem>>) offsets(%dma_start3A_433 : memref<125xi32, #tpu.memory_space<vmem>>) semaphore(%arg11 : memref<!tpu.dma_semaphore, #tpu.memory_space<semaphore_mem>>)
    %add3A_437 = arith.constant 48 : i32
    %add3A_438 = arith.addi %mul3A_2, %add3A_437 : i32
    %dma_start3A_439 = arith.constant 0 : i32
    %dma_start3A_440 = arith.constant 1 : i32
    %dma_start3A_441 = arith.constant 0 : i32
    %dma_start3A_442 = arith.constant 0 : i32
    %dma_start3A_443 = tpu.memref_slice %arg6[%dma_start3A_440, %dma_start3A_441, %dma_start3A_442] : memref<2x16x125xi32, #tpu.memory_space<vmem>> -> memref<1x16x125xi32, #tpu.memory_space<vmem>>
    %dma_start3A_444 = tpu.memref_squeeze %dma_start3A_443 : memref<1x16x125xi32, #tpu.memory_space<vmem>> -> memref<16x125xi32, #tpu.memory_space<vmem>>
    %dma_start3A_445 = arith.constant 0 : i32
    %dma_start3A_446 = arith.constant 0 : i32
    %dma_start3A_447 = tpu.memref_slice %arg2[%dma_start3A_439, %dma_start3A_445, %dma_start3A_446] : memref<2x2560x125xi32, #tpu.memory_space<hbm>> -> memref<1x2560x125xi32, #tpu.memory_space<hbm>>
    %dma_start3A_448 = tpu.memref_squeeze %dma_start3A_447 : memref<1x2560x125xi32, #tpu.memory_space<hbm>> -> memref<2560x125xi32, #tpu.memory_space<hbm>>
    %dma_start3A_449 = arith.constant 0 : i32
    %dma_start3A_450 = tpu.memref_slice %dma_start3A_448[%add3A_438, %dma_start3A_449] : memref<2560x125xi32, #tpu.memory_space<hbm>> -> memref<16x125xi32, #tpu.memory_space<hbm>>
    %dma_start3A_451 = arith.constant 0 : i32
    %dma_start3A_452 = arith.constant 0 : i32
    %dma_start3A_453 = tpu.memref_slice %arg6[%dma_start3A_440, %dma_start3A_451, %dma_start3A_452] : memref<2x16x125xi32, #tpu.memory_space<vmem>> -> memref<1x16x125xi32, #tpu.memory_space<vmem>>
    %dma_start3A_454 = tpu.memref_squeeze %dma_start3A_453 : memref<1x16x125xi32, #tpu.memory_space<vmem>> -> memref<16x125xi32, #tpu.memory_space<vmem>>
    %dma_start3A_455 = arith.constant 0 : i32
    %dma_start3A_456 = arith.constant 0 : i32
    %dma_start3A_457 = tpu.memref_slice %arg2[%dma_start3A_439, %dma_start3A_455, %dma_start3A_456] : memref<2x2560x125xi32, #tpu.memory_space<hbm>> -> memref<1x2560x125xi32, #tpu.memory_space<hbm>>
    %dma_start3A_458 = tpu.memref_squeeze %dma_start3A_457 : memref<1x2560x125xi32, #tpu.memory_space<hbm>> -> memref<2560x125xi32, #tpu.memory_space<hbm>>
    %dma_start3A_459 = arith.constant 0 : i32
    %dma_start3A_460 = tpu.memref_slice %dma_start3A_458[%add3A_438, %dma_start3A_459] : memref<2560x125xi32, #tpu.memory_space<hbm>> -> memref<16x125xi32, #tpu.memory_space<hbm>>
    tpu.enqueue_dma source(%dma_start3A_460 : memref<16x125xi32, #tpu.memory_space<hbm>>) target(%dma_start3A_454 : memref<16x125xi32, #tpu.memory_space<vmem>>) target_semaphore(%arg13 : memref<!tpu.dma_semaphore, #tpu.memory_space<semaphore_mem>>)
    %dma_start3A_461 = arith.constant 1 : i32
    %dma_start3A_462 = arith.constant 1 : i32
    %dma_start3A_463 = arith.constant 0 : i32
    %dma_start3A_464 = arith.constant 0 : i32
    %dma_start3A_465 = tpu.memref_slice %arg7[%dma_start3A_462, %dma_start3A_463, %dma_start3A_464] : memref<2x16x125xi32, #tpu.memory_space<vmem>> -> memref<1x16x125xi32, #tpu.memory_space<vmem>>
    %dma_start3A_466 = tpu.memref_squeeze %dma_start3A_465 : memref<1x16x125xi32, #tpu.memory_space<vmem>> -> memref<16x125xi32, #tpu.memory_space<vmem>>
    %dma_start3A_467 = arith.constant 0 : i32
    %dma_start3A_468 = arith.constant 0 : i32
    %dma_start3A_469 = tpu.memref_slice %arg2[%dma_start3A_461, %dma_start3A_467, %dma_start3A_468] : memref<2x2560x125xi32, #tpu.memory_space<hbm>> -> memref<1x2560x125xi32, #tpu.memory_space<hbm>>
    %dma_start3A_470 = tpu.memref_squeeze %dma_start3A_469 : memref<1x2560x125xi32, #tpu.memory_space<hbm>> -> memref<2560x125xi32, #tpu.memory_space<hbm>>
    %dma_start3A_471 = arith.constant 0 : i32
    %dma_start3A_472 = tpu.memref_slice %dma_start3A_470[%add3A_438, %dma_start3A_471] : memref<2560x125xi32, #tpu.memory_space<hbm>> -> memref<16x125xi32, #tpu.memory_space<hbm>>
    %dma_start3A_473 = arith.constant 0 : i32
    %dma_start3A_474 = arith.constant 0 : i32
    %dma_start3A_475 = tpu.memref_slice %arg7[%dma_start3A_462, %dma_start3A_473, %dma_start3A_474] : memref<2x16x125xi32, #tpu.memory_space<vmem>> -> memref<1x16x125xi32, #tpu.memory_space<vmem>>
    %dma_start3A_476 = tpu.memref_squeeze %dma_start3A_475 : memref<1x16x125xi32, #tpu.memory_space<vmem>> -> memref<16x125xi32, #tpu.memory_space<vmem>>
    %dma_start3A_477 = arith.constant 0 : i32
    %dma_start3A_478 = arith.constant 0 : i32
    %dma_start3A_479 = tpu.memref_slice %arg2[%dma_start3A_461, %dma_start3A_477, %dma_start3A_478] : memref<2x2560x125xi32, #tpu.memory_space<hbm>> -> memref<1x2560x125xi32, #tpu.memory_space<hbm>>
    %dma_start3A_480 = tpu.memref_squeeze %dma_start3A_479 : memref<1x2560x125xi32, #tpu.memory_space<hbm>> -> memref<2560x125xi32, #tpu.memory_space<hbm>>
    %dma_start3A_481 = arith.constant 0 : i32
    %dma_start3A_482 = tpu.memref_slice %dma_start3A_480[%add3A_438, %dma_start3A_481] : memref<2560x125xi32, #tpu.memory_space<hbm>> -> memref<16x125xi32, #tpu.memory_space<hbm>>
    tpu.enqueue_dma source(%dma_start3A_482 : memref<16x125xi32, #tpu.memory_space<hbm>>) target(%dma_start3A_476 : memref<16x125xi32, #tpu.memory_space<vmem>>) target_semaphore(%arg13 : memref<!tpu.dma_semaphore, #tpu.memory_space<semaphore_mem>>)
    %scan3A_483 = arith.constant 0 : i32
    %scan3A_484 = arith.constant 0 : i32
    %scan3A_485 = arith.constant 8 : i32
    %scan3A_486 = arith.addi %scan3A_484, %scan3A_485 : i32
    %scan3A_487 = arith.constant 1 : i32
    %scan3A_488 = scf.for %scan3A_738 = %scan3A_484 to %scan3A_486 step %scan3A_487 iter_args(%scan3A_739 = %scan3A_483) -> (i32)  : i32 {
      %mul3A_740 = arith.constant 2 : i32
      %mul3A_741 = arith.muli %mul3A_740, %scan3A_738 : i32
      %add3A_742 = arith.constant 1 : i32
      %add3A_743 = arith.addi %mul3A_741, %add3A_742 : i32
      %dma_start3A_744 = arith.constant 0 : i32
      %dma_start3A_745 = arith.constant 0 : i32
      %dma_start3A_746 = tpu.memref_slice %arg6[%dma_start3A_744, %add3A_743, %dma_start3A_745] : memref<2x16x125xi32, #tpu.memory_space<vmem>> -> memref<1x1x125xi32, #tpu.memory_space<vmem>>
      %dma_start3A_747 = tpu.memref_squeeze %dma_start3A_746 : memref<1x1x125xi32, #tpu.memory_space<vmem>> -> memref<125xi32, #tpu.memory_space<vmem>>
      %dma_start3A_748 = arith.constant 0 : i32
      %dma_start3A_749 = arith.constant 0 : i32
      %dma_start3A_750 = tpu.memref_slice %arg3[%dma_start3A_748, %dma_start3A_749] : memref<10000x128xf32, #tpu.memory_space<hbm>> -> memref<10000x128xf32, #tpu.memory_space<hbm>>
      tpu.enqueue_indirect_dma source(%dma_start3A_750 : memref<10000x128xf32, #tpu.memory_space<hbm>>) target(%arg9 : memref<125x128xf32, #tpu.memory_space<vmem>>) offsets(%dma_start3A_747 : memref<125xi32, #tpu.memory_space<vmem>>) semaphore(%arg12 : memref<!tpu.dma_semaphore, #tpu.memory_space<semaphore_mem>>)
      %dma_wait3A_751 = arith.constant 0 : i32
      %dma_wait3A_752 = arith.constant 0 : i32
      %dma_wait3A_753 = tpu.memref_slice %arg6[%dma_wait3A_751, %mul3A_741, %dma_wait3A_752] : memref<2x16x125xi32, #tpu.memory_space<vmem>> -> memref<1x1x125xi32, #tpu.memory_space<vmem>>
      %dma_wait3A_754 = tpu.memref_squeeze %dma_wait3A_753 : memref<1x1x125xi32, #tpu.memory_space<vmem>> -> memref<125xi32, #tpu.memory_space<vmem>>
      %dma_wait3A_755 = arith.constant 0 : i32
      %dma_wait3A_756 = arith.constant 0 : i32
      %dma_wait3A_757 = tpu.memref_slice %arg3[%dma_wait3A_755, %dma_wait3A_756] : memref<10000x128xf32, #tpu.memory_space<hbm>> -> memref<10000x128xf32, #tpu.memory_space<hbm>>
      tpu.wait_indirect_dma semaphore(%arg11 : memref<!tpu.dma_semaphore, #tpu.memory_space<semaphore_mem>>) src(%dma_wait3A_757 : memref<10000x128xf32, #tpu.memory_space<hbm>>) dst(%arg8 : memref<125x128xf32, #tpu.memory_space<vmem>>)
      %run_scoped3A = arith.constant 0 : i32
      "tpu.region"() ({
        %run_scoped3A_775 = tpu.sem_alloc : memref<!tpu.dma_semaphore, #tpu.memory_space<semaphore_mem>>
        %dma_start3A_776 = arith.constant 0 : i32
        %dma_start3A_777 = tpu.memref_slice %arg7[%run_scoped3A, %mul3A_741, %dma_start3A_776] : memref<2x16x125xi32, #tpu.memory_space<vmem>> -> memref<1x1x125xi32, #tpu.memory_space<vmem>>
        %dma_start3A_778 = tpu.memref_squeeze %dma_start3A_777 : memref<1x1x125xi32, #tpu.memory_space<vmem>> -> memref<125xi32, #tpu.memory_space<vmem>>
        %dma_start3A_779 = arith.constant 0 : i32
        %dma_start3A_780 = arith.constant 0 : i32
        %dma_start3A_781 = tpu.memref_slice %arg5[%dma_start3A_779, %dma_start3A_780] : memref<10240x128xf32, #tpu.memory_space<vmem_shared>> -> memref<10240x128xf32, #tpu.memory_space<vmem_shared>>
        tpu.enqueue_indirect_dma source(%arg8 : memref<125x128xf32, #tpu.memory_space<vmem>>) target(%dma_start3A_781 : memref<10240x128xf32, #tpu.memory_space<vmem_shared>>) offsets(%dma_start3A_778 : memref<125xi32, #tpu.memory_space<vmem>>) semaphore(%run_scoped3A_775 : memref<!tpu.dma_semaphore, #tpu.memory_space<semaphore_mem>>) {add = true}
        %dma_wait3A_782 = arith.constant 0 : i32
        %dma_wait3A_783 = tpu.memref_slice %arg7[%run_scoped3A, %mul3A_741, %dma_wait3A_782] : memref<2x16x125xi32, #tpu.memory_space<vmem>> -> memref<1x1x125xi32, #tpu.memory_space<vmem>>
        %dma_wait3A_784 = tpu.memref_squeeze %dma_wait3A_783 : memref<1x1x125xi32, #tpu.memory_space<vmem>> -> memref<125xi32, #tpu.memory_space<vmem>>
        %dma_wait3A_785 = arith.constant 0 : i32
        %dma_wait3A_786 = arith.constant 0 : i32
        %dma_wait3A_787 = tpu.memref_slice %arg5[%dma_wait3A_785, %dma_wait3A_786] : memref<10240x128xf32, #tpu.memory_space<vmem_shared>> -> memref<10240x128xf32, #tpu.memory_space<vmem_shared>>
        tpu.wait_indirect_dma semaphore(%run_scoped3A_775 : memref<!tpu.dma_semaphore, #tpu.memory_space<semaphore_mem>>) src(%arg8 : memref<125x128xf32, #tpu.memory_space<vmem>>) dst(%dma_wait3A_787 : memref<10240x128xf32, #tpu.memory_space<vmem_shared>>)
        tpu.yield
      }) : () -> ()
      %add3A_758 = arith.constant 2 : i32
      %add3A_759 = arith.addi %mul3A_741, %add3A_758 : i32
      %lt3A = arith.constant 16 : i32
      %lt3A_760 = arith.cmpi slt, %add3A_759, %lt3A : i32
      %convert_element_type3A = arith.extui %lt3A_760 : i1 to i32
      %cond3A = arith.constant 0 : i32
      %cond3A_761 = arith.cmpi ne, %convert_element_type3A, %cond3A : i32
      scf.if %cond3A_761 {
        %add3A_775 = arith.constant 2 : i32
        %add3A_776 = arith.addi %mul3A_741, %add3A_775 : i32
        %dma_start3A_777 = arith.constant 0 : i32
        %dma_start3A_778 = arith.constant 0 : i32
        %dma_start3A_779 = tpu.memref_slice %arg6[%dma_start3A_777, %add3A_776, %dma_start3A_778] : memref<2x16x125xi32, #tpu.memory_space<vmem>> -> memref<1x1x125xi32, #tpu.memory_space<vmem>>
        %dma_start3A_780 = tpu.memref_squeeze %dma_start3A_779 : memref<1x1x125xi32, #tpu.memory_space<vmem>> -> memref<125xi32, #tpu.memory_space<vmem>>
        %dma_start3A_781 = arith.constant 0 : i32
        %dma_start3A_782 = arith.constant 0 : i32
        %dma_start3A_783 = tpu.memref_slice %arg3[%dma_start3A_781, %dma_start3A_782] : memref<10000x128xf32, #tpu.memory_space<hbm>> -> memref<10000x128xf32, #tpu.memory_space<hbm>>
        tpu.enqueue_indirect_dma source(%dma_start3A_783 : memref<10000x128xf32, #tpu.memory_space<hbm>>) target(%arg8 : memref<125x128xf32, #tpu.memory_space<vmem>>) offsets(%dma_start3A_780 : memref<125xi32, #tpu.memory_space<vmem>>) semaphore(%arg11 : memref<!tpu.dma_semaphore, #tpu.memory_space<semaphore_mem>>)
      } else {
      }
      %add3A_762 = arith.constant 1 : i32
      %add3A_763 = arith.addi %mul3A_741, %add3A_762 : i32
      %dma_wait3A_764 = arith.constant 0 : i32
      %dma_wait3A_765 = arith.constant 0 : i32
      %dma_wait3A_766 = tpu.memref_slice %arg6[%dma_wait3A_764, %add3A_763, %dma_wait3A_765] : memref<2x16x125xi32, #tpu.memory_space<vmem>> -> memref<1x1x125xi32, #tpu.memory_space<vmem>>
      %dma_wait3A_767 = tpu.memref_squeeze %dma_wait3A_766 : memref<1x1x125xi32, #tpu.memory_space<vmem>> -> memref<125xi32, #tpu.memory_space<vmem>>
      %dma_wait3A_768 = arith.constant 0 : i32
      %dma_wait3A_769 = arith.constant 0 : i32
      %dma_wait3A_770 = tpu.memref_slice %arg3[%dma_wait3A_768, %dma_wait3A_769] : memref<10000x128xf32, #tpu.memory_space<hbm>> -> memref<10000x128xf32, #tpu.memory_space<hbm>>
      tpu.wait_indirect_dma semaphore(%arg12 : memref<!tpu.dma_semaphore, #tpu.memory_space<semaphore_mem>>) src(%dma_wait3A_770 : memref<10000x128xf32, #tpu.memory_space<hbm>>) dst(%arg9 : memref<125x128xf32, #tpu.memory_space<vmem>>)
      %add3A_771 = arith.constant 1 : i32
      %add3A_772 = arith.addi %mul3A_741, %add3A_771 : i32
      %run_scoped3A_773 = arith.constant 0 : i32
      "tpu.region"() ({
        %run_scoped3A_775 = tpu.sem_alloc : memref<!tpu.dma_semaphore, #tpu.memory_space<semaphore_mem>>
        %dma_start3A_776 = arith.constant 0 : i32
        %dma_start3A_777 = tpu.memref_slice %arg7[%run_scoped3A_773, %add3A_772, %dma_start3A_776] : memref<2x16x125xi32, #tpu.memory_space<vmem>> -> memref<1x1x125xi32, #tpu.memory_space<vmem>>
        %dma_start3A_778 = tpu.memref_squeeze %dma_start3A_777 : memref<1x1x125xi32, #tpu.memory_space<vmem>> -> memref<125xi32, #tpu.memory_space<vmem>>
        %dma_start3A_779 = arith.constant 0 : i32
        %dma_start3A_780 = arith.constant 0 : i32
        %dma_start3A_781 = tpu.memref_slice %arg5[%dma_start3A_779, %dma_start3A_780] : memref<10240x128xf32, #tpu.memory_space<vmem_shared>> -> memref<10240x128xf32, #tpu.memory_space<vmem_shared>>
        tpu.enqueue_indirect_dma source(%arg9 : memref<125x128xf32, #tpu.memory_space<vmem>>) target(%dma_start3A_781 : memref<10240x128xf32, #tpu.memory_space<vmem_shared>>) offsets(%dma_start3A_778 : memref<125xi32, #tpu.memory_space<vmem>>) semaphore(%run_scoped3A_775 : memref<!tpu.dma_semaphore, #tpu.memory_space<semaphore_mem>>) {add = true}
        %dma_wait3A_782 = arith.constant 0 : i32
        %dma_wait3A_783 = tpu.memref_slice %arg7[%run_scoped3A_773, %add3A_772, %dma_wait3A_782] : memref<2x16x125xi32, #tpu.memory_space<vmem>> -> memref<1x1x125xi32, #tpu.memory_space<vmem>>
        %dma_wait3A_784 = tpu.memref_squeeze %dma_wait3A_783 : memref<1x1x125xi32, #tpu.memory_space<vmem>> -> memref<125xi32, #tpu.memory_space<vmem>>
        %dma_wait3A_785 = arith.constant 0 : i32
        %dma_wait3A_786 = arith.constant 0 : i32
        %dma_wait3A_787 = tpu.memref_slice %arg5[%dma_wait3A_785, %dma_wait3A_786] : memref<10240x128xf32, #tpu.memory_space<vmem_shared>> -> memref<10240x128xf32, #tpu.memory_space<vmem_shared>>
        tpu.wait_indirect_dma semaphore(%run_scoped3A_775 : memref<!tpu.dma_semaphore, #tpu.memory_space<semaphore_mem>>) src(%arg9 : memref<125x128xf32, #tpu.memory_space<vmem>>) dst(%dma_wait3A_787 : memref<10240x128xf32, #tpu.memory_space<vmem_shared>>)
        tpu.yield
      }) : () -> ()
      %scan3A_774 = arith.constant 0 : i32
      scf.yield %scan3A_774 : i32
    }
    %scan3A_489 = arith.constant 8 : i32
    %dma_wait3A_490 = arith.constant 0 : i32
    %dma_wait3A_491 = arith.constant 1 : i32
    %dma_wait3A_492 = arith.constant 0 : i32
    %dma_wait3A_493 = arith.constant 0 : i32
    %dma_wait3A_494 = tpu.memref_slice %arg6[%dma_wait3A_491, %dma_wait3A_492, %dma_wait3A_493] : memref<2x16x125xi32, #tpu.memory_space<vmem>> -> memref<1x16x125xi32, #tpu.memory_space<vmem>>
    %dma_wait3A_495 = tpu.memref_squeeze %dma_wait3A_494 : memref<1x16x125xi32, #tpu.memory_space<vmem>> -> memref<16x125xi32, #tpu.memory_space<vmem>>
    %dma_wait3A_496 = arith.constant 0 : i32
    %dma_wait3A_497 = arith.constant 0 : i32
    %dma_wait3A_498 = tpu.memref_slice %arg2[%dma_wait3A_490, %dma_wait3A_496, %dma_wait3A_497] : memref<2x2560x125xi32, #tpu.memory_space<hbm>> -> memref<1x2560x125xi32, #tpu.memory_space<hbm>>
    %dma_wait3A_499 = tpu.memref_squeeze %dma_wait3A_498 : memref<1x2560x125xi32, #tpu.memory_space<hbm>> -> memref<2560x125xi32, #tpu.memory_space<hbm>>
    %dma_wait3A_500 = arith.constant 0 : i32
    %dma_wait3A_501 = tpu.memref_slice %dma_wait3A_499[%mul3A_2, %dma_wait3A_500] : memref<2560x125xi32, #tpu.memory_space<hbm>> -> memref<16x125xi32, #tpu.memory_space<hbm>>
    %dma_wait3A_502 = arith.constant 0 : i32
    %dma_wait3A_503 = arith.constant 0 : i32
    %dma_wait3A_504 = tpu.memref_slice %arg6[%dma_wait3A_491, %dma_wait3A_502, %dma_wait3A_503] : memref<2x16x125xi32, #tpu.memory_space<vmem>> -> memref<1x16x125xi32, #tpu.memory_space<vmem>>
    %dma_wait3A_505 = tpu.memref_squeeze %dma_wait3A_504 : memref<1x16x125xi32, #tpu.memory_space<vmem>> -> memref<16x125xi32, #tpu.memory_space<vmem>>
    %dma_wait3A_506 = arith.constant 0 : i32
    %dma_wait3A_507 = arith.constant 0 : i32
    %dma_wait3A_508 = tpu.memref_slice %arg2[%dma_wait3A_490, %dma_wait3A_506, %dma_wait3A_507] : memref<2x2560x125xi32, #tpu.memory_space<hbm>> -> memref<1x2560x125xi32, #tpu.memory_space<hbm>>
    %dma_wait3A_509 = tpu.memref_squeeze %dma_wait3A_508 : memref<1x2560x125xi32, #tpu.memory_space<hbm>> -> memref<2560x125xi32, #tpu.memory_space<hbm>>
    %dma_wait3A_510 = arith.constant 0 : i32
    %dma_wait3A_511 = tpu.memref_slice %dma_wait3A_509[%mul3A_2, %dma_wait3A_510] : memref<2560x125xi32, #tpu.memory_space<hbm>> -> memref<16x125xi32, #tpu.memory_space<hbm>>
    tpu.wait_dma2 semaphore(%arg13 : memref<!tpu.dma_semaphore, #tpu.memory_space<semaphore_mem>>) src(%dma_wait3A_511 : memref<16x125xi32, #tpu.memory_space<hbm>>) dst(%dma_wait3A_505 : memref<16x125xi32, #tpu.memory_space<vmem>>)
    %dma_wait3A_512 = arith.constant 1 : i32
    %dma_wait3A_513 = arith.constant 1 : i32
    %dma_wait3A_514 = arith.constant 0 : i32
    %dma_wait3A_515 = arith.constant 0 : i32
    %dma_wait3A_516 = tpu.memref_slice %arg7[%dma_wait3A_513, %dma_wait3A_514, %dma_wait3A_515] : memref<2x16x125xi32, #tpu.memory_space<vmem>> -> memref<1x16x125xi32, #tpu.memory_space<vmem>>
    %dma_wait3A_517 = tpu.memref_squeeze %dma_wait3A_516 : memref<1x16x125xi32, #tpu.memory_space<vmem>> -> memref<16x125xi32, #tpu.memory_space<vmem>>
    %dma_wait3A_518 = arith.constant 0 : i32
    %dma_wait3A_519 = arith.constant 0 : i32
    %dma_wait3A_520 = tpu.memref_slice %arg2[%dma_wait3A_512, %dma_wait3A_518, %dma_wait3A_519] : memref<2x2560x125xi32, #tpu.memory_space<hbm>> -> memref<1x2560x125xi32, #tpu.memory_space<hbm>>
    %dma_wait3A_521 = tpu.memref_squeeze %dma_wait3A_520 : memref<1x2560x125xi32, #tpu.memory_space<hbm>> -> memref<2560x125xi32, #tpu.memory_space<hbm>>
    %dma_wait3A_522 = arith.constant 0 : i32
    %dma_wait3A_523 = tpu.memref_slice %dma_wait3A_521[%mul3A_2, %dma_wait3A_522] : memref<2560x125xi32, #tpu.memory_space<hbm>> -> memref<16x125xi32, #tpu.memory_space<hbm>>
    %dma_wait3A_524 = arith.constant 0 : i32
    %dma_wait3A_525 = arith.constant 0 : i32
    %dma_wait3A_526 = tpu.memref_slice %arg7[%dma_wait3A_513, %dma_wait3A_524, %dma_wait3A_525] : memref<2x16x125xi32, #tpu.memory_space<vmem>> -> memref<1x16x125xi32, #tpu.memory_space<vmem>>
    %dma_wait3A_527 = tpu.memref_squeeze %dma_wait3A_526 : memref<1x16x125xi32, #tpu.memory_space<vmem>> -> memref<16x125xi32, #tpu.memory_space<vmem>>
    %dma_wait3A_528 = arith.constant 0 : i32
    %dma_wait3A_529 = arith.constant 0 : i32
    %dma_wait3A_530 = tpu.memref_slice %arg2[%dma_wait3A_512, %dma_wait3A_528, %dma_wait3A_529] : memref<2x2560x125xi32, #tpu.memory_space<hbm>> -> memref<1x2560x125xi32, #tpu.memory_space<hbm>>
    %dma_wait3A_531 = tpu.memref_squeeze %dma_wait3A_530 : memref<1x2560x125xi32, #tpu.memory_space<hbm>> -> memref<2560x125xi32, #tpu.memory_space<hbm>>
    %dma_wait3A_532 = arith.constant 0 : i32
    %dma_wait3A_533 = tpu.memref_slice %dma_wait3A_531[%mul3A_2, %dma_wait3A_532] : memref<2560x125xi32, #tpu.memory_space<hbm>> -> memref<16x125xi32, #tpu.memory_space<hbm>>
    tpu.wait_dma2 semaphore(%arg13 : memref<!tpu.dma_semaphore, #tpu.memory_space<semaphore_mem>>) src(%dma_wait3A_533 : memref<16x125xi32, #tpu.memory_space<hbm>>) dst(%dma_wait3A_527 : memref<16x125xi32, #tpu.memory_space<vmem>>)
    %dma_start3A_534 = arith.constant 1 : i32
    %dma_start3A_535 = arith.constant 0 : i32
    %dma_start3A_536 = arith.constant 0 : i32
    %dma_start3A_537 = tpu.memref_slice %arg6[%dma_start3A_534, %dma_start3A_535, %dma_start3A_536] : memref<2x16x125xi32, #tpu.memory_space<vmem>> -> memref<1x1x125xi32, #tpu.memory_space<vmem>>
    %dma_start3A_538 = tpu.memref_squeeze %dma_start3A_537 : memref<1x1x125xi32, #tpu.memory_space<vmem>> -> memref<125xi32, #tpu.memory_space<vmem>>
    %dma_start3A_539 = arith.constant 0 : i32
    %dma_start3A_540 = arith.constant 0 : i32
    %dma_start3A_541 = tpu.memref_slice %arg3[%dma_start3A_539, %dma_start3A_540] : memref<10000x128xf32, #tpu.memory_space<hbm>> -> memref<10000x128xf32, #tpu.memory_space<hbm>>
    tpu.enqueue_indirect_dma source(%dma_start3A_541 : memref<10000x128xf32, #tpu.memory_space<hbm>>) target(%arg8 : memref<125x128xf32, #tpu.memory_space<vmem>>) offsets(%dma_start3A_538 : memref<125xi32, #tpu.memory_space<vmem>>) semaphore(%arg11 : memref<!tpu.dma_semaphore, #tpu.memory_space<semaphore_mem>>)
    %add3A_542 = arith.constant 64 : i32
    %add3A_543 = arith.addi %mul3A_2, %add3A_542 : i32
    %dma_start3A_544 = arith.constant 0 : i32
    %dma_start3A_545 = arith.constant 0 : i32
    %dma_start3A_546 = arith.constant 0 : i32
    %dma_start3A_547 = arith.constant 0 : i32
    %dma_start3A_548 = tpu.memref_slice %arg6[%dma_start3A_545, %dma_start3A_546, %dma_start3A_547] : memref<2x16x125xi32, #tpu.memory_space<vmem>> -> memref<1x16x125xi32, #tpu.memory_space<vmem>>
    %dma_start3A_549 = tpu.memref_squeeze %dma_start3A_548 : memref<1x16x125xi32, #tpu.memory_space<vmem>> -> memref<16x125xi32, #tpu.memory_space<vmem>>
    %dma_start3A_550 = arith.constant 0 : i32
    %dma_start3A_551 = arith.constant 0 : i32
    %dma_start3A_552 = tpu.memref_slice %arg2[%dma_start3A_544, %dma_start3A_550, %dma_start3A_551] : memref<2x2560x125xi32, #tpu.memory_space<hbm>> -> memref<1x2560x125xi32, #tpu.memory_space<hbm>>
    %dma_start3A_553 = tpu.memref_squeeze %dma_start3A_552 : memref<1x2560x125xi32, #tpu.memory_space<hbm>> -> memref<2560x125xi32, #tpu.memory_space<hbm>>
    %dma_start3A_554 = arith.constant 0 : i32
    %dma_start3A_555 = tpu.memref_slice %dma_start3A_553[%add3A_543, %dma_start3A_554] : memref<2560x125xi32, #tpu.memory_space<hbm>> -> memref<16x125xi32, #tpu.memory_space<hbm>>
    %dma_start3A_556 = arith.constant 0 : i32
    %dma_start3A_557 = arith.constant 0 : i32
    %dma_start3A_558 = tpu.memref_slice %arg6[%dma_start3A_545, %dma_start3A_556, %dma_start3A_557] : memref<2x16x125xi32, #tpu.memory_space<vmem>> -> memref<1x16x125xi32, #tpu.memory_space<vmem>>
    %dma_start3A_559 = tpu.memref_squeeze %dma_start3A_558 : memref<1x16x125xi32, #tpu.memory_space<vmem>> -> memref<16x125xi32, #tpu.memory_space<vmem>>
    %dma_start3A_560 = arith.constant 0 : i32
    %dma_start3A_561 = arith.constant 0 : i32
    %dma_start3A_562 = tpu.memref_slice %arg2[%dma_start3A_544, %dma_start3A_560, %dma_start3A_561] : memref<2x2560x125xi32, #tpu.memory_space<hbm>> -> memref<1x2560x125xi32, #tpu.memory_space<hbm>>
    %dma_start3A_563 = tpu.memref_squeeze %dma_start3A_562 : memref<1x2560x125xi32, #tpu.memory_space<hbm>> -> memref<2560x125xi32, #tpu.memory_space<hbm>>
    %dma_start3A_564 = arith.constant 0 : i32
    %dma_start3A_565 = tpu.memref_slice %dma_start3A_563[%add3A_543, %dma_start3A_564] : memref<2560x125xi32, #tpu.memory_space<hbm>> -> memref<16x125xi32, #tpu.memory_space<hbm>>
    tpu.enqueue_dma source(%dma_start3A_565 : memref<16x125xi32, #tpu.memory_space<hbm>>) target(%dma_start3A_559 : memref<16x125xi32, #tpu.memory_space<vmem>>) target_semaphore(%arg13 : memref<!tpu.dma_semaphore, #tpu.memory_space<semaphore_mem>>)
    %dma_start3A_566 = arith.constant 1 : i32
    %dma_start3A_567 = arith.constant 0 : i32
    %dma_start3A_568 = arith.constant 0 : i32
    %dma_start3A_569 = arith.constant 0 : i32
    %dma_start3A_570 = tpu.memref_slice %arg7[%dma_start3A_567, %dma_start3A_568, %dma_start3A_569] : memref<2x16x125xi32, #tpu.memory_space<vmem>> -> memref<1x16x125xi32, #tpu.memory_space<vmem>>
    %dma_start3A_571 = tpu.memref_squeeze %dma_start3A_570 : memref<1x16x125xi32, #tpu.memory_space<vmem>> -> memref<16x125xi32, #tpu.memory_space<vmem>>
    %dma_start3A_572 = arith.constant 0 : i32
    %dma_start3A_573 = arith.constant 0 : i32
    %dma_start3A_574 = tpu.memref_slice %arg2[%dma_start3A_566, %dma_start3A_572, %dma_start3A_573] : memref<2x2560x125xi32, #tpu.memory_space<hbm>> -> memref<1x2560x125xi32, #tpu.memory_space<hbm>>
    %dma_start3A_575 = tpu.memref_squeeze %dma_start3A_574 : memref<1x2560x125xi32, #tpu.memory_space<hbm>> -> memref<2560x125xi32, #tpu.memory_space<hbm>>
    %dma_start3A_576 = arith.constant 0 : i32
    %dma_start3A_577 = tpu.memref_slice %dma_start3A_575[%add3A_543, %dma_start3A_576] : memref<2560x125xi32, #tpu.memory_space<hbm>> -> memref<16x125xi32, #tpu.memory_space<hbm>>
    %dma_start3A_578 = arith.constant 0 : i32
    %dma_start3A_579 = arith.constant 0 : i32
    %dma_start3A_580 = tpu.memref_slice %arg7[%dma_start3A_567, %dma_start3A_578, %dma_start3A_579] : memref<2x16x125xi32, #tpu.memory_space<vmem>> -> memref<1x16x125xi32, #tpu.memory_space<vmem>>
    %dma_start3A_581 = tpu.memref_squeeze %dma_start3A_580 : memref<1x16x125xi32, #tpu.memory_space<vmem>> -> memref<16x125xi32, #tpu.memory_space<vmem>>
    %dma_start3A_582 = arith.constant 0 : i32
    %dma_start3A_583 = arith.constant 0 : i32
    %dma_start3A_584 = tpu.memref_slice %arg2[%dma_start3A_566, %dma_start3A_582, %dma_start3A_583] : memref<2x2560x125xi32, #tpu.memory_space<hbm>> -> memref<1x2560x125xi32, #tpu.memory_space<hbm>>
    %dma_start3A_585 = tpu.memref_squeeze %dma_start3A_584 : memref<1x2560x125xi32, #tpu.memory_space<hbm>> -> memref<2560x125xi32, #tpu.memory_space<hbm>>
    %dma_start3A_586 = arith.constant 0 : i32
    %dma_start3A_587 = tpu.memref_slice %dma_start3A_585[%add3A_543, %dma_start3A_586] : memref<2560x125xi32, #tpu.memory_space<hbm>> -> memref<16x125xi32, #tpu.memory_space<hbm>>
    tpu.enqueue_dma source(%dma_start3A_587 : memref<16x125xi32, #tpu.memory_space<hbm>>) target(%dma_start3A_581 : memref<16x125xi32, #tpu.memory_space<vmem>>) target_semaphore(%arg13 : memref<!tpu.dma_semaphore, #tpu.memory_space<semaphore_mem>>)
    %scan3A_588 = arith.constant 0 : i32
    %scan3A_589 = arith.constant 0 : i32
    %scan3A_590 = arith.constant 8 : i32
    %scan3A_591 = arith.addi %scan3A_589, %scan3A_590 : i32
    %scan3A_592 = arith.constant 1 : i32
    %scan3A_593 = scf.for %scan3A_738 = %scan3A_589 to %scan3A_591 step %scan3A_592 iter_args(%scan3A_739 = %scan3A_588) -> (i32)  : i32 {
      %mul3A_740 = arith.constant 2 : i32
      %mul3A_741 = arith.muli %mul3A_740, %scan3A_738 : i32
      %add3A_742 = arith.constant 1 : i32
      %add3A_743 = arith.addi %mul3A_741, %add3A_742 : i32
      %dma_start3A_744 = arith.constant 1 : i32
      %dma_start3A_745 = arith.constant 0 : i32
      %dma_start3A_746 = tpu.memref_slice %arg6[%dma_start3A_744, %add3A_743, %dma_start3A_745] : memref<2x16x125xi32, #tpu.memory_space<vmem>> -> memref<1x1x125xi32, #tpu.memory_space<vmem>>
      %dma_start3A_747 = tpu.memref_squeeze %dma_start3A_746 : memref<1x1x125xi32, #tpu.memory_space<vmem>> -> memref<125xi32, #tpu.memory_space<vmem>>
      %dma_start3A_748 = arith.constant 0 : i32
      %dma_start3A_749 = arith.constant 0 : i32
      %dma_start3A_750 = tpu.memref_slice %arg3[%dma_start3A_748, %dma_start3A_749] : memref<10000x128xf32, #tpu.memory_space<hbm>> -> memref<10000x128xf32, #tpu.memory_space<hbm>>
      tpu.enqueue_indirect_dma source(%dma_start3A_750 : memref<10000x128xf32, #tpu.memory_space<hbm>>) target(%arg9 : memref<125x128xf32, #tpu.memory_space<vmem>>) offsets(%dma_start3A_747 : memref<125xi32, #tpu.memory_space<vmem>>) semaphore(%arg12 : memref<!tpu.dma_semaphore, #tpu.memory_space<semaphore_mem>>)
      %dma_wait3A_751 = arith.constant 1 : i32
      %dma_wait3A_752 = arith.constant 0 : i32
      %dma_wait3A_753 = tpu.memref_slice %arg6[%dma_wait3A_751, %mul3A_741, %dma_wait3A_752] : memref<2x16x125xi32, #tpu.memory_space<vmem>> -> memref<1x1x125xi32, #tpu.memory_space<vmem>>
      %dma_wait3A_754 = tpu.memref_squeeze %dma_wait3A_753 : memref<1x1x125xi32, #tpu.memory_space<vmem>> -> memref<125xi32, #tpu.memory_space<vmem>>
      %dma_wait3A_755 = arith.constant 0 : i32
      %dma_wait3A_756 = arith.constant 0 : i32
      %dma_wait3A_757 = tpu.memref_slice %arg3[%dma_wait3A_755, %dma_wait3A_756] : memref<10000x128xf32, #tpu.memory_space<hbm>> -> memref<10000x128xf32, #tpu.memory_space<hbm>>
      tpu.wait_indirect_dma semaphore(%arg11 : memref<!tpu.dma_semaphore, #tpu.memory_space<semaphore_mem>>) src(%dma_wait3A_757 : memref<10000x128xf32, #tpu.memory_space<hbm>>) dst(%arg8 : memref<125x128xf32, #tpu.memory_space<vmem>>)
      %run_scoped3A = arith.constant 1 : i32
      "tpu.region"() ({
        %run_scoped3A_775 = tpu.sem_alloc : memref<!tpu.dma_semaphore, #tpu.memory_space<semaphore_mem>>
        %dma_start3A_776 = arith.constant 0 : i32
        %dma_start3A_777 = tpu.memref_slice %arg7[%run_scoped3A, %mul3A_741, %dma_start3A_776] : memref<2x16x125xi32, #tpu.memory_space<vmem>> -> memref<1x1x125xi32, #tpu.memory_space<vmem>>
        %dma_start3A_778 = tpu.memref_squeeze %dma_start3A_777 : memref<1x1x125xi32, #tpu.memory_space<vmem>> -> memref<125xi32, #tpu.memory_space<vmem>>
        %dma_start3A_779 = arith.constant 0 : i32
        %dma_start3A_780 = arith.constant 0 : i32
        %dma_start3A_781 = tpu.memref_slice %arg5[%dma_start3A_779, %dma_start3A_780] : memref<10240x128xf32, #tpu.memory_space<vmem_shared>> -> memref<10240x128xf32, #tpu.memory_space<vmem_shared>>
        tpu.enqueue_indirect_dma source(%arg8 : memref<125x128xf32, #tpu.memory_space<vmem>>) target(%dma_start3A_781 : memref<10240x128xf32, #tpu.memory_space<vmem_shared>>) offsets(%dma_start3A_778 : memref<125xi32, #tpu.memory_space<vmem>>) semaphore(%run_scoped3A_775 : memref<!tpu.dma_semaphore, #tpu.memory_space<semaphore_mem>>) {add = true}
        %dma_wait3A_782 = arith.constant 0 : i32
        %dma_wait3A_783 = tpu.memref_slice %arg7[%run_scoped3A, %mul3A_741, %dma_wait3A_782] : memref<2x16x125xi32, #tpu.memory_space<vmem>> -> memref<1x1x125xi32, #tpu.memory_space<vmem>>
        %dma_wait3A_784 = tpu.memref_squeeze %dma_wait3A_783 : memref<1x1x125xi32, #tpu.memory_space<vmem>> -> memref<125xi32, #tpu.memory_space<vmem>>
        %dma_wait3A_785 = arith.constant 0 : i32
        %dma_wait3A_786 = arith.constant 0 : i32
        %dma_wait3A_787 = tpu.memref_slice %arg5[%dma_wait3A_785, %dma_wait3A_786] : memref<10240x128xf32, #tpu.memory_space<vmem_shared>> -> memref<10240x128xf32, #tpu.memory_space<vmem_shared>>
        tpu.wait_indirect_dma semaphore(%run_scoped3A_775 : memref<!tpu.dma_semaphore, #tpu.memory_space<semaphore_mem>>) src(%arg8 : memref<125x128xf32, #tpu.memory_space<vmem>>) dst(%dma_wait3A_787 : memref<10240x128xf32, #tpu.memory_space<vmem_shared>>)
        tpu.yield
      }) : () -> ()
      %add3A_758 = arith.constant 2 : i32
      %add3A_759 = arith.addi %mul3A_741, %add3A_758 : i32
      %lt3A = arith.constant 16 : i32
      %lt3A_760 = arith.cmpi slt, %add3A_759, %lt3A : i32
      %convert_element_type3A = arith.extui %lt3A_760 : i1 to i32
      %cond3A = arith.constant 0 : i32
      %cond3A_761 = arith.cmpi ne, %convert_element_type3A, %cond3A : i32
      scf.if %cond3A_761 {
        %add3A_775 = arith.constant 2 : i32
        %add3A_776 = arith.addi %mul3A_741, %add3A_775 : i32
        %dma_start3A_777 = arith.constant 1 : i32
        %dma_start3A_778 = arith.constant 0 : i32
        %dma_start3A_779 = tpu.memref_slice %arg6[%dma_start3A_777, %add3A_776, %dma_start3A_778] : memref<2x16x125xi32, #tpu.memory_space<vmem>> -> memref<1x1x125xi32, #tpu.memory_space<vmem>>
        %dma_start3A_780 = tpu.memref_squeeze %dma_start3A_779 : memref<1x1x125xi32, #tpu.memory_space<vmem>> -> memref<125xi32, #tpu.memory_space<vmem>>
        %dma_start3A_781 = arith.constant 0 : i32
        %dma_start3A_782 = arith.constant 0 : i32
        %dma_start3A_783 = tpu.memref_slice %arg3[%dma_start3A_781, %dma_start3A_782] : memref<10000x128xf32, #tpu.memory_space<hbm>> -> memref<10000x128xf32, #tpu.memory_space<hbm>>
        tpu.enqueue_indirect_dma source(%dma_start3A_783 : memref<10000x128xf32, #tpu.memory_space<hbm>>) target(%arg8 : memref<125x128xf32, #tpu.memory_space<vmem>>) offsets(%dma_start3A_780 : memref<125xi32, #tpu.memory_space<vmem>>) semaphore(%arg11 : memref<!tpu.dma_semaphore, #tpu.memory_space<semaphore_mem>>)
      } else {
      }
      %add3A_762 = arith.constant 1 : i32
      %add3A_763 = arith.addi %mul3A_741, %add3A_762 : i32
      %dma_wait3A_764 = arith.constant 1 : i32
      %dma_wait3A_765 = arith.constant 0 : i32
      %dma_wait3A_766 = tpu.memref_slice %arg6[%dma_wait3A_764, %add3A_763, %dma_wait3A_765] : memref<2x16x125xi32, #tpu.memory_space<vmem>> -> memref<1x1x125xi32, #tpu.memory_space<vmem>>
      %dma_wait3A_767 = tpu.memref_squeeze %dma_wait3A_766 : memref<1x1x125xi32, #tpu.memory_space<vmem>> -> memref<125xi32, #tpu.memory_space<vmem>>
      %dma_wait3A_768 = arith.constant 0 : i32
      %dma_wait3A_769 = arith.constant 0 : i32
      %dma_wait3A_770 = tpu.memref_slice %arg3[%dma_wait3A_768, %dma_wait3A_769] : memref<10000x128xf32, #tpu.memory_space<hbm>> -> memref<10000x128xf32, #tpu.memory_space<hbm>>
      tpu.wait_indirect_dma semaphore(%arg12 : memref<!tpu.dma_semaphore, #tpu.memory_space<semaphore_mem>>) src(%dma_wait3A_770 : memref<10000x128xf32, #tpu.memory_space<hbm>>) dst(%arg9 : memref<125x128xf32, #tpu.memory_space<vmem>>)
      %add3A_771 = arith.constant 1 : i32
      %add3A_772 = arith.addi %mul3A_741, %add3A_771 : i32
      %run_scoped3A_773 = arith.constant 1 : i32
      "tpu.region"() ({
        %run_scoped3A_775 = tpu.sem_alloc : memref<!tpu.dma_semaphore, #tpu.memory_space<semaphore_mem>>
        %dma_start3A_776 = arith.constant 0 : i32
        %dma_start3A_777 = tpu.memref_slice %arg7[%run_scoped3A_773, %add3A_772, %dma_start3A_776] : memref<2x16x125xi32, #tpu.memory_space<vmem>> -> memref<1x1x125xi32, #tpu.memory_space<vmem>>
        %dma_start3A_778 = tpu.memref_squeeze %dma_start3A_777 : memref<1x1x125xi32, #tpu.memory_space<vmem>> -> memref<125xi32, #tpu.memory_space<vmem>>
        %dma_start3A_779 = arith.constant 0 : i32
        %dma_start3A_780 = arith.constant 0 : i32
        %dma_start3A_781 = tpu.memref_slice %arg5[%dma_start3A_779, %dma_start3A_780] : memref<10240x128xf32, #tpu.memory_space<vmem_shared>> -> memref<10240x128xf32, #tpu.memory_space<vmem_shared>>
        tpu.enqueue_indirect_dma source(%arg9 : memref<125x128xf32, #tpu.memory_space<vmem>>) target(%dma_start3A_781 : memref<10240x128xf32, #tpu.memory_space<vmem_shared>>) offsets(%dma_start3A_778 : memref<125xi32, #tpu.memory_space<vmem>>) semaphore(%run_scoped3A_775 : memref<!tpu.dma_semaphore, #tpu.memory_space<semaphore_mem>>) {add = true}
        %dma_wait3A_782 = arith.constant 0 : i32
        %dma_wait3A_783 = tpu.memref_slice %arg7[%run_scoped3A_773, %add3A_772, %dma_wait3A_782] : memref<2x16x125xi32, #tpu.memory_space<vmem>> -> memref<1x1x125xi32, #tpu.memory_space<vmem>>
        %dma_wait3A_784 = tpu.memref_squeeze %dma_wait3A_783 : memref<1x1x125xi32, #tpu.memory_space<vmem>> -> memref<125xi32, #tpu.memory_space<vmem>>
        %dma_wait3A_785 = arith.constant 0 : i32
        %dma_wait3A_786 = arith.constant 0 : i32
        %dma_wait3A_787 = tpu.memref_slice %arg5[%dma_wait3A_785, %dma_wait3A_786] : memref<10240x128xf32, #tpu.memory_space<vmem_shared>> -> memref<10240x128xf32, #tpu.memory_space<vmem_shared>>
        tpu.wait_indirect_dma semaphore(%run_scoped3A_775 : memref<!tpu.dma_semaphore, #tpu.memory_space<semaphore_mem>>) src(%arg9 : memref<125x128xf32, #tpu.memory_space<vmem>>) dst(%dma_wait3A_787 : memref<10240x128xf32, #tpu.memory_space<vmem_shared>>)
        tpu.yield
      }) : () -> ()
      %scan3A_774 = arith.constant 0 : i32
      scf.yield %scan3A_774 : i32
    }
    %scan3A_594 = arith.constant 8 : i32
    %dma_wait3A_595 = arith.constant 0 : i32
    %dma_wait3A_596 = arith.constant 0 : i32
    %dma_wait3A_597 = arith.constant 0 : i32
    %dma_wait3A_598 = arith.constant 0 : i32
    %dma_wait3A_599 = tpu.memref_slice %arg6[%dma_wait3A_596, %dma_wait3A_597, %dma_wait3A_598] : memref<2x16x125xi32, #tpu.memory_space<vmem>> -> memref<1x16x125xi32, #tpu.memory_space<vmem>>
    %dma_wait3A_600 = tpu.memref_squeeze %dma_wait3A_599 : memref<1x16x125xi32, #tpu.memory_space<vmem>> -> memref<16x125xi32, #tpu.memory_space<vmem>>
    %dma_wait3A_601 = arith.constant 0 : i32
    %dma_wait3A_602 = arith.constant 0 : i32
    %dma_wait3A_603 = tpu.memref_slice %arg2[%dma_wait3A_595, %dma_wait3A_601, %dma_wait3A_602] : memref<2x2560x125xi32, #tpu.memory_space<hbm>> -> memref<1x2560x125xi32, #tpu.memory_space<hbm>>
    %dma_wait3A_604 = tpu.memref_squeeze %dma_wait3A_603 : memref<1x2560x125xi32, #tpu.memory_space<hbm>> -> memref<2560x125xi32, #tpu.memory_space<hbm>>
    %dma_wait3A_605 = arith.constant 0 : i32
    %dma_wait3A_606 = tpu.memref_slice %dma_wait3A_604[%mul3A_2, %dma_wait3A_605] : memref<2560x125xi32, #tpu.memory_space<hbm>> -> memref<16x125xi32, #tpu.memory_space<hbm>>
    %dma_wait3A_607 = arith.constant 0 : i32
    %dma_wait3A_608 = arith.constant 0 : i32
    %dma_wait3A_609 = tpu.memref_slice %arg6[%dma_wait3A_596, %dma_wait3A_607, %dma_wait3A_608] : memref<2x16x125xi32, #tpu.memory_space<vmem>> -> memref<1x16x125xi32, #tpu.memory_space<vmem>>
    %dma_wait3A_610 = tpu.memref_squeeze %dma_wait3A_609 : memref<1x16x125xi32, #tpu.memory_space<vmem>> -> memref<16x125xi32, #tpu.memory_space<vmem>>
    %dma_wait3A_611 = arith.constant 0 : i32
    %dma_wait3A_612 = arith.constant 0 : i32
    %dma_wait3A_613 = tpu.memref_slice %arg2[%dma_wait3A_595, %dma_wait3A_611, %dma_wait3A_612] : memref<2x2560x125xi32, #tpu.memory_space<hbm>> -> memref<1x2560x125xi32, #tpu.memory_space<hbm>>
    %dma_wait3A_614 = tpu.memref_squeeze %dma_wait3A_613 : memref<1x2560x125xi32, #tpu.memory_space<hbm>> -> memref<2560x125xi32, #tpu.memory_space<hbm>>
    %dma_wait3A_615 = arith.constant 0 : i32
    %dma_wait3A_616 = tpu.memref_slice %dma_wait3A_614[%mul3A_2, %dma_wait3A_615] : memref<2560x125xi32, #tpu.memory_space<hbm>> -> memref<16x125xi32, #tpu.memory_space<hbm>>
    tpu.wait_dma2 semaphore(%arg13 : memref<!tpu.dma_semaphore, #tpu.memory_space<semaphore_mem>>) src(%dma_wait3A_616 : memref<16x125xi32, #tpu.memory_space<hbm>>) dst(%dma_wait3A_610 : memref<16x125xi32, #tpu.memory_space<vmem>>)
    %dma_wait3A_617 = arith.constant 1 : i32
    %dma_wait3A_618 = arith.constant 0 : i32
    %dma_wait3A_619 = arith.constant 0 : i32
    %dma_wait3A_620 = arith.constant 0 : i32
    %dma_wait3A_621 = tpu.memref_slice %arg7[%dma_wait3A_618, %dma_wait3A_619, %dma_wait3A_620] : memref<2x16x125xi32, #tpu.memory_space<vmem>> -> memref<1x16x125xi32, #tpu.memory_space<vmem>>
    %dma_wait3A_622 = tpu.memref_squeeze %dma_wait3A_621 : memref<1x16x125xi32, #tpu.memory_space<vmem>> -> memref<16x125xi32, #tpu.memory_space<vmem>>
    %dma_wait3A_623 = arith.constant 0 : i32
    %dma_wait3A_624 = arith.constant 0 : i32
    %dma_wait3A_625 = tpu.memref_slice %arg2[%dma_wait3A_617, %dma_wait3A_623, %dma_wait3A_624] : memref<2x2560x125xi32, #tpu.memory_space<hbm>> -> memref<1x2560x125xi32, #tpu.memory_space<hbm>>
    %dma_wait3A_626 = tpu.memref_squeeze %dma_wait3A_625 : memref<1x2560x125xi32, #tpu.memory_space<hbm>> -> memref<2560x125xi32, #tpu.memory_space<hbm>>
    %dma_wait3A_627 = arith.constant 0 : i32
    %dma_wait3A_628 = tpu.memref_slice %dma_wait3A_626[%mul3A_2, %dma_wait3A_627] : memref<2560x125xi32, #tpu.memory_space<hbm>> -> memref<16x125xi32, #tpu.memory_space<hbm>>
    %dma_wait3A_629 = arith.constant 0 : i32
    %dma_wait3A_630 = arith.constant 0 : i32
    %dma_wait3A_631 = tpu.memref_slice %arg7[%dma_wait3A_618, %dma_wait3A_629, %dma_wait3A_630] : memref<2x16x125xi32, #tpu.memory_space<vmem>> -> memref<1x16x125xi32, #tpu.memory_space<vmem>>
    %dma_wait3A_632 = tpu.memref_squeeze %dma_wait3A_631 : memref<1x16x125xi32, #tpu.memory_space<vmem>> -> memref<16x125xi32, #tpu.memory_space<vmem>>
    %dma_wait3A_633 = arith.constant 0 : i32
    %dma_wait3A_634 = arith.constant 0 : i32
    %dma_wait3A_635 = tpu.memref_slice %arg2[%dma_wait3A_617, %dma_wait3A_633, %dma_wait3A_634] : memref<2x2560x125xi32, #tpu.memory_space<hbm>> -> memref<1x2560x125xi32, #tpu.memory_space<hbm>>
    %dma_wait3A_636 = tpu.memref_squeeze %dma_wait3A_635 : memref<1x2560x125xi32, #tpu.memory_space<hbm>> -> memref<2560x125xi32, #tpu.memory_space<hbm>>
    %dma_wait3A_637 = arith.constant 0 : i32
    %dma_wait3A_638 = tpu.memref_slice %dma_wait3A_636[%mul3A_2, %dma_wait3A_637] : memref<2560x125xi32, #tpu.memory_space<hbm>> -> memref<16x125xi32, #tpu.memory_space<hbm>>
    tpu.wait_dma2 semaphore(%arg13 : memref<!tpu.dma_semaphore, #tpu.memory_space<semaphore_mem>>) src(%dma_wait3A_638 : memref<16x125xi32, #tpu.memory_space<hbm>>) dst(%dma_wait3A_632 : memref<16x125xi32, #tpu.memory_space<vmem>>)
    %dma_start3A_639 = arith.constant 0 : i32
    %dma_start3A_640 = arith.constant 0 : i32
    %dma_start3A_641 = arith.constant 0 : i32
    %dma_start3A_642 = tpu.memref_slice %arg6[%dma_start3A_639, %dma_start3A_640, %dma_start3A_641] : memref<2x16x125xi32, #tpu.memory_space<vmem>> -> memref<1x1x125xi32, #tpu.memory_space<vmem>>
    %dma_start3A_643 = tpu.memref_squeeze %dma_start3A_642 : memref<1x1x125xi32, #tpu.memory_space<vmem>> -> memref<125xi32, #tpu.memory_space<vmem>>
    %dma_start3A_644 = arith.constant 0 : i32
    %dma_start3A_645 = arith.constant 0 : i32
    %dma_start3A_646 = tpu.memref_slice %arg3[%dma_start3A_644, %dma_start3A_645] : memref<10000x128xf32, #tpu.memory_space<hbm>> -> memref<10000x128xf32, #tpu.memory_space<hbm>>
    tpu.enqueue_indirect_dma source(%dma_start3A_646 : memref<10000x128xf32, #tpu.memory_space<hbm>>) target(%arg8 : memref<125x128xf32, #tpu.memory_space<vmem>>) offsets(%dma_start3A_643 : memref<125xi32, #tpu.memory_space<vmem>>) semaphore(%arg11 : memref<!tpu.dma_semaphore, #tpu.memory_space<semaphore_mem>>)
    %scan3A_647 = arith.constant 0 : i32
    %scan3A_648 = arith.constant 0 : i32
    %scan3A_649 = arith.constant 8 : i32
    %scan3A_650 = arith.addi %scan3A_648, %scan3A_649 : i32
    %scan3A_651 = arith.constant 1 : i32
    %scan3A_652 = scf.for %scan3A_738 = %scan3A_648 to %scan3A_650 step %scan3A_651 iter_args(%scan3A_739 = %scan3A_647) -> (i32)  : i32 {
      %mul3A_740 = arith.constant 2 : i32
      %mul3A_741 = arith.muli %mul3A_740, %scan3A_738 : i32
      %add3A_742 = arith.constant 1 : i32
      %add3A_743 = arith.addi %mul3A_741, %add3A_742 : i32
      %dma_start3A_744 = arith.constant 0 : i32
      %dma_start3A_745 = arith.constant 0 : i32
      %dma_start3A_746 = tpu.memref_slice %arg6[%dma_start3A_744, %add3A_743, %dma_start3A_745] : memref<2x16x125xi32, #tpu.memory_space<vmem>> -> memref<1x1x125xi32, #tpu.memory_space<vmem>>
      %dma_start3A_747 = tpu.memref_squeeze %dma_start3A_746 : memref<1x1x125xi32, #tpu.memory_space<vmem>> -> memref<125xi32, #tpu.memory_space<vmem>>
      %dma_start3A_748 = arith.constant 0 : i32
      %dma_start3A_749 = arith.constant 0 : i32
      %dma_start3A_750 = tpu.memref_slice %arg3[%dma_start3A_748, %dma_start3A_749] : memref<10000x128xf32, #tpu.memory_space<hbm>> -> memref<10000x128xf32, #tpu.memory_space<hbm>>
      tpu.enqueue_indirect_dma source(%dma_start3A_750 : memref<10000x128xf32, #tpu.memory_space<hbm>>) target(%arg9 : memref<125x128xf32, #tpu.memory_space<vmem>>) offsets(%dma_start3A_747 : memref<125xi32, #tpu.memory_space<vmem>>) semaphore(%arg12 : memref<!tpu.dma_semaphore, #tpu.memory_space<semaphore_mem>>)
      %dma_wait3A_751 = arith.constant 0 : i32
      %dma_wait3A_752 = arith.constant 0 : i32
      %dma_wait3A_753 = tpu.memref_slice %arg6[%dma_wait3A_751, %mul3A_741, %dma_wait3A_752] : memref<2x16x125xi32, #tpu.memory_space<vmem>> -> memref<1x1x125xi32, #tpu.memory_space<vmem>>
      %dma_wait3A_754 = tpu.memref_squeeze %dma_wait3A_753 : memref<1x1x125xi32, #tpu.memory_space<vmem>> -> memref<125xi32, #tpu.memory_space<vmem>>
      %dma_wait3A_755 = arith.constant 0 : i32
      %dma_wait3A_756 = arith.constant 0 : i32
      %dma_wait3A_757 = tpu.memref_slice %arg3[%dma_wait3A_755, %dma_wait3A_756] : memref<10000x128xf32, #tpu.memory_space<hbm>> -> memref<10000x128xf32, #tpu.memory_space<hbm>>
      tpu.wait_indirect_dma semaphore(%arg11 : memref<!tpu.dma_semaphore, #tpu.memory_space<semaphore_mem>>) src(%dma_wait3A_757 : memref<10000x128xf32, #tpu.memory_space<hbm>>) dst(%arg8 : memref<125x128xf32, #tpu.memory_space<vmem>>)
      %run_scoped3A = arith.constant 0 : i32
      "tpu.region"() ({
        %run_scoped3A_775 = tpu.sem_alloc : memref<!tpu.dma_semaphore, #tpu.memory_space<semaphore_mem>>
        %dma_start3A_776 = arith.constant 0 : i32
        %dma_start3A_777 = tpu.memref_slice %arg7[%run_scoped3A, %mul3A_741, %dma_start3A_776] : memref<2x16x125xi32, #tpu.memory_space<vmem>> -> memref<1x1x125xi32, #tpu.memory_space<vmem>>
        %dma_start3A_778 = tpu.memref_squeeze %dma_start3A_777 : memref<1x1x125xi32, #tpu.memory_space<vmem>> -> memref<125xi32, #tpu.memory_space<vmem>>
        %dma_start3A_779 = arith.constant 0 : i32
        %dma_start3A_780 = arith.constant 0 : i32
        %dma_start3A_781 = tpu.memref_slice %arg5[%dma_start3A_779, %dma_start3A_780] : memref<10240x128xf32, #tpu.memory_space<vmem_shared>> -> memref<10240x128xf32, #tpu.memory_space<vmem_shared>>
        tpu.enqueue_indirect_dma source(%arg8 : memref<125x128xf32, #tpu.memory_space<vmem>>) target(%dma_start3A_781 : memref<10240x128xf32, #tpu.memory_space<vmem_shared>>) offsets(%dma_start3A_778 : memref<125xi32, #tpu.memory_space<vmem>>) semaphore(%run_scoped3A_775 : memref<!tpu.dma_semaphore, #tpu.memory_space<semaphore_mem>>) {add = true}
        %dma_wait3A_782 = arith.constant 0 : i32
        %dma_wait3A_783 = tpu.memref_slice %arg7[%run_scoped3A, %mul3A_741, %dma_wait3A_782] : memref<2x16x125xi32, #tpu.memory_space<vmem>> -> memref<1x1x125xi32, #tpu.memory_space<vmem>>
        %dma_wait3A_784 = tpu.memref_squeeze %dma_wait3A_783 : memref<1x1x125xi32, #tpu.memory_space<vmem>> -> memref<125xi32, #tpu.memory_space<vmem>>
        %dma_wait3A_785 = arith.constant 0 : i32
        %dma_wait3A_786 = arith.constant 0 : i32
        %dma_wait3A_787 = tpu.memref_slice %arg5[%dma_wait3A_785, %dma_wait3A_786] : memref<10240x128xf32, #tpu.memory_space<vmem_shared>> -> memref<10240x128xf32, #tpu.memory_space<vmem_shared>>
        tpu.wait_indirect_dma semaphore(%run_scoped3A_775 : memref<!tpu.dma_semaphore, #tpu.memory_space<semaphore_mem>>) src(%arg8 : memref<125x128xf32, #tpu.memory_space<vmem>>) dst(%dma_wait3A_787 : memref<10240x128xf32, #tpu.memory_space<vmem_shared>>)
        tpu.yield
      }) : () -> ()
      %add3A_758 = arith.constant 2 : i32
      %add3A_759 = arith.addi %mul3A_741, %add3A_758 : i32
      %lt3A = arith.constant 16 : i32
      %lt3A_760 = arith.cmpi slt, %add3A_759, %lt3A : i32
      %convert_element_type3A = arith.extui %lt3A_760 : i1 to i32
      %cond3A = arith.constant 0 : i32
      %cond3A_761 = arith.cmpi ne, %convert_element_type3A, %cond3A : i32
      scf.if %cond3A_761 {
        %add3A_775 = arith.constant 2 : i32
        %add3A_776 = arith.addi %mul3A_741, %add3A_775 : i32
        %dma_start3A_777 = arith.constant 0 : i32
        %dma_start3A_778 = arith.constant 0 : i32
        %dma_start3A_779 = tpu.memref_slice %arg6[%dma_start3A_777, %add3A_776, %dma_start3A_778] : memref<2x16x125xi32, #tpu.memory_space<vmem>> -> memref<1x1x125xi32, #tpu.memory_space<vmem>>
        %dma_start3A_780 = tpu.memref_squeeze %dma_start3A_779 : memref<1x1x125xi32, #tpu.memory_space<vmem>> -> memref<125xi32, #tpu.memory_space<vmem>>
        %dma_start3A_781 = arith.constant 0 : i32
        %dma_start3A_782 = arith.constant 0 : i32
        %dma_start3A_783 = tpu.memref_slice %arg3[%dma_start3A_781, %dma_start3A_782] : memref<10000x128xf32, #tpu.memory_space<hbm>> -> memref<10000x128xf32, #tpu.memory_space<hbm>>
        tpu.enqueue_indirect_dma source(%dma_start3A_783 : memref<10000x128xf32, #tpu.memory_space<hbm>>) target(%arg8 : memref<125x128xf32, #tpu.memory_space<vmem>>) offsets(%dma_start3A_780 : memref<125xi32, #tpu.memory_space<vmem>>) semaphore(%arg11 : memref<!tpu.dma_semaphore, #tpu.memory_space<semaphore_mem>>)
      } else {
      }
      %add3A_762 = arith.constant 1 : i32
      %add3A_763 = arith.addi %mul3A_741, %add3A_762 : i32
      %dma_wait3A_764 = arith.constant 0 : i32
      %dma_wait3A_765 = arith.constant 0 : i32
      %dma_wait3A_766 = tpu.memref_slice %arg6[%dma_wait3A_764, %add3A_763, %dma_wait3A_765] : memref<2x16x125xi32, #tpu.memory_space<vmem>> -> memref<1x1x125xi32, #tpu.memory_space<vmem>>
      %dma_wait3A_767 = tpu.memref_squeeze %dma_wait3A_766 : memref<1x1x125xi32, #tpu.memory_space<vmem>> -> memref<125xi32, #tpu.memory_space<vmem>>
      %dma_wait3A_768 = arith.constant 0 : i32
      %dma_wait3A_769 = arith.constant 0 : i32
      %dma_wait3A_770 = tpu.memref_slice %arg3[%dma_wait3A_768, %dma_wait3A_769] : memref<10000x128xf32, #tpu.memory_space<hbm>> -> memref<10000x128xf32, #tpu.memory_space<hbm>>
      tpu.wait_indirect_dma semaphore(%arg12 : memref<!tpu.dma_semaphore, #tpu.memory_space<semaphore_mem>>) src(%dma_wait3A_770 : memref<10000x128xf32, #tpu.memory_space<hbm>>) dst(%arg9 : memref<125x128xf32, #tpu.memory_space<vmem>>)
      %add3A_771 = arith.constant 1 : i32
      %add3A_772 = arith.addi %mul3A_741, %add3A_771 : i32
      %run_scoped3A_773 = arith.constant 0 : i32
      "tpu.region"() ({
        %run_scoped3A_775 = tpu.sem_alloc : memref<!tpu.dma_semaphore, #tpu.memory_space<semaphore_mem>>
        %dma_start3A_776 = arith.constant 0 : i32
        %dma_start3A_777 = tpu.memref_slice %arg7[%run_scoped3A_773, %add3A_772, %dma_start3A_776] : memref<2x16x125xi32, #tpu.memory_space<vmem>> -> memref<1x1x125xi32, #tpu.memory_space<vmem>>
        %dma_start3A_778 = tpu.memref_squeeze %dma_start3A_777 : memref<1x1x125xi32, #tpu.memory_space<vmem>> -> memref<125xi32, #tpu.memory_space<vmem>>
        %dma_start3A_779 = arith.constant 0 : i32
        %dma_start3A_780 = arith.constant 0 : i32
        %dma_start3A_781 = tpu.memref_slice %arg5[%dma_start3A_779, %dma_start3A_780] : memref<10240x128xf32, #tpu.memory_space<vmem_shared>> -> memref<10240x128xf32, #tpu.memory_space<vmem_shared>>
        tpu.enqueue_indirect_dma source(%arg9 : memref<125x128xf32, #tpu.memory_space<vmem>>) target(%dma_start3A_781 : memref<10240x128xf32, #tpu.memory_space<vmem_shared>>) offsets(%dma_start3A_778 : memref<125xi32, #tpu.memory_space<vmem>>) semaphore(%run_scoped3A_775 : memref<!tpu.dma_semaphore, #tpu.memory_space<semaphore_mem>>) {add = true}
        %dma_wait3A_782 = arith.constant 0 : i32
        %dma_wait3A_783 = tpu.memref_slice %arg7[%run_scoped3A_773, %add3A_772, %dma_wait3A_782] : memref<2x16x125xi32, #tpu.memory_space<vmem>> -> memref<1x1x125xi32, #tpu.memory_space<vmem>>
        %dma_wait3A_784 = tpu.memref_squeeze %dma_wait3A_783 : memref<1x1x125xi32, #tpu.memory_space<vmem>> -> memref<125xi32, #tpu.memory_space<vmem>>
        %dma_wait3A_785 = arith.constant 0 : i32
        %dma_wait3A_786 = arith.constant 0 : i32
        %dma_wait3A_787 = tpu.memref_slice %arg5[%dma_wait3A_785, %dma_wait3A_786] : memref<10240x128xf32, #tpu.memory_space<vmem_shared>> -> memref<10240x128xf32, #tpu.memory_space<vmem_shared>>
        tpu.wait_indirect_dma semaphore(%run_scoped3A_775 : memref<!tpu.dma_semaphore, #tpu.memory_space<semaphore_mem>>) src(%arg9 : memref<125x128xf32, #tpu.memory_space<vmem>>) dst(%dma_wait3A_787 : memref<10240x128xf32, #tpu.memory_space<vmem_shared>>)
        tpu.yield
      }) : () -> ()
      %scan3A_774 = arith.constant 0 : i32
      scf.yield %scan3A_774 : i32
    }
    %scan3A_653 = arith.constant 8 : i32
    %barrier3A_654 = arith.constant 0 : index
    tpu.barrier barrier_id(%barrier3A_654)
    %mul3A_655 = arith.constant 10240 : i32
    %mul3A_656 = arith.muli %arg0, %mul3A_655 : i32
    %add3A_657 = arith.addi %mul3A_656, %mul3A_101 : i32
    %add3A_658 = arith.constant 0 : i32
    %add3A_659 = arith.addi %mul3A_101, %add3A_658 : i32
    %add3A_660 = arith.constant 0 : i32
    %add3A_661 = arith.addi %add3A_657, %add3A_660 : i32
    %dma_start3A_662 = arith.constant 0 : i32
    %dma_start3A_663 = tpu.memref_slice %arg4[%add3A_661, %dma_start3A_662] : memref<20480x128xf32, #tpu.memory_space<hbm>> -> memref<128x128xf32, #tpu.memory_space<hbm>>
    %dma_start3A_664 = arith.constant 0 : i32
    %dma_start3A_665 = tpu.memref_slice %arg5[%add3A_659, %dma_start3A_664] : memref<10240x128xf32, #tpu.memory_space<vmem_shared>> -> memref<128x128xf32, #tpu.memory_space<vmem_shared>>
    tpu.enqueue_dma source(%dma_start3A_665 : memref<128x128xf32, #tpu.memory_space<vmem_shared>>) target(%dma_start3A_663 : memref<128x128xf32, #tpu.memory_space<hbm>>) target_semaphore(%arg14 : memref<!tpu.dma_semaphore, #tpu.memory_space<semaphore_mem>>)
    %add3A_666 = arith.constant 128 : i32
    %add3A_667 = arith.addi %mul3A_101, %add3A_666 : i32
    %add3A_668 = arith.constant 128 : i32
    %add3A_669 = arith.addi %add3A_657, %add3A_668 : i32
    %dma_start3A_670 = arith.constant 0 : i32
    %dma_start3A_671 = tpu.memref_slice %arg4[%add3A_669, %dma_start3A_670] : memref<20480x128xf32, #tpu.memory_space<hbm>> -> memref<128x128xf32, #tpu.memory_space<hbm>>
    %dma_start3A_672 = arith.constant 0 : i32
    %dma_start3A_673 = tpu.memref_slice %arg5[%add3A_667, %dma_start3A_672] : memref<10240x128xf32, #tpu.memory_space<vmem_shared>> -> memref<128x128xf32, #tpu.memory_space<vmem_shared>>
    tpu.enqueue_dma source(%dma_start3A_673 : memref<128x128xf32, #tpu.memory_space<vmem_shared>>) target(%dma_start3A_671 : memref<128x128xf32, #tpu.memory_space<hbm>>) target_semaphore(%arg14 : memref<!tpu.dma_semaphore, #tpu.memory_space<semaphore_mem>>)
    %add3A_674 = arith.constant 256 : i32
    %add3A_675 = arith.addi %mul3A_101, %add3A_674 : i32
    %add3A_676 = arith.constant 256 : i32
    %add3A_677 = arith.addi %add3A_657, %add3A_676 : i32
    %dma_start3A_678 = arith.constant 0 : i32
    %dma_start3A_679 = tpu.memref_slice %arg4[%add3A_677, %dma_start3A_678] : memref<20480x128xf32, #tpu.memory_space<hbm>> -> memref<128x128xf32, #tpu.memory_space<hbm>>
    %dma_start3A_680 = arith.constant 0 : i32
    %dma_start3A_681 = tpu.memref_slice %arg5[%add3A_675, %dma_start3A_680] : memref<10240x128xf32, #tpu.memory_space<vmem_shared>> -> memref<128x128xf32, #tpu.memory_space<vmem_shared>>
    tpu.enqueue_dma source(%dma_start3A_681 : memref<128x128xf32, #tpu.memory_space<vmem_shared>>) target(%dma_start3A_679 : memref<128x128xf32, #tpu.memory_space<hbm>>) target_semaphore(%arg14 : memref<!tpu.dma_semaphore, #tpu.memory_space<semaphore_mem>>)
    %add3A_682 = arith.constant 384 : i32
    %add3A_683 = arith.addi %mul3A_101, %add3A_682 : i32
    %add3A_684 = arith.constant 384 : i32
    %add3A_685 = arith.addi %add3A_657, %add3A_684 : i32
    %dma_start3A_686 = arith.constant 0 : i32
    %dma_start3A_687 = tpu.memref_slice %arg4[%add3A_685, %dma_start3A_686] : memref<20480x128xf32, #tpu.memory_space<hbm>> -> memref<128x128xf32, #tpu.memory_space<hbm>>
    %dma_start3A_688 = arith.constant 0 : i32
    %dma_start3A_689 = tpu.memref_slice %arg5[%add3A_683, %dma_start3A_688] : memref<10240x128xf32, #tpu.memory_space<vmem_shared>> -> memref<128x128xf32, #tpu.memory_space<vmem_shared>>
    tpu.enqueue_dma source(%dma_start3A_689 : memref<128x128xf32, #tpu.memory_space<vmem_shared>>) target(%dma_start3A_687 : memref<128x128xf32, #tpu.memory_space<hbm>>) target_semaphore(%arg14 : memref<!tpu.dma_semaphore, #tpu.memory_space<semaphore_mem>>)
    %add3A_690 = arith.constant 512 : i32
    %add3A_691 = arith.addi %mul3A_101, %add3A_690 : i32
    %add3A_692 = arith.constant 512 : i32
    %add3A_693 = arith.addi %add3A_657, %add3A_692 : i32
    %dma_start3A_694 = arith.constant 0 : i32
    %dma_start3A_695 = tpu.memref_slice %arg4[%add3A_693, %dma_start3A_694] : memref<20480x128xf32, #tpu.memory_space<hbm>> -> memref<128x128xf32, #tpu.memory_space<hbm>>
    %dma_start3A_696 = arith.constant 0 : i32
    %dma_start3A_697 = tpu.memref_slice %arg5[%add3A_691, %dma_start3A_696] : memref<10240x128xf32, #tpu.memory_space<vmem_shared>> -> memref<128x128xf32, #tpu.memory_space<vmem_shared>>
    tpu.enqueue_dma source(%dma_start3A_697 : memref<128x128xf32, #tpu.memory_space<vmem_shared>>) target(%dma_start3A_695 : memref<128x128xf32, #tpu.memory_space<hbm>>) target_semaphore(%arg14 : memref<!tpu.dma_semaphore, #tpu.memory_space<semaphore_mem>>)
    %add3A_698 = arith.constant 0 : i32
    %add3A_699 = arith.addi %mul3A_101, %add3A_698 : i32
    %add3A_700 = arith.constant 0 : i32
    %add3A_701 = arith.addi %add3A_657, %add3A_700 : i32
    %dma_wait3A_702 = arith.constant 0 : i32
    %dma_wait3A_703 = tpu.memref_slice %arg4[%add3A_701, %dma_wait3A_702] : memref<20480x128xf32, #tpu.memory_space<hbm>> -> memref<128x128xf32, #tpu.memory_space<hbm>>
    %dma_wait3A_704 = arith.constant 0 : i32
    %dma_wait3A_705 = tpu.memref_slice %arg5[%add3A_699, %dma_wait3A_704] : memref<10240x128xf32, #tpu.memory_space<vmem_shared>> -> memref<128x128xf32, #tpu.memory_space<vmem_shared>>
    tpu.wait_dma2 semaphore(%arg14 : memref<!tpu.dma_semaphore, #tpu.memory_space<semaphore_mem>>) src(%dma_wait3A_705 : memref<128x128xf32, #tpu.memory_space<vmem_shared>>) dst(%dma_wait3A_703 : memref<128x128xf32, #tpu.memory_space<hbm>>)
    %add3A_706 = arith.constant 128 : i32
    %add3A_707 = arith.addi %mul3A_101, %add3A_706 : i32
    %add3A_708 = arith.constant 128 : i32
    %add3A_709 = arith.addi %add3A_657, %add3A_708 : i32
    %dma_wait3A_710 = arith.constant 0 : i32
    %dma_wait3A_711 = tpu.memref_slice %arg4[%add3A_709, %dma_wait3A_710] : memref<20480x128xf32, #tpu.memory_space<hbm>> -> memref<128x128xf32, #tpu.memory_space<hbm>>
    %dma_wait3A_712 = arith.constant 0 : i32
    %dma_wait3A_713 = tpu.memref_slice %arg5[%add3A_707, %dma_wait3A_712] : memref<10240x128xf32, #tpu.memory_space<vmem_shared>> -> memref<128x128xf32, #tpu.memory_space<vmem_shared>>
    tpu.wait_dma2 semaphore(%arg14 : memref<!tpu.dma_semaphore, #tpu.memory_space<semaphore_mem>>) src(%dma_wait3A_713 : memref<128x128xf32, #tpu.memory_space<vmem_shared>>) dst(%dma_wait3A_711 : memref<128x128xf32, #tpu.memory_space<hbm>>)
    %add3A_714 = arith.constant 256 : i32
    %add3A_715 = arith.addi %mul3A_101, %add3A_714 : i32
    %add3A_716 = arith.constant 256 : i32
    %add3A_717 = arith.addi %add3A_657, %add3A_716 : i32
    %dma_wait3A_718 = arith.constant 0 : i32
    %dma_wait3A_719 = tpu.memref_slice %arg4[%add3A_717, %dma_wait3A_718] : memref<20480x128xf32, #tpu.memory_space<hbm>> -> memref<128x128xf32, #tpu.memory_space<hbm>>
    %dma_wait3A_720 = arith.constant 0 : i32
    %dma_wait3A_721 = tpu.memref_slice %arg5[%add3A_715, %dma_wait3A_720] : memref<10240x128xf32, #tpu.memory_space<vmem_shared>> -> memref<128x128xf32, #tpu.memory_space<vmem_shared>>
    tpu.wait_dma2 semaphore(%arg14 : memref<!tpu.dma_semaphore, #tpu.memory_space<semaphore_mem>>) src(%dma_wait3A_721 : memref<128x128xf32, #tpu.memory_space<vmem_shared>>) dst(%dma_wait3A_719 : memref<128x128xf32, #tpu.memory_space<hbm>>)
    %add3A_722 = arith.constant 384 : i32
    %add3A_723 = arith.addi %mul3A_101, %add3A_722 : i32
    %add3A_724 = arith.constant 384 : i32
    %add3A_725 = arith.addi %add3A_657, %add3A_724 : i32
    %dma_wait3A_726 = arith.constant 0 : i32
    %dma_wait3A_727 = tpu.memref_slice %arg4[%add3A_725, %dma_wait3A_726] : memref<20480x128xf32, #tpu.memory_space<hbm>> -> memref<128x128xf32, #tpu.memory_space<hbm>>
    %dma_wait3A_728 = arith.constant 0 : i32
    %dma_wait3A_729 = tpu.memref_slice %arg5[%add3A_723, %dma_wait3A_728] : memref<10240x128xf32, #tpu.memory_space<vmem_shared>> -> memref<128x128xf32, #tpu.memory_space<vmem_shared>>
    tpu.wait_dma2 semaphore(%arg14 : memref<!tpu.dma_semaphore, #tpu.memory_space<semaphore_mem>>) src(%dma_wait3A_729 : memref<128x128xf32, #tpu.memory_space<vmem_shared>>) dst(%dma_wait3A_727 : memref<128x128xf32, #tpu.memory_space<hbm>>)
    %add3A_730 = arith.constant 512 : i32
    %add3A_731 = arith.addi %mul3A_101, %add3A_730 : i32
    %add3A_732 = arith.constant 512 : i32
    %add3A_733 = arith.addi %add3A_657, %add3A_732 : i32
    %dma_wait3A_734 = arith.constant 0 : i32
    %dma_wait3A_735 = tpu.memref_slice %arg4[%add3A_733, %dma_wait3A_734] : memref<20480x128xf32, #tpu.memory_space<hbm>> -> memref<128x128xf32, #tpu.memory_space<hbm>>
    %dma_wait3A_736 = arith.constant 0 : i32
    %dma_wait3A_737 = tpu.memref_slice %arg5[%add3A_731, %dma_wait3A_736] : memref<10240x128xf32, #tpu.memory_space<vmem_shared>> -> memref<128x128xf32, #tpu.memory_space<vmem_shared>>
    tpu.wait_dma2 semaphore(%arg14 : memref<!tpu.dma_semaphore, #tpu.memory_space<semaphore_mem>>) src(%dma_wait3A_737 : memref<128x128xf32, #tpu.memory_space<vmem_shared>>) dst(%dma_wait3A_735 : memref<128x128xf32, #tpu.memory_space<hbm>>)
    return
  }
}

module attributes {stable_mosaic.version = 14 : i64} {
  func.func @_tc1a_body(%arg0: i32, %arg1: memref<2000x128xf32, #tpu.memory_space<vmem>>, %arg2: memref<128x128xf32, #tpu.memory_space<vmem>>, %arg3: memref<2000x128xf32, #tpu.memory_space<vmem>>) attributes {dimension_semantics = [#tpu.dimension_semantics<arbitrary>], iteration_bounds = array<i64: 5>, scalar_prefetch = 0 : i64, scratch_operands = 0 : i64, tpu.core_type = #tpu.core_type<tc>, window_params = [{transform_indices = @transform_0, window_bounds = array<i64: 2000, 128>}, {pipeline_mode = #tpu.pipeline_mode<synchronous>, transform_indices = @transform_1, window_bounds = array<i64: 128, 128>}, {transform_indices = @transform_2, window_bounds = array<i64: 2000, 128>}]} {
    %get3A = arith.constant 0 : index
    %get3A_0 = arith.constant 0 : index
    %get3A_1 = vector.load %arg1[%get3A, %get3A_0] : memref<2000x128xf32, #tpu.memory_space<vmem>>, vector<2000x128xf32>
    %get3A_2 = arith.constant 0 : index
    %get3A_3 = arith.constant 0 : index
    %get3A_4 = vector.load %arg2[%get3A_2, %get3A_3] : memref<128x128xf32, #tpu.memory_space<vmem>>, vector<128x128xf32>
    %dot_general3A = arith.constant dense<0.000000e+00> : vector<2000x128xf32>
    %dot_general3A_5 = tpu.matmul %get3A_1, %get3A_4, %dot_general3A {dimension_numbers = #tpu.dot_dimension_numbers<[1], [0], [0], [1], [0, 0, 1, 1], [], []>, transpose_lhs_hint = false} : vector<2000x128xf32>, vector<128x128xf32>, vector<2000x128xf32> -> vector<2000x128xf32>
    %swap3A = arith.constant 0 : index
    %swap3A_6 = arith.constant 0 : index
    %swap3A_7 = vector.load %arg3[%swap3A, %swap3A_6] : memref<2000x128xf32, #tpu.memory_space<vmem>>, vector<2000x128xf32>
    tpu.vector_store %arg3[%swap3A, %swap3A_6], %dot_general3A_5 {strides = array<i32>} : memref<2000x128xf32, #tpu.memory_space<vmem>>, vector<2000x128xf32>,
    return
  }
  func.func @transform_0(%arg0: i32) -> (i32, i32) {
    %c0_i32 = arith.constant 0 : i32
    %c0_i32_0 = arith.constant 0 : i32
    return %arg0, %c0_i32 : i32, i32
  }
  func.func @transform_1(%arg0: i32) -> (i32, i32) {
    %c0_i32 = arith.constant 0 : i32
    %c0_i32_0 = arith.constant 0 : i32
    %c0_i32_1 = arith.constant 0 : i32
    return %c0_i32, %c0_i32_0 : i32, i32
  }
  func.func @transform_2(%arg0: i32) -> (i32, i32) {
    %c0_i32 = arith.constant 0 : i32
    %c0_i32_0 = arith.constant 0 : i32
    return %arg0, %c0_i32 : i32, i32
  }
}

module attributes {stable_mosaic.version = 14 : i64} {
  func.func @_tc1b_body(%arg0: i32, %arg1: memref<2000x128xf32, #tpu.memory_space<vmem>>, %arg2: memref<2x2000x16xf32, #tpu.memory_space<vmem>>, %arg3: memref<2000x128xf32, #tpu.memory_space<vmem>>) attributes {dimension_semantics = [#tpu.dimension_semantics<arbitrary>], iteration_bounds = array<i64: 5>, scalar_prefetch = 0 : i64, scratch_operands = 0 : i64, tpu.core_type = #tpu.core_type<tc>, window_params = [{transform_indices = @transform_0, window_bounds = array<i64: 2000, 128>}, {transform_indices = @transform_1, window_bounds = array<i64: 2, 2000, 16>}, {transform_indices = @transform_2, window_bounds = array<i64: 2000, 128>}]} {
    %get3A = arith.constant 0 : index
    %get3A_0 = arith.constant 0 : index
    %get3A_1 = vector.load %arg1[%get3A, %get3A_0] : memref<2000x128xf32, #tpu.memory_space<vmem>>, vector<2000x128xf32>
    %get3A_2 = arith.constant 0 : index
    %get3A_3 = arith.constant 0 : index
    %get3A_4 = arith.constant 0 : index
    %get3A_5 = vector.load %arg2[%get3A_2, %get3A_3, %get3A_4] : memref<2x2000x16xf32, #tpu.memory_space<vmem>>, vector<2x2000x16xf32>
    %slice3A = vector.extract_strided_slice %get3A_5 {offsets = [0, 0, 0], sizes = [1, 2000, 1], strides = [1, 1, 1]} : vector<2x2000x16xf32> to vector<1x2000x1xf32>
    %squeeze3A = vector.shape_cast %slice3A : vector<1x2000x1xf32> to vector<2000x1xf32>
    %slice3A_6 = vector.extract_strided_slice %get3A_5 {offsets = [1, 0, 0], sizes = [1, 2000, 1], strides = [1, 1, 1]} : vector<2x2000x16xf32> to vector<1x2000x1xf32>
    %squeeze3A_7 = vector.shape_cast %slice3A_6 : vector<1x2000x1xf32> to vector<2000x1xf32>
    %add3A = arith.addf %squeeze3A, %squeeze3A_7 : vector<2000x1xf32>
    %add3A_8 = arith.constant 1.000000e+00 : f32
    %add3A_9 = vector.broadcast %add3A_8 : f32 to vector<2000x1xf32>
    %add3A_10 = arith.addf %add3A, %add3A_9 : vector<2000x1xf32>
    %rsqrt3A = math.rsqrt %add3A_10 : vector<2000x1xf32>
    %mul3A = vector.broadcast %rsqrt3A : vector<2000x1xf32> to vector<2000x128xf32>
    %mul3A_11 = arith.mulf %get3A_1, %mul3A : vector<2000x128xf32>
    %swap3A = arith.constant 0 : index
    %swap3A_12 = arith.constant 0 : index
    %swap3A_13 = vector.load %arg3[%swap3A, %swap3A_12] : memref<2000x128xf32, #tpu.memory_space<vmem>>, vector<2000x128xf32>
    tpu.vector_store %arg3[%swap3A, %swap3A_12], %mul3A_11 {strides = array<i32>} : memref<2000x128xf32, #tpu.memory_space<vmem>>, vector<2000x128xf32>,
    return
  }
  func.func @transform_0(%arg0: i32) -> (i32, i32) {
    %c0_i32 = arith.constant 0 : i32
    %c0_i32_0 = arith.constant 0 : i32
    return %arg0, %c0_i32 : i32, i32
  }
  func.func @transform_1(%arg0: i32) -> (i32, i32, i32) {
    %c0_i32 = arith.constant 0 : i32
    %c0_i32_0 = arith.constant 0 : i32
    %c0_i32_1 = arith.constant 0 : i32
    return %c0_i32, %arg0, %c0_i32_0 : i32, i32, i32
  }
  func.func @transform_2(%arg0: i32) -> (i32, i32) {
    %c0_i32 = arith.constant 0 : i32
    %c0_i32_0 = arith.constant 0 : i32
    return %arg0, %c0_i32 : i32, i32
  }
}

module attributes {stable_mosaic.version = 14 : i64} {
  func.func @_tc2_body(%arg0: i32, %arg1: memref<2x2000x128xf32, #tpu.memory_space<vmem>>, %arg2: memref<2000x128xf32, #tpu.memory_space<vmem>>, %arg3: memref<2x2000x16xf32, #tpu.memory_space<vmem>>, %arg4: memref<1x128xf32, #tpu.memory_space<vmem>>, %arg5: memref<128x64xf32, #tpu.memory_space<vmem>>, %arg6: memref<2000x64xf32, #tpu.memory_space<vmem>>) attributes {dimension_semantics = [#tpu.dimension_semantics<arbitrary>], iteration_bounds = array<i64: 5>, scalar_prefetch = 0 : i64, scratch_operands = 0 : i64, tpu.core_type = #tpu.core_type<tc>, window_params = [{transform_indices = @transform_0, window_bounds = array<i64: 2, 2000, 128>}, {transform_indices = @transform_1, window_bounds = array<i64: 2000, 128>}, {transform_indices = @transform_2, window_bounds = array<i64: 2, 2000, 16>}, {pipeline_mode = #tpu.pipeline_mode<synchronous>, transform_indices = @transform_3, window_bounds = array<i64: 1, 128>}, {pipeline_mode = #tpu.pipeline_mode<synchronous>, transform_indices = @transform_4, window_bounds = array<i64: 128, 64>}, {transform_indices = @transform_5, window_bounds = array<i64: 2000, 64>}]} {
    %get3A = arith.constant 0 : index
    %get3A_0 = arith.constant 0 : index
    %get3A_1 = arith.constant 0 : index
    %get3A_2 = vector.load %arg3[%get3A, %get3A_0, %get3A_1] : memref<2x2000x16xf32, #tpu.memory_space<vmem>>, vector<2x2000x16xf32>
    %slice3A = vector.extract_strided_slice %get3A_2 {offsets = [0, 0, 0], sizes = [1, 2000, 1], strides = [1, 1, 1]} : vector<2x2000x16xf32> to vector<1x2000x1xf32>
    %squeeze3A = vector.shape_cast %slice3A : vector<1x2000x1xf32> to vector<2000x1xf32>
    %slice3A_3 = vector.extract_strided_slice %get3A_2 {offsets = [1, 0, 0], sizes = [1, 2000, 1], strides = [1, 1, 1]} : vector<2x2000x16xf32> to vector<1x2000x1xf32>
    %squeeze3A_4 = vector.shape_cast %slice3A_3 : vector<1x2000x1xf32> to vector<2000x1xf32>
    %add3A = arith.addf %squeeze3A, %squeeze3A_4 : vector<2000x1xf32>
    %add3A_5 = arith.constant 1.000000e+00 : f32
    %add3A_6 = vector.broadcast %add3A_5 : f32 to vector<2000x1xf32>
    %add3A_7 = arith.addf %add3A, %add3A_6 : vector<2000x1xf32>
    %rsqrt3A = math.rsqrt %add3A_7 : vector<2000x1xf32>
    %get3A_8 = arith.constant 0 : index
    %get3A_9 = arith.constant 0 : index
    %get3A_10 = arith.constant 0 : index
    %get3A_11 = vector.load %arg1[%get3A_8, %get3A_9, %get3A_10] : memref<2x2000x128xf32, #tpu.memory_space<vmem>>, vector<2x2000x128xf32>
    %slice3A_12 = vector.extract_strided_slice %get3A_11 {offsets = [0, 0, 0], sizes = [1, 2000, 128], strides = [1, 1, 1]} : vector<2x2000x128xf32> to vector<1x2000x128xf32>
    %squeeze3A_13 = vector.shape_cast %slice3A_12 : vector<1x2000x128xf32> to vector<2000x128xf32>
    %slice3A_14 = vector.extract_strided_slice %get3A_11 {offsets = [1, 0, 0], sizes = [1, 2000, 128], strides = [1, 1, 1]} : vector<2x2000x128xf32> to vector<1x2000x128xf32>
    %squeeze3A_15 = vector.shape_cast %slice3A_14 : vector<1x2000x128xf32> to vector<2000x128xf32>
    %add3A_16 = arith.addf %squeeze3A_13, %squeeze3A_15 : vector<2000x128xf32>
    %get3A_17 = arith.constant 0 : index
    %get3A_18 = arith.constant 0 : index
    %get3A_19 = vector.load %arg2[%get3A_17, %get3A_18] : memref<2000x128xf32, #tpu.memory_space<vmem>>, vector<2000x128xf32>
    %add3A_20 = arith.addf %add3A_16, %get3A_19 : vector<2000x128xf32>
    %mul3A = vector.broadcast %rsqrt3A : vector<2000x1xf32> to vector<2000x128xf32>
    %mul3A_21 = arith.mulf %mul3A, %add3A_20 : vector<2000x128xf32>
    %get3A_22 = arith.constant 0 : index
    %get3A_23 = arith.constant 0 : index
    %get3A_24 = vector.load %arg4[%get3A_22, %get3A_23] : memref<1x128xf32, #tpu.memory_space<vmem>>, vector<1x128xf32>
    %add3A_25 = vector.broadcast %get3A_24 : vector<1x128xf32> to vector<2000x128xf32>
    %add3A_26 = arith.addf %mul3A_21, %add3A_25 : vector<2000x128xf32>
    %max3A = arith.constant 0.000000e+00 : f32
    %max3A_27 = vector.broadcast %max3A : f32 to vector<2000x128xf32>
    %max3A_28 = arith.maximumf %add3A_26, %max3A_27 : vector<2000x128xf32>
    %get3A_29 = arith.constant 0 : index
    %get3A_30 = arith.constant 0 : index
    %get3A_31 = vector.load %arg5[%get3A_29, %get3A_30] : memref<128x64xf32, #tpu.memory_space<vmem>>, vector<128x64xf32>
    %dot_general3A = arith.constant dense<0.000000e+00> : vector<2000x64xf32>
    %dot_general3A_32 = tpu.matmul %max3A_28, %get3A_31, %dot_general3A {dimension_numbers = #tpu.dot_dimension_numbers<[1], [0], [0], [1], [0, 0, 1, 1], [], []>, transpose_lhs_hint = false} : vector<2000x128xf32>, vector<128x64xf32>, vector<2000x64xf32> -> vector<2000x64xf32>
    %mul3A_33 = vector.broadcast %rsqrt3A : vector<2000x1xf32> to vector<2000x64xf32>
    %mul3A_34 = arith.mulf %dot_general3A_32, %mul3A_33 : vector<2000x64xf32>
    %swap3A = arith.constant 0 : index
    %swap3A_35 = arith.constant 0 : index
    %swap3A_36 = vector.load %arg6[%swap3A, %swap3A_35] : memref<2000x64xf32, #tpu.memory_space<vmem>>, vector<2000x64xf32>
    tpu.vector_store %arg6[%swap3A, %swap3A_35], %mul3A_34 {strides = array<i32>} : memref<2000x64xf32, #tpu.memory_space<vmem>>, vector<2000x64xf32>,
    return
  }
  func.func @transform_0(%arg0: i32) -> (i32, i32, i32) {
    %c0_i32 = arith.constant 0 : i32
    %c0_i32_0 = arith.constant 0 : i32
    %c0_i32_1 = arith.constant 0 : i32
    return %c0_i32, %arg0, %c0_i32_0 : i32, i32, i32
  }
  func.func @transform_1(%arg0: i32) -> (i32, i32) {
    %c0_i32 = arith.constant 0 : i32
    %c0_i32_0 = arith.constant 0 : i32
    return %arg0, %c0_i32 : i32, i32
  }
  func.func @transform_2(%arg0: i32) -> (i32, i32, i32) {
    %c0_i32 = arith.constant 0 : i32
    %c0_i32_0 = arith.constant 0 : i32
    %c0_i32_1 = arith.constant 0 : i32
    return %c0_i32, %arg0, %c0_i32_0 : i32, i32, i32
  }
  func.func @transform_3(%arg0: i32) -> (i32, i32) {
    %c0_i32 = arith.constant 0 : i32
    %c0_i32_0 = arith.constant 0 : i32
    %c0_i32_1 = arith.constant 0 : i32
    return %c0_i32, %c0_i32_0 : i32, i32
  }
  func.func @transform_4(%arg0: i32) -> (i32, i32) {
    %c0_i32 = arith.constant 0 : i32
    %c0_i32_0 = arith.constant 0 : i32
    %c0_i32_1 = arith.constant 0 : i32
    return %c0_i32, %c0_i32_0 : i32, i32
  }
  func.func @transform_5(%arg0: i32) -> (i32, i32) {
    %c0_i32 = arith.constant 0 : i32
    %c0_i32_0 = arith.constant 0 : i32
    return %arg0, %c0_i32 : i32, i32
  }
}

module attributes {stable_mosaic.version = 14 : i64} {
  func.func @_tc3_body(%arg0: i32, %arg1: memref<2x2000x64xf32, #tpu.memory_space<vmem>>, %arg2: memref<2000x64xf32, #tpu.memory_space<vmem>>, %arg3: memref<2x2000x16xf32, #tpu.memory_space<vmem>>, %arg4: memref<1x64xf32, #tpu.memory_space<vmem>>, %arg5: memref<1x1x2000xi32, #tpu.memory_space<vmem>>, %arg6: memref<64x64xf32, #tpu.memory_space<vmem>>, %arg7: memref<64x1xf32, #tpu.memory_space<vmem>>) attributes {dimension_semantics = [#tpu.dimension_semantics<arbitrary>], iteration_bounds = array<i64: 5>, scalar_prefetch = 0 : i64, scratch_operands = 0 : i64, tpu.core_type = #tpu.core_type<tc>, window_params = [{transform_indices = @transform_0, window_bounds = array<i64: 2, 2000, 64>}, {transform_indices = @transform_1, window_bounds = array<i64: 2000, 64>}, {transform_indices = @transform_2, window_bounds = array<i64: 2, 2000, 16>}, {pipeline_mode = #tpu.pipeline_mode<synchronous>, transform_indices = @transform_3, window_bounds = array<i64: 1, 64>}, {transform_indices = @transform_4, window_bounds = array<i64: 1, 1, 2000>}, {pipeline_mode = #tpu.pipeline_mode<synchronous>, transform_indices = @transform_5, window_bounds = array<i64: 64, 64>}, {pipeline_mode = #tpu.pipeline_mode<synchronous>, transform_indices = @transform_6, window_bounds = array<i64: 64, 1>}]} {
    %get3A = arith.constant 0 : index
    %get3A_0 = arith.constant 0 : index
    %get3A_1 = arith.constant 0 : index
    %get3A_2 = vector.load %arg3[%get3A, %get3A_0, %get3A_1] : memref<2x2000x16xf32, #tpu.memory_space<vmem>>, vector<2x2000x16xf32>
    %slice3A = vector.extract_strided_slice %get3A_2 {offsets = [0, 0, 0], sizes = [1, 2000, 1], strides = [1, 1, 1]} : vector<2x2000x16xf32> to vector<1x2000x1xf32>
    %squeeze3A = vector.shape_cast %slice3A : vector<1x2000x1xf32> to vector<2000x1xf32>
    %slice3A_3 = vector.extract_strided_slice %get3A_2 {offsets = [1, 0, 0], sizes = [1, 2000, 1], strides = [1, 1, 1]} : vector<2x2000x16xf32> to vector<1x2000x1xf32>
    %squeeze3A_4 = vector.shape_cast %slice3A_3 : vector<1x2000x1xf32> to vector<2000x1xf32>
    %add3A = arith.addf %squeeze3A, %squeeze3A_4 : vector<2000x1xf32>
    %add3A_5 = arith.constant 1.000000e+00 : f32
    %add3A_6 = vector.broadcast %add3A_5 : f32 to vector<2000x1xf32>
    %add3A_7 = arith.addf %add3A, %add3A_6 : vector<2000x1xf32>
    %rsqrt3A = math.rsqrt %add3A_7 : vector<2000x1xf32>
    %get3A_8 = arith.constant 0 : index
    %get3A_9 = arith.constant 0 : index
    %get3A_10 = arith.constant 0 : index
    %get3A_11 = vector.load %arg1[%get3A_8, %get3A_9, %get3A_10] : memref<2x2000x64xf32, #tpu.memory_space<vmem>>, vector<2x2000x64xf32>
    %slice3A_12 = vector.extract_strided_slice %get3A_11 {offsets = [0, 0, 0], sizes = [1, 2000, 64], strides = [1, 1, 1]} : vector<2x2000x64xf32> to vector<1x2000x64xf32>
    %squeeze3A_13 = vector.shape_cast %slice3A_12 : vector<1x2000x64xf32> to vector<2000x64xf32>
    %slice3A_14 = vector.extract_strided_slice %get3A_11 {offsets = [1, 0, 0], sizes = [1, 2000, 64], strides = [1, 1, 1]} : vector<2x2000x64xf32> to vector<1x2000x64xf32>
    %squeeze3A_15 = vector.shape_cast %slice3A_14 : vector<1x2000x64xf32> to vector<2000x64xf32>
    %add3A_16 = arith.addf %squeeze3A_13, %squeeze3A_15 : vector<2000x64xf32>
    %get3A_17 = arith.constant 0 : index
    %get3A_18 = arith.constant 0 : index
    %get3A_19 = vector.load %arg2[%get3A_17, %get3A_18] : memref<2000x64xf32, #tpu.memory_space<vmem>>, vector<2000x64xf32>
    %add3A_20 = arith.addf %add3A_16, %get3A_19 : vector<2000x64xf32>
    %mul3A = vector.broadcast %rsqrt3A : vector<2000x1xf32> to vector<2000x64xf32>
    %mul3A_21 = arith.mulf %mul3A, %add3A_20 : vector<2000x64xf32>
    %get3A_22 = arith.constant 0 : index
    %get3A_23 = arith.constant 0 : index
    %get3A_24 = vector.load %arg4[%get3A_22, %get3A_23] : memref<1x64xf32, #tpu.memory_space<vmem>>, vector<1x64xf32>
    %add3A_25 = vector.broadcast %get3A_24 : vector<1x64xf32> to vector<2000x64xf32>
    %add3A_26 = arith.addf %mul3A_21, %add3A_25 : vector<2000x64xf32>
    %max3A = arith.constant 0.000000e+00 : f32
    %max3A_27 = vector.broadcast %max3A : f32 to vector<2000x64xf32>
    %max3A_28 = arith.maximumf %add3A_26, %max3A_27 : vector<2000x64xf32>
    %get3A_29 = arith.constant 0 : index
    %get3A_30 = arith.constant 0 : index
    %get3A_31 = arith.constant 0 : index
    %get3A_32 = vector.load %arg5[%get3A_29, %get3A_30, %get3A_31] : memref<1x1x2000xi32, #tpu.memory_space<vmem>>, vector<1x1x2000xi32>
    %get3A_33 = vector.shape_cast %get3A_32 : vector<1x1x2000xi32> to vector<1x2000xi32>
    %iota3A = tpu.iota {dimensions = array<i32: 0>} : vector<64x2000xi32>
    %eq3A = vector.broadcast %get3A_33 : vector<1x2000xi32> to vector<64x2000xi32>
    %eq3A_34 = arith.cmpi eq, %iota3A, %eq3A : vector<64x2000xi32>
    %convert_element_type3A = arith.extui %eq3A_34 : vector<64x2000xi1> to vector<64x2000xi32>
    %convert_element_type3A_35 = arith.sitofp %convert_element_type3A : vector<64x2000xi32> to vector<64x2000xf32>
    %eq3A_36 = arith.constant 0 : i32
    %eq3A_37 = arith.cmpi eq, %arg0, %eq3A_36 : i32
    %convert_element_type3A_38 = arith.extui %eq3A_37 : i1 to i32
    %cond3A = arith.constant 0 : i32
    %cond3A_39 = arith.cmpi ne, %convert_element_type3A_38, %cond3A : i32
    scf.if %cond3A_39 {
      %broadcast_in_dim3A_55 = arith.constant 0.000000e+00 : f32
      %broadcast_in_dim3A_56 = vector.broadcast %broadcast_in_dim3A_55 : f32 to vector<64x64xf32>
      %swap3A_57 = arith.constant 0 : index
      %swap3A_58 = arith.constant 0 : index
      %swap3A_59 = vector.load %arg6[%swap3A_57, %swap3A_58] : memref<64x64xf32, #tpu.memory_space<vmem>>, vector<64x64xf32>
      tpu.vector_store %arg6[%swap3A_57, %swap3A_58], %broadcast_in_dim3A_56 {strides = array<i32>} : memref<64x64xf32, #tpu.memory_space<vmem>>, vector<64x64xf32>,
      %broadcast_in_dim3A_60 = arith.constant 0.000000e+00 : f32
      %broadcast_in_dim3A_61 = vector.broadcast %broadcast_in_dim3A_60 : f32 to vector<64x1xf32>
      %swap3A_62 = arith.constant 0 : index
      %swap3A_63 = arith.constant 0 : index
      %swap3A_64 = vector.load %arg7[%swap3A_62, %swap3A_63] : memref<64x1xf32, #tpu.memory_space<vmem>>, vector<64x1xf32>
      tpu.vector_store %arg7[%swap3A_62, %swap3A_63], %broadcast_in_dim3A_61 {strides = array<i32>} : memref<64x1xf32, #tpu.memory_space<vmem>>, vector<64x1xf32>,
    } else {
    }
    %get3A_40 = arith.constant 0 : index
    %get3A_41 = arith.constant 0 : index
    %get3A_42 = vector.load %arg6[%get3A_40, %get3A_41] : memref<64x64xf32, #tpu.memory_space<vmem>>, vector<64x64xf32>
    %dot_general3A = arith.constant dense<0.000000e+00> : vector<64x64xf32>
    %dot_general3A_43 = tpu.matmul %convert_element_type3A_35, %max3A_28, %dot_general3A {dimension_numbers = #tpu.dot_dimension_numbers<[1], [0], [0], [1], [0, 0, 1, 1], [], []>, transpose_lhs_hint = false} : vector<64x2000xf32>, vector<2000x64xf32>, vector<64x64xf32> -> vector<64x64xf32>
    %add3A_44 = arith.addf %get3A_42, %dot_general3A_43 : vector<64x64xf32>
    %swap3A = arith.constant 0 : index
    %swap3A_45 = arith.constant 0 : index
    %swap3A_46 = vector.load %arg6[%swap3A, %swap3A_45] : memref<64x64xf32, #tpu.memory_space<vmem>>, vector<64x64xf32>
    tpu.vector_store %arg6[%swap3A, %swap3A_45], %add3A_44 {strides = array<i32>} : memref<64x64xf32, #tpu.memory_space<vmem>>, vector<64x64xf32>,
    %get3A_47 = arith.constant 0 : index
    %get3A_48 = arith.constant 0 : index
    %get3A_49 = vector.load %arg7[%get3A_47, %get3A_48] : memref<64x1xf32, #tpu.memory_space<vmem>>, vector<64x1xf32>
    %reduce_sum3A = arith.constant dense<0.000000e+00> : vector<64xf32>
    %reduce_sum3A_50 = vector.multi_reduction <add>, %convert_element_type3A_35, %reduce_sum3A [1] : vector<64x2000xf32> to vector<64xf32>
    %broadcast_in_dim3A = vector.shape_cast %reduce_sum3A_50 : vector<64xf32> to vector<64x1xf32>
    %add3A_51 = arith.addf %get3A_49, %broadcast_in_dim3A : vector<64x1xf32>
    %swap3A_52 = arith.constant 0 : index
    %swap3A_53 = arith.constant 0 : index
    %swap3A_54 = vector.load %arg7[%swap3A_52, %swap3A_53] : memref<64x1xf32, #tpu.memory_space<vmem>>, vector<64x1xf32>
    tpu.vector_store %arg7[%swap3A_52, %swap3A_53], %add3A_51 {strides = array<i32>} : memref<64x1xf32, #tpu.memory_space<vmem>>, vector<64x1xf32>,
    return
  }
  func.func @transform_0(%arg0: i32) -> (i32, i32, i32) {
    %c0_i32 = arith.constant 0 : i32
    %c0_i32_0 = arith.constant 0 : i32
    %c0_i32_1 = arith.constant 0 : i32
    return %c0_i32, %arg0, %c0_i32_0 : i32, i32, i32
  }
  func.func @transform_1(%arg0: i32) -> (i32, i32) {
    %c0_i32 = arith.constant 0 : i32
    %c0_i32_0 = arith.constant 0 : i32
    return %arg0, %c0_i32 : i32, i32
  }
  func.func @transform_2(%arg0: i32) -> (i32, i32, i32) {
    %c0_i32 = arith.constant 0 : i32
    %c0_i32_0 = arith.constant 0 : i32
    %c0_i32_1 = arith.constant 0 : i32
    return %c0_i32, %arg0, %c0_i32_0 : i32, i32, i32
  }
  func.func @transform_3(%arg0: i32) -> (i32, i32) {
    %c0_i32 = arith.constant 0 : i32
    %c0_i32_0 = arith.constant 0 : i32
    %c0_i32_1 = arith.constant 0 : i32
    return %c0_i32, %c0_i32_0 : i32, i32
  }
  func.func @transform_4(%arg0: i32) -> (i32, i32, i32) {
    %c0_i32 = arith.constant 0 : i32
    %c0_i32_0 = arith.constant 0 : i32
    %c0_i32_1 = arith.constant 0 : i32
    return %arg0, %c0_i32, %c0_i32_0 : i32, i32, i32
  }
  func.func @transform_5(%arg0: i32) -> (i32, i32) {
    %c0_i32 = arith.constant 0 : i32
    %c0_i32_0 = arith.constant 0 : i32
    %c0_i32_1 = arith.constant 0 : i32
    return %c0_i32, %c0_i32_0 : i32, i32
  }
  func.func @transform_6(%arg0: i32) -> (i32, i32) {
    %c0_i32 = arith.constant 0 : i32
    %c0_i32_0 = arith.constant 0 : i32
    %c0_i32_1 = arith.constant 0 : i32
    return %c0_i32, %c0_i32_0 : i32, i32
  }
}

</mosaic_0001>

<sc_bundles>
// kernel: kernel.12.cloned.1.call-start
scs
__scs_entry_jumppad:
0x0: {  	(pc) =	sbr.rel $0x88, $3  }
0x1: {  	(tag) =	ssettag $0x0;
	lr =	simm.s32 $0x1  }
0x2: {  	[smem:$0x3F9A] =	sst lr;
	_ =	strace $0xD0000000  }
0x3: {  	_ = 	snop  }
0x4: {  	_ = 	snop  }
0x5: {  	_ = 	snop  }
0x6: {  	_ = 	snop  }
0x7: {  	_ = 	snop  }
__scs_overlays_trampoline_lowered:
0x8: {  	[smem:$0x3FA9] =	sst s0  }
0x9: {  	[smem:$0x3FAA] =	sst s1  }
0xa: {  	[smem:$0x3FAB] =	sst s2  }
0xb: {  	[smem:$0x3FAC] =	sst s3  }
0xc: {  	[smem:$0x3FAD] =	sst s4  }
0xd: {  	[smem:$0x3FAE] =	sst s5  }
0xe: {  	[smem:$0x3FAF] =	sst s6  }
0xf: {  	[smem:$0x3FB0] =	sst s7  }
0x10: {  	[smem:$0x3FB1] =	sst s8  }
0x11: {  	[smem:$0x3FB2] =	sst s9;
	s0 =	simm.s32 @!p0 $0x0  }
0x12: {  	s1 =	sld [smem:$0x3F98];
	s0 =	simm.s32 @p0 $0x1  }
0x13: {  	[smem:$0x3FB3] =	sst s0;
	s0 =	simm.s32 @!p1 $0x0  }
0x14: {  	s2 =	sld [smem:$0x3F97];
	s0 =	simm.s32 @p1 $0x1  }
0x15: {  	[smem:$0x3FB4] =	sst s0;
	s0 =	simm.s32 @!p2 $0x0  }
0x16: {  	s3 =	sld [smem:$0x3FDB];
	s0 =	simm.s32 @p2 $0x1  }
0x17: {  	s4 =	simm.s32 $0x1BF5;
	[smem:$0x3FB6] =	sst s0  }
0x18: {  	s0 =	sld [smem:$0x3F99];
	_ =	swait.ge [sflag:s4], $0x0  }
0x19: {  	s7 =	sld [smem:$0x3F9A]  }
0x1a: {  	s8 =	sadd.s32 $0xFFFFE003, lr  }
0x1b: {  	s9 =	sadd.s32 $0xFFFFFEF7, lr;
	s5 =	simm.s32 $0xFFFFFFFF;
	p2 =	slt.u32 s8, $0xFFFFF086  }
0x1c: {  	p1 =	slt.u32 s9, $0xF7A;
	s5 =	simm.s32 @!p2 $0x0  }
0x1d: {  	s5 =	simm.s32 @p1 $0x1;
	p0 =	seq.s32 s7, s2  }
0x1e: {  	s7 =	smul.u32 @!p0 $0xF7A, s2;
	p2 =	seq.s32 @!p0 s5, $0x0  }
0x1f: {  	s9 =	smul.u32 $0xF7A, s1;
	s8 =	simm.s32 @!p0 $0x1BF5;
	p2 =	por !p2, p0  }
0x20: {  	[sflag:s8] =	ssyncset.s32 @!p0 $0xFFFFF086;
	s6 =	sadd.s32 @!p0 s3, s7;
	s7 =	simm.s32 @!p0 $0x108  }
0x21: {  	s3 =	sadd.s32 s3, s9;
	s6 =	sadd.s32 @!p0 $0x88, s6;
	s7 =	simm.s32 @p2 $0x1082  }
0x22: {  	[simem:s7], [sflag:s8] =	dma.local @!p0 [hbm:s6], $0xF7A  }
0x23: {  	s9 =	sor.u32 $0xD0000000, s2;
	s6 =	simm.s32 $0x108;
	_ =	swait.ge @!p0 [sflag:s8], $0x0  }
0x24: {  	s3 =	sadd.s32 $0x88, s3;
	s6 =	simm.s32 @!p1 $0x1082;
	[sflag:s4] =	ssyncset.s32 $0xFFFFF086  }
0x25: {  	[simem:s6], [sflag:s4] =	dma.local [hbm:s3], $0xF7A  }
0x26: {  	[smem:$0x3F9A] =	sst s1;
	(tag) =	ssettag s2;
	_ =	strace s9  }
0x27: {  	s1 =	sld [smem:$0x3FAA]  }
0x28: {  	s2 =	sld [smem:$0x3FAB]  }
0x29: {  	s4 =	sld [smem:$0x3FAD]  }
0x2a: {  	p0 =	seq.s32 s5, $0x0;
	s5 =	sld [smem:$0x3FAE]  }
0x2b: {  	s6 =	sld [smem:$0x3FAF]  }
0x2c: {  	s7 =	sld [smem:$0x3FB0]  }
0x2d: {  	s3 =	simm.s32 $0x108;
	s8 =	sld [smem:$0x3FB1]  }
0x2e: {  	s3 =	simm.s32 @!p0 $0x1082;
	s9 =	sld [smem:$0x3FB2]  }
0x2f: {  	lr =	sadd.s32 s0, s3;
	s0 =	sld [smem:$0x3FA9]  }
0x30: {  	s3 =	sld [smem:$0x3FAC]  }
0x31: {  	[smem:$0x3FB5] =	sst s10  }
0x32: {  	s10 =	sld [smem:$0x3FB3];
	_ =	sdelay $0x3  }
0x33: {  	p0 =	seq.s32 s10, $0x1;
	s10 =	sld [smem:$0x3FB5];
	_ =	sdelay $0x3  }
0x34: {  	[smem:$0x3FB5] =	sst s10  }
0x35: {  	s10 =	sld [smem:$0x3FB4];
	_ =	sdelay $0x3  }
0x36: {  	p1 =	seq.s32 s10, $0x1;
	s10 =	sld [smem:$0x3FB5];
	_ =	sdelay $0x3  }
0x37: {  	[smem:$0x3FB5] =	sst s10  }
0x38: {  	s10 =	sld [smem:$0x3FB6]  }
0x39: {  	_ = 	snop;
	(pc) =	sbr.ind lr, $3  }
0x3a: {  	_ = 	snop  }
0x3b: {  	_ = 	snop  }
0x3c: {  	p2 =	seq.s32 s10, $0x1;
	s10 =	sld [smem:$0x3FB5]  }
0x3d: {  	_ =	shalt  }
0x3e: {  	_ =	shalt  }
0x3f: {  	_ =	shalt  }
0x40: {  	_ =	shalt  }
0x41: {  	_ =	shalt  }
0x42: {  	_ =	shalt  }
0x43: {  	_ =	shalt  }
0x44: {  	_ =	shalt  }
0x45: {  	_ =	shalt  }
0x46: {  	_ =	shalt  }
0x47: {  	_ =	shalt  }
0x48: {  	_ =	shalt  }
0x49: {  	_ =	shalt  }
0x4a: {  	_ =	shalt  }
0x4b: {  	_ =	shalt  }
0x4c: {  	_ =	shalt  }
0x4d: {  	_ =	shalt  }
0x4e: {  	_ =	shalt  }
0x4f: {  	_ =	shalt  }
0x50: {  	_ =	shalt  }
0x51: {  	_ =	shalt  }
0x52: {  	_ =	shalt  }
0x53: {  	_ =	shalt  }
0x54: {  	_ =	shalt  }
0x55: {  	_ =	shalt  }
0x56: {  	_ =	shalt  }
0x57: {  	_ =	shalt  }
0x58: {  	_ =	shalt  }
0x59: {  	_ =	shalt  }
0x5a: {  	_ =	shalt  }
0x5b: {  	_ =	shalt  }
0x5c: {  	_ =	shalt  }
0x5d: {  	_ =	shalt  }
0x5e: {  	_ =	shalt  }
0x5f: {  	_ =	shalt  }
0x60: {  	_ =	shalt  }
0x61: {  	_ =	shalt  }
0x62: {  	_ =	shalt  }
0x63: {  	_ =	shalt  }
0x64: {  	_ =	shalt  }
0x65: {  	_ =	shalt  }
0x66: {  	_ =	shalt  }
0x67: {  	_ =	shalt  }
0x68: {  	_ =	shalt  }
0x69: {  	_ =	shalt  }
0x6a: {  	_ =	shalt  }
0x6b: {  	_ =	shalt  }
0x6c: {  	_ =	shalt  }
0x6d: {  	_ =	shalt  }
0x6e: {  	_ =	shalt  }
0x6f: {  	_ =	shalt  }
0x70: {  	_ =	shalt  }
0x71: {  	_ =	shalt  }
0x72: {  	_ =	shalt  }
0x73: {  	_ =	shalt  }
0x74: {  	_ =	shalt  }
0x75: {  	_ =	shalt  }
0x76: {  	_ =	shalt  }
0x77: {  	_ =	shalt  }
0x78: {  	_ =	shalt  }
0x79: {  	_ =	shalt  }
0x7a: {  	_ =	shalt  }
0x7b: {  	_ =	shalt  }
0x7c: {  	_ =	shalt  }
0x7d: {  	_ =	shalt  }
0x7e: {  	_ =	shalt  }
0x7f: {  	_ =	shalt  }
0x80: {  	_ =	shalt  }
0x81: {  	_ =	shalt  }
0x82: {  	_ =	shalt  }
0x83: {  	_ =	shalt  }
0x84: {  	_ =	shalt  }
0x85: {  	_ =	shalt  }
0x86: {  	_ =	shalt  }
0x87: {  	_ =	shalt  }
.Lfunc_end0:
.L_simem_size_0:
called_computation.1_lowered:
.L_overlay_start_0:
0x88: {  	s2 =	sld [smem:$0x3FD9]  }
0x89: {  	s3 =	sld [smem:$0x3FFE];
	_ =	sdelay $0x1  }
0x8a: {  	s1 =	srdreg.scid  }
0x8b: {  	s0 =	sand.u32 $0x1, s1  }
0x8c: {  	s16 =	sshll.u32 s0, $0xA;
	s2 =	sadd.s32 s3, s2  }
0x8d: {  	s2 =	sadd.s32 s2, s16  }
0x8e: {  	[smem:$0x3FC1] =	sst s2  }
0x8f: {  	_ = 	snop  }
0x90: {  	(tm) =	ssettm $0x1  }
0x91: {  	s17 =	sld [smem:$0x3FFB];
	_ =	sdelay $0x3  }
0x92: {  	_ =	strace s17  }
0x93: {  	s2 =	sld [smem:$0x3FFC];
	_ =	sdelay $0x3  }
0x94: {  	_ =	strace s2  }
0x95: {  	s2 =	sld [smem:$0x3FFD];
	_ =	sdelay $0x3  }
0x96: {  	_ =	strace s2  }
0x97: {  	_ =	strace $0x8FFFFFFF  }
0x98: {  	s18 =	sld [smem:$0x3FDB];
	_ =	sdelay $0x1  }
0x99: {  	s19 =	simm.s32 $_scs_section_size  }
0x9a: {  	s4 =	simm.s32 $_size__tile_overlayer_lowered;
	s5 =	simm.s32 $_tile_overlayer_lowered  }
0x9b: {  	s22 =	simm.s32 $0x1BFF;
	s21 =	sshll.u32 s5, $0x1;
	s2 =	sadd.s32 s19, s18  }
0x9c: {  	s6 =	simm.s32 $0x0;
	s20 =	sshll.u32 s4, $0x1;
	s4 =	sadd.s32 s21, s2  }
0x9d: {  	[timem:s6], [sflag:s22] =	dma.local [hbm:s4], s20  }
0x9e: {  	_ =	swait.ge [sflag:s22], s20  }
0x9f: {  	s3 =	ssub.s32 $0x0, s20;
	[sflag:s22] =	ssyncset.done $0x0  }
0xa0: {  	[sflag:s22] =	ssyncadd.s32 s3;
	_ =	sdelay $0x1  }
0xa1: {  	s23 =	simm.s32 $0x1B8B  }
0xa2: {  	_ =	swait.ge [sflag:s23], $0x1  }
0xa3: {  	[sflag:s23] =	ssyncset.done $0x0  }
0xa4: {  	s25 =	simm.s32 $0x1B8E;
	s24 =	sld [smem:$0x3FFE];
	[sflag:s23] =	ssyncadd.s32 $0xFFFFFFFF  }
0xa5: {  	s26 =	simm.s32 $execute0_lowered;
	[smem:$0x3FD2] =	sst s25  }
0xa6: {  	s4 =	sshll.u32 s26, $0x1;
	_ =	strace $0x80000049;
	[dreg:$0x1] =	wrdreg $0xFFFFFFFF  }
0xa7: {  	s28 =	simm.s32 $_size_execute0_lowered;
	s2 =	sadd.s32 s2, s4;
	[dreg:$0x0] =	wrdreg $0x0  }
0xa8: {  	s4 =	sshll.u32 s28, $0x1;
	[dreg:$0x2] =	wrdreg s2  }
0xa9: {  	[dreg:$0x3] =	wrdreg s4  }
0xaa: {  	[dreg:$0x4] =	wrdreg $0xC0  }
0xab: {  	_ =	task [dreg:s6], $0x5FFFF  }
0xac: {  	[dreg:$0x1] =	wrdreg $0xFFFFFFFF  }
0xad: {  	[dreg:$0x0] =	wrdreg $0x60  }
0xae: {  	[dreg:$0x2] =	wrdreg s24  }
0xaf: {  	[dreg:$0x3] =	wrdreg $0x0  }
0xb0: {  	[dreg:$0x4] =	wrdreg $0x9  }
0xb1: {  	_ =	task.clear_ibuf [dreg:s6], $0x5FFFF;
	_ =	strace $0x90000049  }
0xb2: {  	s29 =	simm.s32 $0x9;
	_ =	strace $0x8000004B  }
0xb3: {  	_ =	swait.ge [sflag:s29], $0x1  }
0xb4: {  	[sflag:s29] =	ssyncadd.s32 $0xFFFFFFFF  }
0xb5: {  	_ =	strace $0x9000004B  }
0xb6: {  	_ =	sfence  }
0xb7: {  	s30 =	sld [smem:$0x0];
	_ =	sdelay $0x2  }
0xb8: {  	s31 =	sshll.u32 s1, $0xD;
	s1 =	sshrl.u32 s1, $0x2  }
0xb9: {  	s3 =	sand.u32 $0x4000, s31;
	s1 =	sadd.s32 s1, s30  }
0xba: {  	s0 =	sor.u32 s3, s0;
	s1 =	sshll.u32 s1, $0x11  }
0xbb: {  	s0 =	sor.u32 s1, s0  }
0xbc: {  	s0 =	sadd.s32 $0x8F2B, s0  }
0xbd: {  	[sflag:s0] =	ssyncadd.remote.s32 $0x1  }
0xbe: {  	_ =	sfence.sel $0xFFFF  }
0xbf: {  	[dreg:$0x0] =	wrdreg $0xFFFFFFFF;
	(pc) =	sbr.abs _section_cstart, $3  }
0xc0: {  	[dreg:$0x1] =	wrdreg $0xFFFFFFFF  }
0xc1: {  	_ =	task.clear_ibuf [dreg:s6], $0x2FFFF;
	_ =	strace $0x9FFFFFFF  }
0xc2: {  	(tm) =	ssettm $0x7FFFFFFF  }
0xc3: {  	_ =	shalt  }
tec
execute0_lowered:
.L_overlay_start_1:
0x0: {  	(tag) =	ssettag $0x1  }
0x1: {  	s0 =	rddreg [dreg:$0x0]  }
0x2: {  	s2 =	rddreg [dreg:$0x1]  }
0x3: {  	s1 =	srdreg.scid;
	s10 =	stileid.u32  }
0x4: {  	s3 =	simm.s32 $0x0;
	s1 =	sand.u32 $0x1, s1;
	s5 =	smul.u32 $0x280, s10  }
0x5: {  	[smem:$0x7FF] =	sst s3;
	s4 =	sshll.u32 s10, $0x1;
	s10 =	smul.u32 $0x50000, s10  }
0x6: {  	s7 =	sadd.s32 $0x2400, s0;
	s6 =	smul.u32 $0x2800, s1;
	s8 =	sor.u32 s1, s4  }
0x7: {  	_ =	strace $0x8000004A;
	s1 =	ssub.s32 $0x2, s1;
	s20 =	smul.u32 $0x500, s8  }
0x8: {  	s4 =	sadd.s32 $0x66400, s0;
	s8 =	smul.u32 $0x2800, s8;
	s9 =	sshrl.u32 s1, $0x1  }
0x9: {  	s23 =	sshrl.u32 s10, $0x2;
	s5 =	sadd.s32 s5, s6;
	s1 =	ssub.s32 s1, s9  }
0xa: {  	s5 =	sshll.u32 s5, $0x4;
	s21 =	sadd.s32 s7, s20;
	s22 =	sshrl.u32 s8, $0x3  }
0xb: {  	s8 =	sadd.s32 s23, s2;
	s5 =	sadd.s32 s5, s0;
	[dreg:$0x3] =	wrdreg s21  }
0xc: {  	s11 =	sadd.s32 $0x100, s22;
	s26 =	sadd.s32 $0x2000, s8;
	[dreg:$0x1c] =	wrdreg s8  }
0xd: {  	s31 =	sadd.s32 $0x4000, s8;
	s10 =	sadd.s32 $0x6000, s8;
	[dreg:$0x7] =	wrdreg s26  }
0xe: {  	s12 =	sadd.s32 $0x200, s22;
	s14 =	sadd.s32 $0x300, s22;
	[dreg:$0x18] =	wrdreg s31  }
0xf: {  	s16 =	sadd.s32 $0x400, s22;
	s22 =	smax.u32 s1, $0x1;
	[dreg:$0x8] =	wrdreg s10  }
0x10: {  	s0 =	sadd.s32 $0xC400, s0;
	s23 =	sadd.s32 $0xA000, s8;
	[dreg:$0x14] =	wrdreg s22  }
0x11: {  	s6 =	sadd.s32 s20, s0;
	[dreg:$0x15] =	wrdreg s23  }
0x12: {  	s24 =	sadd.s32 s7, s11;
	[dreg:$0x4] =	wrdreg s6  }
0x13: {  	s25 =	sadd.s32 s11, s0;
	[dreg:$0x5] =	wrdreg s24  }
0x14: {  	s30 =	simm.s32 $0x14000;
	s11 =	sadd.s32 $0x8000, s8;
	[dreg:$0x6] =	wrdreg s25  }
0x15: {  	s28 =	simm.s32 $0x15800;
	s13 =	sadd.s32 s7, s12;
	[dreg:$0x19] =	wrdreg s11  }
0x16: {  	s29 =	simm.s32 $0x0;
	s15 =	sadd.s32 s7, s14;
	[dreg:$0x9] =	wrdreg s13  }
0x17: {  	s9 =	simm.s32 $0x4;
	s7 =	sadd.s32 s7, s16;
	[dreg:$0xb] =	wrdreg s15  }
0x18: {  	s17 =	sadd.s32 $0x8D600, s5;
	s18 =	sadd.s32 $0x8DE00, s5;
	[dreg:$0xd] =	wrdreg s7  }
0x19: {  	s19 =	sadd.s32 $0x8E600, s5;
	s20 =	sadd.s32 $0x8EE00, s5;
	[dreg:$0xf] =	wrdreg s17  }
0x1a: {  	s21 =	sadd.s32 $0x8F600, s5;
	s26 =	sadd.s32 $0x10000, s8;
	[dreg:$0x10] =	wrdreg s18  }
0x1b: {  	s31 =	sadd.s32 $0x12000, s8;
	s5 =	simm.s32 $0x14800;
	[dreg:$0x11] =	wrdreg s19  }
0x1c: {  	s10 =	simm.s32 $0x1;
	s22 =	simm.s32 $0x15A80;
	[dreg:$0x12] =	wrdreg s20  }
0x1d: {  	s23 =	simm.s32 $0x14B80;
	s6 =	sadd.s32 s12, s0;
	[dreg:$0x13] =	wrdreg s21  }
0x1e: {  	s24 =	sadd.s32 $0xC000, s8;
	s25 =	sadd.s32 $0xE000, s8;
	[dreg:$0x1b] =	wrdreg s26  }
0x1f: {  	[dreg:$0x17] =	wrdreg s31;
	s7 =	simm.s32 $0x1DD00;
	s12 =	simm.s32 $0x7D  }
0x20: {  	s17 =	simm.s32 $0x5;
	s19 =	simm.s32 $0x2;
	s26 =	simm.s32 $0x3  }
0x21: {  	s8 =	simm.s32 $0x15900;
	s11 =	simm.s32 $0x14A00;
	s13 =	simm.s32 $0x15980  }
0x22: {  	s20 =	simm.s32 $0x15A00;
	s21 =	simm.s32 $0x14B00;
	[dreg:$0xa] =	wrdreg s6  }
0x23: {  	s6 =	sadd.s32 s14, s0;
	s0 =	sadd.s32 s16, s0;
	[dreg:$0x1a] =	wrdreg s24  }
0x24: {  	[dreg:$0x16] =	wrdreg s25;
	s14 =	simm.s32 $0x16000;
	s16 =	simm.s32 $0x19E80  }
0x25: {  	s24 =	simm.s32 $0x15B00;
	s25 =	simm.s32 $0x14C00;
	[dreg:$0xc] =	wrdreg s6  }
0x26: {  	v0 =	vimm.f32 $0.0e+00;
	[dreg:$0xe] =	wrdreg s0;
	s0 =	simm.s32 $0x15000;
	s6 =	simm.s32 $0x14980  }
.LBB2_1:
0x27: {  	s15 =	rddreg [dreg:$0x3]  }
0x28: {  	[tilespmem:s30], [sflag:$0x1] =	stream.linear.gather [hbm4b:s15+s3], $0x800, $0x38;
	[tilespmem:$0x1FD00] =	vst v63  }
0x29: {  	s18 =	rddreg [dreg:$0x4]  }
0x2a: {  	[tilespmem:s0], [sflag:$0x1] =	stream.linear.gather [hbm4b:s18+s3], $0x800, $0x38;
	[tilespmem:$0x1FD00] =	vst v63  }
0x2b: {  	s1 =	rddreg [dreg:$0x5]  }
0x2c: {  	[tilespmem:s5], [sflag:$0x3] =	stream.linear.gather [hbm4b:s1+s3], $0x800, $0x38;
	[tilespmem:$0x1FD00] =	vst v63  }
0x2d: {  	s31 =	simm.s32 $0x0;
	s15 =	simm.s32 $0x200;
	s18 =	rddreg [dreg:$0x6]  }
0x2e: {  	[tilespmem:s28], [sflag:$0x3] =	stream.linear.gather [hbm4b:s18+s3], $0x800, $0x38;
	[tilespmem:$0x1FD00] =	vst v63  }
.LBB2_2:
0x2f: {  	p0 =	sne.s32 s15, $0x7E00;
	[tilespmem:s31+$0x1DD70] =	vst v0  }
0x30: {  	[tilespmem:s31+$0x1DD00] =	vst v0  }
0x31: {  	[tilespmem:s31+$0x1DD10] =	vst v0  }
.Ltmp0:
0x32: {  	[tilespmem:s31+$0x1DD20] =	vst v0;
	(pc) =	sbr.rel @p0 .LBB2_2-.Ltmp0, $4  }
0x33: {  	[tilespmem:s31+$0x1DD30] =	vst v0  }
0x34: {  	[tilespmem:s31+$0x1DD40] =	vst v0  }
0x35: {  	[tilespmem:s31+$0x1DD50] =	vst v0  }
0x36: {  	[tilespmem:s31+$0x1DD60] =	vst v0;
	s31 =	sshra.s32 s15, $0x2;
	s15 =	sadd.s32 $0x200, s15  }
0x37: {  	[tilespmem:s31+$0x1DD70] =	vst v0  }
0x38: {  	[tilespmem:s31+$0x1DD00] =	vst v0  }
0x39: {  	[tilespmem:s31+$0x1DD10] =	vst v0  }
0x3a: {  	[tilespmem:s31+$0x1DD20] =	vst v0  }
0x3b: {  	[tilespmem:s31+$0x1DD30] =	vst v0  }
0x3c: {  	[tilespmem:s31+$0x1DD40] =	vst v0  }
0x3d: {  	[tilespmem:s31+$0x1DD50] =	vst v0  }
0x3e: {  	[tilespmem:s31+$0x1DD60] =	vst v0;
	s1 =	rddreg [dreg:$0x1c]  }
0x3f: {  	[spmem:s1] =	stream.linear.scatter [tilespmem:s7], [sflag:$0x4], $0x2000, $0x38;
	[tilespmem:$0x1FD00] =	vst v63  }
0x40: {  	s15 =	rddreg [dreg:$0x7]  }
0x41: {  	[spmem:s15] =	stream.linear.scatter [tilespmem:s7], [sflag:$0x4], $0x2000, $0x38;
	[tilespmem:$0x1FD00] =	vst v63  }
0x42: {  	s31 =	rddreg [dreg:$0x18]  }
0x43: {  	[spmem:s31] =	stream.linear.scatter [tilespmem:s7], [sflag:$0x4], $0x2000, $0x38;
	[tilespmem:$0x1FD00] =	vst v63  }
0x44: {  	s5 =	rddreg [dreg:$0x8]  }
0x45: {  	[spmem:s5] =	stream.linear.scatter [tilespmem:s7], [sflag:$0x4], $0x2000, $0x38;
	[tilespmem:$0x1FD00] =	vst v63  }
0x46: {  	s15 =	rddreg [dreg:$0x19]  }
0x47: {  	[spmem:s15] =	stream.linear.scatter [tilespmem:s7], [sflag:$0x4], $0x2000, $0x38;
	[tilespmem:$0x1FD00] =	vst v63  }
0x48: {  	s18 =	rddreg [dreg:$0x15]  }
0x49: {  	[spmem:s18] =	stream.linear.scatter [tilespmem:s7], [sflag:$0x4], $0x2000, $0x38;
	[tilespmem:$0x1FD00] =	vst v63  }
0x4a: {  	s31 =	rddreg [dreg:$0x1a]  }
0x4b: {  	[spmem:s31] =	stream.linear.scatter [tilespmem:s7], [sflag:$0x4], $0x2000, $0x38;
	[tilespmem:$0x1FD00] =	vst v63  }
0x4c: {  	s5 =	rddreg [dreg:$0x16]  }
0x4d: {  	[spmem:s5] =	stream.linear.scatter [tilespmem:s7], [sflag:$0x4], $0x2000, $0x38;
	[tilespmem:$0x1FD00] =	vst v63  }
0x4e: {  	s15 =	rddreg [dreg:$0x1b]  }
0x4f: {  	[spmem:s15] =	stream.linear.scatter [tilespmem:s7], [sflag:$0x4], $0x2000, $0x38;
	[tilespmem:$0x1FD00] =	vst v63  }
0x50: {  	s18 =	rddreg [dreg:$0x17]  }
0x51: {  	[spmem:s18] =	stream.linear.scatter [tilespmem:s7], [sflag:$0x4], $0x2000, $0x38;
	[tilespmem:$0x1FD00] =	vst v63  }
0x52: {  	_ =	swait.ge [sflag:s9], $0x2000  }
0x53: {  	[sflag:s9] =	ssyncset.done $0x0  }
0x54: {  	[sflag:s9] =	ssyncadd.s32 $0xFFFFE000  }
0x55: {  	_ =	swait.ge [sflag:s9], $0x2000  }
0x56: {  	[sflag:s9] =	ssyncset.done $0x0  }
0x57: {  	[sflag:s9] =	ssyncadd.s32 $0xFFFFE000  }
0x58: {  	_ =	swait.ge [sflag:s9], $0x2000  }
0x59: {  	[sflag:s9] =	ssyncset.done $0x0  }
0x5a: {  	[sflag:s9] =	ssyncadd.s32 $0xFFFFE000  }
0x5b: {  	_ =	swait.ge [sflag:s9], $0x2000  }
0x5c: {  	[sflag:s9] =	ssyncset.done $0x0  }
0x5d: {  	[sflag:s9] =	ssyncadd.s32 $0xFFFFE000  }
0x5e: {  	_ =	swait.ge [sflag:s9], $0x2000  }
0x5f: {  	[sflag:s9] =	ssyncset.done $0x0  }
0x60: {  	[sflag:s9] =	ssyncadd.s32 $0xFFFFE000  }
0x61: {  	_ =	swait.ge [sflag:s9], $0x2000  }
0x62: {  	[sflag:s9] =	ssyncset.done $0x0  }
0x63: {  	[sflag:s9] =	ssyncadd.s32 $0xFFFFE000  }
0x64: {  	_ =	swait.ge [sflag:s9], $0x2000  }
0x65: {  	[sflag:s9] =	ssyncset.done $0x0  }
0x66: {  	[sflag:s9] =	ssyncadd.s32 $0xFFFFE000  }
0x67: {  	_ =	swait.ge [sflag:s9], $0x2000  }
0x68: {  	[sflag:s9] =	ssyncset.done $0x0  }
0x69: {  	[sflag:s9] =	ssyncadd.s32 $0xFFFFE000  }
0x6a: {  	_ =	swait.ge [sflag:s9], $0x2000  }
0x6b: {  	[sflag:s9] =	ssyncset.done $0x0  }
0x6c: {  	[sflag:s9] =	ssyncadd.s32 $0xFFFFE000  }
0x6d: {  	_ =	swait.ge [sflag:s9], $0x2000  }
0x6e: {  	[sflag:s9] =	ssyncset.done $0x0  }
0x6f: {  	[sflag:s9] =	ssyncadd.s32 $0xFFFFE000  }
0x70: {  	[bflag:$0x0] =	sbarrier.arrive $0xFFFF  }
0x71: {  	_ =	swait.ge [sflag:s10], $0x800  }
0x72: {  	[sflag:s10] =	ssyncset.done $0x0  }
0x73: {  	[sflag:s10] =	ssyncadd.s32 $0xFFFFF800  }
0x74: {  	_ =	swait.ge [sflag:s10], $0x800  }
0x75: {  	[sflag:s10] =	ssyncset.done $0x0  }
0x76: {  	[sflag:s10] =	ssyncadd.s32 $0xFFFFF800  }
0x77: {  	[tilespmem:s14], [sflag:$0x1] =	stream.indirect.gather [hbm4b:s4+s12], $0x80, s30, s12, $0xb8;
	[tilespmem:$0x1FD00] =	vst v63  }
0x78: {  	s31 =	simm.s32 $0x14080  }
0x79: {  	[tilespmem:s16], [sflag:$0x2] =	stream.indirect.gather [hbm4b:s4+s12], $0x80, s31, s12, $0xb8;
	[tilespmem:$0x1FD00] =	vst v63  }
0x7a: {  	_ =	swait.ge [sflag:s10], $0x3E80  }
0x7b: {  	[sflag:s10] =	ssyncset.done $0x0  }
0x7c: {  	[sflag:s10] =	ssyncadd.s32 $0xFFFFC180  }
0x7d: {  	[spmem:s2] =	stream.indirect.scatter.add.f32 [tilespmem:s14], [sflag:$0x5], $0x80, s0, s12, $0xb8;
	[tilespmem:$0x1FD00] =	vst v63  }
0x7e: {  	_ =	swait.ge [sflag:s17], $0x3E80  }
0x7f: {  	[sflag:s17] =	ssyncset.done $0x0  }
0x80: {  	s5 =	simm.s32 $0x14100;
	[sflag:s17] =	ssyncadd.s32 $0xFFFFC180  }
0x81: {  	[tilespmem:s14], [sflag:$0x1] =	stream.indirect.gather [hbm4b:s4+s12], $0x80, s5, s12, $0xb8;
	[tilespmem:$0x1FD00] =	vst v63  }
0x82: {  	_ =	swait.ge [sflag:s19], $0x3E80  }
0x83: {  	[sflag:s19] =	ssyncset.done $0x0  }
0x84: {  	s15 =	simm.s32 $0x15080;
	[sflag:s19] =	ssyncadd.s32 $0xFFFFC180  }
0x85: {  	[spmem:s2] =	stream.indirect.scatter.add.f32 [tilespmem:s16], [sflag:$0x5], $0x80, s15, s12, $0xb8;
	[tilespmem:$0x1FD00] =	vst v63  }
0x86: {  	_ =	swait.ge [sflag:s17], $0x3E80  }
0x87: {  	[sflag:s17] =	ssyncset.done $0x0  }
0x88: {  	s18 =	simm.s32 $0x14180;
	[sflag:s17] =	ssyncadd.s32 $0xFFFFC180  }
0x89: {  	[tilespmem:s16], [sflag:$0x2] =	stream.indirect.gather [hbm4b:s4+s12], $0x80, s18, s12, $0xb8;
	[tilespmem:$0x1FD00] =	vst v63  }
0x8a: {  	_ =	swait.ge [sflag:s10], $0x3E80  }
0x8b: {  	[sflag:s10] =	ssyncset.done $0x0  }
0x8c: {  	s31 =	simm.s32 $0x15100;
	[sflag:s10] =	ssyncadd.s32 $0xFFFFC180  }
0x8d: {  	[spmem:s2] =	stream.indirect.scatter.add.f32 [tilespmem:s14], [sflag:$0x5], $0x80, s31, s12, $0xb8;
	[tilespmem:$0x1FD00] =	vst v63  }
0x8e: {  	_ =	swait.ge [sflag:s17], $0x3E80  }
0x8f: {  	[sflag:s17] =	ssyncset.done $0x0  }
0x90: {  	s1 =	simm.s32 $0x14200;
	[sflag:s17] =	ssyncadd.s32 $0xFFFFC180  }
0x91: {  	[tilespmem:s14], [sflag:$0x1] =	stream.indirect.gather [hbm4b:s4+s12], $0x80, s1, s12, $0xb8;
	[tilespmem:$0x1FD00] =	vst v63  }
0x92: {  	_ =	swait.ge [sflag:s19], $0x3E80  }
0x93: {  	[sflag:s19] =	ssyncset.done $0x0  }
0x94: {  	s5 =	simm.s32 $0x15180;
	[sflag:s19] =	ssyncadd.s32 $0xFFFFC180  }
0x95: {  	[spmem:s2] =	stream.indirect.scatter.add.f32 [tilespmem:s16], [sflag:$0x5], $0x80, s5, s12, $0xb8;
	[tilespmem:$0x1FD00] =	vst v63  }
0x96: {  	_ =	swait.ge [sflag:s17], $0x3E80  }
0x97: {  	[sflag:s17] =	ssyncset.done $0x0  }
0x98: {  	s15 =	simm.s32 $0x14280;
	[sflag:s17] =	ssyncadd.s32 $0xFFFFC180  }
0x99: {  	[tilespmem:s16], [sflag:$0x2] =	stream.indirect.gather [hbm4b:s4+s12], $0x80, s15, s12, $0xb8;
	[tilespmem:$0x1FD00] =	vst v63  }
0x9a: {  	_ =	swait.ge [sflag:s10], $0x3E80  }
0x9b: {  	[sflag:s10] =	ssyncset.done $0x0  }
0x9c: {  	s18 =	simm.s32 $0x15200;
	[sflag:s10] =	ssyncadd.s32 $0xFFFFC180  }
0x9d: {  	[spmem:s2] =	stream.indirect.scatter.add.f32 [tilespmem:s14], [sflag:$0x5], $0x80, s18, s12, $0xb8;
	[tilespmem:$0x1FD00] =	vst v63  }
0x9e: {  	_ =	swait.ge [sflag:s17], $0x3E80  }
0x9f: {  	[sflag:s17] =	ssyncset.done $0x0  }
0xa0: {  	s31 =	simm.s32 $0x14300;
	[sflag:s17] =	ssyncadd.s32 $0xFFFFC180  }
0xa1: {  	[tilespmem:s14], [sflag:$0x1] =	stream.indirect.gather [hbm4b:s4+s12], $0x80, s31, s12, $0xb8;
	[tilespmem:$0x1FD00] =	vst v63  }
0xa2: {  	_ =	swait.ge [sflag:s19], $0x3E80  }
0xa3: {  	[sflag:s19] =	ssyncset.done $0x0  }
0xa4: {  	s1 =	simm.s32 $0x15280;
	[sflag:s19] =	ssyncadd.s32 $0xFFFFC180  }
0xa5: {  	[spmem:s2] =	stream.indirect.scatter.add.f32 [tilespmem:s16], [sflag:$0x5], $0x80, s1, s12, $0xb8;
	[tilespmem:$0x1FD00] =	vst v63  }
0xa6: {  	_ =	swait.ge [sflag:s17], $0x3E80  }
0xa7: {  	[sflag:s17] =	ssyncset.done $0x0  }
0xa8: {  	s5 =	simm.s32 $0x14380;
	[sflag:s17] =	ssyncadd.s32 $0xFFFFC180  }
0xa9: {  	[tilespmem:s16], [sflag:$0x2] =	stream.indirect.gather [hbm4b:s4+s12], $0x80, s5, s12, $0xb8;
	[tilespmem:$0x1FD00] =	vst v63  }
0xaa: {  	_ =	swait.ge [sflag:s10], $0x3E80  }
0xab: {  	[sflag:s10] =	ssyncset.done $0x0  }
0xac: {  	s15 =	simm.s32 $0x15300;
	[sflag:s10] =	ssyncadd.s32 $0xFFFFC180  }
0xad: {  	[spmem:s2] =	stream.indirect.scatter.add.f32 [tilespmem:s14], [sflag:$0x5], $0x80, s15, s12, $0xb8;
	[tilespmem:$0x1FD00] =	vst v63  }
0xae: {  	_ =	swait.ge [sflag:s17], $0x3E80  }
0xaf: {  	[sflag:s17] =	ssyncset.done $0x0  }
0xb0: {  	s18 =	simm.s32 $0x14400;
	[sflag:s17] =	ssyncadd.s32 $0xFFFFC180  }
0xb1: {  	[tilespmem:s14], [sflag:$0x1] =	stream.indirect.gather [hbm4b:s4+s12], $0x80, s18, s12, $0xb8;
	[tilespmem:$0x1FD00] =	vst v63  }
0xb2: {  	_ =	swait.ge [sflag:s19], $0x3E80  }
0xb3: {  	[sflag:s19] =	ssyncset.done $0x0  }
0xb4: {  	s31 =	simm.s32 $0x15380;
	[sflag:s19] =	ssyncadd.s32 $0xFFFFC180  }
0xb5: {  	[spmem:s2] =	stream.indirect.scatter.add.f32 [tilespmem:s16], [sflag:$0x5], $0x80, s31, s12, $0xb8;
	[tilespmem:$0x1FD00] =	vst v63  }
0xb6: {  	_ =	swait.ge [sflag:s17], $0x3E80  }
0xb7: {  	[sflag:s17] =	ssyncset.done $0x0  }
0xb8: {  	s1 =	simm.s32 $0x14480;
	[sflag:s17] =	ssyncadd.s32 $0xFFFFC180  }
0xb9: {  	[tilespmem:s16], [sflag:$0x2] =	stream.indirect.gather [hbm4b:s4+s12], $0x80, s1, s12, $0xb8;
	[tilespmem:$0x1FD00] =	vst v63  }
0xba: {  	_ =	swait.ge [sflag:s10], $0x3E80  }
0xbb: {  	[sflag:s10] =	ssyncset.done $0x0  }
0xbc: {  	s5 =	simm.s32 $0x15400;
	[sflag:s10] =	ssyncadd.s32 $0xFFFFC180  }
0xbd: {  	[spmem:s2] =	stream.indirect.scatter.add.f32 [tilespmem:s14], [sflag:$0x5], $0x80, s5, s12, $0xb8;
	[tilespmem:$0x1FD00] =	vst v63  }
0xbe: {  	_ =	swait.ge [sflag:s17], $0x3E80  }
0xbf: {  	[sflag:s17] =	ssyncset.done $0x0  }
0xc0: {  	s15 =	simm.s32 $0x14500;
	[sflag:s17] =	ssyncadd.s32 $0xFFFFC180  }
0xc1: {  	[tilespmem:s14], [sflag:$0x1] =	stream.indirect.gather [hbm4b:s4+s12], $0x80, s15, s12, $0xb8;
	[tilespmem:$0x1FD00] =	vst v63  }
0xc2: {  	_ =	swait.ge [sflag:s19], $0x3E80  }
0xc3: {  	[sflag:s19] =	ssyncset.done $0x0  }
0xc4: {  	s18 =	simm.s32 $0x15480;
	[sflag:s19] =	ssyncadd.s32 $0xFFFFC180  }
0xc5: {  	[spmem:s2] =	stream.indirect.scatter.add.f32 [tilespmem:s16], [sflag:$0x5], $0x80, s18, s12, $0xb8;
	[tilespmem:$0x1FD00] =	vst v63  }
0xc6: {  	_ =	swait.ge [sflag:s17], $0x3E80  }
0xc7: {  	[sflag:s17] =	ssyncset.done $0x0  }
0xc8: {  	s31 =	simm.s32 $0x14580;
	[sflag:s17] =	ssyncadd.s32 $0xFFFFC180  }
0xc9: {  	[tilespmem:s16], [sflag:$0x2] =	stream.indirect.gather [hbm4b:s4+s12], $0x80, s31, s12, $0xb8;
	[tilespmem:$0x1FD00] =	vst v63  }
0xca: {  	_ =	swait.ge [sflag:s10], $0x3E80  }
0xcb: {  	[sflag:s10] =	ssyncset.done $0x0  }
0xcc: {  	s1 =	simm.s32 $0x15500;
	[sflag:s10] =	ssyncadd.s32 $0xFFFFC180  }
0xcd: {  	[spmem:s2] =	stream.indirect.scatter.add.f32 [tilespmem:s14], [sflag:$0x5], $0x80, s1, s12, $0xb8;
	[tilespmem:$0x1FD00] =	vst v63  }
0xce: {  	_ =	swait.ge [sflag:s17], $0x3E80  }
0xcf: {  	[sflag:s17] =	ssyncset.done $0x0  }
0xd0: {  	s5 =	simm.s32 $0x14600;
	[sflag:s17] =	ssyncadd.s32 $0xFFFFC180  }
0xd1: {  	[tilespmem:s14], [sflag:$0x1] =	stream.indirect.gather [hbm4b:s4+s12], $0x80, s5, s12, $0xb8;
	[tilespmem:$0x1FD00] =	vst v63  }
0xd2: {  	_ =	swait.ge [sflag:s19], $0x3E80  }
0xd3: {  	[sflag:s19] =	ssyncset.done $0x0  }
0xd4: {  	s15 =	simm.s32 $0x15580;
	[sflag:s19] =	ssyncadd.s32 $0xFFFFC180  }
0xd5: {  	[spmem:s2] =	stream.indirect.scatter.add.f32 [tilespmem:s16], [sflag:$0x5], $0x80, s15, s12, $0xb8;
	[tilespmem:$0x1FD00] =	vst v63  }
0xd6: {  	_ =	swait.ge [sflag:s17], $0x3E80  }
0xd7: {  	[sflag:s17] =	ssyncset.done $0x0  }
0xd8: {  	s18 =	simm.s32 $0x14680;
	[sflag:s17] =	ssyncadd.s32 $0xFFFFC180  }
0xd9: {  	[tilespmem:s16], [sflag:$0x2] =	stream.indirect.gather [hbm4b:s4+s12], $0x80, s18, s12, $0xb8;
	[tilespmem:$0x1FD00] =	vst v63  }
0xda: {  	_ =	swait.ge [sflag:s10], $0x3E80  }
0xdb: {  	[sflag:s10] =	ssyncset.done $0x0  }
0xdc: {  	s31 =	simm.s32 $0x15600;
	[sflag:s10] =	ssyncadd.s32 $0xFFFFC180  }
0xdd: {  	[spmem:s2] =	stream.indirect.scatter.add.f32 [tilespmem:s14], [sflag:$0x5], $0x80, s31, s12, $0xb8;
	[tilespmem:$0x1FD00] =	vst v63  }
0xde: {  	_ =	swait.ge [sflag:s17], $0x3E80  }
0xdf: {  	[sflag:s17] =	ssyncset.done $0x0  }
0xe0: {  	s1 =	simm.s32 $0x14700;
	[sflag:s17] =	ssyncadd.s32 $0xFFFFC180  }
0xe1: {  	[tilespmem:s14], [sflag:$0x1] =	stream.indirect.gather [hbm4b:s4+s12], $0x80, s1, s12, $0xb8;
	[tilespmem:$0x1FD00] =	vst v63  }
0xe2: {  	_ =	swait.ge [sflag:s19], $0x3E80  }
0xe3: {  	[sflag:s19] =	ssyncset.done $0x0  }
0xe4: {  	s5 =	simm.s32 $0x15680;
	[sflag:s19] =	ssyncadd.s32 $0xFFFFC180  }
0xe5: {  	[spmem:s2] =	stream.indirect.scatter.add.f32 [tilespmem:s16], [sflag:$0x5], $0x80, s5, s12, $0xb8;
	[tilespmem:$0x1FD00] =	vst v63  }
0xe6: {  	_ =	swait.ge [sflag:s17], $0x3E80  }
0xe7: {  	[sflag:s17] =	ssyncset.done $0x0  }
0xe8: {  	s15 =	simm.s32 $0x14780;
	[sflag:s17] =	ssyncadd.s32 $0xFFFFC180  }
0xe9: {  	[tilespmem:s16], [sflag:$0x2] =	stream.indirect.gather [hbm4b:s4+s12], $0x80, s15, s12, $0xb8;
	[tilespmem:$0x1FD00] =	vst v63  }
0xea: {  	_ =	swait.ge [sflag:s10], $0x3E80  }
0xeb: {  	[sflag:s10] =	ssyncset.done $0x0  }
0xec: {  	s18 =	simm.s32 $0x15700;
	[sflag:s10] =	ssyncadd.s32 $0xFFFFC180  }
0xed: {  	[spmem:s2] =	stream.indirect.scatter.add.f32 [tilespmem:s14], [sflag:$0x5], $0x80, s18, s12, $0xb8;
	[tilespmem:$0x1FD00] =	vst v63  }
0xee: {  	_ =	swait.ge [sflag:s17], $0x3E80  }
0xef: {  	[sflag:s17] =	ssyncset.done $0x0  }
0xf0: {  	[sflag:s17] =	ssyncadd.s32 $0xFFFFC180  }
0xf1: {  	_ =	swait.ge [sflag:s19], $0x3E80  }
0xf2: {  	[sflag:s19] =	ssyncset.done $0x0  }
0xf3: {  	s31 =	simm.s32 $0x15780;
	[sflag:s19] =	ssyncadd.s32 $0xFFFFC180  }
0xf4: {  	[spmem:s2] =	stream.indirect.scatter.add.f32 [tilespmem:s16], [sflag:$0x5], $0x80, s31, s12, $0xb8;
	[tilespmem:$0x1FD00] =	vst v63  }
0xf5: {  	_ =	swait.ge [sflag:s17], $0x3E80  }
0xf6: {  	[sflag:s17] =	ssyncset.done $0x0  }
0xf7: {  	[sflag:s17] =	ssyncadd.s32 $0xFFFFC180  }
0xf8: {  	_ =	swait.ge [sflag:s26], $0x800  }
0xf9: {  	[sflag:s26] =	ssyncset.done $0x0  }
0xfa: {  	[sflag:s26] =	ssyncadd.s32 $0xFFFFF800  }
0xfb: {  	_ =	swait.ge [sflag:s26], $0x800  }
0xfc: {  	[sflag:s26] =	ssyncset.done $0x0  }
0xfd: {  	s28 =	simm.s32 $0x14800;
	[sflag:s26] =	ssyncadd.s32 $0xFFFFF800  }
0xfe: {  	[tilespmem:s14], [sflag:$0x1] =	stream.indirect.gather [hbm4b:s4+s12], $0x80, s28, s12, $0xb8;
	[tilespmem:$0x1FD00] =	vst v63  }
0xff: {  	s1 =	rddreg [dreg:$0x9]  }
0x100: {  	[tilespmem:s30], [sflag:$0x3] =	stream.linear.gather [hbm4b:s1+s3], $0x800, $0x38;
	[tilespmem:$0x1FD00] =	vst v63  }
0x101: {  	s18 =	simm.s32 $0x15000;
	s5 =	rddreg [dreg:$0xa]  }
0x102: {  	[tilespmem:s18], [sflag:$0x3] =	stream.linear.gather [hbm4b:s5+s3], $0x800, $0x38;
	[tilespmem:$0x1FD00] =	vst v63  }
0x103: {  	s31 =	simm.s32 $0x14880  }
0x104: {  	[tilespmem:s16], [sflag:$0x2] =	stream.indirect.gather [hbm4b:s4+s12], $0x80, s31, s12, $0xb8;
	[tilespmem:$0x1FD00] =	vst v63  }
0x105: {  	_ =	swait.ge [sflag:s10], $0x3E80  }
0x106: {  	[sflag:s10] =	ssyncset.done $0x0  }
0x107: {  	s30 =	simm.s32 $0x15800;
	[sflag:s10] =	ssyncadd.s32 $0xFFFFC180  }
0x108: {  	[spmem:s2] =	stream.indirect.scatter.add.f32 [tilespmem:s14], [sflag:$0x5], $0x80, s30, s12, $0xb8;
	[tilespmem:$0x1FD00] =	vst v63  }
0x109: {  	_ =	swait.ge [sflag:s17], $0x3E80  }
0x10a: {  	[sflag:s17] =	ssyncset.done $0x0  }
0x10b: {  	s1 =	simm.s32 $0x14900;
	[sflag:s17] =	ssyncadd.s32 $0xFFFFC180  }
0x10c: {  	[tilespmem:s14], [sflag:$0x1] =	stream.indirect.gather [hbm4b:s4+s12], $0x80, s1, s12, $0xb8;
	[tilespmem:$0x1FD00] =	vst v63  }
0x10d: {  	_ =	swait.ge [sflag:s19], $0x3E80  }
0x10e: {  	[sflag:s19] =	ssyncset.done $0x0  }
0x10f: {  	s5 =	simm.s32 $0x15880;
	[sflag:s19] =	ssyncadd.s32 $0xFFFFC180  }
0x110: {  	[spmem:s2] =	stream.indirect.scatter.add.f32 [tilespmem:s16], [sflag:$0x5], $0x80, s5, s12, $0xb8;
	[tilespmem:$0x1FD00] =	vst v63  }
0x111: {  	_ =	swait.ge [sflag:s17], $0x3E80  }
0x112: {  	[sflag:s17] =	ssyncset.done $0x0  }
0x113: {  	[sflag:s17] =	ssyncadd.s32 $0xFFFFC180  }
0x114: {  	[tilespmem:s16], [sflag:$0x2] =	stream.indirect.gather [hbm4b:s4+s12], $0x80, s6, s12, $0xb8;
	[tilespmem:$0x1FD00] =	vst v63  }
0x115: {  	_ =	swait.ge [sflag:s10], $0x3E80  }
0x116: {  	[sflag:s10] =	ssyncset.done $0x0  }
0x117: {  	[sflag:s10] =	ssyncadd.s32 $0xFFFFC180  }
0x118: {  	[spmem:s2] =	stream.indirect.scatter.add.f32 [tilespmem:s14], [sflag:$0x5], $0x80, s8, s12, $0xb8;
	[tilespmem:$0x1FD00] =	vst v63  }
0x119: {  	_ =	swait.ge [sflag:s17], $0x3E80  }
0x11a: {  	[sflag:s17] =	ssyncset.done $0x0  }
0x11b: {  	[sflag:s17] =	ssyncadd.s32 $0xFFFFC180  }
0x11c: {  	[tilespmem:s14], [sflag:$0x1] =	stream.indirect.gather [hbm4b:s4+s12], $0x80, s11, s12, $0xb8;
	[tilespmem:$0x1FD00] =	vst v63  }
0x11d: {  	_ =	swait.ge [sflag:s19], $0x3E80  }
0x11e: {  	[sflag:s19] =	ssyncset.done $0x0  }
0x11f: {  	[sflag:s19] =	ssyncadd.s32 $0xFFFFC180  }
0x120: {  	[spmem:s2] =	stream.indirect.scatter.add.f32 [tilespmem:s16], [sflag:$0x5], $0x80, s13, s12, $0xb8;
	[tilespmem:$0x1FD00] =	vst v63  }
0x121: {  	_ =	swait.ge [sflag:s17], $0x3E80  }
0x122: {  	[sflag:s17] =	ssyncset.done $0x0  }
0x123: {  	s18 =	simm.s32 $0x14A80;
	[sflag:s17] =	ssyncadd.s32 $0xFFFFC180  }
0x124: {  	[tilespmem:s16], [sflag:$0x2] =	stream.indirect.gather [hbm4b:s4+s12], $0x80, s18, s12, $0xb8;
	[tilespmem:$0x1FD00] =	vst v63  }
0x125: {  	_ =	swait.ge [sflag:s10], $0x3E80  }
0x126: {  	[sflag:s10] =	ssyncset.done $0x0  }
0x127: {  	[sflag:s10] =	ssyncadd.s32 $0xFFFFC180  }
0x128: {  	[spmem:s2] =	stream.indirect.scatter.add.f32 [tilespmem:s14], [sflag:$0x5], $0x80, s20, s12, $0xb8;
	[tilespmem:$0x1FD00] =	vst v63  }
0x129: {  	_ =	swait.ge [sflag:s17], $0x3E80  }
0x12a: {  	[sflag:s17] =	ssyncset.done $0x0  }
0x12b: {  	[sflag:s17] =	ssyncadd.s32 $0xFFFFC180  }
0x12c: {  	[tilespmem:s14], [sflag:$0x1] =	stream.indirect.gather [hbm4b:s4+s12], $0x80, s21, s12, $0xb8;
	[tilespmem:$0x1FD00] =	vst v63  }
0x12d: {  	_ =	swait.ge [sflag:s19], $0x3E80  }
0x12e: {  	[sflag:s19] =	ssyncset.done $0x0  }
0x12f: {  	[sflag:s19] =	ssyncadd.s32 $0xFFFFC180  }
0x130: {  	[spmem:s2] =	stream.indirect.scatter.add.f32 [tilespmem:s16], [sflag:$0x5], $0x80, s22, s12, $0xb8;
	[tilespmem:$0x1FD00] =	vst v63  }
0x131: {  	_ =	swait.ge [sflag:s17], $0x3E80  }
0x132: {  	[sflag:s17] =	ssyncset.done $0x0  }
0x133: {  	[sflag:s17] =	ssyncadd.s32 $0xFFFFC180  }
0x134: {  	[tilespmem:s16], [sflag:$0x2] =	stream.indirect.gather [hbm4b:s4+s12], $0x80, s23, s12, $0xb8;
	[tilespmem:$0x1FD00] =	vst v63  }
0x135: {  	_ =	swait.ge [sflag:s10], $0x3E80  }
0x136: {  	[sflag:s10] =	ssyncset.done $0x0  }
0x137: {  	[sflag:s10] =	ssyncadd.s32 $0xFFFFC180  }
0x138: {  	[spmem:s2] =	stream.indirect.scatter.add.f32 [tilespmem:s14], [sflag:$0x5], $0x80, s24, s12, $0xb8;
	[tilespmem:$0x1FD00] =	vst v63  }
0x139: {  	_ =	swait.ge [sflag:s17], $0x3E80  }
0x13a: {  	[sflag:s17] =	ssyncset.done $0x0  }
0x13b: {  	[sflag:s17] =	ssyncadd.s32 $0xFFFFC180  }
0x13c: {  	[tilespmem:s14], [sflag:$0x1] =	stream.indirect.gather [hbm4b:s4+s12], $0x80, s25, s12, $0xb8;
	[tilespmem:$0x1FD00] =	vst v63  }
0x13d: {  	_ =	swait.ge [sflag:s19], $0x3E80  }
0x13e: {  	[sflag:s19] =	ssyncset.done $0x0  }
0x13f: {  	s31 =	simm.s32 $0x15B80;
	[sflag:s19] =	ssyncadd.s32 $0xFFFFC180  }
0x140: {  	[spmem:s2] =	stream.indirect.scatter.add.f32 [tilespmem:s16], [sflag:$0x5], $0x80, s31, s12, $0xb8;
	[tilespmem:$0x1FD00] =	vst v63  }
0x141: {  	_ =	swait.ge [sflag:s17], $0x3E80  }
0x142: {  	[sflag:s17] =	ssyncset.done $0x0  }
0x143: {  	s0 =	simm.s32 $0x14C80;
	[sflag:s17] =	ssyncadd.s32 $0xFFFFC180  }
0x144: {  	[tilespmem:s16], [sflag:$0x2] =	stream.indirect.gather [hbm4b:s4+s12], $0x80, s0, s12, $0xb8;
	[tilespmem:$0x1FD00] =	vst v63  }
0x145: {  	_ =	swait.ge [sflag:s10], $0x3E80  }
0x146: {  	[sflag:s10] =	ssyncset.done $0x0  }
0x147: {  	s0 =	simm.s32 $0x15C00;
	[sflag:s10] =	ssyncadd.s32 $0xFFFFC180  }
0x148: {  	[spmem:s2] =	stream.indirect.scatter.add.f32 [tilespmem:s14], [sflag:$0x5], $0x80, s0, s12, $0xb8;
	[tilespmem:$0x1FD00] =	vst v63  }
0x149: {  	_ =	swait.ge [sflag:s17], $0x3E80  }
0x14a: {  	[sflag:s17] =	ssyncset.done $0x0  }
0x14b: {  	s0 =	simm.s32 $0x14D00;
	[sflag:s17] =	ssyncadd.s32 $0xFFFFC180  }
0x14c: {  	[tilespmem:s14], [sflag:$0x1] =	stream.indirect.gather [hbm4b:s4+s12], $0x80, s0, s12, $0xb8;
	[tilespmem:$0x1FD00] =	vst v63  }
0x14d: {  	_ =	swait.ge [sflag:s19], $0x3E80  }
0x14e: {  	[sflag:s19] =	ssyncset.done $0x0  }
0x14f: {  	s0 =	simm.s32 $0x15C80;
	[sflag:s19] =	ssyncadd.s32 $0xFFFFC180  }
0x150: {  	[spmem:s2] =	stream.indirect.scatter.add.f32 [tilespmem:s16], [sflag:$0x5], $0x80, s0, s12, $0xb8;
	[tilespmem:$0x1FD00] =	vst v63  }
0x151: {  	_ =	swait.ge [sflag:s17], $0x3E80  }
0x152: {  	[sflag:s17] =	ssyncset.done $0x0  }
0x153: {  	s0 =	simm.s32 $0x14D80;
	[sflag:s17] =	ssyncadd.s32 $0xFFFFC180  }
0x154: {  	[tilespmem:s16], [sflag:$0x2] =	stream.indirect.gather [hbm4b:s4+s12], $0x80, s0, s12, $0xb8;
	[tilespmem:$0x1FD00] =	vst v63  }
0x155: {  	_ =	swait.ge [sflag:s10], $0x3E80  }
0x156: {  	[sflag:s10] =	ssyncset.done $0x0  }
0x157: {  	s0 =	simm.s32 $0x15D00;
	[sflag:s10] =	ssyncadd.s32 $0xFFFFC180  }
0x158: {  	[spmem:s2] =	stream.indirect.scatter.add.f32 [tilespmem:s14], [sflag:$0x5], $0x80, s0, s12, $0xb8;
	[tilespmem:$0x1FD00] =	vst v63  }
0x159: {  	_ =	swait.ge [sflag:s17], $0x3E80  }
0x15a: {  	[sflag:s17] =	ssyncset.done $0x0  }
0x15b: {  	s0 =	simm.s32 $0x14E00;
	[sflag:s17] =	ssyncadd.s32 $0xFFFFC180  }
0x15c: {  	[tilespmem:s14], [sflag:$0x1] =	stream.indirect.gather [hbm4b:s4+s12], $0x80, s0, s12, $0xb8;
	[tilespmem:$0x1FD00] =	vst v63  }
0x15d: {  	_ =	swait.ge [sflag:s19], $0x3E80  }
0x15e: {  	[sflag:s19] =	ssyncset.done $0x0  }
0x15f: {  	s0 =	simm.s32 $0x15D80;
	[sflag:s19] =	ssyncadd.s32 $0xFFFFC180  }
0x160: {  	[spmem:s2] =	stream.indirect.scatter.add.f32 [tilespmem:s16], [sflag:$0x5], $0x80, s0, s12, $0xb8;
	[tilespmem:$0x1FD00] =	vst v63  }
0x161: {  	_ =	swait.ge [sflag:s17], $0x3E80  }
0x162: {  	[sflag:s17] =	ssyncset.done $0x0  }
0x163: {  	s0 =	simm.s32 $0x14E80;
	[sflag:s17] =	ssyncadd.s32 $0xFFFFC180  }
0x164: {  	[tilespmem:s16], [sflag:$0x2] =	stream.indirect.gather [hbm4b:s4+s12], $0x80, s0, s12, $0xb8;
	[tilespmem:$0x1FD00] =	vst v63  }
0x165: {  	_ =	swait.ge [sflag:s10], $0x3E80  }
0x166: {  	[sflag:s10] =	ssyncset.done $0x0  }
0x167: {  	s0 =	simm.s32 $0x15E00;
	[sflag:s10] =	ssyncadd.s32 $0xFFFFC180  }
0x168: {  	[spmem:s2] =	stream.indirect.scatter.add.f32 [tilespmem:s14], [sflag:$0x5], $0x80, s0, s12, $0xb8;
	[tilespmem:$0x1FD00] =	vst v63  }
0x169: {  	_ =	swait.ge [sflag:s17], $0x3E80  }
0x16a: {  	[sflag:s17] =	ssyncset.done $0x0  }
0x16b: {  	s0 =	simm.s32 $0x14F00;
	[sflag:s17] =	ssyncadd.s32 $0xFFFFC180  }
0x16c: {  	[tilespmem:s14], [sflag:$0x1] =	stream.indirect.gather [hbm4b:s4+s12], $0x80, s0, s12, $0xb8;
	[tilespmem:$0x1FD00] =	vst v63  }
0x16d: {  	_ =	swait.ge [sflag:s19], $0x3E80  }
0x16e: {  	[sflag:s19] =	ssyncset.done $0x0  }
0x16f: {  	s0 =	simm.s32 $0x15E80;
	[sflag:s19] =	ssyncadd.s32 $0xFFFFC180  }
0x170: {  	[spmem:s2] =	stream.indirect.scatter.add.f32 [tilespmem:s16], [sflag:$0x5], $0x80, s0, s12, $0xb8;
	[tilespmem:$0x1FD00] =	vst v63  }
0x171: {  	_ =	swait.ge [sflag:s17], $0x3E80  }
0x172: {  	[sflag:s17] =	ssyncset.done $0x0  }
0x173: {  	s0 =	simm.s32 $0x14F80;
	[sflag:s17] =	ssyncadd.s32 $0xFFFFC180  }
0x174: {  	[tilespmem:s16], [sflag:$0x2] =	stream.indirect.gather [hbm4b:s4+s12], $0x80, s0, s12, $0xb8;
	[tilespmem:$0x1FD00] =	vst v63  }
0x175: {  	_ =	swait.ge [sflag:s10], $0x3E80  }
0x176: {  	[sflag:s10] =	ssyncset.done $0x0  }
0x177: {  	s0 =	simm.s32 $0x15F00;
	[sflag:s10] =	ssyncadd.s32 $0xFFFFC180  }
0x178: {  	[spmem:s2] =	stream.indirect.scatter.add.f32 [tilespmem:s14], [sflag:$0x5], $0x80, s0, s12, $0xb8;
	[tilespmem:$0x1FD00] =	vst v63  }
0x179: {  	_ =	swait.ge [sflag:s17], $0x3E80  }
0x17a: {  	[sflag:s17] =	ssyncset.done $0x0  }
0x17b: {  	[sflag:s17] =	ssyncadd.s32 $0xFFFFC180  }
0x17c: {  	_ =	swait.ge [sflag:s19], $0x3E80  }
0x17d: {  	[sflag:s19] =	ssyncset.done $0x0  }
0x17e: {  	s0 =	simm.s32 $0x15F80;
	[sflag:s19] =	ssyncadd.s32 $0xFFFFC180  }
0x17f: {  	[spmem:s2] =	stream.indirect.scatter.add.f32 [tilespmem:s16], [sflag:$0x5], $0x80, s0, s12, $0xb8;
	[tilespmem:$0x1FD00] =	vst v63  }
0x180: {  	_ =	swait.ge [sflag:s17], $0x3E80  }
0x181: {  	[sflag:s17] =	ssyncset.done $0x0  }
0x182: {  	[sflag:s17] =	ssyncadd.s32 $0xFFFFC180  }
0x183: {  	_ =	swait.ge [sflag:s26], $0x800  }
0x184: {  	[sflag:s26] =	ssyncset.done $0x0  }
0x185: {  	[sflag:s26] =	ssyncadd.s32 $0xFFFFF800  }
0x186: {  	_ =	swait.ge [sflag:s26], $0x800  }
0x187: {  	[sflag:s26] =	ssyncset.done $0x0  }
0x188: {  	s15 =	simm.s32 $0x14000;
	[sflag:s26] =	ssyncadd.s32 $0xFFFFF800  }
0x189: {  	[tilespmem:s14], [sflag:$0x1] =	stream.indirect.gather [hbm4b:s4+s12], $0x80, s15, s12, $0xb8;
	[tilespmem:$0x1FD00] =	vst v63  }
0x18a: {  	s0 =	rddreg [dreg:$0xb]  }
0x18b: {  	[tilespmem:s28], [sflag:$0x3] =	stream.linear.gather [hbm4b:s0+s3], $0x800, $0x38;
	[tilespmem:$0x1FD00] =	vst v63  }
0x18c: {  	s0 =	rddreg [dreg:$0xc]  }
0x18d: {  	[tilespmem:s30], [sflag:$0x3] =	stream.linear.gather [hbm4b:s0+s3], $0x800, $0x38;
	[tilespmem:$0x1FD00] =	vst v63  }
0x18e: {  	s15 =	simm.s32 $0x14080  }
0x18f: {  	[tilespmem:s16], [sflag:$0x2] =	stream.indirect.gather [hbm4b:s4+s12], $0x80, s15, s12, $0xb8;
	[tilespmem:$0x1FD00] =	vst v63  }
0x190: {  	_ =	swait.ge [sflag:s10], $0x3E80  }
0x191: {  	[sflag:s10] =	ssyncset.done $0x0  }
0x192: {  	s0 =	simm.s32 $0x15000;
	[sflag:s10] =	ssyncadd.s32 $0xFFFFC180  }
0x193: {  	[spmem:s2] =	stream.indirect.scatter.add.f32 [tilespmem:s14], [sflag:$0x5], $0x80, s0, s12, $0xb8;
	[tilespmem:$0x1FD00] =	vst v63  }
0x194: {  	_ =	swait.ge [sflag:s17], $0x3E80  }
0x195: {  	[sflag:s17] =	ssyncset.done $0x0  }
0x196: {  	s15 =	simm.s32 $0x14100;
	[sflag:s17] =	ssyncadd.s32 $0xFFFFC180  }
0x197: {  	[tilespmem:s14], [sflag:$0x1] =	stream.indirect.gather [hbm4b:s4+s12], $0x80, s15, s12, $0xb8;
	[tilespmem:$0x1FD00] =	vst v63  }
0x198: {  	_ =	swait.ge [sflag:s19], $0x3E80  }
0x199: {  	[sflag:s19] =	ssyncset.done $0x0  }
0x19a: {  	s15 =	simm.s32 $0x15080;
	[sflag:s19] =	ssyncadd.s32 $0xFFFFC180  }
0x19b: {  	[spmem:s2] =	stream.indirect.scatter.add.f32 [tilespmem:s16], [sflag:$0x5], $0x80, s15, s12, $0xb8;
	[tilespmem:$0x1FD00] =	vst v63  }
0x19c: {  	_ =	swait.ge [sflag:s17], $0x3E80  }
0x19d: {  	[sflag:s17] =	ssyncset.done $0x0  }
0x19e: {  	s15 =	simm.s32 $0x14180;
	[sflag:s17] =	ssyncadd.s32 $0xFFFFC180  }
0x19f: {  	[tilespmem:s16], [sflag:$0x2] =	stream.indirect.gather [hbm4b:s4+s12], $0x80, s15, s12, $0xb8;
	[tilespmem:$0x1FD00] =	vst v63  }
0x1a0: {  	_ =	swait.ge [sflag:s10], $0x3E80  }
0x1a1: {  	[sflag:s10] =	ssyncset.done $0x0  }
0x1a2: {  	s15 =	simm.s32 $0x15100;
	[sflag:s10] =	ssyncadd.s32 $0xFFFFC180  }
0x1a3: {  	[spmem:s2] =	stream.indirect.scatter.add.f32 [tilespmem:s14], [sflag:$0x5], $0x80, s15, s12, $0xb8;
	[tilespmem:$0x1FD00] =	vst v63  }
0x1a4: {  	_ =	swait.ge [sflag:s17], $0x3E80  }
0x1a5: {  	[sflag:s17] =	ssyncset.done $0x0  }
0x1a6: {  	s15 =	simm.s32 $0x14200;
	[sflag:s17] =	ssyncadd.s32 $0xFFFFC180  }
0x1a7: {  	[tilespmem:s14], [sflag:$0x1] =	stream.indirect.gather [hbm4b:s4+s12], $0x80, s15, s12, $0xb8;
	[tilespmem:$0x1FD00] =	vst v63  }
0x1a8: {  	_ =	swait.ge [sflag:s19], $0x3E80  }
0x1a9: {  	[sflag:s19] =	ssyncset.done $0x0  }
0x1aa: {  	s15 =	simm.s32 $0x15180;
	[sflag:s19] =	ssyncadd.s32 $0xFFFFC180  }
0x1ab: {  	[spmem:s2] =	stream.indirect.scatter.add.f32 [tilespmem:s16], [sflag:$0x5], $0x80, s15, s12, $0xb8;
	[tilespmem:$0x1FD00] =	vst v63  }
0x1ac: {  	_ =	swait.ge [sflag:s17], $0x3E80  }
0x1ad: {  	[sflag:s17] =	ssyncset.done $0x0  }
0x1ae: {  	s15 =	simm.s32 $0x14280;
	[sflag:s17] =	ssyncadd.s32 $0xFFFFC180  }
0x1af: {  	[tilespmem:s16], [sflag:$0x2] =	stream.indirect.gather [hbm4b:s4+s12], $0x80, s15, s12, $0xb8;
	[tilespmem:$0x1FD00] =	vst v63  }
0x1b0: {  	_ =	swait.ge [sflag:s10], $0x3E80  }
0x1b1: {  	[sflag:s10] =	ssyncset.done $0x0  }
0x1b2: {  	s15 =	simm.s32 $0x15200;
	[sflag:s10] =	ssyncadd.s32 $0xFFFFC180  }
0x1b3: {  	[spmem:s2] =	stream.indirect.scatter.add.f32 [tilespmem:s14], [sflag:$0x5], $0x80, s15, s12, $0xb8;
	[tilespmem:$0x1FD00] =	vst v63  }
0x1b4: {  	_ =	swait.ge [sflag:s17], $0x3E80  }
0x1b5: {  	[sflag:s17] =	ssyncset.done $0x0  }
0x1b6: {  	s15 =	simm.s32 $0x14300;
	[sflag:s17] =	ssyncadd.s32 $0xFFFFC180  }
0x1b7: {  	[tilespmem:s14], [sflag:$0x1] =	stream.indirect.gather [hbm4b:s4+s12], $0x80, s15, s12, $0xb8;
	[tilespmem:$0x1FD00] =	vst v63  }
0x1b8: {  	_ =	swait.ge [sflag:s19], $0x3E80  }
0x1b9: {  	[sflag:s19] =	ssyncset.done $0x0  }
0x1ba: {  	s15 =	simm.s32 $0x15280;
	[sflag:s19] =	ssyncadd.s32 $0xFFFFC180  }
0x1bb: {  	[spmem:s2] =	stream.indirect.scatter.add.f32 [tilespmem:s16], [sflag:$0x5], $0x80, s15, s12, $0xb8;
	[tilespmem:$0x1FD00] =	vst v63  }
0x1bc: {  	_ =	swait.ge [sflag:s17], $0x3E80  }
0x1bd: {  	[sflag:s17] =	ssyncset.done $0x0  }
0x1be: {  	s15 =	simm.s32 $0x14380;
	[sflag:s17] =	ssyncadd.s32 $0xFFFFC180  }
0x1bf: {  	[tilespmem:s16], [sflag:$0x2] =	stream.indirect.gather [hbm4b:s4+s12], $0x80, s15, s12, $0xb8;
	[tilespmem:$0x1FD00] =	vst v63  }
0x1c0: {  	_ =	swait.ge [sflag:s10], $0x3E80  }
0x1c1: {  	[sflag:s10] =	ssyncset.done $0x0  }
0x1c2: {  	s15 =	simm.s32 $0x15300;
	[sflag:s10] =	ssyncadd.s32 $0xFFFFC180  }
0x1c3: {  	[spmem:s2] =	stream.indirect.scatter.add.f32 [tilespmem:s14], [sflag:$0x5], $0x80, s15, s12, $0xb8;
	[tilespmem:$0x1FD00] =	vst v63  }
0x1c4: {  	_ =	swait.ge [sflag:s17], $0x3E80  }
0x1c5: {  	[sflag:s17] =	ssyncset.done $0x0  }
0x1c6: {  	s15 =	simm.s32 $0x14400;
	[sflag:s17] =	ssyncadd.s32 $0xFFFFC180  }
0x1c7: {  	[tilespmem:s14], [sflag:$0x1] =	stream.indirect.gather [hbm4b:s4+s12], $0x80, s15, s12, $0xb8;
	[tilespmem:$0x1FD00] =	vst v63  }
0x1c8: {  	_ =	swait.ge [sflag:s19], $0x3E80  }
0x1c9: {  	[sflag:s19] =	ssyncset.done $0x0  }
0x1ca: {  	s15 =	simm.s32 $0x15380;
	[sflag:s19] =	ssyncadd.s32 $0xFFFFC180  }
0x1cb: {  	[spmem:s2] =	stream.indirect.scatter.add.f32 [tilespmem:s16], [sflag:$0x5], $0x80, s15, s12, $0xb8;
	[tilespmem:$0x1FD00] =	vst v63  }
0x1cc: {  	_ =	swait.ge [sflag:s17], $0x3E80  }
0x1cd: {  	[sflag:s17] =	ssyncset.done $0x0  }
0x1ce: {  	s15 =	simm.s32 $0x14480;
	[sflag:s17] =	ssyncadd.s32 $0xFFFFC180  }
0x1cf: {  	[tilespmem:s16], [sflag:$0x2] =	stream.indirect.gather [hbm4b:s4+s12], $0x80, s15, s12, $0xb8;
	[tilespmem:$0x1FD00] =	vst v63  }
0x1d0: {  	_ =	swait.ge [sflag:s10], $0x3E80  }
0x1d1: {  	[sflag:s10] =	ssyncset.done $0x0  }
0x1d2: {  	s15 =	simm.s32 $0x15400;
	[sflag:s10] =	ssyncadd.s32 $0xFFFFC180  }
0x1d3: {  	[spmem:s2] =	stream.indirect.scatter.add.f32 [tilespmem:s14], [sflag:$0x5], $0x80, s15, s12, $0xb8;
	[tilespmem:$0x1FD00] =	vst v63  }
0x1d4: {  	_ =	swait.ge [sflag:s17], $0x3E80  }
0x1d5: {  	[sflag:s17] =	ssyncset.done $0x0  }
0x1d6: {  	s15 =	simm.s32 $0x14500;
	[sflag:s17] =	ssyncadd.s32 $0xFFFFC180  }
0x1d7: {  	[tilespmem:s14], [sflag:$0x1] =	stream.indirect.gather [hbm4b:s4+s12], $0x80, s15, s12, $0xb8;
	[tilespmem:$0x1FD00] =	vst v63  }
0x1d8: {  	_ =	swait.ge [sflag:s19], $0x3E80  }
0x1d9: {  	[sflag:s19] =	ssyncset.done $0x0  }
0x1da: {  	s15 =	simm.s32 $0x15480;
	[sflag:s19] =	ssyncadd.s32 $0xFFFFC180  }
0x1db: {  	[spmem:s2] =	stream.indirect.scatter.add.f32 [tilespmem:s16], [sflag:$0x5], $0x80, s15, s12, $0xb8;
	[tilespmem:$0x1FD00] =	vst v63  }
0x1dc: {  	_ =	swait.ge [sflag:s17], $0x3E80  }
0x1dd: {  	[sflag:s17] =	ssyncset.done $0x0  }
0x1de: {  	s15 =	simm.s32 $0x14580;
	[sflag:s17] =	ssyncadd.s32 $0xFFFFC180  }
0x1df: {  	[tilespmem:s16], [sflag:$0x2] =	stream.indirect.gather [hbm4b:s4+s12], $0x80, s15, s12, $0xb8;
	[tilespmem:$0x1FD00] =	vst v63  }
0x1e0: {  	_ =	swait.ge [sflag:s10], $0x3E80  }
0x1e1: {  	[sflag:s10] =	ssyncset.done $0x0  }
0x1e2: {  	s15 =	simm.s32 $0x15500;
	[sflag:s10] =	ssyncadd.s32 $0xFFFFC180  }
0x1e3: {  	[spmem:s2] =	stream.indirect.scatter.add.f32 [tilespmem:s14], [sflag:$0x5], $0x80, s15, s12, $0xb8;
	[tilespmem:$0x1FD00] =	vst v63  }
0x1e4: {  	_ =	swait.ge [sflag:s17], $0x3E80  }
0x1e5: {  	[sflag:s17] =	ssyncset.done $0x0  }
0x1e6: {  	s15 =	simm.s32 $0x14600;
	[sflag:s17] =	ssyncadd.s32 $0xFFFFC180  }
0x1e7: {  	[tilespmem:s14], [sflag:$0x1] =	stream.indirect.gather [hbm4b:s4+s12], $0x80, s15, s12, $0xb8;
	[tilespmem:$0x1FD00] =	vst v63  }
0x1e8: {  	_ =	swait.ge [sflag:s19], $0x3E80  }
0x1e9: {  	[sflag:s19] =	ssyncset.done $0x0  }
0x1ea: {  	s15 =	simm.s32 $0x15580;
	[sflag:s19] =	ssyncadd.s32 $0xFFFFC180  }
0x1eb: {  	[spmem:s2] =	stream.indirect.scatter.add.f32 [tilespmem:s16], [sflag:$0x5], $0x80, s15, s12, $0xb8;
	[tilespmem:$0x1FD00] =	vst v63  }
0x1ec: {  	_ =	swait.ge [sflag:s17], $0x3E80  }
0x1ed: {  	[sflag:s17] =	ssyncset.done $0x0  }
0x1ee: {  	s15 =	simm.s32 $0x14680;
	[sflag:s17] =	ssyncadd.s32 $0xFFFFC180  }
0x1ef: {  	[tilespmem:s16], [sflag:$0x2] =	stream.indirect.gather [hbm4b:s4+s12], $0x80, s15, s12, $0xb8;
	[tilespmem:$0x1FD00] =	vst v63  }
0x1f0: {  	_ =	swait.ge [sflag:s10], $0x3E80  }
0x1f1: {  	[sflag:s10] =	ssyncset.done $0x0  }
0x1f2: {  	s15 =	simm.s32 $0x15600;
	[sflag:s10] =	ssyncadd.s32 $0xFFFFC180  }
0x1f3: {  	[spmem:s2] =	stream.indirect.scatter.add.f32 [tilespmem:s14], [sflag:$0x5], $0x80, s15, s12, $0xb8;
	[tilespmem:$0x1FD00] =	vst v63  }
0x1f4: {  	_ =	swait.ge [sflag:s17], $0x3E80  }
0x1f5: {  	[sflag:s17] =	ssyncset.done $0x0  }
0x1f6: {  	s15 =	simm.s32 $0x14700;
	[sflag:s17] =	ssyncadd.s32 $0xFFFFC180  }
0x1f7: {  	[tilespmem:s14], [sflag:$0x1] =	stream.indirect.gather [hbm4b:s4+s12], $0x80, s15, s12, $0xb8;
	[tilespmem:$0x1FD00] =	vst v63  }
0x1f8: {  	_ =	swait.ge [sflag:s19], $0x3E80  }
0x1f9: {  	[sflag:s19] =	ssyncset.done $0x0  }
0x1fa: {  	s15 =	simm.s32 $0x15680;
	[sflag:s19] =	ssyncadd.s32 $0xFFFFC180  }
0x1fb: {  	[spmem:s2] =	stream.indirect.scatter.add.f32 [tilespmem:s16], [sflag:$0x5], $0x80, s15, s12, $0xb8;
	[tilespmem:$0x1FD00] =	vst v63  }
0x1fc: {  	_ =	swait.ge [sflag:s17], $0x3E80  }
0x1fd: {  	[sflag:s17] =	ssyncset.done $0x0  }
0x1fe: {  	s15 =	simm.s32 $0x14780;
	[sflag:s17] =	ssyncadd.s32 $0xFFFFC180  }
0x1ff: {  	[tilespmem:s16], [sflag:$0x2] =	stream.indirect.gather [hbm4b:s4+s12], $0x80, s15, s12, $0xb8;
	[tilespmem:$0x1FD00] =	vst v63  }
0x200: {  	_ =	swait.ge [sflag:s10], $0x3E80  }
0x201: {  	[sflag:s10] =	ssyncset.done $0x0  }
0x202: {  	s15 =	simm.s32 $0x15700;
	[sflag:s10] =	ssyncadd.s32 $0xFFFFC180  }
0x203: {  	[spmem:s2] =	stream.indirect.scatter.add.f32 [tilespmem:s14], [sflag:$0x5], $0x80, s15, s12, $0xb8;
	[tilespmem:$0x1FD00] =	vst v63  }
0x204: {  	_ =	swait.ge [sflag:s17], $0x3E80  }
0x205: {  	[sflag:s17] =	ssyncset.done $0x0  }
0x206: {  	[sflag:s17] =	ssyncadd.s32 $0xFFFFC180  }
0x207: {  	_ =	swait.ge [sflag:s19], $0x3E80  }
0x208: {  	[sflag:s19] =	ssyncset.done $0x0  }
0x209: {  	s15 =	simm.s32 $0x15780;
	[sflag:s19] =	ssyncadd.s32 $0xFFFFC180  }
0x20a: {  	[spmem:s2] =	stream.indirect.scatter.add.f32 [tilespmem:s16], [sflag:$0x5], $0x80, s15, s12, $0xb8;
	[tilespmem:$0x1FD00] =	vst v63  }
0x20b: {  	_ =	swait.ge [sflag:s17], $0x3E80  }
0x20c: {  	[sflag:s17] =	ssyncset.done $0x0  }
0x20d: {  	[sflag:s17] =	ssyncadd.s32 $0xFFFFC180  }
0x20e: {  	_ =	swait.ge [sflag:s26], $0x800  }
0x20f: {  	[sflag:s26] =	ssyncset.done $0x0  }
0x210: {  	[sflag:s26] =	ssyncadd.s32 $0xFFFFF800  }
0x211: {  	_ =	swait.ge [sflag:s26], $0x800  }
0x212: {  	[sflag:s26] =	ssyncset.done $0x0  }
0x213: {  	[sflag:s26] =	ssyncadd.s32 $0xFFFFF800  }
0x214: {  	[tilespmem:s14], [sflag:$0x1] =	stream.indirect.gather [hbm4b:s4+s12], $0x80, s28, s12, $0xb8;
	[tilespmem:$0x1FD00] =	vst v63  }
0x215: {  	s30 =	simm.s32 $0x14000;
	s0 =	rddreg [dreg:$0xd]  }
0x216: {  	[tilespmem:s30], [sflag:$0x3] =	stream.linear.gather [hbm4b:s0+s3], $0x800, $0x38;
	[tilespmem:$0x1FD00] =	vst v63  }
0x217: {  	s15 =	rddreg [dreg:$0xe];
	s0 =	simm.s32 $0x15000  }
0x218: {  	[tilespmem:s0], [sflag:$0x3] =	stream.linear.gather [hbm4b:s15+s3], $0x800, $0x38;
	[tilespmem:$0x1FD00] =	vst v63  }
0x219: {  	s15 =	simm.s32 $0x14880  }
0x21a: {  	[tilespmem:s16], [sflag:$0x2] =	stream.indirect.gather [hbm4b:s4+s12], $0x80, s15, s12, $0xb8;
	[tilespmem:$0x1FD00] =	vst v63  }
0x21b: {  	_ =	swait.ge [sflag:s10], $0x3E80  }
0x21c: {  	[sflag:s10] =	ssyncset.done $0x0  }
0x21d: {  	s28 =	simm.s32 $0x15800;
	[sflag:s10] =	ssyncadd.s32 $0xFFFFC180  }
0x21e: {  	[spmem:s2] =	stream.indirect.scatter.add.f32 [tilespmem:s14], [sflag:$0x5], $0x80, s28, s12, $0xb8;
	[tilespmem:$0x1FD00] =	vst v63  }
0x21f: {  	_ =	swait.ge [sflag:s17], $0x3E80  }
0x220: {  	[sflag:s17] =	ssyncset.done $0x0  }
0x221: {  	[sflag:s17] =	ssyncadd.s32 $0xFFFFC180  }
0x222: {  	[tilespmem:s14], [sflag:$0x1] =	stream.indirect.gather [hbm4b:s4+s12], $0x80, s1, s12, $0xb8;
	[tilespmem:$0x1FD00] =	vst v63  }
0x223: {  	_ =	swait.ge [sflag:s19], $0x3E80  }
0x224: {  	[sflag:s19] =	ssyncset.done $0x0  }
0x225: {  	[sflag:s19] =	ssyncadd.s32 $0xFFFFC180  }
0x226: {  	[spmem:s2] =	stream.indirect.scatter.add.f32 [tilespmem:s16], [sflag:$0x5], $0x80, s5, s12, $0xb8;
	[tilespmem:$0x1FD00] =	vst v63  }
0x227: {  	_ =	swait.ge [sflag:s17], $0x3E80  }
0x228: {  	[sflag:s17] =	ssyncset.done $0x0  }
0x229: {  	[sflag:s17] =	ssyncadd.s32 $0xFFFFC180  }
0x22a: {  	[tilespmem:s16], [sflag:$0x2] =	stream.indirect.gather [hbm4b:s4+s12], $0x80, s6, s12, $0xb8;
	[tilespmem:$0x1FD00] =	vst v63  }
0x22b: {  	_ =	swait.ge [sflag:s10], $0x3E80  }
0x22c: {  	[sflag:s10] =	ssyncset.done $0x0  }
0x22d: {  	[sflag:s10] =	ssyncadd.s32 $0xFFFFC180  }
0x22e: {  	[spmem:s2] =	stream.indirect.scatter.add.f32 [tilespmem:s14], [sflag:$0x5], $0x80, s8, s12, $0xb8;
	[tilespmem:$0x1FD00] =	vst v63  }
0x22f: {  	_ =	swait.ge [sflag:s17], $0x3E80  }
0x230: {  	[sflag:s17] =	ssyncset.done $0x0  }
0x231: {  	[sflag:s17] =	ssyncadd.s32 $0xFFFFC180  }
0x232: {  	[tilespmem:s14], [sflag:$0x1] =	stream.indirect.gather [hbm4b:s4+s12], $0x80, s11, s12, $0xb8;
	[tilespmem:$0x1FD00] =	vst v63  }
0x233: {  	_ =	swait.ge [sflag:s19], $0x3E80  }
0x234: {  	[sflag:s19] =	ssyncset.done $0x0  }
0x235: {  	[sflag:s19] =	ssyncadd.s32 $0xFFFFC180  }
0x236: {  	[spmem:s2] =	stream.indirect.scatter.add.f32 [tilespmem:s16], [sflag:$0x5], $0x80, s13, s12, $0xb8;
	[tilespmem:$0x1FD00] =	vst v63  }
0x237: {  	_ =	swait.ge [sflag:s17], $0x3E80  }
0x238: {  	[sflag:s17] =	ssyncset.done $0x0  }
0x239: {  	[sflag:s17] =	ssyncadd.s32 $0xFFFFC180  }
0x23a: {  	[tilespmem:s16], [sflag:$0x2] =	stream.indirect.gather [hbm4b:s4+s12], $0x80, s18, s12, $0xb8;
	[tilespmem:$0x1FD00] =	vst v63  }
0x23b: {  	_ =	swait.ge [sflag:s10], $0x3E80  }
0x23c: {  	[sflag:s10] =	ssyncset.done $0x0  }
0x23d: {  	[sflag:s10] =	ssyncadd.s32 $0xFFFFC180  }
0x23e: {  	[spmem:s2] =	stream.indirect.scatter.add.f32 [tilespmem:s14], [sflag:$0x5], $0x80, s20, s12, $0xb8;
	[tilespmem:$0x1FD00] =	vst v63  }
0x23f: {  	_ =	swait.ge [sflag:s17], $0x3E80  }
0x240: {  	[sflag:s17] =	ssyncset.done $0x0  }
0x241: {  	[sflag:s17] =	ssyncadd.s32 $0xFFFFC180  }
0x242: {  	[tilespmem:s14], [sflag:$0x1] =	stream.indirect.gather [hbm4b:s4+s12], $0x80, s21, s12, $0xb8;
	[tilespmem:$0x1FD00] =	vst v63  }
0x243: {  	_ =	swait.ge [sflag:s19], $0x3E80  }
0x244: {  	[sflag:s19] =	ssyncset.done $0x0  }
0x245: {  	[sflag:s19] =	ssyncadd.s32 $0xFFFFC180  }
0x246: {  	[spmem:s2] =	stream.indirect.scatter.add.f32 [tilespmem:s16], [sflag:$0x5], $0x80, s22, s12, $0xb8;
	[tilespmem:$0x1FD00] =	vst v63  }
0x247: {  	_ =	swait.ge [sflag:s17], $0x3E80  }
0x248: {  	[sflag:s17] =	ssyncset.done $0x0  }
0x249: {  	[sflag:s17] =	ssyncadd.s32 $0xFFFFC180  }
0x24a: {  	[tilespmem:s16], [sflag:$0x2] =	stream.indirect.gather [hbm4b:s4+s12], $0x80, s23, s12, $0xb8;
	[tilespmem:$0x1FD00] =	vst v63  }
0x24b: {  	_ =	swait.ge [sflag:s10], $0x3E80  }
0x24c: {  	[sflag:s10] =	ssyncset.done $0x0  }
0x24d: {  	[sflag:s10] =	ssyncadd.s32 $0xFFFFC180  }
0x24e: {  	[spmem:s2] =	stream.indirect.scatter.add.f32 [tilespmem:s14], [sflag:$0x5], $0x80, s24, s12, $0xb8;
	[tilespmem:$0x1FD00] =	vst v63  }
0x24f: {  	_ =	swait.ge [sflag:s17], $0x3E80  }
0x250: {  	[sflag:s17] =	ssyncset.done $0x0  }
0x251: {  	[sflag:s17] =	ssyncadd.s32 $0xFFFFC180  }
0x252: {  	[tilespmem:s14], [sflag:$0x1] =	stream.indirect.gather [hbm4b:s4+s12], $0x80, s25, s12, $0xb8;
	[tilespmem:$0x1FD00] =	vst v63  }
0x253: {  	_ =	swait.ge [sflag:s19], $0x3E80  }
0x254: {  	[sflag:s19] =	ssyncset.done $0x0  }
0x255: {  	[sflag:s19] =	ssyncadd.s32 $0xFFFFC180  }
0x256: {  	[spmem:s2] =	stream.indirect.scatter.add.f32 [tilespmem:s16], [sflag:$0x5], $0x80, s31, s12, $0xb8;
	[tilespmem:$0x1FD00] =	vst v63  }
0x257: {  	_ =	swait.ge [sflag:s17], $0x3E80  }
0x258: {  	[sflag:s17] =	ssyncset.done $0x0  }
0x259: {  	s15 =	simm.s32 $0x14C80;
	[sflag:s17] =	ssyncadd.s32 $0xFFFFC180  }
0x25a: {  	[tilespmem:s16], [sflag:$0x2] =	stream.indirect.gather [hbm4b:s4+s12], $0x80, s15, s12, $0xb8;
	[tilespmem:$0x1FD00] =	vst v63  }
0x25b: {  	_ =	swait.ge [sflag:s10], $0x3E80  }
0x25c: {  	[sflag:s10] =	ssyncset.done $0x0  }
0x25d: {  	s18 =	simm.s32 $0x15C00;
	[sflag:s10] =	ssyncadd.s32 $0xFFFFC180  }
0x25e: {  	[spmem:s2] =	stream.indirect.scatter.add.f32 [tilespmem:s14], [sflag:$0x5], $0x80, s18, s12, $0xb8;
	[tilespmem:$0x1FD00] =	vst v63  }
0x25f: {  	_ =	swait.ge [sflag:s17], $0x3E80  }
0x260: {  	[sflag:s17] =	ssyncset.done $0x0  }
0x261: {  	s31 =	simm.s32 $0x14D00;
	[sflag:s17] =	ssyncadd.s32 $0xFFFFC180  }
0x262: {  	[tilespmem:s14], [sflag:$0x1] =	stream.indirect.gather [hbm4b:s4+s12], $0x80, s31, s12, $0xb8;
	[tilespmem:$0x1FD00] =	vst v63  }
0x263: {  	_ =	swait.ge [sflag:s19], $0x3E80  }
0x264: {  	[sflag:s19] =	ssyncset.done $0x0  }
0x265: {  	s1 =	simm.s32 $0x15C80;
	[sflag:s19] =	ssyncadd.s32 $0xFFFFC180  }
0x266: {  	[spmem:s2] =	stream.indirect.scatter.add.f32 [tilespmem:s16], [sflag:$0x5], $0x80, s1, s12, $0xb8;
	[tilespmem:$0x1FD00] =	vst v63  }
0x267: {  	_ =	swait.ge [sflag:s17], $0x3E80  }
0x268: {  	[sflag:s17] =	ssyncset.done $0x0  }
0x269: {  	s5 =	simm.s32 $0x14D80;
	[sflag:s17] =	ssyncadd.s32 $0xFFFFC180  }
0x26a: {  	[tilespmem:s16], [sflag:$0x2] =	stream.indirect.gather [hbm4b:s4+s12], $0x80, s5, s12, $0xb8;
	[tilespmem:$0x1FD00] =	vst v63  }
0x26b: {  	_ =	swait.ge [sflag:s10], $0x3E80  }
0x26c: {  	[sflag:s10] =	ssyncset.done $0x0  }
0x26d: {  	s15 =	simm.s32 $0x15D00;
	[sflag:s10] =	ssyncadd.s32 $0xFFFFC180  }
0x26e: {  	[spmem:s2] =	stream.indirect.scatter.add.f32 [tilespmem:s14], [sflag:$0x5], $0x80, s15, s12, $0xb8;
	[tilespmem:$0x1FD00] =	vst v63  }
0x26f: {  	_ =	swait.ge [sflag:s17], $0x3E80  }
0x270: {  	[sflag:s17] =	ssyncset.done $0x0  }
0x271: {  	s18 =	simm.s32 $0x14E00;
	[sflag:s17] =	ssyncadd.s32 $0xFFFFC180  }
0x272: {  	[tilespmem:s14], [sflag:$0x1] =	stream.indirect.gather [hbm4b:s4+s12], $0x80, s18, s12, $0xb8;
	[tilespmem:$0x1FD00] =	vst v63  }
0x273: {  	_ =	swait.ge [sflag:s19], $0x3E80  }
0x274: {  	[sflag:s19] =	ssyncset.done $0x0  }
0x275: {  	s31 =	simm.s32 $0x15D80;
	[sflag:s19] =	ssyncadd.s32 $0xFFFFC180  }
0x276: {  	[spmem:s2] =	stream.indirect.scatter.add.f32 [tilespmem:s16], [sflag:$0x5], $0x80, s31, s12, $0xb8;
	[tilespmem:$0x1FD00] =	vst v63  }
0x277: {  	_ =	swait.ge [sflag:s17], $0x3E80  }
0x278: {  	[sflag:s17] =	ssyncset.done $0x0  }
0x279: {  	s1 =	simm.s32 $0x14E80;
	[sflag:s17] =	ssyncadd.s32 $0xFFFFC180  }
0x27a: {  	[tilespmem:s16], [sflag:$0x2] =	stream.indirect.gather [hbm4b:s4+s12], $0x80, s1, s12, $0xb8;
	[tilespmem:$0x1FD00] =	vst v63  }
0x27b: {  	_ =	swait.ge [sflag:s10], $0x3E80  }
0x27c: {  	[sflag:s10] =	ssyncset.done $0x0  }
0x27d: {  	s5 =	simm.s32 $0x15E00;
	[sflag:s10] =	ssyncadd.s32 $0xFFFFC180  }
0x27e: {  	[spmem:s2] =	stream.indirect.scatter.add.f32 [tilespmem:s14], [sflag:$0x5], $0x80, s5, s12, $0xb8;
	[tilespmem:$0x1FD00] =	vst v63  }
0x27f: {  	_ =	swait.ge [sflag:s17], $0x3E80  }
0x280: {  	[sflag:s17] =	ssyncset.done $0x0  }
0x281: {  	s15 =	simm.s32 $0x14F00;
	[sflag:s17] =	ssyncadd.s32 $0xFFFFC180  }
0x282: {  	[tilespmem:s14], [sflag:$0x1] =	stream.indirect.gather [hbm4b:s4+s12], $0x80, s15, s12, $0xb8;
	[tilespmem:$0x1FD00] =	vst v63  }
0x283: {  	_ =	swait.ge [sflag:s19], $0x3E80  }
0x284: {  	[sflag:s19] =	ssyncset.done $0x0  }
0x285: {  	s18 =	simm.s32 $0x15E80;
	[sflag:s19] =	ssyncadd.s32 $0xFFFFC180  }
0x286: {  	[spmem:s2] =	stream.indirect.scatter.add.f32 [tilespmem:s16], [sflag:$0x5], $0x80, s18, s12, $0xb8;
	[tilespmem:$0x1FD00] =	vst v63  }
0x287: {  	_ =	swait.ge [sflag:s17], $0x3E80  }
0x288: {  	[sflag:s17] =	ssyncset.done $0x0  }
0x289: {  	s31 =	simm.s32 $0x14F80;
	[sflag:s17] =	ssyncadd.s32 $0xFFFFC180  }
0x28a: {  	[tilespmem:s16], [sflag:$0x2] =	stream.indirect.gather [hbm4b:s4+s12], $0x80, s31, s12, $0xb8;
	[tilespmem:$0x1FD00] =	vst v63  }
0x28b: {  	_ =	swait.ge [sflag:s10], $0x3E80  }
0x28c: {  	[sflag:s10] =	ssyncset.done $0x0  }
0x28d: {  	s1 =	simm.s32 $0x15F00;
	[sflag:s10] =	ssyncadd.s32 $0xFFFFC180  }
0x28e: {  	[spmem:s2] =	stream.indirect.scatter.add.f32 [tilespmem:s14], [sflag:$0x5], $0x80, s1, s12, $0xb8;
	[tilespmem:$0x1FD00] =	vst v63  }
0x28f: {  	_ =	swait.ge [sflag:s17], $0x3E80  }
0x290: {  	[sflag:s17] =	ssyncset.done $0x0  }
0x291: {  	[sflag:s17] =	ssyncadd.s32 $0xFFFFC180  }
0x292: {  	_ =	swait.ge [sflag:s19], $0x3E80  }
0x293: {  	[sflag:s19] =	ssyncset.done $0x0  }
0x294: {  	s5 =	simm.s32 $0x15F80;
	[sflag:s19] =	ssyncadd.s32 $0xFFFFC180  }
0x295: {  	[spmem:s2] =	stream.indirect.scatter.add.f32 [tilespmem:s16], [sflag:$0x5], $0x80, s5, s12, $0xb8;
	[tilespmem:$0x1FD00] =	vst v63  }
0x296: {  	_ =	swait.ge [sflag:s17], $0x3E80  }
0x297: {  	[sflag:s17] =	ssyncset.done $0x0  }
0x298: {  	[sflag:s17] =	ssyncadd.s32 $0xFFFFC180  }
0x299: {  	_ =	swait.ge [sflag:s26], $0x800  }
0x29a: {  	[sflag:s26] =	ssyncset.done $0x0  }
0x29b: {  	[sflag:s26] =	ssyncadd.s32 $0xFFFFF800  }
0x29c: {  	_ =	swait.ge [sflag:s26], $0x800  }
0x29d: {  	[sflag:s26] =	ssyncset.done $0x0  }
0x29e: {  	[sflag:s26] =	ssyncadd.s32 $0xFFFFF800  }
0x29f: {  	[tilespmem:s14], [sflag:$0x1] =	stream.indirect.gather [hbm4b:s4+s12], $0x80, s30, s12, $0xb8;
	[tilespmem:$0x1FD00] =	vst v63  }
0x2a0: {  	s15 =	simm.s32 $0x14080  }
0x2a1: {  	[tilespmem:s16], [sflag:$0x2] =	stream.indirect.gather [hbm4b:s4+s12], $0x80, s15, s12, $0xb8;
	[tilespmem:$0x1FD00] =	vst v63  }
0x2a2: {  	_ =	swait.ge [sflag:s10], $0x3E80  }
0x2a3: {  	[sflag:s10] =	ssyncset.done $0x0  }
0x2a4: {  	s18 =	simm.s32 $0x15000;
	[sflag:s10] =	ssyncadd.s32 $0xFFFFC180  }
0x2a5: {  	[spmem:s2] =	stream.indirect.scatter.add.f32 [tilespmem:s14], [sflag:$0x5], $0x80, s18, s12, $0xb8;
	[tilespmem:$0x1FD00] =	vst v63  }
0x2a6: {  	_ =	swait.ge [sflag:s17], $0x3E80  }
0x2a7: {  	[sflag:s17] =	ssyncset.done $0x0  }
0x2a8: {  	s31 =	simm.s32 $0x14100;
	[sflag:s17] =	ssyncadd.s32 $0xFFFFC180  }
0x2a9: {  	[tilespmem:s14], [sflag:$0x1] =	stream.indirect.gather [hbm4b:s4+s12], $0x80, s31, s12, $0xb8;
	[tilespmem:$0x1FD00] =	vst v63  }
0x2aa: {  	_ =	swait.ge [sflag:s19], $0x3E80  }
0x2ab: {  	[sflag:s19] =	ssyncset.done $0x0  }
0x2ac: {  	s1 =	simm.s32 $0x15080;
	[sflag:s19] =	ssyncadd.s32 $0xFFFFC180  }
0x2ad: {  	[spmem:s2] =	stream.indirect.scatter.add.f32 [tilespmem:s16], [sflag:$0x5], $0x80, s1, s12, $0xb8;
	[tilespmem:$0x1FD00] =	vst v63  }
0x2ae: {  	_ =	swait.ge [sflag:s17], $0x3E80  }
0x2af: {  	[sflag:s17] =	ssyncset.done $0x0  }
0x2b0: {  	s5 =	simm.s32 $0x14180;
	[sflag:s17] =	ssyncadd.s32 $0xFFFFC180  }
0x2b1: {  	[tilespmem:s16], [sflag:$0x2] =	stream.indirect.gather [hbm4b:s4+s12], $0x80, s5, s12, $0xb8;
	[tilespmem:$0x1FD00] =	vst v63  }
0x2b2: {  	_ =	swait.ge [sflag:s10], $0x3E80  }
0x2b3: {  	[sflag:s10] =	ssyncset.done $0x0  }
0x2b4: {  	s15 =	simm.s32 $0x15100;
	[sflag:s10] =	ssyncadd.s32 $0xFFFFC180  }
0x2b5: {  	[spmem:s2] =	stream.indirect.scatter.add.f32 [tilespmem:s14], [sflag:$0x5], $0x80, s15, s12, $0xb8;
	[tilespmem:$0x1FD00] =	vst v63  }
0x2b6: {  	_ =	swait.ge [sflag:s17], $0x3E80  }
0x2b7: {  	[sflag:s17] =	ssyncset.done $0x0  }
0x2b8: {  	s18 =	simm.s32 $0x14200;
	[sflag:s17] =	ssyncadd.s32 $0xFFFFC180  }
0x2b9: {  	[tilespmem:s14], [sflag:$0x1] =	stream.indirect.gather [hbm4b:s4+s12], $0x80, s18, s12, $0xb8;
	[tilespmem:$0x1FD00] =	vst v63  }
0x2ba: {  	_ =	swait.ge [sflag:s19], $0x3E80  }
0x2bb: {  	[sflag:s19] =	ssyncset.done $0x0  }
0x2bc: {  	s31 =	simm.s32 $0x15180;
	[sflag:s19] =	ssyncadd.s32 $0xFFFFC180  }
0x2bd: {  	[spmem:s2] =	stream.indirect.scatter.add.f32 [tilespmem:s16], [sflag:$0x5], $0x80, s31, s12, $0xb8;
	[tilespmem:$0x1FD00] =	vst v63  }
0x2be: {  	_ =	swait.ge [sflag:s17], $0x3E80  }
0x2bf: {  	[sflag:s17] =	ssyncset.done $0x0  }
0x2c0: {  	s1 =	simm.s32 $0x14280;
	[sflag:s17] =	ssyncadd.s32 $0xFFFFC180  }
0x2c1: {  	[tilespmem:s16], [sflag:$0x2] =	stream.indirect.gather [hbm4b:s4+s12], $0x80, s1, s12, $0xb8;
	[tilespmem:$0x1FD00] =	vst v63  }
0x2c2: {  	_ =	swait.ge [sflag:s10], $0x3E80  }
0x2c3: {  	[sflag:s10] =	ssyncset.done $0x0  }
0x2c4: {  	s5 =	simm.s32 $0x15200;
	[sflag:s10] =	ssyncadd.s32 $0xFFFFC180  }
0x2c5: {  	[spmem:s2] =	stream.indirect.scatter.add.f32 [tilespmem:s14], [sflag:$0x5], $0x80, s5, s12, $0xb8;
	[tilespmem:$0x1FD00] =	vst v63  }
0x2c6: {  	_ =	swait.ge [sflag:s17], $0x3E80  }
0x2c7: {  	[sflag:s17] =	ssyncset.done $0x0  }
0x2c8: {  	s15 =	simm.s32 $0x14300;
	[sflag:s17] =	ssyncadd.s32 $0xFFFFC180  }
0x2c9: {  	[tilespmem:s14], [sflag:$0x1] =	stream.indirect.gather [hbm4b:s4+s12], $0x80, s15, s12, $0xb8;
	[tilespmem:$0x1FD00] =	vst v63  }
0x2ca: {  	_ =	swait.ge [sflag:s19], $0x3E80  }
0x2cb: {  	[sflag:s19] =	ssyncset.done $0x0  }
0x2cc: {  	s18 =	simm.s32 $0x15280;
	[sflag:s19] =	ssyncadd.s32 $0xFFFFC180  }
0x2cd: {  	[spmem:s2] =	stream.indirect.scatter.add.f32 [tilespmem:s16], [sflag:$0x5], $0x80, s18, s12, $0xb8;
	[tilespmem:$0x1FD00] =	vst v63  }
0x2ce: {  	_ =	swait.ge [sflag:s17], $0x3E80  }
0x2cf: {  	[sflag:s17] =	ssyncset.done $0x0  }
0x2d0: {  	s31 =	simm.s32 $0x14380;
	[sflag:s17] =	ssyncadd.s32 $0xFFFFC180  }
0x2d1: {  	[tilespmem:s16], [sflag:$0x2] =	stream.indirect.gather [hbm4b:s4+s12], $0x80, s31, s12, $0xb8;
	[tilespmem:$0x1FD00] =	vst v63  }
0x2d2: {  	_ =	swait.ge [sflag:s10], $0x3E80  }
0x2d3: {  	[sflag:s10] =	ssyncset.done $0x0  }
0x2d4: {  	s5 =	simm.s32 $0x15300;
	[sflag:s10] =	ssyncadd.s32 $0xFFFFC180  }
0x2d5: {  	[spmem:s2] =	stream.indirect.scatter.add.f32 [tilespmem:s14], [sflag:$0x5], $0x80, s5, s12, $0xb8;
	[tilespmem:$0x1FD00] =	vst v63  }
0x2d6: {  	_ =	swait.ge [sflag:s17], $0x3E80  }
0x2d7: {  	[sflag:s17] =	ssyncset.done $0x0  }
0x2d8: {  	s15 =	simm.s32 $0x14400;
	[sflag:s17] =	ssyncadd.s32 $0xFFFFC180  }
0x2d9: {  	[tilespmem:s14], [sflag:$0x1] =	stream.indirect.gather [hbm4b:s4+s12], $0x80, s15, s12, $0xb8;
	[tilespmem:$0x1FD00] =	vst v63  }
0x2da: {  	_ =	swait.ge [sflag:s19], $0x3E80  }
0x2db: {  	[sflag:s19] =	ssyncset.done $0x0  }
0x2dc: {  	s18 =	simm.s32 $0x15380;
	[sflag:s19] =	ssyncadd.s32 $0xFFFFC180  }
0x2dd: {  	[spmem:s2] =	stream.indirect.scatter.add.f32 [tilespmem:s16], [sflag:$0x5], $0x80, s18, s12, $0xb8;
	[tilespmem:$0x1FD00] =	vst v63  }
0x2de: {  	_ =	swait.ge [sflag:s17], $0x3E80  }
0x2df: {  	[sflag:s17] =	ssyncset.done $0x0  }
0x2e0: {  	s31 =	simm.s32 $0x14480;
	[sflag:s17] =	ssyncadd.s32 $0xFFFFC180  }
0x2e1: {  	[tilespmem:s16], [sflag:$0x2] =	stream.indirect.gather [hbm4b:s4+s12], $0x80, s31, s12, $0xb8;
	[tilespmem:$0x1FD00] =	vst v63  }
0x2e2: {  	_ =	swait.ge [sflag:s10], $0x3E80  }
0x2e3: {  	[sflag:s10] =	ssyncset.done $0x0  }
0x2e4: {  	s5 =	simm.s32 $0x15400;
	[sflag:s10] =	ssyncadd.s32 $0xFFFFC180  }
0x2e5: {  	[spmem:s2] =	stream.indirect.scatter.add.f32 [tilespmem:s14], [sflag:$0x5], $0x80, s5, s12, $0xb8;
	[tilespmem:$0x1FD00] =	vst v63  }
0x2e6: {  	_ =	swait.ge [sflag:s17], $0x3E80  }
0x2e7: {  	[sflag:s17] =	ssyncset.done $0x0  }
0x2e8: {  	s15 =	simm.s32 $0x14500;
	[sflag:s17] =	ssyncadd.s32 $0xFFFFC180  }
0x2e9: {  	[tilespmem:s14], [sflag:$0x1] =	stream.indirect.gather [hbm4b:s4+s12], $0x80, s15, s12, $0xb8;
	[tilespmem:$0x1FD00] =	vst v63  }
0x2ea: {  	_ =	swait.ge [sflag:s19], $0x3E80  }
0x2eb: {  	[sflag:s19] =	ssyncset.done $0x0  }
0x2ec: {  	s18 =	simm.s32 $0x15480;
	[sflag:s19] =	ssyncadd.s32 $0xFFFFC180  }
0x2ed: {  	[spmem:s2] =	stream.indirect.scatter.add.f32 [tilespmem:s16], [sflag:$0x5], $0x80, s18, s12, $0xb8;
	[tilespmem:$0x1FD00] =	vst v63  }
0x2ee: {  	_ =	swait.ge [sflag:s17], $0x3E80  }
0x2ef: {  	[sflag:s17] =	ssyncset.done $0x0  }
0x2f0: {  	s31 =	simm.s32 $0x14580;
	[sflag:s17] =	ssyncadd.s32 $0xFFFFC180  }
0x2f1: {  	[tilespmem:s16], [sflag:$0x2] =	stream.indirect.gather [hbm4b:s4+s12], $0x80, s31, s12, $0xb8;
	[tilespmem:$0x1FD00] =	vst v63  }
0x2f2: {  	_ =	swait.ge [sflag:s10], $0x3E80  }
0x2f3: {  	[sflag:s10] =	ssyncset.done $0x0  }
0x2f4: {  	s5 =	simm.s32 $0x15500;
	[sflag:s10] =	ssyncadd.s32 $0xFFFFC180  }
0x2f5: {  	[spmem:s2] =	stream.indirect.scatter.add.f32 [tilespmem:s14], [sflag:$0x5], $0x80, s5, s12, $0xb8;
	[tilespmem:$0x1FD00] =	vst v63  }
0x2f6: {  	_ =	swait.ge [sflag:s17], $0x3E80  }
0x2f7: {  	[sflag:s17] =	ssyncset.done $0x0  }
0x2f8: {  	s15 =	simm.s32 $0x14600;
	[sflag:s17] =	ssyncadd.s32 $0xFFFFC180  }
0x2f9: {  	[tilespmem:s14], [sflag:$0x1] =	stream.indirect.gather [hbm4b:s4+s12], $0x80, s15, s12, $0xb8;
	[tilespmem:$0x1FD00] =	vst v63  }
0x2fa: {  	_ =	swait.ge [sflag:s19], $0x3E80  }
0x2fb: {  	[sflag:s19] =	ssyncset.done $0x0  }
0x2fc: {  	s18 =	simm.s32 $0x15580;
	[sflag:s19] =	ssyncadd.s32 $0xFFFFC180  }
0x2fd: {  	[spmem:s2] =	stream.indirect.scatter.add.f32 [tilespmem:s16], [sflag:$0x5], $0x80, s18, s12, $0xb8;
	[tilespmem:$0x1FD00] =	vst v63  }
0x2fe: {  	_ =	swait.ge [sflag:s17], $0x3E80  }
0x2ff: {  	[sflag:s17] =	ssyncset.done $0x0  }
0x300: {  	s31 =	simm.s32 $0x14680;
	[sflag:s17] =	ssyncadd.s32 $0xFFFFC180  }
0x301: {  	[tilespmem:s16], [sflag:$0x2] =	stream.indirect.gather [hbm4b:s4+s12], $0x80, s31, s12, $0xb8;
	[tilespmem:$0x1FD00] =	vst v63  }
0x302: {  	_ =	swait.ge [sflag:s10], $0x3E80  }
0x303: {  	[sflag:s10] =	ssyncset.done $0x0  }
0x304: {  	s5 =	simm.s32 $0x15600;
	[sflag:s10] =	ssyncadd.s32 $0xFFFFC180  }
0x305: {  	[spmem:s2] =	stream.indirect.scatter.add.f32 [tilespmem:s14], [sflag:$0x5], $0x80, s5, s12, $0xb8;
	[tilespmem:$0x1FD00] =	vst v63  }
0x306: {  	_ =	swait.ge [sflag:s17], $0x3E80  }
0x307: {  	[sflag:s17] =	ssyncset.done $0x0  }
0x308: {  	s15 =	simm.s32 $0x14700;
	[sflag:s17] =	ssyncadd.s32 $0xFFFFC180  }
0x309: {  	[tilespmem:s14], [sflag:$0x1] =	stream.indirect.gather [hbm4b:s4+s12], $0x80, s15, s12, $0xb8;
	[tilespmem:$0x1FD00] =	vst v63  }
0x30a: {  	_ =	swait.ge [sflag:s19], $0x3E80  }
0x30b: {  	[sflag:s19] =	ssyncset.done $0x0  }
0x30c: {  	s18 =	simm.s32 $0x15680;
	[sflag:s19] =	ssyncadd.s32 $0xFFFFC180  }
0x30d: {  	[spmem:s2] =	stream.indirect.scatter.add.f32 [tilespmem:s16], [sflag:$0x5], $0x80, s18, s12, $0xb8;
	[tilespmem:$0x1FD00] =	vst v63  }
0x30e: {  	_ =	swait.ge [sflag:s17], $0x3E80  }
0x30f: {  	[sflag:s17] =	ssyncset.done $0x0  }
0x310: {  	s31 =	simm.s32 $0x14780;
	[sflag:s17] =	ssyncadd.s32 $0xFFFFC180  }
0x311: {  	[tilespmem:s16], [sflag:$0x2] =	stream.indirect.gather [hbm4b:s4+s12], $0x80, s31, s12, $0xb8;
	[tilespmem:$0x1FD00] =	vst v63  }
0x312: {  	_ =	swait.ge [sflag:s10], $0x3E80  }
0x313: {  	[sflag:s10] =	ssyncset.done $0x0  }
0x314: {  	s5 =	simm.s32 $0x15700;
	[sflag:s10] =	ssyncadd.s32 $0xFFFFC180  }
0x315: {  	[spmem:s2] =	stream.indirect.scatter.add.f32 [tilespmem:s14], [sflag:$0x5], $0x80, s5, s12, $0xb8;
	[tilespmem:$0x1FD00] =	vst v63  }
0x316: {  	_ =	swait.ge [sflag:s17], $0x3E80  }
0x317: {  	[sflag:s17] =	ssyncset.done $0x0  }
0x318: {  	[sflag:s17] =	ssyncadd.s32 $0xFFFFC180  }
0x319: {  	_ =	swait.ge [sflag:s19], $0x3E80  }
0x31a: {  	[sflag:s19] =	ssyncset.done $0x0  }
0x31b: {  	s15 =	simm.s32 $0x15780;
	[sflag:s19] =	ssyncadd.s32 $0xFFFFC180  }
0x31c: {  	[spmem:s2] =	stream.indirect.scatter.add.f32 [tilespmem:s16], [sflag:$0x5], $0x80, s15, s12, $0xb8;
	[tilespmem:$0x1FD00] =	vst v63  }
0x31d: {  	_ =	swait.ge [sflag:s17], $0x3E80  }
0x31e: {  	[sflag:s17] =	ssyncset.done $0x0  }
0x31f: {  	[sflag:s17] =	ssyncadd.s32 $0xFFFFC180  }
0x320: {  	s18 =	stileid.u32;
	[bflag:$0x0] =	sbarrier.arrive $0xFFFF  }
0x321: {  	s15 =	sshll.u32 s18, $0x6;
	s31 =	rddreg [dreg:$0x1c]  }
0x322: {  	s15 =	sor.u32 $0x1C04, s15;
	s5 =	rddreg [dreg:$0xf];
	s1 =	sshrl.u32 s31, $0x3  }
0x323: {  	[hbm:s5], [sflag:s15] =	dma.local [spmem:s1], $0x800  }
0x324: {  	s31 =	rddreg [dreg:$0x18]  }
0x325: {  	s18 =	rddreg [dreg:$0x10];
	s5 =	sshrl.u32 s31, $0x3  }
0x326: {  	[hbm:s18], [sflag:s15] =	dma.local [spmem:s5], $0x800  }
0x327: {  	s31 =	rddreg [dreg:$0x19]  }
0x328: {  	s18 =	rddreg [dreg:$0x11];
	s1 =	sshrl.u32 s31, $0x3  }
0x329: {  	[hbm:s18], [sflag:s15] =	dma.local [spmem:s1], $0x800  }
0x32a: {  	s31 =	rddreg [dreg:$0x1a]  }
0x32b: {  	s18 =	rddreg [dreg:$0x12];
	s1 =	sshrl.u32 s31, $0x3  }
0x32c: {  	[hbm:s18], [sflag:s15] =	dma.local [spmem:s1], $0x800  }
0x32d: {  	s31 =	rddreg [dreg:$0x1b]  }
0x32e: {  	s18 =	rddreg [dreg:$0x13];
	s1 =	sshrl.u32 s31, $0x3  }
0x32f: {  	[hbm:s18], [sflag:s15] =	dma.local [spmem:s1], $0x800  }
0x330: {  	_ =	swait.ge [sflag:s9], $0x800  }
0x331: {  	[sflag:s9] =	ssyncset.done $0x0  }
0x332: {  	[sflag:s9] =	ssyncadd.s32 $0xFFFFF800  }
0x333: {  	_ =	swait.ge [sflag:s9], $0x800  }
0x334: {  	[sflag:s9] =	ssyncset.done $0x0  }
0x335: {  	[sflag:s9] =	ssyncadd.s32 $0xFFFFF800  }
0x336: {  	_ =	swait.ge [sflag:s9], $0x800  }
0x337: {  	[sflag:s9] =	ssyncset.done $0x0  }
0x338: {  	[sflag:s9] =	ssyncadd.s32 $0xFFFFF800  }
0x339: {  	_ =	swait.ge [sflag:s9], $0x800  }
0x33a: {  	[sflag:s9] =	ssyncset.done $0x0  }
0x33b: {  	[sflag:s9] =	ssyncadd.s32 $0xFFFFF800  }
0x33c: {  	_ =	swait.ge [sflag:s9], $0x800  }
0x33d: {  	s29 =	sadd.s32 $0x1, s29;
	s31 =	rddreg [dreg:$0x14]  }
0x33e: {  	p0 =	sne.s32 s29, s31  }
.Ltmp1:
0x33f: {  	_ = 	snop;
	(pc) =	sbr.rel @p0 .LBB2_1-.Ltmp1, $3  }
0x340: {  	_ =	sdelay $0x1  }
0x341: {  	[sflag:s9] =	ssyncset.done $0x0  }
0x342: {  	s0 =	simm.s32 $0x15000;
	s5 =	simm.s32 $0x14800;
	[sflag:s9] =	ssyncadd.s32 $0xFFFFF800  }
0x343: {  	_ =	sfence.sel $0x180000  }
0x344: {  	[bflag:$0x0] =	sbarrier.arrive $0xFFFF  }
0x345: {  	_ =	strace $0x9000004A  }
0x346: {  	s0 =	stileid.u32;
	[bflag:$0x2] =	sbarrier.arrive $0xFFFF  }
0x347: {  	p0 =	sne.s32 s0, $0x0;
	s0 =	rddreg [dreg:$0x2]  }
0x348: {  	s0 =	sadd.s32 @!p0 $0x100000, s0  }
0x349: {  	[sflag:s0] =	ssyncadd.tile.s32 @!p0 $0x1;
	_ =	shalt  }
.Lfunc_end2:
_tile_overlayer_lowered:
.L_overlay_start_2:
0x34a: {  	(tag) =	ssettag $0x2  }
0x34b: {  	s0 =	rddreg [dreg:$0x0];
	s2 =	stileid.u32  }
0x34c: {  	s1 =	rddreg [dreg:$0x1];
	p0 =	sne.s32 s2, $0x0  }
0x34d: {  	s3 =	rddreg [dreg:$0x2];
	[bflag:$0x3] =	sbarrier.arrive $0xFFFF;
	s2 =	simm.s32 @!p0 $0x1C05  }
0x34e: {  	[timem:s3], [sflag:s2] =	dma.local @!p0 [hbm:s0], s1  }
0x34f: {  	s0 =	simm.s32 @!p0 $0x5  }
0x350: {  	_ =	swait.ge @!p0 [sflag:s0], s1  }
0x351: {  	s1 =	ssub.s32 @!p0 $0x0, s1;
	[sflag:s0] =	ssyncset.done @!p0 $0x0  }
0x352: {  	[sflag:s0] =	ssyncadd.s32 @!p0 s1  }
0x353: {  	[bflag:$0x3] =	sbarrier.arrive $0xFFFF  }
0x354: {  	_ =	shalt  }

// kernel: kernel.15.cloned.1.call-start
scs
__scs_entry_jumppad:
0x0: {  	(pc) =	sbr.rel $0x88, $3  }
0x1: {  	(tag) =	ssettag $0x0;
	lr =	simm.s32 $0x1  }
0x2: {  	[smem:$0x3F9A] =	sst lr;
	_ =	strace $0xD0000000  }
0x3: {  	_ = 	snop  }
0x4: {  	_ = 	snop  }
0x5: {  	_ = 	snop  }
0x6: {  	_ = 	snop  }
0x7: {  	_ = 	snop  }
__scs_overlays_trampoline_lowered:
0x8: {  	[smem:$0x3FA9] =	sst s0  }
0x9: {  	[smem:$0x3FAA] =	sst s1  }
0xa: {  	[smem:$0x3FAB] =	sst s2  }
0xb: {  	[smem:$0x3FAC] =	sst s3  }
0xc: {  	[smem:$0x3FAD] =	sst s4  }
0xd: {  	[smem:$0x3FAE] =	sst s5  }
0xe: {  	[smem:$0x3FAF] =	sst s6  }
0xf: {  	[smem:$0x3FB0] =	sst s7  }
0x10: {  	[smem:$0x3FB1] =	sst s8  }
0x11: {  	[smem:$0x3FB2] =	sst s9;
	s0 =	simm.s32 @!p0 $0x0  }
0x12: {  	s1 =	sld [smem:$0x3F98];
	s0 =	simm.s32 @p0 $0x1  }
0x13: {  	[smem:$0x3FB3] =	sst s0;
	s0 =	simm.s32 @!p1 $0x0  }
0x14: {  	s2 =	sld [smem:$0x3F97];
	s0 =	simm.s32 @p1 $0x1  }
0x15: {  	[smem:$0x3FB4] =	sst s0;
	s0 =	simm.s32 @!p2 $0x0  }
0x16: {  	s3 =	sld [smem:$0x3FDB];
	s0 =	simm.s32 @p2 $0x1  }
0x17: {  	s4 =	simm.s32 $0x1BF5;
	[smem:$0x3FB6] =	sst s0  }
0x18: {  	s0 =	sld [smem:$0x3F99];
	_ =	swait.ge [sflag:s4], $0x0  }
0x19: {  	s7 =	sld [smem:$0x3F9A]  }
0x1a: {  	s8 =	sadd.s32 $0xFFFFE003, lr  }
0x1b: {  	s9 =	sadd.s32 $0xFFFFFEF7, lr;
	s5 =	simm.s32 $0xFFFFFFFF;
	p2 =	slt.u32 s8, $0xFFFFF086  }
0x1c: {  	p1 =	slt.u32 s9, $0xF7A;
	s5 =	simm.s32 @!p2 $0x0  }
0x1d: {  	s5 =	simm.s32 @p1 $0x1;
	p0 =	seq.s32 s7, s2  }
0x1e: {  	s7 =	smul.u32 @!p0 $0xF7A, s2;
	p2 =	seq.s32 @!p0 s5, $0x0  }
0x1f: {  	s9 =	smul.u32 $0xF7A, s1;
	s8 =	simm.s32 @!p0 $0x1BF5;
	p2 =	por !p2, p0  }
0x20: {  	[sflag:s8] =	ssyncset.s32 @!p0 $0xFFFFF086;
	s6 =	sadd.s32 @!p0 s3, s7;
	s7 =	simm.s32 @!p0 $0x108  }
0x21: {  	s3 =	sadd.s32 s3, s9;
	s6 =	sadd.s32 @!p0 $0x88, s6;
	s7 =	simm.s32 @p2 $0x1082  }
0x22: {  	[simem:s7], [sflag:s8] =	dma.local @!p0 [hbm:s6], $0xF7A  }
0x23: {  	s9 =	sor.u32 $0xD0000000, s2;
	s6 =	simm.s32 $0x108;
	_ =	swait.ge @!p0 [sflag:s8], $0x0  }
0x24: {  	s3 =	sadd.s32 $0x88, s3;
	s6 =	simm.s32 @!p1 $0x1082;
	[sflag:s4] =	ssyncset.s32 $0xFFFFF086  }
0x25: {  	[simem:s6], [sflag:s4] =	dma.local [hbm:s3], $0xF7A  }
0x26: {  	[smem:$0x3F9A] =	sst s1;
	(tag) =	ssettag s2;
	_ =	strace s9  }
0x27: {  	s1 =	sld [smem:$0x3FAA]  }
0x28: {  	s2 =	sld [smem:$0x3FAB]  }
0x29: {  	s4 =	sld [smem:$0x3FAD]  }
0x2a: {  	p0 =	seq.s32 s5, $0x0;
	s5 =	sld [smem:$0x3FAE]  }
0x2b: {  	s6 =	sld [smem:$0x3FAF]  }
0x2c: {  	s7 =	sld [smem:$0x3FB0]  }
0x2d: {  	s3 =	simm.s32 $0x108;
	s8 =	sld [smem:$0x3FB1]  }
0x2e: {  	s3 =	simm.s32 @!p0 $0x1082;
	s9 =	sld [smem:$0x3FB2]  }
0x2f: {  	lr =	sadd.s32 s0, s3;
	s0 =	sld [smem:$0x3FA9]  }
0x30: {  	s3 =	sld [smem:$0x3FAC]  }
0x31: {  	[smem:$0x3FB5] =	sst s10  }
0x32: {  	s10 =	sld [smem:$0x3FB3];
	_ =	sdelay $0x3  }
0x33: {  	p0 =	seq.s32 s10, $0x1;
	s10 =	sld [smem:$0x3FB5];
	_ =	sdelay $0x3  }
0x34: {  	[smem:$0x3FB5] =	sst s10  }
0x35: {  	s10 =	sld [smem:$0x3FB4];
	_ =	sdelay $0x3  }
0x36: {  	p1 =	seq.s32 s10, $0x1;
	s10 =	sld [smem:$0x3FB5];
	_ =	sdelay $0x3  }
0x37: {  	[smem:$0x3FB5] =	sst s10  }
0x38: {  	s10 =	sld [smem:$0x3FB6]  }
0x39: {  	_ = 	snop;
	(pc) =	sbr.ind lr, $3  }
0x3a: {  	_ = 	snop  }
0x3b: {  	_ = 	snop  }
0x3c: {  	p2 =	seq.s32 s10, $0x1;
	s10 =	sld [smem:$0x3FB5]  }
0x3d: {  	_ =	shalt  }
0x3e: {  	_ =	shalt  }
0x3f: {  	_ =	shalt  }
0x40: {  	_ =	shalt  }
0x41: {  	_ =	shalt  }
0x42: {  	_ =	shalt  }
0x43: {  	_ =	shalt  }
0x44: {  	_ =	shalt  }
0x45: {  	_ =	shalt  }
0x46: {  	_ =	shalt  }
0x47: {  	_ =	shalt  }
0x48: {  	_ =	shalt  }
0x49: {  	_ =	shalt  }
0x4a: {  	_ =	shalt  }
0x4b: {  	_ =	shalt  }
0x4c: {  	_ =	shalt  }
0x4d: {  	_ =	shalt  }
0x4e: {  	_ =	shalt  }
0x4f: {  	_ =	shalt  }
0x50: {  	_ =	shalt  }
0x51: {  	_ =	shalt  }
0x52: {  	_ =	shalt  }
0x53: {  	_ =	shalt  }
0x54: {  	_ =	shalt  }
0x55: {  	_ =	shalt  }
0x56: {  	_ =	shalt  }
0x57: {  	_ =	shalt  }
0x58: {  	_ =	shalt  }
0x59: {  	_ =	shalt  }
0x5a: {  	_ =	shalt  }
0x5b: {  	_ =	shalt  }
0x5c: {  	_ =	shalt  }
0x5d: {  	_ =	shalt  }
0x5e: {  	_ =	shalt  }
0x5f: {  	_ =	shalt  }
0x60: {  	_ =	shalt  }
0x61: {  	_ =	shalt  }
0x62: {  	_ =	shalt  }
0x63: {  	_ =	shalt  }
0x64: {  	_ =	shalt  }
0x65: {  	_ =	shalt  }
0x66: {  	_ =	shalt  }
0x67: {  	_ =	shalt  }
0x68: {  	_ =	shalt  }
0x69: {  	_ =	shalt  }
0x6a: {  	_ =	shalt  }
0x6b: {  	_ =	shalt  }
0x6c: {  	_ =	shalt  }
0x6d: {  	_ =	shalt  }
0x6e: {  	_ =	shalt  }
0x6f: {  	_ =	shalt  }
0x70: {  	_ =	shalt  }
0x71: {  	_ =	shalt  }
0x72: {  	_ =	shalt  }
0x73: {  	_ =	shalt  }
0x74: {  	_ =	shalt  }
0x75: {  	_ =	shalt  }
0x76: {  	_ =	shalt  }
0x77: {  	_ =	shalt  }
0x78: {  	_ =	shalt  }
0x79: {  	_ =	shalt  }
0x7a: {  	_ =	shalt  }
0x7b: {  	_ =	shalt  }
0x7c: {  	_ =	shalt  }
0x7d: {  	_ =	shalt  }
0x7e: {  	_ =	shalt  }
0x7f: {  	_ =	shalt  }
0x80: {  	_ =	shalt  }
0x81: {  	_ =	shalt  }
0x82: {  	_ =	shalt  }
0x83: {  	_ =	shalt  }
0x84: {  	_ =	shalt  }
0x85: {  	_ =	shalt  }
0x86: {  	_ =	shalt  }
0x87: {  	_ =	shalt  }
.Lfunc_end0:
.L_simem_size_0:
called_computation.2_lowered:
.L_overlay_start_0:
0x88: {  	s2 =	sld [smem:$0x3FD9]  }
0x89: {  	s3 =	sld [smem:$0x3FFE];
	_ =	sdelay $0x1  }
0x8a: {  	s1 =	srdreg.scid  }
0x8b: {  	s0 =	sand.u32 $0x1, s1  }
0x8c: {  	s16 =	sshll.u32 s0, $0xA;
	s2 =	sadd.s32 s3, s2  }
0x8d: {  	s2 =	sadd.s32 s2, s16  }
0x8e: {  	[smem:$0x3FC1] =	sst s2  }
0x8f: {  	_ = 	snop  }
0x90: {  	(tm) =	ssettm $0x1  }
0x91: {  	s17 =	sld [smem:$0x3FFB];
	_ =	sdelay $0x3  }
0x92: {  	_ =	strace s17  }
0x93: {  	s2 =	sld [smem:$0x3FFC];
	_ =	sdelay $0x3  }
0x94: {  	_ =	strace s2  }
0x95: {  	s2 =	sld [smem:$0x3FFD];
	_ =	sdelay $0x3  }
0x96: {  	_ =	strace s2  }
0x97: {  	_ =	strace $0x8FFFFFFF  }
0x98: {  	s18 =	sld [smem:$0x3FDB];
	_ =	sdelay $0x1  }
0x99: {  	s19 =	simm.s32 $_scs_section_size  }
0x9a: {  	s4 =	simm.s32 $_size__tile_overlayer_lowered;
	s5 =	simm.s32 $_tile_overlayer_lowered  }
0x9b: {  	s22 =	simm.s32 $0x1BFF;
	s21 =	sshll.u32 s5, $0x1;
	s2 =	sadd.s32 s19, s18  }
0x9c: {  	s6 =	simm.s32 $0x0;
	s20 =	sshll.u32 s4, $0x1;
	s4 =	sadd.s32 s21, s2  }
0x9d: {  	[timem:s6], [sflag:s22] =	dma.local [hbm:s4], s20  }
0x9e: {  	_ =	swait.ge [sflag:s22], s20  }
0x9f: {  	s3 =	ssub.s32 $0x0, s20;
	[sflag:s22] =	ssyncset.done $0x0  }
0xa0: {  	[sflag:s22] =	ssyncadd.s32 s3;
	_ =	sdelay $0x1  }
0xa1: {  	s23 =	simm.s32 $0x1B8B  }
0xa2: {  	_ =	swait.ge [sflag:s23], $0x1  }
0xa3: {  	[sflag:s23] =	ssyncset.done $0x0  }
0xa4: {  	s25 =	simm.s32 $0x1B8E;
	s24 =	sld [smem:$0x3FFE];
	[sflag:s23] =	ssyncadd.s32 $0xFFFFFFFF  }
0xa5: {  	s26 =	simm.s32 $execute0_lowered;
	[smem:$0x3FD2] =	sst s25  }
0xa6: {  	s4 =	sshll.u32 s26, $0x1;
	_ =	strace $0x8000004C;
	[dreg:$0x1] =	wrdreg $0xFFFFFFFF  }
0xa7: {  	s28 =	simm.s32 $_size_execute0_lowered;
	s2 =	sadd.s32 s2, s4;
	[dreg:$0x0] =	wrdreg $0x0  }
0xa8: {  	s4 =	sshll.u32 s28, $0x1;
	[dreg:$0x2] =	wrdreg s2  }
0xa9: {  	[dreg:$0x3] =	wrdreg s4  }
0xaa: {  	[dreg:$0x4] =	wrdreg $0xC0  }
0xab: {  	_ =	task [dreg:s6], $0x5FFFF  }
0xac: {  	[dreg:$0x1] =	wrdreg $0xFFFFFFFF  }
0xad: {  	[dreg:$0x0] =	wrdreg $0x60  }
0xae: {  	[dreg:$0x2] =	wrdreg s24  }
0xaf: {  	[dreg:$0x3] =	wrdreg $0x0  }
0xb0: {  	[dreg:$0x4] =	wrdreg $0x9  }
0xb1: {  	_ =	task.clear_ibuf [dreg:s6], $0x5FFFF;
	_ =	strace $0x9000004C  }
0xb2: {  	s29 =	simm.s32 $0x9;
	_ =	strace $0x8000004E  }
0xb3: {  	_ =	swait.ge [sflag:s29], $0x1  }
0xb4: {  	[sflag:s29] =	ssyncadd.s32 $0xFFFFFFFF  }
0xb5: {  	_ =	strace $0x9000004E  }
0xb6: {  	_ =	sfence  }
0xb7: {  	s30 =	sld [smem:$0x0];
	_ =	sdelay $0x2  }
0xb8: {  	s31 =	sshll.u32 s1, $0xD;
	s1 =	sshrl.u32 s1, $0x2  }
0xb9: {  	s3 =	sand.u32 $0x4000, s31;
	s1 =	sadd.s32 s1, s30  }
0xba: {  	s0 =	sor.u32 s3, s0;
	s1 =	sshll.u32 s1, $0x11  }
0xbb: {  	s0 =	sor.u32 s1, s0  }
0xbc: {  	s0 =	sadd.s32 $0x8F2B, s0  }
0xbd: {  	[sflag:s0] =	ssyncadd.remote.s32 $0x1  }
0xbe: {  	_ =	sfence.sel $0xFFFF  }
0xbf: {  	[dreg:$0x0] =	wrdreg $0xFFFFFFFF;
	(pc) =	sbr.abs _section_cstart, $3  }
0xc0: {  	[dreg:$0x1] =	wrdreg $0xFFFFFFFF  }
0xc1: {  	_ =	task.clear_ibuf [dreg:s6], $0x2FFFF;
	_ =	strace $0x9FFFFFFF  }
0xc2: {  	(tm) =	ssettm $0x7FFFFFFF  }
0xc3: {  	_ =	shalt  }
tec
execute0_lowered:
.L_overlay_start_1:
0x0: {  	(tag) =	ssettag $0x1  }
0x1: {  	s0 =	rddreg [dreg:$0x0]  }
0x2: {  	s2 =	rddreg [dreg:$0x1]  }
0x3: {  	s1 =	srdreg.scid;
	s10 =	stileid.u32  }
0x4: {  	s3 =	simm.s32 $0x0;
	s1 =	sand.u32 $0x1, s1;
	s5 =	smul.u32 $0x280, s10  }
0x5: {  	[smem:$0x7FF] =	sst s3;
	s4 =	sshll.u32 s10, $0x1;
	s10 =	smul.u32 $0x28000, s10  }
0x6: {  	s7 =	sadd.s32 $0x2400, s0;
	s6 =	smul.u32 $0x2800, s1;
	s8 =	sor.u32 s1, s4  }
0x7: {  	_ =	strace $0x8000004D;
	s1 =	ssub.s32 $0x2, s1;
	s20 =	smul.u32 $0x500, s8  }
0x8: {  	s4 =	sadd.s32 $0x66400, s0;
	s8 =	smul.u32 $0x2800, s8;
	s9 =	sshrl.u32 s1, $0x1  }
0x9: {  	s23 =	sshrl.u32 s10, $0x2;
	s5 =	sadd.s32 s5, s6;
	s1 =	ssub.s32 s1, s9  }
0xa: {  	s5 =	sshll.u32 s5, $0x3;
	s21 =	sadd.s32 s7, s20;
	s22 =	sshrl.u32 s8, $0x3  }
0xb: {  	s8 =	sadd.s32 s23, s2;
	s5 =	sadd.s32 s5, s0;
	[dreg:$0x3] =	wrdreg s21  }
0xc: {  	s11 =	sadd.s32 $0x100, s22;
	s26 =	sadd.s32 $0x1000, s8;
	[dreg:$0x1c] =	wrdreg s8  }
0xd: {  	s31 =	sadd.s32 $0x2000, s8;
	s10 =	sadd.s32 $0x3000, s8;
	[dreg:$0x7] =	wrdreg s26  }
0xe: {  	s12 =	sadd.s32 $0x200, s22;
	s14 =	sadd.s32 $0x300, s22;
	[dreg:$0x18] =	wrdreg s31  }
0xf: {  	s16 =	sadd.s32 $0x400, s22;
	s22 =	smax.u32 s1, $0x1;
	[dreg:$0x8] =	wrdreg s10  }
0x10: {  	s0 =	sadd.s32 $0xC400, s0;
	s23 =	sadd.s32 $0x5000, s8;
	[dreg:$0x14] =	wrdreg s22  }
0x11: {  	s6 =	sadd.s32 s20, s0;
	[dreg:$0x15] =	wrdreg s23  }
0x12: {  	s24 =	sadd.s32 s7, s11;
	[dreg:$0x4] =	wrdreg s6  }
0x13: {  	s25 =	sadd.s32 s11, s0;
	[dreg:$0x5] =	wrdreg s24  }
0x14: {  	s30 =	simm.s32 $0xA000;
	s11 =	sadd.s32 $0x4000, s8;
	[dreg:$0x6] =	wrdreg s25  }
0x15: {  	s28 =	simm.s32 $0xB800;
	s13 =	sadd.s32 s7, s12;
	[dreg:$0x19] =	wrdreg s11  }
0x16: {  	s29 =	simm.s32 $0x0;
	s15 =	sadd.s32 s7, s14;
	[dreg:$0x9] =	wrdreg s13  }
0x17: {  	s9 =	simm.s32 $0x4;
	s7 =	sadd.s32 s7, s16;
	[dreg:$0xb] =	wrdreg s15  }
0x18: {  	s17 =	sadd.s32 $0x79E00, s5;
	s18 =	sadd.s32 $0x7A200, s5;
	[dreg:$0xd] =	wrdreg s7  }
0x19: {  	s19 =	sadd.s32 $0x7A600, s5;
	s20 =	sadd.s32 $0x7AA00, s5;
	[dreg:$0xf] =	wrdreg s17  }
0x1a: {  	s21 =	sadd.s32 $0x7AE00, s5;
	s26 =	sadd.s32 $0x8000, s8;
	[dreg:$0x10] =	wrdreg s18  }
0x1b: {  	s31 =	sadd.s32 $0x9000, s8;
	s5 =	simm.s32 $0xA800;
	[dreg:$0x11] =	wrdreg s19  }
0x1c: {  	s10 =	simm.s32 $0x1;
	s22 =	simm.s32 $0xBA80;
	[dreg:$0x12] =	wrdreg s20  }
0x1d: {  	s23 =	simm.s32 $0xAB80;
	s6 =	sadd.s32 s12, s0;
	[dreg:$0x13] =	wrdreg s21  }
0x1e: {  	s24 =	sadd.s32 $0x6000, s8;
	s25 =	sadd.s32 $0x7000, s8;
	[dreg:$0x1b] =	wrdreg s26  }
0x1f: {  	[dreg:$0x17] =	wrdreg s31;
	s7 =	simm.s32 $0xFE80;
	s12 =	simm.s32 $0x7D  }
0x20: {  	s17 =	simm.s32 $0x5;
	s19 =	simm.s32 $0x2;
	s26 =	simm.s32 $0x3  }
0x21: {  	s8 =	simm.s32 $0xB900;
	s11 =	simm.s32 $0xAA00;
	s13 =	simm.s32 $0xB980  }
0x22: {  	s20 =	simm.s32 $0xBA00;
	s21 =	simm.s32 $0xAB00;
	[dreg:$0xa] =	wrdreg s6  }
0x23: {  	s6 =	sadd.s32 s14, s0;
	s0 =	sadd.s32 s16, s0;
	[dreg:$0x1a] =	wrdreg s24  }
0x24: {  	[dreg:$0x16] =	wrdreg s25;
	s14 =	simm.s32 $0xC000;
	s16 =	simm.s32 $0xDF40  }
0x25: {  	s24 =	simm.s32 $0xBB00;
	s25 =	simm.s32 $0xAC00;
	[dreg:$0xc] =	wrdreg s6  }
0x26: {  	v0 =	vimm.f32 $0.0e+00;
	[dreg:$0xe] =	wrdreg s0;
	s0 =	simm.s32 $0xB000;
	s6 =	simm.s32 $0xA980  }
.LBB2_1:
0x27: {  	s15 =	rddreg [dreg:$0x3]  }
0x28: {  	[tilespmem:s30], [sflag:$0x1] =	stream.linear.gather [hbm4b:s15+s3], $0x800, $0x38;
	[tilespmem:$0x10E80] =	vst v63  }
0x29: {  	s18 =	rddreg [dreg:$0x4]  }
0x2a: {  	[tilespmem:s0], [sflag:$0x1] =	stream.linear.gather [hbm4b:s18+s3], $0x800, $0x38;
	[tilespmem:$0x10E80] =	vst v63  }
0x2b: {  	s1 =	rddreg [dreg:$0x5]  }
0x2c: {  	[tilespmem:s5], [sflag:$0x3] =	stream.linear.gather [hbm4b:s1+s3], $0x800, $0x38;
	[tilespmem:$0x10E80] =	vst v63  }
0x2d: {  	s31 =	simm.s32 $0x0;
	s15 =	simm.s32 $0x100;
	s18 =	rddreg [dreg:$0x6]  }
0x2e: {  	[tilespmem:s28], [sflag:$0x3] =	stream.linear.gather [hbm4b:s18+s3], $0x800, $0x38;
	[tilespmem:$0x10E80] =	vst v63  }
.LBB2_2:
0x2f: {  	p0 =	sne.s32 s15, $0x3F00;
	[tilespmem:s31+$0xFEB0] =	vst v0;
	s18 =	smov.u32 s15;
	s15 =	sadd.s32 $0x100, s15  }
.Ltmp0:
0x30: {  	[tilespmem:s31+$0xFEA0] =	vst v0;
	(pc) =	sbr.rel @p0 .LBB2_2-.Ltmp0, $3  }
0x31: {  	[tilespmem:s31+$0xFE80] =	vst v0  }
0x32: {  	[tilespmem:s31+$0xFE90] =	vst v0;
	_ =	sdelay $0x1  }
0x33: {  	s31 =	sshra.s32 s18, $0x2  }
0x34: {  	[tilespmem:s31+$0xFEB0] =	vst v0  }
0x35: {  	[tilespmem:s31+$0xFEA0] =	vst v0  }
0x36: {  	[tilespmem:s31+$0xFE80] =	vst v0  }
0x37: {  	[tilespmem:s31+$0xFE90] =	vst v0;
	s1 =	rddreg [dreg:$0x1c]  }
0x38: {  	[spmem:s1] =	stream.linear.scatter [tilespmem:s7], [sflag:$0x4], $0x1000, $0x38;
	[tilespmem:$0x10E80] =	vst v63  }
0x39: {  	s15 =	rddreg [dreg:$0x7]  }
0x3a: {  	[spmem:s15] =	stream.linear.scatter [tilespmem:s7], [sflag:$0x4], $0x1000, $0x38;
	[tilespmem:$0x10E80] =	vst v63  }
0x3b: {  	s31 =	rddreg [dreg:$0x18]  }
0x3c: {  	[spmem:s31] =	stream.linear.scatter [tilespmem:s7], [sflag:$0x4], $0x1000, $0x38;
	[tilespmem:$0x10E80] =	vst v63  }
0x3d: {  	s5 =	rddreg [dreg:$0x8]  }
0x3e: {  	[spmem:s5] =	stream.linear.scatter [tilespmem:s7], [sflag:$0x4], $0x1000, $0x38;
	[tilespmem:$0x10E80] =	vst v63  }
0x3f: {  	s15 =	rddreg [dreg:$0x19]  }
0x40: {  	[spmem:s15] =	stream.linear.scatter [tilespmem:s7], [sflag:$0x4], $0x1000, $0x38;
	[tilespmem:$0x10E80] =	vst v63  }
0x41: {  	s18 =	rddreg [dreg:$0x15]  }
0x42: {  	[spmem:s18] =	stream.linear.scatter [tilespmem:s7], [sflag:$0x4], $0x1000, $0x38;
	[tilespmem:$0x10E80] =	vst v63  }
0x43: {  	s31 =	rddreg [dreg:$0x1a]  }
0x44: {  	[spmem:s31] =	stream.linear.scatter [tilespmem:s7], [sflag:$0x4], $0x1000, $0x38;
	[tilespmem:$0x10E80] =	vst v63  }
0x45: {  	s5 =	rddreg [dreg:$0x16]  }
0x46: {  	[spmem:s5] =	stream.linear.scatter [tilespmem:s7], [sflag:$0x4], $0x1000, $0x38;
	[tilespmem:$0x10E80] =	vst v63  }
0x47: {  	s15 =	rddreg [dreg:$0x1b]  }
0x48: {  	[spmem:s15] =	stream.linear.scatter [tilespmem:s7], [sflag:$0x4], $0x1000, $0x38;
	[tilespmem:$0x10E80] =	vst v63  }
0x49: {  	s18 =	rddreg [dreg:$0x17]  }
0x4a: {  	[spmem:s18] =	stream.linear.scatter [tilespmem:s7], [sflag:$0x4], $0x1000, $0x38;
	[tilespmem:$0x10E80] =	vst v63  }
0x4b: {  	_ =	swait.ge [sflag:s9], $0x1000  }
0x4c: {  	[sflag:s9] =	ssyncset.done $0x0  }
0x4d: {  	[sflag:s9] =	ssyncadd.s32 $0xFFFFF000  }
0x4e: {  	_ =	swait.ge [sflag:s9], $0x1000  }
0x4f: {  	[sflag:s9] =	ssyncset.done $0x0  }
0x50: {  	[sflag:s9] =	ssyncadd.s32 $0xFFFFF000  }
0x51: {  	_ =	swait.ge [sflag:s9], $0x1000  }
0x52: {  	[sflag:s9] =	ssyncset.done $0x0  }
0x53: {  	[sflag:s9] =	ssyncadd.s32 $0xFFFFF000  }
0x54: {  	_ =	swait.ge [sflag:s9], $0x1000  }
0x55: {  	[sflag:s9] =	ssyncset.done $0x0  }
0x56: {  	[sflag:s9] =	ssyncadd.s32 $0xFFFFF000  }
0x57: {  	_ =	swait.ge [sflag:s9], $0x1000  }
0x58: {  	[sflag:s9] =	ssyncset.done $0x0  }
0x59: {  	[sflag:s9] =	ssyncadd.s32 $0xFFFFF000  }
0x5a: {  	_ =	swait.ge [sflag:s9], $0x1000  }
0x5b: {  	[sflag:s9] =	ssyncset.done $0x0  }
0x5c: {  	[sflag:s9] =	ssyncadd.s32 $0xFFFFF000  }
0x5d: {  	_ =	swait.ge [sflag:s9], $0x1000  }
0x5e: {  	[sflag:s9] =	ssyncset.done $0x0  }
0x5f: {  	[sflag:s9] =	ssyncadd.s32 $0xFFFFF000  }
0x60: {  	_ =	swait.ge [sflag:s9], $0x1000  }
0x61: {  	[sflag:s9] =	ssyncset.done $0x0  }
0x62: {  	[sflag:s9] =	ssyncadd.s32 $0xFFFFF000  }
0x63: {  	_ =	swait.ge [sflag:s9], $0x1000  }
0x64: {  	[sflag:s9] =	ssyncset.done $0x0  }
0x65: {  	[sflag:s9] =	ssyncadd.s32 $0xFFFFF000  }
0x66: {  	_ =	swait.ge [sflag:s9], $0x1000  }
0x67: {  	[sflag:s9] =	ssyncset.done $0x0  }
0x68: {  	[sflag:s9] =	ssyncadd.s32 $0xFFFFF000  }
0x69: {  	[bflag:$0x0] =	sbarrier.arrive $0xFFFF  }
0x6a: {  	_ =	swait.ge [sflag:s10], $0x800  }
0x6b: {  	[sflag:s10] =	ssyncset.done $0x0  }
0x6c: {  	[sflag:s10] =	ssyncadd.s32 $0xFFFFF800  }
0x6d: {  	_ =	swait.ge [sflag:s10], $0x800  }
0x6e: {  	[sflag:s10] =	ssyncset.done $0x0  }
0x6f: {  	[sflag:s10] =	ssyncadd.s32 $0xFFFFF800  }
0x70: {  	[tilespmem:s14], [sflag:$0x1] =	stream.indirect.gather [hbm4b:s4+s12], $0x40, s30, s12, $0xb8;
	[tilespmem:$0x10E80] =	vst v63  }
0x71: {  	s31 =	simm.s32 $0xA080  }
0x72: {  	[tilespmem:s16], [sflag:$0x2] =	stream.indirect.gather [hbm4b:s4+s12], $0x40, s31, s12, $0xb8;
	[tilespmem:$0x10E80] =	vst v63  }
0x73: {  	_ =	swait.ge [sflag:s10], $0x1F40  }
0x74: {  	[sflag:s10] =	ssyncset.done $0x0  }
0x75: {  	[sflag:s10] =	ssyncadd.s32 $0xFFFFE0C0  }
0x76: {  	[spmem:s2] =	stream.indirect.scatter.add.f32 [tilespmem:s14], [sflag:$0x5], $0x40, s0, s12, $0xb8;
	[tilespmem:$0x10E80] =	vst v63  }
0x77: {  	_ =	swait.ge [sflag:s17], $0x1F40  }
0x78: {  	[sflag:s17] =	ssyncset.done $0x0  }
0x79: {  	s5 =	simm.s32 $0xA100;
	[sflag:s17] =	ssyncadd.s32 $0xFFFFE0C0  }
0x7a: {  	[tilespmem:s14], [sflag:$0x1] =	stream.indirect.gather [hbm4b:s4+s12], $0x40, s5, s12, $0xb8;
	[tilespmem:$0x10E80] =	vst v63  }
0x7b: {  	_ =	swait.ge [sflag:s19], $0x1F40  }
0x7c: {  	[sflag:s19] =	ssyncset.done $0x0  }
0x7d: {  	s15 =	simm.s32 $0xB080;
	[sflag:s19] =	ssyncadd.s32 $0xFFFFE0C0  }
0x7e: {  	[spmem:s2] =	stream.indirect.scatter.add.f32 [tilespmem:s16], [sflag:$0x5], $0x40, s15, s12, $0xb8;
	[tilespmem:$0x10E80] =	vst v63  }
0x7f: {  	_ =	swait.ge [sflag:s17], $0x1F40  }
0x80: {  	[sflag:s17] =	ssyncset.done $0x0  }
0x81: {  	s18 =	simm.s32 $0xA180;
	[sflag:s17] =	ssyncadd.s32 $0xFFFFE0C0  }
0x82: {  	[tilespmem:s16], [sflag:$0x2] =	stream.indirect.gather [hbm4b:s4+s12], $0x40, s18, s12, $0xb8;
	[tilespmem:$0x10E80] =	vst v63  }
0x83: {  	_ =	swait.ge [sflag:s10], $0x1F40  }
0x84: {  	[sflag:s10] =	ssyncset.done $0x0  }
0x85: {  	s31 =	simm.s32 $0xB100;
	[sflag:s10] =	ssyncadd.s32 $0xFFFFE0C0  }
0x86: {  	[spmem:s2] =	stream.indirect.scatter.add.f32 [tilespmem:s14], [sflag:$0x5], $0x40, s31, s12, $0xb8;
	[tilespmem:$0x10E80] =	vst v63  }
0x87: {  	_ =	swait.ge [sflag:s17], $0x1F40  }
0x88: {  	[sflag:s17] =	ssyncset.done $0x0  }
0x89: {  	s1 =	simm.s32 $0xA200;
	[sflag:s17] =	ssyncadd.s32 $0xFFFFE0C0  }
0x8a: {  	[tilespmem:s14], [sflag:$0x1] =	stream.indirect.gather [hbm4b:s4+s12], $0x40, s1, s12, $0xb8;
	[tilespmem:$0x10E80] =	vst v63  }
0x8b: {  	_ =	swait.ge [sflag:s19], $0x1F40  }
0x8c: {  	[sflag:s19] =	ssyncset.done $0x0  }
0x8d: {  	s5 =	simm.s32 $0xB180;
	[sflag:s19] =	ssyncadd.s32 $0xFFFFE0C0  }
0x8e: {  	[spmem:s2] =	stream.indirect.scatter.add.f32 [tilespmem:s16], [sflag:$0x5], $0x40, s5, s12, $0xb8;
	[tilespmem:$0x10E80] =	vst v63  }
0x8f: {  	_ =	swait.ge [sflag:s17], $0x1F40  }
0x90: {  	[sflag:s17] =	ssyncset.done $0x0  }
0x91: {  	s15 =	simm.s32 $0xA280;
	[sflag:s17] =	ssyncadd.s32 $0xFFFFE0C0  }
0x92: {  	[tilespmem:s16], [sflag:$0x2] =	stream.indirect.gather [hbm4b:s4+s12], $0x40, s15, s12, $0xb8;
	[tilespmem:$0x10E80] =	vst v63  }
0x93: {  	_ =	swait.ge [sflag:s10], $0x1F40  }
0x94: {  	[sflag:s10] =	ssyncset.done $0x0  }
0x95: {  	s18 =	simm.s32 $0xB200;
	[sflag:s10] =	ssyncadd.s32 $0xFFFFE0C0  }
0x96: {  	[spmem:s2] =	stream.indirect.scatter.add.f32 [tilespmem:s14], [sflag:$0x5], $0x40, s18, s12, $0xb8;
	[tilespmem:$0x10E80] =	vst v63  }
0x97: {  	_ =	swait.ge [sflag:s17], $0x1F40  }
0x98: {  	[sflag:s17] =	ssyncset.done $0x0  }
0x99: {  	s31 =	simm.s32 $0xA300;
	[sflag:s17] =	ssyncadd.s32 $0xFFFFE0C0  }
0x9a: {  	[tilespmem:s14], [sflag:$0x1] =	stream.indirect.gather [hbm4b:s4+s12], $0x40, s31, s12, $0xb8;
	[tilespmem:$0x10E80] =	vst v63  }
0x9b: {  	_ =	swait.ge [sflag:s19], $0x1F40  }
0x9c: {  	[sflag:s19] =	ssyncset.done $0x0  }
0x9d: {  	s1 =	simm.s32 $0xB280;
	[sflag:s19] =	ssyncadd.s32 $0xFFFFE0C0  }
0x9e: {  	[spmem:s2] =	stream.indirect.scatter.add.f32 [tilespmem:s16], [sflag:$0x5], $0x40, s1, s12, $0xb8;
	[tilespmem:$0x10E80] =	vst v63  }
0x9f: {  	_ =	swait.ge [sflag:s17], $0x1F40  }
0xa0: {  	[sflag:s17] =	ssyncset.done $0x0  }
0xa1: {  	s5 =	simm.s32 $0xA380;
	[sflag:s17] =	ssyncadd.s32 $0xFFFFE0C0  }
0xa2: {  	[tilespmem:s16], [sflag:$0x2] =	stream.indirect.gather [hbm4b:s4+s12], $0x40, s5, s12, $0xb8;
	[tilespmem:$0x10E80] =	vst v63  }
0xa3: {  	_ =	swait.ge [sflag:s10], $0x1F40  }
0xa4: {  	[sflag:s10] =	ssyncset.done $0x0  }
0xa5: {  	s15 =	simm.s32 $0xB300;
	[sflag:s10] =	ssyncadd.s32 $0xFFFFE0C0  }
0xa6: {  	[spmem:s2] =	stream.indirect.scatter.add.f32 [tilespmem:s14], [sflag:$0x5], $0x40, s15, s12, $0xb8;
	[tilespmem:$0x10E80] =	vst v63  }
0xa7: {  	_ =	swait.ge [sflag:s17], $0x1F40  }
0xa8: {  	[sflag:s17] =	ssyncset.done $0x0  }
0xa9: {  	s18 =	simm.s32 $0xA400;
	[sflag:s17] =	ssyncadd.s32 $0xFFFFE0C0  }
0xaa: {  	[tilespmem:s14], [sflag:$0x1] =	stream.indirect.gather [hbm4b:s4+s12], $0x40, s18, s12, $0xb8;
	[tilespmem:$0x10E80] =	vst v63  }
0xab: {  	_ =	swait.ge [sflag:s19], $0x1F40  }
0xac: {  	[sflag:s19] =	ssyncset.done $0x0  }
0xad: {  	s31 =	simm.s32 $0xB380;
	[sflag:s19] =	ssyncadd.s32 $0xFFFFE0C0  }
0xae: {  	[spmem:s2] =	stream.indirect.scatter.add.f32 [tilespmem:s16], [sflag:$0x5], $0x40, s31, s12, $0xb8;
	[tilespmem:$0x10E80] =	vst v63  }
0xaf: {  	_ =	swait.ge [sflag:s17], $0x1F40  }
0xb0: {  	[sflag:s17] =	ssyncset.done $0x0  }
0xb1: {  	s1 =	simm.s32 $0xA480;
	[sflag:s17] =	ssyncadd.s32 $0xFFFFE0C0  }
0xb2: {  	[tilespmem:s16], [sflag:$0x2] =	stream.indirect.gather [hbm4b:s4+s12], $0x40, s1, s12, $0xb8;
	[tilespmem:$0x10E80] =	vst v63  }
0xb3: {  	_ =	swait.ge [sflag:s10], $0x1F40  }
0xb4: {  	[sflag:s10] =	ssyncset.done $0x0  }
0xb5: {  	s5 =	simm.s32 $0xB400;
	[sflag:s10] =	ssyncadd.s32 $0xFFFFE0C0  }
0xb6: {  	[spmem:s2] =	stream.indirect.scatter.add.f32 [tilespmem:s14], [sflag:$0x5], $0x40, s5, s12, $0xb8;
	[tilespmem:$0x10E80] =	vst v63  }
0xb7: {  	_ =	swait.ge [sflag:s17], $0x1F40  }
0xb8: {  	[sflag:s17] =	ssyncset.done $0x0  }
0xb9: {  	s15 =	simm.s32 $0xA500;
	[sflag:s17] =	ssyncadd.s32 $0xFFFFE0C0  }
0xba: {  	[tilespmem:s14], [sflag:$0x1] =	stream.indirect.gather [hbm4b:s4+s12], $0x40, s15, s12, $0xb8;
	[tilespmem:$0x10E80] =	vst v63  }
0xbb: {  	_ =	swait.ge [sflag:s19], $0x1F40  }
0xbc: {  	[sflag:s19] =	ssyncset.done $0x0  }
0xbd: {  	s18 =	simm.s32 $0xB480;
	[sflag:s19] =	ssyncadd.s32 $0xFFFFE0C0  }
0xbe: {  	[spmem:s2] =	stream.indirect.scatter.add.f32 [tilespmem:s16], [sflag:$0x5], $0x40, s18, s12, $0xb8;
	[tilespmem:$0x10E80] =	vst v63  }
0xbf: {  	_ =	swait.ge [sflag:s17], $0x1F40  }
0xc0: {  	[sflag:s17] =	ssyncset.done $0x0  }
0xc1: {  	s31 =	simm.s32 $0xA580;
	[sflag:s17] =	ssyncadd.s32 $0xFFFFE0C0  }
0xc2: {  	[tilespmem:s16], [sflag:$0x2] =	stream.indirect.gather [hbm4b:s4+s12], $0x40, s31, s12, $0xb8;
	[tilespmem:$0x10E80] =	vst v63  }
0xc3: {  	_ =	swait.ge [sflag:s10], $0x1F40  }
0xc4: {  	[sflag:s10] =	ssyncset.done $0x0  }
0xc5: {  	s1 =	simm.s32 $0xB500;
	[sflag:s10] =	ssyncadd.s32 $0xFFFFE0C0  }
0xc6: {  	[spmem:s2] =	stream.indirect.scatter.add.f32 [tilespmem:s14], [sflag:$0x5], $0x40, s1, s12, $0xb8;
	[tilespmem:$0x10E80] =	vst v63  }
0xc7: {  	_ =	swait.ge [sflag:s17], $0x1F40  }
0xc8: {  	[sflag:s17] =	ssyncset.done $0x0  }
0xc9: {  	s5 =	simm.s32 $0xA600;
	[sflag:s17] =	ssyncadd.s32 $0xFFFFE0C0  }
0xca: {  	[tilespmem:s14], [sflag:$0x1] =	stream.indirect.gather [hbm4b:s4+s12], $0x40, s5, s12, $0xb8;
	[tilespmem:$0x10E80] =	vst v63  }
0xcb: {  	_ =	swait.ge [sflag:s19], $0x1F40  }
0xcc: {  	[sflag:s19] =	ssyncset.done $0x0  }
0xcd: {  	s15 =	simm.s32 $0xB580;
	[sflag:s19] =	ssyncadd.s32 $0xFFFFE0C0  }
0xce: {  	[spmem:s2] =	stream.indirect.scatter.add.f32 [tilespmem:s16], [sflag:$0x5], $0x40, s15, s12, $0xb8;
	[tilespmem:$0x10E80] =	vst v63  }
0xcf: {  	_ =	swait.ge [sflag:s17], $0x1F40  }
0xd0: {  	[sflag:s17] =	ssyncset.done $0x0  }
0xd1: {  	s18 =	simm.s32 $0xA680;
	[sflag:s17] =	ssyncadd.s32 $0xFFFFE0C0  }
0xd2: {  	[tilespmem:s16], [sflag:$0x2] =	stream.indirect.gather [hbm4b:s4+s12], $0x40, s18, s12, $0xb8;
	[tilespmem:$0x10E80] =	vst v63  }
0xd3: {  	_ =	swait.ge [sflag:s10], $0x1F40  }
0xd4: {  	[sflag:s10] =	ssyncset.done $0x0  }
0xd5: {  	s31 =	simm.s32 $0xB600;
	[sflag:s10] =	ssyncadd.s32 $0xFFFFE0C0  }
0xd6: {  	[spmem:s2] =	stream.indirect.scatter.add.f32 [tilespmem:s14], [sflag:$0x5], $0x40, s31, s12, $0xb8;
	[tilespmem:$0x10E80] =	vst v63  }
0xd7: {  	_ =	swait.ge [sflag:s17], $0x1F40  }
0xd8: {  	[sflag:s17] =	ssyncset.done $0x0  }
0xd9: {  	s1 =	simm.s32 $0xA700;
	[sflag:s17] =	ssyncadd.s32 $0xFFFFE0C0  }
0xda: {  	[tilespmem:s14], [sflag:$0x1] =	stream.indirect.gather [hbm4b:s4+s12], $0x40, s1, s12, $0xb8;
	[tilespmem:$0x10E80] =	vst v63  }
0xdb: {  	_ =	swait.ge [sflag:s19], $0x1F40  }
0xdc: {  	[sflag:s19] =	ssyncset.done $0x0  }
0xdd: {  	s5 =	simm.s32 $0xB680;
	[sflag:s19] =	ssyncadd.s32 $0xFFFFE0C0  }
0xde: {  	[spmem:s2] =	stream.indirect.scatter.add.f32 [tilespmem:s16], [sflag:$0x5], $0x40, s5, s12, $0xb8;
	[tilespmem:$0x10E80] =	vst v63  }
0xdf: {  	_ =	swait.ge [sflag:s17], $0x1F40  }
0xe0: {  	[sflag:s17] =	ssyncset.done $0x0  }
0xe1: {  	s15 =	simm.s32 $0xA780;
	[sflag:s17] =	ssyncadd.s32 $0xFFFFE0C0  }
0xe2: {  	[tilespmem:s16], [sflag:$0x2] =	stream.indirect.gather [hbm4b:s4+s12], $0x40, s15, s12, $0xb8;
	[tilespmem:$0x10E80] =	vst v63  }
0xe3: {  	_ =	swait.ge [sflag:s10], $0x1F40  }
0xe4: {  	[sflag:s10] =	ssyncset.done $0x0  }
0xe5: {  	s18 =	simm.s32 $0xB700;
	[sflag:s10] =	ssyncadd.s32 $0xFFFFE0C0  }
0xe6: {  	[spmem:s2] =	stream.indirect.scatter.add.f32 [tilespmem:s14], [sflag:$0x5], $0x40, s18, s12, $0xb8;
	[tilespmem:$0x10E80] =	vst v63  }
0xe7: {  	_ =	swait.ge [sflag:s17], $0x1F40  }
0xe8: {  	[sflag:s17] =	ssyncset.done $0x0  }
0xe9: {  	[sflag:s17] =	ssyncadd.s32 $0xFFFFE0C0  }
0xea: {  	_ =	swait.ge [sflag:s19], $0x1F40  }
0xeb: {  	[sflag:s19] =	ssyncset.done $0x0  }
0xec: {  	s31 =	simm.s32 $0xB780;
	[sflag:s19] =	ssyncadd.s32 $0xFFFFE0C0  }
0xed: {  	[spmem:s2] =	stream.indirect.scatter.add.f32 [tilespmem:s16], [sflag:$0x5], $0x40, s31, s12, $0xb8;
	[tilespmem:$0x10E80] =	vst v63  }
0xee: {  	_ =	swait.ge [sflag:s17], $0x1F40  }
0xef: {  	[sflag:s17] =	ssyncset.done $0x0  }
0xf0: {  	[sflag:s17] =	ssyncadd.s32 $0xFFFFE0C0  }
0xf1: {  	_ =	swait.ge [sflag:s26], $0x800  }
0xf2: {  	[sflag:s26] =	ssyncset.done $0x0  }
0xf3: {  	[sflag:s26] =	ssyncadd.s32 $0xFFFFF800  }
0xf4: {  	_ =	swait.ge [sflag:s26], $0x800  }
0xf5: {  	[sflag:s26] =	ssyncset.done $0x0  }
0xf6: {  	s28 =	simm.s32 $0xA800;
	[sflag:s26] =	ssyncadd.s32 $0xFFFFF800  }
0xf7: {  	[tilespmem:s14], [sflag:$0x1] =	stream.indirect.gather [hbm4b:s4+s12], $0x40, s28, s12, $0xb8;
	[tilespmem:$0x10E80] =	vst v63  }
0xf8: {  	s1 =	rddreg [dreg:$0x9]  }
0xf9: {  	[tilespmem:s30], [sflag:$0x3] =	stream.linear.gather [hbm4b:s1+s3], $0x800, $0x38;
	[tilespmem:$0x10E80] =	vst v63  }
0xfa: {  	s18 =	simm.s32 $0xB000;
	s5 =	rddreg [dreg:$0xa]  }
0xfb: {  	[tilespmem:s18], [sflag:$0x3] =	stream.linear.gather [hbm4b:s5+s3], $0x800, $0x38;
	[tilespmem:$0x10E80] =	vst v63  }
0xfc: {  	s31 =	simm.s32 $0xA880  }
0xfd: {  	[tilespmem:s16], [sflag:$0x2] =	stream.indirect.gather [hbm4b:s4+s12], $0x40, s31, s12, $0xb8;
	[tilespmem:$0x10E80] =	vst v63  }
0xfe: {  	_ =	swait.ge [sflag:s10], $0x1F40  }
0xff: {  	[sflag:s10] =	ssyncset.done $0x0  }
0x100: {  	s30 =	simm.s32 $0xB800;
	[sflag:s10] =	ssyncadd.s32 $0xFFFFE0C0  }
0x101: {  	[spmem:s2] =	stream.indirect.scatter.add.f32 [tilespmem:s14], [sflag:$0x5], $0x40, s30, s12, $0xb8;
	[tilespmem:$0x10E80] =	vst v63  }
0x102: {  	_ =	swait.ge [sflag:s17], $0x1F40  }
0x103: {  	[sflag:s17] =	ssyncset.done $0x0  }
0x104: {  	s1 =	simm.s32 $0xA900;
	[sflag:s17] =	ssyncadd.s32 $0xFFFFE0C0  }
0x105: {  	[tilespmem:s14], [sflag:$0x1] =	stream.indirect.gather [hbm4b:s4+s12], $0x40, s1, s12, $0xb8;
	[tilespmem:$0x10E80] =	vst v63  }
0x106: {  	_ =	swait.ge [sflag:s19], $0x1F40  }
0x107: {  	[sflag:s19] =	ssyncset.done $0x0  }
0x108: {  	s5 =	simm.s32 $0xB880;
	[sflag:s19] =	ssyncadd.s32 $0xFFFFE0C0  }
0x109: {  	[spmem:s2] =	stream.indirect.scatter.add.f32 [tilespmem:s16], [sflag:$0x5], $0x40, s5, s12, $0xb8;
	[tilespmem:$0x10E80] =	vst v63  }
0x10a: {  	_ =	swait.ge [sflag:s17], $0x1F40  }
0x10b: {  	[sflag:s17] =	ssyncset.done $0x0  }
0x10c: {  	[sflag:s17] =	ssyncadd.s32 $0xFFFFE0C0  }
0x10d: {  	[tilespmem:s16], [sflag:$0x2] =	stream.indirect.gather [hbm4b:s4+s12], $0x40, s6, s12, $0xb8;
	[tilespmem:$0x10E80] =	vst v63  }
0x10e: {  	_ =	swait.ge [sflag:s10], $0x1F40  }
0x10f: {  	[sflag:s10] =	ssyncset.done $0x0  }
0x110: {  	[sflag:s10] =	ssyncadd.s32 $0xFFFFE0C0  }
0x111: {  	[spmem:s2] =	stream.indirect.scatter.add.f32 [tilespmem:s14], [sflag:$0x5], $0x40, s8, s12, $0xb8;
	[tilespmem:$0x10E80] =	vst v63  }
0x112: {  	_ =	swait.ge [sflag:s17], $0x1F40  }
0x113: {  	[sflag:s17] =	ssyncset.done $0x0  }
0x114: {  	[sflag:s17] =	ssyncadd.s32 $0xFFFFE0C0  }
0x115: {  	[tilespmem:s14], [sflag:$0x1] =	stream.indirect.gather [hbm4b:s4+s12], $0x40, s11, s12, $0xb8;
	[tilespmem:$0x10E80] =	vst v63  }
0x116: {  	_ =	swait.ge [sflag:s19], $0x1F40  }
0x117: {  	[sflag:s19] =	ssyncset.done $0x0  }
0x118: {  	[sflag:s19] =	ssyncadd.s32 $0xFFFFE0C0  }
0x119: {  	[spmem:s2] =	stream.indirect.scatter.add.f32 [tilespmem:s16], [sflag:$0x5], $0x40, s13, s12, $0xb8;
	[tilespmem:$0x10E80] =	vst v63  }
0x11a: {  	_ =	swait.ge [sflag:s17], $0x1F40  }
0x11b: {  	[sflag:s17] =	ssyncset.done $0x0  }
0x11c: {  	s18 =	simm.s32 $0xAA80;
	[sflag:s17] =	ssyncadd.s32 $0xFFFFE0C0  }
0x11d: {  	[tilespmem:s16], [sflag:$0x2] =	stream.indirect.gather [hbm4b:s4+s12], $0x40, s18, s12, $0xb8;
	[tilespmem:$0x10E80] =	vst v63  }
0x11e: {  	_ =	swait.ge [sflag:s10], $0x1F40  }
0x11f: {  	[sflag:s10] =	ssyncset.done $0x0  }
0x120: {  	[sflag:s10] =	ssyncadd.s32 $0xFFFFE0C0  }
0x121: {  	[spmem:s2] =	stream.indirect.scatter.add.f32 [tilespmem:s14], [sflag:$0x5], $0x40, s20, s12, $0xb8;
	[tilespmem:$0x10E80] =	vst v63  }
0x122: {  	_ =	swait.ge [sflag:s17], $0x1F40  }
0x123: {  	[sflag:s17] =	ssyncset.done $0x0  }
0x124: {  	[sflag:s17] =	ssyncadd.s32 $0xFFFFE0C0  }
0x125: {  	[tilespmem:s14], [sflag:$0x1] =	stream.indirect.gather [hbm4b:s4+s12], $0x40, s21, s12, $0xb8;
	[tilespmem:$0x10E80] =	vst v63  }
0x126: {  	_ =	swait.ge [sflag:s19], $0x1F40  }
0x127: {  	[sflag:s19] =	ssyncset.done $0x0  }
0x128: {  	[sflag:s19] =	ssyncadd.s32 $0xFFFFE0C0  }
0x129: {  	[spmem:s2] =	stream.indirect.scatter.add.f32 [tilespmem:s16], [sflag:$0x5], $0x40, s22, s12, $0xb8;
	[tilespmem:$0x10E80] =	vst v63  }
0x12a: {  	_ =	swait.ge [sflag:s17], $0x1F40  }
0x12b: {  	[sflag:s17] =	ssyncset.done $0x0  }
0x12c: {  	[sflag:s17] =	ssyncadd.s32 $0xFFFFE0C0  }
0x12d: {  	[tilespmem:s16], [sflag:$0x2] =	stream.indirect.gather [hbm4b:s4+s12], $0x40, s23, s12, $0xb8;
	[tilespmem:$0x10E80] =	vst v63  }
0x12e: {  	_ =	swait.ge [sflag:s10], $0x1F40  }
0x12f: {  	[sflag:s10] =	ssyncset.done $0x0  }
0x130: {  	[sflag:s10] =	ssyncadd.s32 $0xFFFFE0C0  }
0x131: {  	[spmem:s2] =	stream.indirect.scatter.add.f32 [tilespmem:s14], [sflag:$0x5], $0x40, s24, s12, $0xb8;
	[tilespmem:$0x10E80] =	vst v63  }
0x132: {  	_ =	swait.ge [sflag:s17], $0x1F40  }
0x133: {  	[sflag:s17] =	ssyncset.done $0x0  }
0x134: {  	[sflag:s17] =	ssyncadd.s32 $0xFFFFE0C0  }
0x135: {  	[tilespmem:s14], [sflag:$0x1] =	stream.indirect.gather [hbm4b:s4+s12], $0x40, s25, s12, $0xb8;
	[tilespmem:$0x10E80] =	vst v63  }
0x136: {  	_ =	swait.ge [sflag:s19], $0x1F40  }
0x137: {  	[sflag:s19] =	ssyncset.done $0x0  }
0x138: {  	s31 =	simm.s32 $0xBB80;
	[sflag:s19] =	ssyncadd.s32 $0xFFFFE0C0  }
0x139: {  	[spmem:s2] =	stream.indirect.scatter.add.f32 [tilespmem:s16], [sflag:$0x5], $0x40, s31, s12, $0xb8;
	[tilespmem:$0x10E80] =	vst v63  }
0x13a: {  	_ =	swait.ge [sflag:s17], $0x1F40  }
0x13b: {  	[sflag:s17] =	ssyncset.done $0x0  }
0x13c: {  	s0 =	simm.s32 $0xAC80;
	[sflag:s17] =	ssyncadd.s32 $0xFFFFE0C0  }
0x13d: {  	[tilespmem:s16], [sflag:$0x2] =	stream.indirect.gather [hbm4b:s4+s12], $0x40, s0, s12, $0xb8;
	[tilespmem:$0x10E80] =	vst v63  }
0x13e: {  	_ =	swait.ge [sflag:s10], $0x1F40  }
0x13f: {  	[sflag:s10] =	ssyncset.done $0x0  }
0x140: {  	s0 =	simm.s32 $0xBC00;
	[sflag:s10] =	ssyncadd.s32 $0xFFFFE0C0  }
0x141: {  	[spmem:s2] =	stream.indirect.scatter.add.f32 [tilespmem:s14], [sflag:$0x5], $0x40, s0, s12, $0xb8;
	[tilespmem:$0x10E80] =	vst v63  }
0x142: {  	_ =	swait.ge [sflag:s17], $0x1F40  }
0x143: {  	[sflag:s17] =	ssyncset.done $0x0  }
0x144: {  	s0 =	simm.s32 $0xAD00;
	[sflag:s17] =	ssyncadd.s32 $0xFFFFE0C0  }
0x145: {  	[tilespmem:s14], [sflag:$0x1] =	stream.indirect.gather [hbm4b:s4+s12], $0x40, s0, s12, $0xb8;
	[tilespmem:$0x10E80] =	vst v63  }
0x146: {  	_ =	swait.ge [sflag:s19], $0x1F40  }
0x147: {  	[sflag:s19] =	ssyncset.done $0x0  }
0x148: {  	s0 =	simm.s32 $0xBC80;
	[sflag:s19] =	ssyncadd.s32 $0xFFFFE0C0  }
0x149: {  	[spmem:s2] =	stream.indirect.scatter.add.f32 [tilespmem:s16], [sflag:$0x5], $0x40, s0, s12, $0xb8;
	[tilespmem:$0x10E80] =	vst v63  }
0x14a: {  	_ =	swait.ge [sflag:s17], $0x1F40  }
0x14b: {  	[sflag:s17] =	ssyncset.done $0x0  }
0x14c: {  	s0 =	simm.s32 $0xAD80;
	[sflag:s17] =	ssyncadd.s32 $0xFFFFE0C0  }
0x14d: {  	[tilespmem:s16], [sflag:$0x2] =	stream.indirect.gather [hbm4b:s4+s12], $0x40, s0, s12, $0xb8;
	[tilespmem:$0x10E80] =	vst v63  }
0x14e: {  	_ =	swait.ge [sflag:s10], $0x1F40  }
0x14f: {  	[sflag:s10] =	ssyncset.done $0x0  }
0x150: {  	s0 =	simm.s32 $0xBD00;
	[sflag:s10] =	ssyncadd.s32 $0xFFFFE0C0  }
0x151: {  	[spmem:s2] =	stream.indirect.scatter.add.f32 [tilespmem:s14], [sflag:$0x5], $0x40, s0, s12, $0xb8;
	[tilespmem:$0x10E80] =	vst v63  }
0x152: {  	_ =	swait.ge [sflag:s17], $0x1F40  }
0x153: {  	[sflag:s17] =	ssyncset.done $0x0  }
0x154: {  	s0 =	simm.s32 $0xAE00;
	[sflag:s17] =	ssyncadd.s32 $0xFFFFE0C0  }
0x155: {  	[tilespmem:s14], [sflag:$0x1] =	stream.indirect.gather [hbm4b:s4+s12], $0x40, s0, s12, $0xb8;
	[tilespmem:$0x10E80] =	vst v63  }
0x156: {  	_ =	swait.ge [sflag:s19], $0x1F40  }
0x157: {  	[sflag:s19] =	ssyncset.done $0x0  }
0x158: {  	s0 =	simm.s32 $0xBD80;
	[sflag:s19] =	ssyncadd.s32 $0xFFFFE0C0  }
0x159: {  	[spmem:s2] =	stream.indirect.scatter.add.f32 [tilespmem:s16], [sflag:$0x5], $0x40, s0, s12, $0xb8;
	[tilespmem:$0x10E80] =	vst v63  }
0x15a: {  	_ =	swait.ge [sflag:s17], $0x1F40  }
0x15b: {  	[sflag:s17] =	ssyncset.done $0x0  }
0x15c: {  	s0 =	simm.s32 $0xAE80;
	[sflag:s17] =	ssyncadd.s32 $0xFFFFE0C0  }
0x15d: {  	[tilespmem:s16], [sflag:$0x2] =	stream.indirect.gather [hbm4b:s4+s12], $0x40, s0, s12, $0xb8;
	[tilespmem:$0x10E80] =	vst v63  }
0x15e: {  	_ =	swait.ge [sflag:s10], $0x1F40  }
0x15f: {  	[sflag:s10] =	ssyncset.done $0x0  }
0x160: {  	s0 =	simm.s32 $0xBE00;
	[sflag:s10] =	ssyncadd.s32 $0xFFFFE0C0  }
0x161: {  	[spmem:s2] =	stream.indirect.scatter.add.f32 [tilespmem:s14], [sflag:$0x5], $0x40, s0, s12, $0xb8;
	[tilespmem:$0x10E80] =	vst v63  }
0x162: {  	_ =	swait.ge [sflag:s17], $0x1F40  }
0x163: {  	[sflag:s17] =	ssyncset.done $0x0  }
0x164: {  	s0 =	simm.s32 $0xAF00;
	[sflag:s17] =	ssyncadd.s32 $0xFFFFE0C0  }
0x165: {  	[tilespmem:s14], [sflag:$0x1] =	stream.indirect.gather [hbm4b:s4+s12], $0x40, s0, s12, $0xb8;
	[tilespmem:$0x10E80] =	vst v63  }
0x166: {  	_ =	swait.ge [sflag:s19], $0x1F40  }
0x167: {  	[sflag:s19] =	ssyncset.done $0x0  }
0x168: {  	s0 =	simm.s32 $0xBE80;
	[sflag:s19] =	ssyncadd.s32 $0xFFFFE0C0  }
0x169: {  	[spmem:s2] =	stream.indirect.scatter.add.f32 [tilespmem:s16], [sflag:$0x5], $0x40, s0, s12, $0xb8;
	[tilespmem:$0x10E80] =	vst v63  }
0x16a: {  	_ =	swait.ge [sflag:s17], $0x1F40  }
0x16b: {  	[sflag:s17] =	ssyncset.done $0x0  }
0x16c: {  	s0 =	simm.s32 $0xAF80;
	[sflag:s17] =	ssyncadd.s32 $0xFFFFE0C0  }
0x16d: {  	[tilespmem:s16], [sflag:$0x2] =	stream.indirect.gather [hbm4b:s4+s12], $0x40, s0, s12, $0xb8;
	[tilespmem:$0x10E80] =	vst v63  }
0x16e: {  	_ =	swait.ge [sflag:s10], $0x1F40  }
0x16f: {  	[sflag:s10] =	ssyncset.done $0x0  }
0x170: {  	s0 =	simm.s32 $0xBF00;
	[sflag:s10] =	ssyncadd.s32 $0xFFFFE0C0  }
0x171: {  	[spmem:s2] =	stream.indirect.scatter.add.f32 [tilespmem:s14], [sflag:$0x5], $0x40, s0, s12, $0xb8;
	[tilespmem:$0x10E80] =	vst v63  }
0x172: {  	_ =	swait.ge [sflag:s17], $0x1F40  }
0x173: {  	[sflag:s17] =	ssyncset.done $0x0  }
0x174: {  	[sflag:s17] =	ssyncadd.s32 $0xFFFFE0C0  }
0x175: {  	_ =	swait.ge [sflag:s19], $0x1F40  }
0x176: {  	[sflag:s19] =	ssyncset.done $0x0  }
0x177: {  	s0 =	simm.s32 $0xBF80;
	[sflag:s19] =	ssyncadd.s32 $0xFFFFE0C0  }
0x178: {  	[spmem:s2] =	stream.indirect.scatter.add.f32 [tilespmem:s16], [sflag:$0x5], $0x40, s0, s12, $0xb8;
	[tilespmem:$0x10E80] =	vst v63  }
0x179: {  	_ =	swait.ge [sflag:s17], $0x1F40  }
0x17a: {  	[sflag:s17] =	ssyncset.done $0x0  }
0x17b: {  	[sflag:s17] =	ssyncadd.s32 $0xFFFFE0C0  }
0x17c: {  	_ =	swait.ge [sflag:s26], $0x800  }
0x17d: {  	[sflag:s26] =	ssyncset.done $0x0  }
0x17e: {  	[sflag:s26] =	ssyncadd.s32 $0xFFFFF800  }
0x17f: {  	_ =	swait.ge [sflag:s26], $0x800  }
0x180: {  	[sflag:s26] =	ssyncset.done $0x0  }
0x181: {  	s15 =	simm.s32 $0xA000;
	[sflag:s26] =	ssyncadd.s32 $0xFFFFF800  }
0x182: {  	[tilespmem:s14], [sflag:$0x1] =	stream.indirect.gather [hbm4b:s4+s12], $0x40, s15, s12, $0xb8;
	[tilespmem:$0x10E80] =	vst v63  }
0x183: {  	s0 =	rddreg [dreg:$0xb]  }
0x184: {  	[tilespmem:s28], [sflag:$0x3] =	stream.linear.gather [hbm4b:s0+s3], $0x800, $0x38;
	[tilespmem:$0x10E80] =	vst v63  }
0x185: {  	s0 =	rddreg [dreg:$0xc]  }
0x186: {  	[tilespmem:s30], [sflag:$0x3] =	stream.linear.gather [hbm4b:s0+s3], $0x800, $0x38;
	[tilespmem:$0x10E80] =	vst v63  }
0x187: {  	s15 =	simm.s32 $0xA080  }
0x188: {  	[tilespmem:s16], [sflag:$0x2] =	stream.indirect.gather [hbm4b:s4+s12], $0x40, s15, s12, $0xb8;
	[tilespmem:$0x10E80] =	vst v63  }
0x189: {  	_ =	swait.ge [sflag:s10], $0x1F40  }
0x18a: {  	[sflag:s10] =	ssyncset.done $0x0  }
0x18b: {  	s0 =	simm.s32 $0xB000;
	[sflag:s10] =	ssyncadd.s32 $0xFFFFE0C0  }
0x18c: {  	[spmem:s2] =	stream.indirect.scatter.add.f32 [tilespmem:s14], [sflag:$0x5], $0x40, s0, s12, $0xb8;
	[tilespmem:$0x10E80] =	vst v63  }
0x18d: {  	_ =	swait.ge [sflag:s17], $0x1F40  }
0x18e: {  	[sflag:s17] =	ssyncset.done $0x0  }
0x18f: {  	s15 =	simm.s32 $0xA100;
	[sflag:s17] =	ssyncadd.s32 $0xFFFFE0C0  }
0x190: {  	[tilespmem:s14], [sflag:$0x1] =	stream.indirect.gather [hbm4b:s4+s12], $0x40, s15, s12, $0xb8;
	[tilespmem:$0x10E80] =	vst v63  }
0x191: {  	_ =	swait.ge [sflag:s19], $0x1F40  }
0x192: {  	[sflag:s19] =	ssyncset.done $0x0  }
0x193: {  	s15 =	simm.s32 $0xB080;
	[sflag:s19] =	ssyncadd.s32 $0xFFFFE0C0  }
0x194: {  	[spmem:s2] =	stream.indirect.scatter.add.f32 [tilespmem:s16], [sflag:$0x5], $0x40, s15, s12, $0xb8;
	[tilespmem:$0x10E80] =	vst v63  }
0x195: {  	_ =	swait.ge [sflag:s17], $0x1F40  }
0x196: {  	[sflag:s17] =	ssyncset.done $0x0  }
0x197: {  	s15 =	simm.s32 $0xA180;
	[sflag:s17] =	ssyncadd.s32 $0xFFFFE0C0  }
0x198: {  	[tilespmem:s16], [sflag:$0x2] =	stream.indirect.gather [hbm4b:s4+s12], $0x40, s15, s12, $0xb8;
	[tilespmem:$0x10E80] =	vst v63  }
0x199: {  	_ =	swait.ge [sflag:s10], $0x1F40  }
0x19a: {  	[sflag:s10] =	ssyncset.done $0x0  }
0x19b: {  	s15 =	simm.s32 $0xB100;
	[sflag:s10] =	ssyncadd.s32 $0xFFFFE0C0  }
0x19c: {  	[spmem:s2] =	stream.indirect.scatter.add.f32 [tilespmem:s14], [sflag:$0x5], $0x40, s15, s12, $0xb8;
	[tilespmem:$0x10E80] =	vst v63  }
0x19d: {  	_ =	swait.ge [sflag:s17], $0x1F40  }
0x19e: {  	[sflag:s17] =	ssyncset.done $0x0  }
0x19f: {  	s15 =	simm.s32 $0xA200;
	[sflag:s17] =	ssyncadd.s32 $0xFFFFE0C0  }
0x1a0: {  	[tilespmem:s14], [sflag:$0x1] =	stream.indirect.gather [hbm4b:s4+s12], $0x40, s15, s12, $0xb8;
	[tilespmem:$0x10E80] =	vst v63  }
0x1a1: {  	_ =	swait.ge [sflag:s19], $0x1F40  }
0x1a2: {  	[sflag:s19] =	ssyncset.done $0x0  }
0x1a3: {  	s15 =	simm.s32 $0xB180;
	[sflag:s19] =	ssyncadd.s32 $0xFFFFE0C0  }
0x1a4: {  	[spmem:s2] =	stream.indirect.scatter.add.f32 [tilespmem:s16], [sflag:$0x5], $0x40, s15, s12, $0xb8;
	[tilespmem:$0x10E80] =	vst v63  }
0x1a5: {  	_ =	swait.ge [sflag:s17], $0x1F40  }
0x1a6: {  	[sflag:s17] =	ssyncset.done $0x0  }
0x1a7: {  	s15 =	simm.s32 $0xA280;
	[sflag:s17] =	ssyncadd.s32 $0xFFFFE0C0  }
0x1a8: {  	[tilespmem:s16], [sflag:$0x2] =	stream.indirect.gather [hbm4b:s4+s12], $0x40, s15, s12, $0xb8;
	[tilespmem:$0x10E80] =	vst v63  }
0x1a9: {  	_ =	swait.ge [sflag:s10], $0x1F40  }
0x1aa: {  	[sflag:s10] =	ssyncset.done $0x0  }
0x1ab: {  	s15 =	simm.s32 $0xB200;
	[sflag:s10] =	ssyncadd.s32 $0xFFFFE0C0  }
0x1ac: {  	[spmem:s2] =	stream.indirect.scatter.add.f32 [tilespmem:s14], [sflag:$0x5], $0x40, s15, s12, $0xb8;
	[tilespmem:$0x10E80] =	vst v63  }
0x1ad: {  	_ =	swait.ge [sflag:s17], $0x1F40  }
0x1ae: {  	[sflag:s17] =	ssyncset.done $0x0  }
0x1af: {  	s15 =	simm.s32 $0xA300;
	[sflag:s17] =	ssyncadd.s32 $0xFFFFE0C0  }
0x1b0: {  	[tilespmem:s14], [sflag:$0x1] =	stream.indirect.gather [hbm4b:s4+s12], $0x40, s15, s12, $0xb8;
	[tilespmem:$0x10E80] =	vst v63  }
0x1b1: {  	_ =	swait.ge [sflag:s19], $0x1F40  }
0x1b2: {  	[sflag:s19] =	ssyncset.done $0x0  }
0x1b3: {  	s15 =	simm.s32 $0xB280;
	[sflag:s19] =	ssyncadd.s32 $0xFFFFE0C0  }
0x1b4: {  	[spmem:s2] =	stream.indirect.scatter.add.f32 [tilespmem:s16], [sflag:$0x5], $0x40, s15, s12, $0xb8;
	[tilespmem:$0x10E80] =	vst v63  }
0x1b5: {  	_ =	swait.ge [sflag:s17], $0x1F40  }
0x1b6: {  	[sflag:s17] =	ssyncset.done $0x0  }
0x1b7: {  	s15 =	simm.s32 $0xA380;
	[sflag:s17] =	ssyncadd.s32 $0xFFFFE0C0  }
0x1b8: {  	[tilespmem:s16], [sflag:$0x2] =	stream.indirect.gather [hbm4b:s4+s12], $0x40, s15, s12, $0xb8;
	[tilespmem:$0x10E80] =	vst v63  }
0x1b9: {  	_ =	swait.ge [sflag:s10], $0x1F40  }
0x1ba: {  	[sflag:s10] =	ssyncset.done $0x0  }
0x1bb: {  	s15 =	simm.s32 $0xB300;
	[sflag:s10] =	ssyncadd.s32 $0xFFFFE0C0  }
0x1bc: {  	[spmem:s2] =	stream.indirect.scatter.add.f32 [tilespmem:s14], [sflag:$0x5], $0x40, s15, s12, $0xb8;
	[tilespmem:$0x10E80] =	vst v63  }
0x1bd: {  	_ =	swait.ge [sflag:s17], $0x1F40  }
0x1be: {  	[sflag:s17] =	ssyncset.done $0x0  }
0x1bf: {  	s15 =	simm.s32 $0xA400;
	[sflag:s17] =	ssyncadd.s32 $0xFFFFE0C0  }
0x1c0: {  	[tilespmem:s14], [sflag:$0x1] =	stream.indirect.gather [hbm4b:s4+s12], $0x40, s15, s12, $0xb8;
	[tilespmem:$0x10E80] =	vst v63  }
0x1c1: {  	_ =	swait.ge [sflag:s19], $0x1F40  }
0x1c2: {  	[sflag:s19] =	ssyncset.done $0x0  }
0x1c3: {  	s15 =	simm.s32 $0xB380;
	[sflag:s19] =	ssyncadd.s32 $0xFFFFE0C0  }
0x1c4: {  	[spmem:s2] =	stream.indirect.scatter.add.f32 [tilespmem:s16], [sflag:$0x5], $0x40, s15, s12, $0xb8;
	[tilespmem:$0x10E80] =	vst v63  }
0x1c5: {  	_ =	swait.ge [sflag:s17], $0x1F40  }
0x1c6: {  	[sflag:s17] =	ssyncset.done $0x0  }
0x1c7: {  	s15 =	simm.s32 $0xA480;
	[sflag:s17] =	ssyncadd.s32 $0xFFFFE0C0  }
0x1c8: {  	[tilespmem:s16], [sflag:$0x2] =	stream.indirect.gather [hbm4b:s4+s12], $0x40, s15, s12, $0xb8;
	[tilespmem:$0x10E80] =	vst v63  }
0x1c9: {  	_ =	swait.ge [sflag:s10], $0x1F40  }
0x1ca: {  	[sflag:s10] =	ssyncset.done $0x0  }
0x1cb: {  	s15 =	simm.s32 $0xB400;
	[sflag:s10] =	ssyncadd.s32 $0xFFFFE0C0  }
0x1cc: {  	[spmem:s2] =	stream.indirect.scatter.add.f32 [tilespmem:s14], [sflag:$0x5], $0x40, s15, s12, $0xb8;
	[tilespmem:$0x10E80] =	vst v63  }
0x1cd: {  	_ =	swait.ge [sflag:s17], $0x1F40  }
0x1ce: {  	[sflag:s17] =	ssyncset.done $0x0  }
0x1cf: {  	s15 =	simm.s32 $0xA500;
	[sflag:s17] =	ssyncadd.s32 $0xFFFFE0C0  }
0x1d0: {  	[tilespmem:s14], [sflag:$0x1] =	stream.indirect.gather [hbm4b:s4+s12], $0x40, s15, s12, $0xb8;
	[tilespmem:$0x10E80] =	vst v63  }
0x1d1: {  	_ =	swait.ge [sflag:s19], $0x1F40  }
0x1d2: {  	[sflag:s19] =	ssyncset.done $0x0  }
0x1d3: {  	s15 =	simm.s32 $0xB480;
	[sflag:s19] =	ssyncadd.s32 $0xFFFFE0C0  }
0x1d4: {  	[spmem:s2] =	stream.indirect.scatter.add.f32 [tilespmem:s16], [sflag:$0x5], $0x40, s15, s12, $0xb8;
	[tilespmem:$0x10E80] =	vst v63  }
0x1d5: {  	_ =	swait.ge [sflag:s17], $0x1F40  }
0x1d6: {  	[sflag:s17] =	ssyncset.done $0x0  }
0x1d7: {  	s15 =	simm.s32 $0xA580;
	[sflag:s17] =	ssyncadd.s32 $0xFFFFE0C0  }
0x1d8: {  	[tilespmem:s16], [sflag:$0x2] =	stream.indirect.gather [hbm4b:s4+s12], $0x40, s15, s12, $0xb8;
	[tilespmem:$0x10E80] =	vst v63  }
0x1d9: {  	_ =	swait.ge [sflag:s10], $0x1F40  }
0x1da: {  	[sflag:s10] =	ssyncset.done $0x0  }
0x1db: {  	s15 =	simm.s32 $0xB500;
	[sflag:s10] =	ssyncadd.s32 $0xFFFFE0C0  }
0x1dc: {  	[spmem:s2] =	stream.indirect.scatter.add.f32 [tilespmem:s14], [sflag:$0x5], $0x40, s15, s12, $0xb8;
	[tilespmem:$0x10E80] =	vst v63  }
0x1dd: {  	_ =	swait.ge [sflag:s17], $0x1F40  }
0x1de: {  	[sflag:s17] =	ssyncset.done $0x0  }
0x1df: {  	s15 =	simm.s32 $0xA600;
	[sflag:s17] =	ssyncadd.s32 $0xFFFFE0C0  }
0x1e0: {  	[tilespmem:s14], [sflag:$0x1] =	stream.indirect.gather [hbm4b:s4+s12], $0x40, s15, s12, $0xb8;
	[tilespmem:$0x10E80] =	vst v63  }
0x1e1: {  	_ =	swait.ge [sflag:s19], $0x1F40  }
0x1e2: {  	[sflag:s19] =	ssyncset.done $0x0  }
0x1e3: {  	s15 =	simm.s32 $0xB580;
	[sflag:s19] =	ssyncadd.s32 $0xFFFFE0C0  }
0x1e4: {  	[spmem:s2] =	stream.indirect.scatter.add.f32 [tilespmem:s16], [sflag:$0x5], $0x40, s15, s12, $0xb8;
	[tilespmem:$0x10E80] =	vst v63  }
0x1e5: {  	_ =	swait.ge [sflag:s17], $0x1F40  }
0x1e6: {  	[sflag:s17] =	ssyncset.done $0x0  }
0x1e7: {  	s15 =	simm.s32 $0xA680;
	[sflag:s17] =	ssyncadd.s32 $0xFFFFE0C0  }
0x1e8: {  	[tilespmem:s16], [sflag:$0x2] =	stream.indirect.gather [hbm4b:s4+s12], $0x40, s15, s12, $0xb8;
	[tilespmem:$0x10E80] =	vst v63  }
0x1e9: {  	_ =	swait.ge [sflag:s10], $0x1F40  }
0x1ea: {  	[sflag:s10] =	ssyncset.done $0x0  }
0x1eb: {  	s15 =	simm.s32 $0xB600;
	[sflag:s10] =	ssyncadd.s32 $0xFFFFE0C0  }
0x1ec: {  	[spmem:s2] =	stream.indirect.scatter.add.f32 [tilespmem:s14], [sflag:$0x5], $0x40, s15, s12, $0xb8;
	[tilespmem:$0x10E80] =	vst v63  }
0x1ed: {  	_ =	swait.ge [sflag:s17], $0x1F40  }
0x1ee: {  	[sflag:s17] =	ssyncset.done $0x0  }
0x1ef: {  	s15 =	simm.s32 $0xA700;
	[sflag:s17] =	ssyncadd.s32 $0xFFFFE0C0  }
0x1f0: {  	[tilespmem:s14], [sflag:$0x1] =	stream.indirect.gather [hbm4b:s4+s12], $0x40, s15, s12, $0xb8;
	[tilespmem:$0x10E80] =	vst v63  }
0x1f1: {  	_ =	swait.ge [sflag:s19], $0x1F40  }
0x1f2: {  	[sflag:s19] =	ssyncset.done $0x0  }
0x1f3: {  	s15 =	simm.s32 $0xB680;
	[sflag:s19] =	ssyncadd.s32 $0xFFFFE0C0  }
0x1f4: {  	[spmem:s2] =	stream.indirect.scatter.add.f32 [tilespmem:s16], [sflag:$0x5], $0x40, s15, s12, $0xb8;
	[tilespmem:$0x10E80] =	vst v63  }
0x1f5: {  	_ =	swait.ge [sflag:s17], $0x1F40  }
0x1f6: {  	[sflag:s17] =	ssyncset.done $0x0  }
0x1f7: {  	s15 =	simm.s32 $0xA780;
	[sflag:s17] =	ssyncadd.s32 $0xFFFFE0C0  }
0x1f8: {  	[tilespmem:s16], [sflag:$0x2] =	stream.indirect.gather [hbm4b:s4+s12], $0x40, s15, s12, $0xb8;
	[tilespmem:$0x10E80] =	vst v63  }
0x1f9: {  	_ =	swait.ge [sflag:s10], $0x1F40  }
0x1fa: {  	[sflag:s10] =	ssyncset.done $0x0  }
0x1fb: {  	s15 =	simm.s32 $0xB700;
	[sflag:s10] =	ssyncadd.s32 $0xFFFFE0C0  }
0x1fc: {  	[spmem:s2] =	stream.indirect.scatter.add.f32 [tilespmem:s14], [sflag:$0x5], $0x40, s15, s12, $0xb8;
	[tilespmem:$0x10E80] =	vst v63  }
0x1fd: {  	_ =	swait.ge [sflag:s17], $0x1F40  }
0x1fe: {  	[sflag:s17] =	ssyncset.done $0x0  }
0x1ff: {  	[sflag:s17] =	ssyncadd.s32 $0xFFFFE0C0  }
0x200: {  	_ =	swait.ge [sflag:s19], $0x1F40  }
0x201: {  	[sflag:s19] =	ssyncset.done $0x0  }
0x202: {  	s15 =	simm.s32 $0xB780;
	[sflag:s19] =	ssyncadd.s32 $0xFFFFE0C0  }
0x203: {  	[spmem:s2] =	stream.indirect.scatter.add.f32 [tilespmem:s16], [sflag:$0x5], $0x40, s15, s12, $0xb8;
	[tilespmem:$0x10E80] =	vst v63  }
0x204: {  	_ =	swait.ge [sflag:s17], $0x1F40  }
0x205: {  	[sflag:s17] =	ssyncset.done $0x0  }
0x206: {  	[sflag:s17] =	ssyncadd.s32 $0xFFFFE0C0  }
0x207: {  	_ =	swait.ge [sflag:s26], $0x800  }
0x208: {  	[sflag:s26] =	ssyncset.done $0x0  }
0x209: {  	[sflag:s26] =	ssyncadd.s32 $0xFFFFF800  }
0x20a: {  	_ =	swait.ge [sflag:s26], $0x800  }
0x20b: {  	[sflag:s26] =	ssyncset.done $0x0  }
0x20c: {  	[sflag:s26] =	ssyncadd.s32 $0xFFFFF800  }
0x20d: {  	[tilespmem:s14], [sflag:$0x1] =	stream.indirect.gather [hbm4b:s4+s12], $0x40, s28, s12, $0xb8;
	[tilespmem:$0x10E80] =	vst v63  }
0x20e: {  	s30 =	simm.s32 $0xA000;
	s0 =	rddreg [dreg:$0xd]  }
0x20f: {  	[tilespmem:s30], [sflag:$0x3] =	stream.linear.gather [hbm4b:s0+s3], $0x800, $0x38;
	[tilespmem:$0x10E80] =	vst v63  }
0x210: {  	s15 =	rddreg [dreg:$0xe];
	s0 =	simm.s32 $0xB000  }
0x211: {  	[tilespmem:s0], [sflag:$0x3] =	stream.linear.gather [hbm4b:s15+s3], $0x800, $0x38;
	[tilespmem:$0x10E80] =	vst v63  }
0x212: {  	s15 =	simm.s32 $0xA880  }
0x213: {  	[tilespmem:s16], [sflag:$0x2] =	stream.indirect.gather [hbm4b:s4+s12], $0x40, s15, s12, $0xb8;
	[tilespmem:$0x10E80] =	vst v63  }
0x214: {  	_ =	swait.ge [sflag:s10], $0x1F40  }
0x215: {  	[sflag:s10] =	ssyncset.done $0x0  }
0x216: {  	s28 =	simm.s32 $0xB800;
	[sflag:s10] =	ssyncadd.s32 $0xFFFFE0C0  }
0x217: {  	[spmem:s2] =	stream.indirect.scatter.add.f32 [tilespmem:s14], [sflag:$0x5], $0x40, s28, s12, $0xb8;
	[tilespmem:$0x10E80] =	vst v63  }
0x218: {  	_ =	swait.ge [sflag:s17], $0x1F40  }
0x219: {  	[sflag:s17] =	ssyncset.done $0x0  }
0x21a: {  	[sflag:s17] =	ssyncadd.s32 $0xFFFFE0C0  }
0x21b: {  	[tilespmem:s14], [sflag:$0x1] =	stream.indirect.gather [hbm4b:s4+s12], $0x40, s1, s12, $0xb8;
	[tilespmem:$0x10E80] =	vst v63  }
0x21c: {  	_ =	swait.ge [sflag:s19], $0x1F40  }
0x21d: {  	[sflag:s19] =	ssyncset.done $0x0  }
0x21e: {  	[sflag:s19] =	ssyncadd.s32 $0xFFFFE0C0  }
0x21f: {  	[spmem:s2] =	stream.indirect.scatter.add.f32 [tilespmem:s16], [sflag:$0x5], $0x40, s5, s12, $0xb8;
	[tilespmem:$0x10E80] =	vst v63  }
0x220: {  	_ =	swait.ge [sflag:s17], $0x1F40  }
0x221: {  	[sflag:s17] =	ssyncset.done $0x0  }
0x222: {  	[sflag:s17] =	ssyncadd.s32 $0xFFFFE0C0  }
0x223: {  	[tilespmem:s16], [sflag:$0x2] =	stream.indirect.gather [hbm4b:s4+s12], $0x40, s6, s12, $0xb8;
	[tilespmem:$0x10E80] =	vst v63  }
0x224: {  	_ =	swait.ge [sflag:s10], $0x1F40  }
0x225: {  	[sflag:s10] =	ssyncset.done $0x0  }
0x226: {  	[sflag:s10] =	ssyncadd.s32 $0xFFFFE0C0  }
0x227: {  	[spmem:s2] =	stream.indirect.scatter.add.f32 [tilespmem:s14], [sflag:$0x5], $0x40, s8, s12, $0xb8;
	[tilespmem:$0x10E80] =	vst v63  }
0x228: {  	_ =	swait.ge [sflag:s17], $0x1F40  }
0x229: {  	[sflag:s17] =	ssyncset.done $0x0  }
0x22a: {  	[sflag:s17] =	ssyncadd.s32 $0xFFFFE0C0  }
0x22b: {  	[tilespmem:s14], [sflag:$0x1] =	stream.indirect.gather [hbm4b:s4+s12], $0x40, s11, s12, $0xb8;
	[tilespmem:$0x10E80] =	vst v63  }
0x22c: {  	_ =	swait.ge [sflag:s19], $0x1F40  }
0x22d: {  	[sflag:s19] =	ssyncset.done $0x0  }
0x22e: {  	[sflag:s19] =	ssyncadd.s32 $0xFFFFE0C0  }
0x22f: {  	[spmem:s2] =	stream.indirect.scatter.add.f32 [tilespmem:s16], [sflag:$0x5], $0x40, s13, s12, $0xb8;
	[tilespmem:$0x10E80] =	vst v63  }
0x230: {  	_ =	swait.ge [sflag:s17], $0x1F40  }
0x231: {  	[sflag:s17] =	ssyncset.done $0x0  }
0x232: {  	[sflag:s17] =	ssyncadd.s32 $0xFFFFE0C0  }
0x233: {  	[tilespmem:s16], [sflag:$0x2] =	stream.indirect.gather [hbm4b:s4+s12], $0x40, s18, s12, $0xb8;
	[tilespmem:$0x10E80] =	vst v63  }
0x234: {  	_ =	swait.ge [sflag:s10], $0x1F40  }
0x235: {  	[sflag:s10] =	ssyncset.done $0x0  }
0x236: {  	[sflag:s10] =	ssyncadd.s32 $0xFFFFE0C0  }
0x237: {  	[spmem:s2] =	stream.indirect.scatter.add.f32 [tilespmem:s14], [sflag:$0x5], $0x40, s20, s12, $0xb8;
	[tilespmem:$0x10E80] =	vst v63  }
0x238: {  	_ =	swait.ge [sflag:s17], $0x1F40  }
0x239: {  	[sflag:s17] =	ssyncset.done $0x0  }
0x23a: {  	[sflag:s17] =	ssyncadd.s32 $0xFFFFE0C0  }
0x23b: {  	[tilespmem:s14], [sflag:$0x1] =	stream.indirect.gather [hbm4b:s4+s12], $0x40, s21, s12, $0xb8;
	[tilespmem:$0x10E80] =	vst v63  }
0x23c: {  	_ =	swait.ge [sflag:s19], $0x1F40  }
0x23d: {  	[sflag:s19] =	ssyncset.done $0x0  }
0x23e: {  	[sflag:s19] =	ssyncadd.s32 $0xFFFFE0C0  }
0x23f: {  	[spmem:s2] =	stream.indirect.scatter.add.f32 [tilespmem:s16], [sflag:$0x5], $0x40, s22, s12, $0xb8;
	[tilespmem:$0x10E80] =	vst v63  }
0x240: {  	_ =	swait.ge [sflag:s17], $0x1F40  }
0x241: {  	[sflag:s17] =	ssyncset.done $0x0  }
0x242: {  	[sflag:s17] =	ssyncadd.s32 $0xFFFFE0C0  }
0x243: {  	[tilespmem:s16], [sflag:$0x2] =	stream.indirect.gather [hbm4b:s4+s12], $0x40, s23, s12, $0xb8;
	[tilespmem:$0x10E80] =	vst v63  }
0x244: {  	_ =	swait.ge [sflag:s10], $0x1F40  }
0x245: {  	[sflag:s10] =	ssyncset.done $0x0  }
0x246: {  	[sflag:s10] =	ssyncadd.s32 $0xFFFFE0C0  }
0x247: {  	[spmem:s2] =	stream.indirect.scatter.add.f32 [tilespmem:s14], [sflag:$0x5], $0x40, s24, s12, $0xb8;
	[tilespmem:$0x10E80] =	vst v63  }
0x248: {  	_ =	swait.ge [sflag:s17], $0x1F40  }
0x249: {  	[sflag:s17] =	ssyncset.done $0x0  }
0x24a: {  	[sflag:s17] =	ssyncadd.s32 $0xFFFFE0C0  }
0x24b: {  	[tilespmem:s14], [sflag:$0x1] =	stream.indirect.gather [hbm4b:s4+s12], $0x40, s25, s12, $0xb8;
	[tilespmem:$0x10E80] =	vst v63  }
0x24c: {  	_ =	swait.ge [sflag:s19], $0x1F40  }
0x24d: {  	[sflag:s19] =	ssyncset.done $0x0  }
0x24e: {  	[sflag:s19] =	ssyncadd.s32 $0xFFFFE0C0  }
0x24f: {  	[spmem:s2] =	stream.indirect.scatter.add.f32 [tilespmem:s16], [sflag:$0x5], $0x40, s31, s12, $0xb8;
	[tilespmem:$0x10E80] =	vst v63  }
0x250: {  	_ =	swait.ge [sflag:s17], $0x1F40  }
0x251: {  	[sflag:s17] =	ssyncset.done $0x0  }
0x252: {  	s15 =	simm.s32 $0xAC80;
	[sflag:s17] =	ssyncadd.s32 $0xFFFFE0C0  }
0x253: {  	[tilespmem:s16], [sflag:$0x2] =	stream.indirect.gather [hbm4b:s4+s12], $0x40, s15, s12, $0xb8;
	[tilespmem:$0x10E80] =	vst v63  }
0x254: {  	_ =	swait.ge [sflag:s10], $0x1F40  }
0x255: {  	[sflag:s10] =	ssyncset.done $0x0  }
0x256: {  	s18 =	simm.s32 $0xBC00;
	[sflag:s10] =	ssyncadd.s32 $0xFFFFE0C0  }
0x257: {  	[spmem:s2] =	stream.indirect.scatter.add.f32 [tilespmem:s14], [sflag:$0x5], $0x40, s18, s12, $0xb8;
	[tilespmem:$0x10E80] =	vst v63  }
0x258: {  	_ =	swait.ge [sflag:s17], $0x1F40  }
0x259: {  	[sflag:s17] =	ssyncset.done $0x0  }
0x25a: {  	s31 =	simm.s32 $0xAD00;
	[sflag:s17] =	ssyncadd.s32 $0xFFFFE0C0  }
0x25b: {  	[tilespmem:s14], [sflag:$0x1] =	stream.indirect.gather [hbm4b:s4+s12], $0x40, s31, s12, $0xb8;
	[tilespmem:$0x10E80] =	vst v63  }
0x25c: {  	_ =	swait.ge [sflag:s19], $0x1F40  }
0x25d: {  	[sflag:s19] =	ssyncset.done $0x0  }
0x25e: {  	s1 =	simm.s32 $0xBC80;
	[sflag:s19] =	ssyncadd.s32 $0xFFFFE0C0  }
0x25f: {  	[spmem:s2] =	stream.indirect.scatter.add.f32 [tilespmem:s16], [sflag:$0x5], $0x40, s1, s12, $0xb8;
	[tilespmem:$0x10E80] =	vst v63  }
0x260: {  	_ =	swait.ge [sflag:s17], $0x1F40  }
0x261: {  	[sflag:s17] =	ssyncset.done $0x0  }
0x262: {  	s5 =	simm.s32 $0xAD80;
	[sflag:s17] =	ssyncadd.s32 $0xFFFFE0C0  }
0x263: {  	[tilespmem:s16], [sflag:$0x2] =	stream.indirect.gather [hbm4b:s4+s12], $0x40, s5, s12, $0xb8;
	[tilespmem:$0x10E80] =	vst v63  }
0x264: {  	_ =	swait.ge [sflag:s10], $0x1F40  }
0x265: {  	[sflag:s10] =	ssyncset.done $0x0  }
0x266: {  	s15 =	simm.s32 $0xBD00;
	[sflag:s10] =	ssyncadd.s32 $0xFFFFE0C0  }
0x267: {  	[spmem:s2] =	stream.indirect.scatter.add.f32 [tilespmem:s14], [sflag:$0x5], $0x40, s15, s12, $0xb8;
	[tilespmem:$0x10E80] =	vst v63  }
0x268: {  	_ =	swait.ge [sflag:s17], $0x1F40  }
0x269: {  	[sflag:s17] =	ssyncset.done $0x0  }
0x26a: {  	s18 =	simm.s32 $0xAE00;
	[sflag:s17] =	ssyncadd.s32 $0xFFFFE0C0  }
0x26b: {  	[tilespmem:s14], [sflag:$0x1] =	stream.indirect.gather [hbm4b:s4+s12], $0x40, s18, s12, $0xb8;
	[tilespmem:$0x10E80] =	vst v63  }
0x26c: {  	_ =	swait.ge [sflag:s19], $0x1F40  }
0x26d: {  	[sflag:s19] =	ssyncset.done $0x0  }
0x26e: {  	s31 =	simm.s32 $0xBD80;
	[sflag:s19] =	ssyncadd.s32 $0xFFFFE0C0  }
0x26f: {  	[spmem:s2] =	stream.indirect.scatter.add.f32 [tilespmem:s16], [sflag:$0x5], $0x40, s31, s12, $0xb8;
	[tilespmem:$0x10E80] =	vst v63  }
0x270: {  	_ =	swait.ge [sflag:s17], $0x1F40  }
0x271: {  	[sflag:s17] =	ssyncset.done $0x0  }
0x272: {  	s1 =	simm.s32 $0xAE80;
	[sflag:s17] =	ssyncadd.s32 $0xFFFFE0C0  }
0x273: {  	[tilespmem:s16], [sflag:$0x2] =	stream.indirect.gather [hbm4b:s4+s12], $0x40, s1, s12, $0xb8;
	[tilespmem:$0x10E80] =	vst v63  }
0x274: {  	_ =	swait.ge [sflag:s10], $0x1F40  }
0x275: {  	[sflag:s10] =	ssyncset.done $0x0  }
0x276: {  	s5 =	simm.s32 $0xBE00;
	[sflag:s10] =	ssyncadd.s32 $0xFFFFE0C0  }
0x277: {  	[spmem:s2] =	stream.indirect.scatter.add.f32 [tilespmem:s14], [sflag:$0x5], $0x40, s5, s12, $0xb8;
	[tilespmem:$0x10E80] =	vst v63  }
0x278: {  	_ =	swait.ge [sflag:s17], $0x1F40  }
0x279: {  	[sflag:s17] =	ssyncset.done $0x0  }
0x27a: {  	s15 =	simm.s32 $0xAF00;
	[sflag:s17] =	ssyncadd.s32 $0xFFFFE0C0  }
0x27b: {  	[tilespmem:s14], [sflag:$0x1] =	stream.indirect.gather [hbm4b:s4+s12], $0x40, s15, s12, $0xb8;
	[tilespmem:$0x10E80] =	vst v63  }
0x27c: {  	_ =	swait.ge [sflag:s19], $0x1F40  }
0x27d: {  	[sflag:s19] =	ssyncset.done $0x0  }
0x27e: {  	s18 =	simm.s32 $0xBE80;
	[sflag:s19] =	ssyncadd.s32 $0xFFFFE0C0  }
0x27f: {  	[spmem:s2] =	stream.indirect.scatter.add.f32 [tilespmem:s16], [sflag:$0x5], $0x40, s18, s12, $0xb8;
	[tilespmem:$0x10E80] =	vst v63  }
0x280: {  	_ =	swait.ge [sflag:s17], $0x1F40  }
0x281: {  	[sflag:s17] =	ssyncset.done $0x0  }
0x282: {  	s31 =	simm.s32 $0xAF80;
	[sflag:s17] =	ssyncadd.s32 $0xFFFFE0C0  }
0x283: {  	[tilespmem:s16], [sflag:$0x2] =	stream.indirect.gather [hbm4b:s4+s12], $0x40, s31, s12, $0xb8;
	[tilespmem:$0x10E80] =	vst v63  }
0x284: {  	_ =	swait.ge [sflag:s10], $0x1F40  }
0x285: {  	[sflag:s10] =	ssyncset.done $0x0  }
0x286: {  	s1 =	simm.s32 $0xBF00;
	[sflag:s10] =	ssyncadd.s32 $0xFFFFE0C0  }
0x287: {  	[spmem:s2] =	stream.indirect.scatter.add.f32 [tilespmem:s14], [sflag:$0x5], $0x40, s1, s12, $0xb8;
	[tilespmem:$0x10E80] =	vst v63  }
0x288: {  	_ =	swait.ge [sflag:s17], $0x1F40  }
0x289: {  	[sflag:s17] =	ssyncset.done $0x0  }
0x28a: {  	[sflag:s17] =	ssyncadd.s32 $0xFFFFE0C0  }
0x28b: {  	_ =	swait.ge [sflag:s19], $0x1F40  }
0x28c: {  	[sflag:s19] =	ssyncset.done $0x0  }
0x28d: {  	s5 =	simm.s32 $0xBF80;
	[sflag:s19] =	ssyncadd.s32 $0xFFFFE0C0  }
0x28e: {  	[spmem:s2] =	stream.indirect.scatter.add.f32 [tilespmem:s16], [sflag:$0x5], $0x40, s5, s12, $0xb8;
	[tilespmem:$0x10E80] =	vst v63  }
0x28f: {  	_ =	swait.ge [sflag:s17], $0x1F40  }
0x290: {  	[sflag:s17] =	ssyncset.done $0x0  }
0x291: {  	[sflag:s17] =	ssyncadd.s32 $0xFFFFE0C0  }
0x292: {  	_ =	swait.ge [sflag:s26], $0x800  }
0x293: {  	[sflag:s26] =	ssyncset.done $0x0  }
0x294: {  	[sflag:s26] =	ssyncadd.s32 $0xFFFFF800  }
0x295: {  	_ =	swait.ge [sflag:s26], $0x800  }
0x296: {  	[sflag:s26] =	ssyncset.done $0x0  }
0x297: {  	[sflag:s26] =	ssyncadd.s32 $0xFFFFF800  }
0x298: {  	[tilespmem:s14], [sflag:$0x1] =	stream.indirect.gather [hbm4b:s4+s12], $0x40, s30, s12, $0xb8;
	[tilespmem:$0x10E80] =	vst v63  }
0x299: {  	s15 =	simm.s32 $0xA080  }
0x29a: {  	[tilespmem:s16], [sflag:$0x2] =	stream.indirect.gather [hbm4b:s4+s12], $0x40, s15, s12, $0xb8;
	[tilespmem:$0x10E80] =	vst v63  }
0x29b: {  	_ =	swait.ge [sflag:s10], $0x1F40  }
0x29c: {  	[sflag:s10] =	ssyncset.done $0x0  }
0x29d: {  	s18 =	simm.s32 $0xB000;
	[sflag:s10] =	ssyncadd.s32 $0xFFFFE0C0  }
0x29e: {  	[spmem:s2] =	stream.indirect.scatter.add.f32 [tilespmem:s14], [sflag:$0x5], $0x40, s18, s12, $0xb8;
	[tilespmem:$0x10E80] =	vst v63  }
0x29f: {  	_ =	swait.ge [sflag:s17], $0x1F40  }
0x2a0: {  	[sflag:s17] =	ssyncset.done $0x0  }
0x2a1: {  	s31 =	simm.s32 $0xA100;
	[sflag:s17] =	ssyncadd.s32 $0xFFFFE0C0  }
0x2a2: {  	[tilespmem:s14], [sflag:$0x1] =	stream.indirect.gather [hbm4b:s4+s12], $0x40, s31, s12, $0xb8;
	[tilespmem:$0x10E80] =	vst v63  }
0x2a3: {  	_ =	swait.ge [sflag:s19], $0x1F40  }
0x2a4: {  	[sflag:s19] =	ssyncset.done $0x0  }
0x2a5: {  	s1 =	simm.s32 $0xB080;
	[sflag:s19] =	ssyncadd.s32 $0xFFFFE0C0  }
0x2a6: {  	[spmem:s2] =	stream.indirect.scatter.add.f32 [tilespmem:s16], [sflag:$0x5], $0x40, s1, s12, $0xb8;
	[tilespmem:$0x10E80] =	vst v63  }
0x2a7: {  	_ =	swait.ge [sflag:s17], $0x1F40  }
0x2a8: {  	[sflag:s17] =	ssyncset.done $0x0  }
0x2a9: {  	s5 =	simm.s32 $0xA180;
	[sflag:s17] =	ssyncadd.s32 $0xFFFFE0C0  }
0x2aa: {  	[tilespmem:s16], [sflag:$0x2] =	stream.indirect.gather [hbm4b:s4+s12], $0x40, s5, s12, $0xb8;
	[tilespmem:$0x10E80] =	vst v63  }
0x2ab: {  	_ =	swait.ge [sflag:s10], $0x1F40  }
0x2ac: {  	[sflag:s10] =	ssyncset.done $0x0  }
0x2ad: {  	s15 =	simm.s32 $0xB100;
	[sflag:s10] =	ssyncadd.s32 $0xFFFFE0C0  }
0x2ae: {  	[spmem:s2] =	stream.indirect.scatter.add.f32 [tilespmem:s14], [sflag:$0x5], $0x40, s15, s12, $0xb8;
	[tilespmem:$0x10E80] =	vst v63  }
0x2af: {  	_ =	swait.ge [sflag:s17], $0x1F40  }
0x2b0: {  	[sflag:s17] =	ssyncset.done $0x0  }
0x2b1: {  	s18 =	simm.s32 $0xA200;
	[sflag:s17] =	ssyncadd.s32 $0xFFFFE0C0  }
0x2b2: {  	[tilespmem:s14], [sflag:$0x1] =	stream.indirect.gather [hbm4b:s4+s12], $0x40, s18, s12, $0xb8;
	[tilespmem:$0x10E80] =	vst v63  }
0x2b3: {  	_ =	swait.ge [sflag:s19], $0x1F40  }
0x2b4: {  	[sflag:s19] =	ssyncset.done $0x0  }
0x2b5: {  	s31 =	simm.s32 $0xB180;
	[sflag:s19] =	ssyncadd.s32 $0xFFFFE0C0  }
0x2b6: {  	[spmem:s2] =	stream.indirect.scatter.add.f32 [tilespmem:s16], [sflag:$0x5], $0x40, s31, s12, $0xb8;
	[tilespmem:$0x10E80] =	vst v63  }
0x2b7: {  	_ =	swait.ge [sflag:s17], $0x1F40  }
0x2b8: {  	[sflag:s17] =	ssyncset.done $0x0  }
0x2b9: {  	s1 =	simm.s32 $0xA280;
	[sflag:s17] =	ssyncadd.s32 $0xFFFFE0C0  }
0x2ba: {  	[tilespmem:s16], [sflag:$0x2] =	stream.indirect.gather [hbm4b:s4+s12], $0x40, s1, s12, $0xb8;
	[tilespmem:$0x10E80] =	vst v63  }
0x2bb: {  	_ =	swait.ge [sflag:s10], $0x1F40  }
0x2bc: {  	[sflag:s10] =	ssyncset.done $0x0  }
0x2bd: {  	s5 =	simm.s32 $0xB200;
	[sflag:s10] =	ssyncadd.s32 $0xFFFFE0C0  }
0x2be: {  	[spmem:s2] =	stream.indirect.scatter.add.f32 [tilespmem:s14], [sflag:$0x5], $0x40, s5, s12, $0xb8;
	[tilespmem:$0x10E80] =	vst v63  }
0x2bf: {  	_ =	swait.ge [sflag:s17], $0x1F40  }
0x2c0: {  	[sflag:s17] =	ssyncset.done $0x0  }
0x2c1: {  	s15 =	simm.s32 $0xA300;
	[sflag:s17] =	ssyncadd.s32 $0xFFFFE0C0  }
0x2c2: {  	[tilespmem:s14], [sflag:$0x1] =	stream.indirect.gather [hbm4b:s4+s12], $0x40, s15, s12, $0xb8;
	[tilespmem:$0x10E80] =	vst v63  }
0x2c3: {  	_ =	swait.ge [sflag:s19], $0x1F40  }
0x2c4: {  	[sflag:s19] =	ssyncset.done $0x0  }
0x2c5: {  	s18 =	simm.s32 $0xB280;
	[sflag:s19] =	ssyncadd.s32 $0xFFFFE0C0  }
0x2c6: {  	[spmem:s2] =	stream.indirect.scatter.add.f32 [tilespmem:s16], [sflag:$0x5], $0x40, s18, s12, $0xb8;
	[tilespmem:$0x10E80] =	vst v63  }
0x2c7: {  	_ =	swait.ge [sflag:s17], $0x1F40  }
0x2c8: {  	[sflag:s17] =	ssyncset.done $0x0  }
0x2c9: {  	s31 =	simm.s32 $0xA380;
	[sflag:s17] =	ssyncadd.s32 $0xFFFFE0C0  }
0x2ca: {  	[tilespmem:s16], [sflag:$0x2] =	stream.indirect.gather [hbm4b:s4+s12], $0x40, s31, s12, $0xb8;
	[tilespmem:$0x10E80] =	vst v63  }
0x2cb: {  	_ =	swait.ge [sflag:s10], $0x1F40  }
0x2cc: {  	[sflag:s10] =	ssyncset.done $0x0  }
0x2cd: {  	s5 =	simm.s32 $0xB300;
	[sflag:s10] =	ssyncadd.s32 $0xFFFFE0C0  }
0x2ce: {  	[spmem:s2] =	stream.indirect.scatter.add.f32 [tilespmem:s14], [sflag:$0x5], $0x40, s5, s12, $0xb8;
	[tilespmem:$0x10E80] =	vst v63  }
0x2cf: {  	_ =	swait.ge [sflag:s17], $0x1F40  }
0x2d0: {  	[sflag:s17] =	ssyncset.done $0x0  }
0x2d1: {  	s15 =	simm.s32 $0xA400;
	[sflag:s17] =	ssyncadd.s32 $0xFFFFE0C0  }
0x2d2: {  	[tilespmem:s14], [sflag:$0x1] =	stream.indirect.gather [hbm4b:s4+s12], $0x40, s15, s12, $0xb8;
	[tilespmem:$0x10E80] =	vst v63  }
0x2d3: {  	_ =	swait.ge [sflag:s19], $0x1F40  }
0x2d4: {  	[sflag:s19] =	ssyncset.done $0x0  }
0x2d5: {  	s18 =	simm.s32 $0xB380;
	[sflag:s19] =	ssyncadd.s32 $0xFFFFE0C0  }
0x2d6: {  	[spmem:s2] =	stream.indirect.scatter.add.f32 [tilespmem:s16], [sflag:$0x5], $0x40, s18, s12, $0xb8;
	[tilespmem:$0x10E80] =	vst v63  }
0x2d7: {  	_ =	swait.ge [sflag:s17], $0x1F40  }
0x2d8: {  	[sflag:s17] =	ssyncset.done $0x0  }
0x2d9: {  	s31 =	simm.s32 $0xA480;
	[sflag:s17] =	ssyncadd.s32 $0xFFFFE0C0  }
0x2da: {  	[tilespmem:s16], [sflag:$0x2] =	stream.indirect.gather [hbm4b:s4+s12], $0x40, s31, s12, $0xb8;
	[tilespmem:$0x10E80] =	vst v63  }
0x2db: {  	_ =	swait.ge [sflag:s10], $0x1F40  }
0x2dc: {  	[sflag:s10] =	ssyncset.done $0x0  }
0x2dd: {  	s5 =	simm.s32 $0xB400;
	[sflag:s10] =	ssyncadd.s32 $0xFFFFE0C0  }
0x2de: {  	[spmem:s2] =	stream.indirect.scatter.add.f32 [tilespmem:s14], [sflag:$0x5], $0x40, s5, s12, $0xb8;
	[tilespmem:$0x10E80] =	vst v63  }
0x2df: {  	_ =	swait.ge [sflag:s17], $0x1F40  }
0x2e0: {  	[sflag:s17] =	ssyncset.done $0x0  }
0x2e1: {  	s15 =	simm.s32 $0xA500;
	[sflag:s17] =	ssyncadd.s32 $0xFFFFE0C0  }
0x2e2: {  	[tilespmem:s14], [sflag:$0x1] =	stream.indirect.gather [hbm4b:s4+s12], $0x40, s15, s12, $0xb8;
	[tilespmem:$0x10E80] =	vst v63  }
0x2e3: {  	_ =	swait.ge [sflag:s19], $0x1F40  }
0x2e4: {  	[sflag:s19] =	ssyncset.done $0x0  }
0x2e5: {  	s18 =	simm.s32 $0xB480;
	[sflag:s19] =	ssyncadd.s32 $0xFFFFE0C0  }
0x2e6: {  	[spmem:s2] =	stream.indirect.scatter.add.f32 [tilespmem:s16], [sflag:$0x5], $0x40, s18, s12, $0xb8;
	[tilespmem:$0x10E80] =	vst v63  }
0x2e7: {  	_ =	swait.ge [sflag:s17], $0x1F40  }
0x2e8: {  	[sflag:s17] =	ssyncset.done $0x0  }
0x2e9: {  	s31 =	simm.s32 $0xA580;
	[sflag:s17] =	ssyncadd.s32 $0xFFFFE0C0  }
0x2ea: {  	[tilespmem:s16], [sflag:$0x2] =	stream.indirect.gather [hbm4b:s4+s12], $0x40, s31, s12, $0xb8;
	[tilespmem:$0x10E80] =	vst v63  }
0x2eb: {  	_ =	swait.ge [sflag:s10], $0x1F40  }
0x2ec: {  	[sflag:s10] =	ssyncset.done $0x0  }
0x2ed: {  	s5 =	simm.s32 $0xB500;
	[sflag:s10] =	ssyncadd.s32 $0xFFFFE0C0  }
0x2ee: {  	[spmem:s2] =	stream.indirect.scatter.add.f32 [tilespmem:s14], [sflag:$0x5], $0x40, s5, s12, $0xb8;
	[tilespmem:$0x10E80] =	vst v63  }
0x2ef: {  	_ =	swait.ge [sflag:s17], $0x1F40  }
0x2f0: {  	[sflag:s17] =	ssyncset.done $0x0  }
0x2f1: {  	s15 =	simm.s32 $0xA600;
	[sflag:s17] =	ssyncadd.s32 $0xFFFFE0C0  }
0x2f2: {  	[tilespmem:s14], [sflag:$0x1] =	stream.indirect.gather [hbm4b:s4+s12], $0x40, s15, s12, $0xb8;
	[tilespmem:$0x10E80] =	vst v63  }
0x2f3: {  	_ =	swait.ge [sflag:s19], $0x1F40  }
0x2f4: {  	[sflag:s19] =	ssyncset.done $0x0  }
0x2f5: {  	s18 =	simm.s32 $0xB580;
	[sflag:s19] =	ssyncadd.s32 $0xFFFFE0C0  }
0x2f6: {  	[spmem:s2] =	stream.indirect.scatter.add.f32 [tilespmem:s16], [sflag:$0x5], $0x40, s18, s12, $0xb8;
	[tilespmem:$0x10E80] =	vst v63  }
0x2f7: {  	_ =	swait.ge [sflag:s17], $0x1F40  }
0x2f8: {  	[sflag:s17] =	ssyncset.done $0x0  }
0x2f9: {  	s31 =	simm.s32 $0xA680;
	[sflag:s17] =	ssyncadd.s32 $0xFFFFE0C0  }
0x2fa: {  	[tilespmem:s16], [sflag:$0x2] =	stream.indirect.gather [hbm4b:s4+s12], $0x40, s31, s12, $0xb8;
	[tilespmem:$0x10E80] =	vst v63  }
0x2fb: {  	_ =	swait.ge [sflag:s10], $0x1F40  }
0x2fc: {  	[sflag:s10] =	ssyncset.done $0x0  }
0x2fd: {  	s5 =	simm.s32 $0xB600;
	[sflag:s10] =	ssyncadd.s32 $0xFFFFE0C0  }
0x2fe: {  	[spmem:s2] =	stream.indirect.scatter.add.f32 [tilespmem:s14], [sflag:$0x5], $0x40, s5, s12, $0xb8;
	[tilespmem:$0x10E80] =	vst v63  }
0x2ff: {  	_ =	swait.ge [sflag:s17], $0x1F40  }
0x300: {  	[sflag:s17] =	ssyncset.done $0x0  }
0x301: {  	s15 =	simm.s32 $0xA700;
	[sflag:s17] =	ssyncadd.s32 $0xFFFFE0C0  }
0x302: {  	[tilespmem:s14], [sflag:$0x1] =	stream.indirect.gather [hbm4b:s4+s12], $0x40, s15, s12, $0xb8;
	[tilespmem:$0x10E80] =	vst v63  }
0x303: {  	_ =	swait.ge [sflag:s19], $0x1F40  }
0x304: {  	[sflag:s19] =	ssyncset.done $0x0  }
0x305: {  	s18 =	simm.s32 $0xB680;
	[sflag:s19] =	ssyncadd.s32 $0xFFFFE0C0  }
0x306: {  	[spmem:s2] =	stream.indirect.scatter.add.f32 [tilespmem:s16], [sflag:$0x5], $0x40, s18, s12, $0xb8;
	[tilespmem:$0x10E80] =	vst v63  }
0x307: {  	_ =	swait.ge [sflag:s17], $0x1F40  }
0x308: {  	[sflag:s17] =	ssyncset.done $0x0  }
0x309: {  	s31 =	simm.s32 $0xA780;
	[sflag:s17] =	ssyncadd.s32 $0xFFFFE0C0  }
0x30a: {  	[tilespmem:s16], [sflag:$0x2] =	stream.indirect.gather [hbm4b:s4+s12], $0x40, s31, s12, $0xb8;
	[tilespmem:$0x10E80] =	vst v63  }
0x30b: {  	_ =	swait.ge [sflag:s10], $0x1F40  }
0x30c: {  	[sflag:s10] =	ssyncset.done $0x0  }
0x30d: {  	s5 =	simm.s32 $0xB700;
	[sflag:s10] =	ssyncadd.s32 $0xFFFFE0C0  }
0x30e: {  	[spmem:s2] =	stream.indirect.scatter.add.f32 [tilespmem:s14], [sflag:$0x5], $0x40, s5, s12, $0xb8;
	[tilespmem:$0x10E80] =	vst v63  }
0x30f: {  	_ =	swait.ge [sflag:s17], $0x1F40  }
0x310: {  	[sflag:s17] =	ssyncset.done $0x0  }
0x311: {  	[sflag:s17] =	ssyncadd.s32 $0xFFFFE0C0  }
0x312: {  	_ =	swait.ge [sflag:s19], $0x1F40  }
0x313: {  	[sflag:s19] =	ssyncset.done $0x0  }
0x314: {  	s15 =	simm.s32 $0xB780;
	[sflag:s19] =	ssyncadd.s32 $0xFFFFE0C0  }
0x315: {  	[spmem:s2] =	stream.indirect.scatter.add.f32 [tilespmem:s16], [sflag:$0x5], $0x40, s15, s12, $0xb8;
	[tilespmem:$0x10E80] =	vst v63  }
0x316: {  	_ =	swait.ge [sflag:s17], $0x1F40  }
0x317: {  	[sflag:s17] =	ssyncset.done $0x0  }
0x318: {  	[sflag:s17] =	ssyncadd.s32 $0xFFFFE0C0  }
0x319: {  	s18 =	stileid.u32;
	[bflag:$0x0] =	sbarrier.arrive $0xFFFF  }
0x31a: {  	s15 =	sshll.u32 s18, $0x6;
	s31 =	rddreg [dreg:$0x1c]  }
0x31b: {  	s15 =	sor.u32 $0x1C04, s15;
	s5 =	rddreg [dreg:$0xf];
	s1 =	sshrl.u32 s31, $0x3  }
0x31c: {  	[hbm:s5], [sflag:s15] =	dma.local [spmem:s1], $0x400  }
0x31d: {  	s31 =	rddreg [dreg:$0x18]  }
0x31e: {  	s5 =	sshrl.u32 s31, $0x3;
	s31 =	rddreg [dreg:$0x10]  }
0x31f: {  	[hbm:s31], [sflag:s15] =	dma.local [spmem:s5], $0x400  }
0x320: {  	s31 =	rddreg [dreg:$0x19]  }
0x321: {  	s1 =	sshrl.u32 s31, $0x3;
	s31 =	rddreg [dreg:$0x11]  }
0x322: {  	[hbm:s31], [sflag:s15] =	dma.local [spmem:s1], $0x400  }
0x323: {  	s31 =	rddreg [dreg:$0x1a]  }
0x324: {  	s1 =	sshrl.u32 s31, $0x3;
	s31 =	rddreg [dreg:$0x12]  }
0x325: {  	[hbm:s31], [sflag:s15] =	dma.local [spmem:s1], $0x400  }
0x326: {  	s31 =	rddreg [dreg:$0x1b]  }
0x327: {  	s1 =	sshrl.u32 s31, $0x3;
	s31 =	rddreg [dreg:$0x13]  }
0x328: {  	[hbm:s31], [sflag:s15] =	dma.local [spmem:s1], $0x400  }
0x329: {  	_ =	swait.ge [sflag:s9], $0x400  }
0x32a: {  	[sflag:s9] =	ssyncset.done $0x0  }
0x32b: {  	[sflag:s9] =	ssyncadd.s32 $0xFFFFFC00  }
0x32c: {  	_ =	swait.ge [sflag:s9], $0x400  }
0x32d: {  	[sflag:s9] =	ssyncset.done $0x0  }
0x32e: {  	[sflag:s9] =	ssyncadd.s32 $0xFFFFFC00  }
0x32f: {  	_ =	swait.ge [sflag:s9], $0x400  }
0x330: {  	[sflag:s9] =	ssyncset.done $0x0  }
0x331: {  	[sflag:s9] =	ssyncadd.s32 $0xFFFFFC00  }
0x332: {  	_ =	swait.ge [sflag:s9], $0x400  }
0x333: {  	[sflag:s9] =	ssyncset.done $0x0  }
0x334: {  	[sflag:s9] =	ssyncadd.s32 $0xFFFFFC00  }
0x335: {  	_ =	swait.ge [sflag:s9], $0x400  }
0x336: {  	s29 =	sadd.s32 $0x1, s29;
	s31 =	rddreg [dreg:$0x14]  }
0x337: {  	p0 =	sne.s32 s29, s31  }
.Ltmp1:
0x338: {  	_ = 	snop;
	(pc) =	sbr.rel @p0 .LBB2_1-.Ltmp1, $3  }
0x339: {  	_ =	sdelay $0x1  }
0x33a: {  	[sflag:s9] =	ssyncset.done $0x0  }
0x33b: {  	s0 =	simm.s32 $0xB000;
	s5 =	simm.s32 $0xA800;
	[sflag:s9] =	ssyncadd.s32 $0xFFFFFC00  }
0x33c: {  	_ =	sfence.sel $0x180000  }
0x33d: {  	[bflag:$0x0] =	sbarrier.arrive $0xFFFF  }
0x33e: {  	_ =	strace $0x9000004D  }
0x33f: {  	s0 =	stileid.u32;
	[bflag:$0x2] =	sbarrier.arrive $0xFFFF  }
0x340: {  	p0 =	sne.s32 s0, $0x0;
	s0 =	rddreg [dreg:$0x2]  }
0x341: {  	s0 =	sadd.s32 @!p0 $0x100000, s0  }
0x342: {  	[sflag:s0] =	ssyncadd.tile.s32 @!p0 $0x1;
	_ =	shalt  }
.Lfunc_end2:
_tile_overlayer_lowered:
.L_overlay_start_2:
0x343: {  	(tag) =	ssettag $0x2  }
0x344: {  	s0 =	rddreg [dreg:$0x0];
	s2 =	stileid.u32  }
0x345: {  	s1 =	rddreg [dreg:$0x1];
	p0 =	sne.s32 s2, $0x0  }
0x346: {  	s3 =	rddreg [dreg:$0x2];
	[bflag:$0x3] =	sbarrier.arrive $0xFFFF;
	s2 =	simm.s32 @!p0 $0x1C05  }
0x347: {  	[timem:s3], [sflag:s2] =	dma.local @!p0 [hbm:s0], s1  }
0x348: {  	s0 =	simm.s32 @!p0 $0x5  }
0x349: {  	_ =	swait.ge @!p0 [sflag:s0], s1  }
0x34a: {  	s1 =	ssub.s32 @!p0 $0x0, s1;
	[sflag:s0] =	ssyncset.done @!p0 $0x0  }
0x34b: {  	[sflag:s0] =	ssyncadd.s32 @!p0 s1  }
0x34c: {  	[bflag:$0x3] =	sbarrier.arrive $0xFFFF  }
0x34d: {  	_ =	shalt  }

// kernel: kernel.9.cloned.1.call-start
scs
__scs_entry_jumppad:
0x0: {  	(pc) =	sbr.rel $0x88, $3  }
0x1: {  	(tag) =	ssettag $0x0;
	lr =	simm.s32 $0x1  }
0x2: {  	[smem:$0x3F9A] =	sst lr;
	_ =	strace $0xD0000000  }
0x3: {  	_ = 	snop  }
0x4: {  	_ = 	snop  }
0x5: {  	_ = 	snop  }
0x6: {  	_ = 	snop  }
0x7: {  	_ = 	snop  }
__scs_overlays_trampoline_lowered:
0x8: {  	[smem:$0x3FA9] =	sst s0  }
0x9: {  	[smem:$0x3FAA] =	sst s1  }
0xa: {  	[smem:$0x3FAB] =	sst s2  }
0xb: {  	[smem:$0x3FAC] =	sst s3  }
0xc: {  	[smem:$0x3FAD] =	sst s4  }
0xd: {  	[smem:$0x3FAE] =	sst s5  }
0xe: {  	[smem:$0x3FAF] =	sst s6  }
0xf: {  	[smem:$0x3FB0] =	sst s7  }
0x10: {  	[smem:$0x3FB1] =	sst s8  }
0x11: {  	[smem:$0x3FB2] =	sst s9;
	s0 =	simm.s32 @!p0 $0x0  }
0x12: {  	s1 =	sld [smem:$0x3F98];
	s0 =	simm.s32 @p0 $0x1  }
0x13: {  	[smem:$0x3FB3] =	sst s0;
	s0 =	simm.s32 @!p1 $0x0  }
0x14: {  	s2 =	sld [smem:$0x3F97];
	s0 =	simm.s32 @p1 $0x1  }
0x15: {  	[smem:$0x3FB4] =	sst s0;
	s0 =	simm.s32 @!p2 $0x0  }
0x16: {  	s3 =	sld [smem:$0x3FDB];
	s0 =	simm.s32 @p2 $0x1  }
0x17: {  	s4 =	simm.s32 $0x1BF5;
	[smem:$0x3FB6] =	sst s0  }
0x18: {  	s0 =	sld [smem:$0x3F99];
	_ =	swait.ge [sflag:s4], $0x0  }
0x19: {  	s7 =	sld [smem:$0x3F9A]  }
0x1a: {  	s8 =	sadd.s32 $0xFFFFE003, lr  }
0x1b: {  	s9 =	sadd.s32 $0xFFFFFEF7, lr;
	s5 =	simm.s32 $0xFFFFFFFF;
	p2 =	slt.u32 s8, $0xFFFFF086  }
0x1c: {  	p1 =	slt.u32 s9, $0xF7A;
	s5 =	simm.s32 @!p2 $0x0  }
0x1d: {  	s5 =	simm.s32 @p1 $0x1;
	p0 =	seq.s32 s7, s2  }
0x1e: {  	s7 =	smul.u32 @!p0 $0xF7A, s2;
	p2 =	seq.s32 @!p0 s5, $0x0  }
0x1f: {  	s9 =	smul.u32 $0xF7A, s1;
	s8 =	simm.s32 @!p0 $0x1BF5;
	p2 =	por !p2, p0  }
0x20: {  	[sflag:s8] =	ssyncset.s32 @!p0 $0xFFFFF086;
	s6 =	sadd.s32 @!p0 s3, s7;
	s7 =	simm.s32 @!p0 $0x108  }
0x21: {  	s3 =	sadd.s32 s3, s9;
	s6 =	sadd.s32 @!p0 $0x88, s6;
	s7 =	simm.s32 @p2 $0x1082  }
0x22: {  	[simem:s7], [sflag:s8] =	dma.local @!p0 [hbm:s6], $0xF7A  }
0x23: {  	s9 =	sor.u32 $0xD0000000, s2;
	s6 =	simm.s32 $0x108;
	_ =	swait.ge @!p0 [sflag:s8], $0x0  }
0x24: {  	s3 =	sadd.s32 $0x88, s3;
	s6 =	simm.s32 @!p1 $0x1082;
	[sflag:s4] =	ssyncset.s32 $0xFFFFF086  }
0x25: {  	[simem:s6], [sflag:s4] =	dma.local [hbm:s3], $0xF7A  }
0x26: {  	[smem:$0x3F9A] =	sst s1;
	(tag) =	ssettag s2;
	_ =	strace s9  }
0x27: {  	s1 =	sld [smem:$0x3FAA]  }
0x28: {  	s2 =	sld [smem:$0x3FAB]  }
0x29: {  	s4 =	sld [smem:$0x3FAD]  }
0x2a: {  	p0 =	seq.s32 s5, $0x0;
	s5 =	sld [smem:$0x3FAE]  }
0x2b: {  	s6 =	sld [smem:$0x3FAF]  }
0x2c: {  	s7 =	sld [smem:$0x3FB0]  }
0x2d: {  	s3 =	simm.s32 $0x108;
	s8 =	sld [smem:$0x3FB1]  }
0x2e: {  	s3 =	simm.s32 @!p0 $0x1082;
	s9 =	sld [smem:$0x3FB2]  }
0x2f: {  	lr =	sadd.s32 s0, s3;
	s0 =	sld [smem:$0x3FA9]  }
0x30: {  	s3 =	sld [smem:$0x3FAC]  }
0x31: {  	[smem:$0x3FB5] =	sst s10  }
0x32: {  	s10 =	sld [smem:$0x3FB3];
	_ =	sdelay $0x3  }
0x33: {  	p0 =	seq.s32 s10, $0x1;
	s10 =	sld [smem:$0x3FB5];
	_ =	sdelay $0x3  }
0x34: {  	[smem:$0x3FB5] =	sst s10  }
0x35: {  	s10 =	sld [smem:$0x3FB4];
	_ =	sdelay $0x3  }
0x36: {  	p1 =	seq.s32 s10, $0x1;
	s10 =	sld [smem:$0x3FB5];
	_ =	sdelay $0x3  }
0x37: {  	[smem:$0x3FB5] =	sst s10  }
0x38: {  	s10 =	sld [smem:$0x3FB6]  }
0x39: {  	_ = 	snop;
	(pc) =	sbr.ind lr, $3  }
0x3a: {  	_ = 	snop  }
0x3b: {  	_ = 	snop  }
0x3c: {  	p2 =	seq.s32 s10, $0x1;
	s10 =	sld [smem:$0x3FB5]  }
0x3d: {  	_ =	shalt  }
0x3e: {  	_ =	shalt  }
0x3f: {  	_ =	shalt  }
0x40: {  	_ =	shalt  }
0x41: {  	_ =	shalt  }
0x42: {  	_ =	shalt  }
0x43: {  	_ =	shalt  }
0x44: {  	_ =	shalt  }
0x45: {  	_ =	shalt  }
0x46: {  	_ =	shalt  }
0x47: {  	_ =	shalt  }
0x48: {  	_ =	shalt  }
0x49: {  	_ =	shalt  }
0x4a: {  	_ =	shalt  }
0x4b: {  	_ =	shalt  }
0x4c: {  	_ =	shalt  }
0x4d: {  	_ =	shalt  }
0x4e: {  	_ =	shalt  }
0x4f: {  	_ =	shalt  }
0x50: {  	_ =	shalt  }
0x51: {  	_ =	shalt  }
0x52: {  	_ =	shalt  }
0x53: {  	_ =	shalt  }
0x54: {  	_ =	shalt  }
0x55: {  	_ =	shalt  }
0x56: {  	_ =	shalt  }
0x57: {  	_ =	shalt  }
0x58: {  	_ =	shalt  }
0x59: {  	_ =	shalt  }
0x5a: {  	_ =	shalt  }
0x5b: {  	_ =	shalt  }
0x5c: {  	_ =	shalt  }
0x5d: {  	_ =	shalt  }
0x5e: {  	_ =	shalt  }
0x5f: {  	_ =	shalt  }
0x60: {  	_ =	shalt  }
0x61: {  	_ =	shalt  }
0x62: {  	_ =	shalt  }
0x63: {  	_ =	shalt  }
0x64: {  	_ =	shalt  }
0x65: {  	_ =	shalt  }
0x66: {  	_ =	shalt  }
0x67: {  	_ =	shalt  }
0x68: {  	_ =	shalt  }
0x69: {  	_ =	shalt  }
0x6a: {  	_ =	shalt  }
0x6b: {  	_ =	shalt  }
0x6c: {  	_ =	shalt  }
0x6d: {  	_ =	shalt  }
0x6e: {  	_ =	shalt  }
0x6f: {  	_ =	shalt  }
0x70: {  	_ =	shalt  }
0x71: {  	_ =	shalt  }
0x72: {  	_ =	shalt  }
0x73: {  	_ =	shalt  }
0x74: {  	_ =	shalt  }
0x75: {  	_ =	shalt  }
0x76: {  	_ =	shalt  }
0x77: {  	_ =	shalt  }
0x78: {  	_ =	shalt  }
0x79: {  	_ =	shalt  }
0x7a: {  	_ =	shalt  }
0x7b: {  	_ =	shalt  }
0x7c: {  	_ =	shalt  }
0x7d: {  	_ =	shalt  }
0x7e: {  	_ =	shalt  }
0x7f: {  	_ =	shalt  }
0x80: {  	_ =	shalt  }
0x81: {  	_ =	shalt  }
0x82: {  	_ =	shalt  }
0x83: {  	_ =	shalt  }
0x84: {  	_ =	shalt  }
0x85: {  	_ =	shalt  }
0x86: {  	_ =	shalt  }
0x87: {  	_ =	shalt  }
.Lfunc_end0:
.L_simem_size_0:
called_computation_lowered:
.L_overlay_start_0:
0x88: {  	s2 =	sld [smem:$0x3FD9]  }
0x89: {  	s3 =	sld [smem:$0x3FFE];
	_ =	sdelay $0x1  }
0x8a: {  	s1 =	srdreg.scid  }
0x8b: {  	s0 =	sand.u32 $0x1, s1  }
0x8c: {  	s16 =	sshll.u32 s0, $0xA;
	s2 =	sadd.s32 s3, s2  }
0x8d: {  	s2 =	sadd.s32 s2, s16  }
0x8e: {  	[smem:$0x3FC1] =	sst s2  }
0x8f: {  	_ = 	snop  }
0x90: {  	(tm) =	ssettm $0x1  }
0x91: {  	s17 =	sld [smem:$0x3FFB];
	_ =	sdelay $0x3  }
0x92: {  	_ =	strace s17  }
0x93: {  	s2 =	sld [smem:$0x3FFC];
	_ =	sdelay $0x3  }
0x94: {  	_ =	strace s2  }
0x95: {  	s2 =	sld [smem:$0x3FFD];
	_ =	sdelay $0x3  }
0x96: {  	_ =	strace s2  }
0x97: {  	_ =	strace $0x8FFFFFFF  }
0x98: {  	s18 =	sld [smem:$0x3FDB];
	_ =	sdelay $0x1  }
0x99: {  	s19 =	simm.s32 $_scs_section_size  }
0x9a: {  	s4 =	simm.s32 $_size__tile_overlayer_lowered;
	s5 =	simm.s32 $_tile_overlayer_lowered  }
0x9b: {  	s22 =	simm.s32 $0x1BFF;
	s21 =	sshll.u32 s5, $0x1;
	s2 =	sadd.s32 s19, s18  }
0x9c: {  	s6 =	simm.s32 $0x0;
	s20 =	sshll.u32 s4, $0x1;
	s4 =	sadd.s32 s21, s2  }
0x9d: {  	[timem:s6], [sflag:s22] =	dma.local [hbm:s4], s20  }
0x9e: {  	_ =	swait.ge [sflag:s22], s20  }
0x9f: {  	s3 =	ssub.s32 $0x0, s20;
	[sflag:s22] =	ssyncset.done $0x0  }
0xa0: {  	[sflag:s22] =	ssyncadd.s32 s3;
	_ =	sdelay $0x1  }
0xa1: {  	s23 =	simm.s32 $0x1B8B  }
0xa2: {  	_ =	swait.ge [sflag:s23], $0x1  }
0xa3: {  	[sflag:s23] =	ssyncset.done $0x0  }
0xa4: {  	s25 =	simm.s32 $0x1B8E;
	s24 =	sld [smem:$0x3FFE];
	[sflag:s23] =	ssyncadd.s32 $0xFFFFFFFF  }
0xa5: {  	s26 =	simm.s32 $execute0_lowered;
	[smem:$0x3FD2] =	sst s25  }
0xa6: {  	s4 =	sshll.u32 s26, $0x1;
	_ =	strace $0x80000046;
	[dreg:$0x1] =	wrdreg $0xFFFFFFFF  }
0xa7: {  	s28 =	simm.s32 $_size_execute0_lowered;
	s2 =	sadd.s32 s2, s4;
	[dreg:$0x0] =	wrdreg $0x0  }
0xa8: {  	s4 =	sshll.u32 s28, $0x1;
	[dreg:$0x2] =	wrdreg s2  }
0xa9: {  	[dreg:$0x3] =	wrdreg s4  }
0xaa: {  	[dreg:$0x4] =	wrdreg $0xC0  }
0xab: {  	_ =	task [dreg:s6], $0x5FFFF  }
0xac: {  	[dreg:$0x1] =	wrdreg $0xFFFFFFFF  }
0xad: {  	[dreg:$0x0] =	wrdreg $0x60  }
0xae: {  	[dreg:$0x2] =	wrdreg s24  }
0xaf: {  	[dreg:$0x3] =	wrdreg $0x0  }
0xb0: {  	[dreg:$0x4] =	wrdreg $0x9  }
0xb1: {  	_ =	task.clear_ibuf [dreg:s6], $0x5FFFF;
	_ =	strace $0x90000046  }
0xb2: {  	s29 =	simm.s32 $0x9;
	_ =	strace $0x80000048  }
0xb3: {  	_ =	swait.ge [sflag:s29], $0x1  }
0xb4: {  	[sflag:s29] =	ssyncadd.s32 $0xFFFFFFFF  }
0xb5: {  	_ =	strace $0x90000048  }
0xb6: {  	_ =	sfence  }
0xb7: {  	s30 =	sld [smem:$0x0];
	_ =	sdelay $0x2  }
0xb8: {  	s31 =	sshll.u32 s1, $0xD;
	s1 =	sshrl.u32 s1, $0x2  }
0xb9: {  	s3 =	sand.u32 $0x4000, s31;
	s1 =	sadd.s32 s1, s30  }
0xba: {  	s0 =	sor.u32 s3, s0;
	s1 =	sshll.u32 s1, $0x11  }
0xbb: {  	s0 =	sor.u32 s1, s0  }
0xbc: {  	s0 =	sadd.s32 $0x8F2B, s0  }
0xbd: {  	[sflag:s0] =	ssyncadd.remote.s32 $0x1  }
0xbe: {  	_ =	sfence.sel $0xFFFF  }
0xbf: {  	[dreg:$0x0] =	wrdreg $0xFFFFFFFF;
	(pc) =	sbr.abs _section_cstart, $3  }
0xc0: {  	[dreg:$0x1] =	wrdreg $0xFFFFFFFF  }
0xc1: {  	_ =	task.clear_ibuf [dreg:s6], $0x2FFFF;
	_ =	strace $0x9FFFFFFF  }
0xc2: {  	(tm) =	ssettm $0x7FFFFFFF  }
0xc3: {  	_ =	shalt  }
tec
execute0_lowered:
.L_overlay_start_1:
0x0: {  	(tag) =	ssettag $0x1  }
0x1: {  	s5 =	rddreg [dreg:$0x0];
	s1 =	srdreg.scid  }
0x2: {  	s0 =	stileid.u32;
	s2 =	rddreg [dreg:$0x1]  }
0x3: {  	s3 =	simm.s32 $0x0;
	s11 =	simm.s32 $0x7D;
	s12 =	simm.s32 $0x5000  }
0x4: {  	s4 =	sand.u32 $0x1, s1;
	s6 =	smul.u32 $0x500, s0;
	s1 =	rddreg [dreg:$0x2]  }
0x5: {  	[smem:$0x7FF] =	sst s3;
	s28 =	smul.u32 $0xA000, s0;
	s9 =	sshll.u32 s0, $0x1  }
0x6: {  	s31 =	sadd.s32 $0xC400, s5;
	s13 =	sshll.u32 s0, $0x6;
	s7 =	smul.u32 $0x5000, s4  }
0x7: {  	_ =	strace $0x80000047;
	s8 =	ssub.s32 $0x2, s4;
	s9 =	sor.u32 s4, s9  }
0x8: {  	s13 =	sor.u32 $0x1C01, s13;
	s10 =	sshrl.u32 s8, $0x1;
	s29 =	sshrl.u32 s28, $0x2  }
0x9: {  	s9 =	smul.u32 $0x500, s9;
	s6 =	sadd.s32 s6, s7;
	s30 =	ssub.s32 s8, s10  }
0xa: {  	s4 =	sadd.s32 s29, s2;
	s7 =	simm.s32 $0x57D0;
	s8 =	simm.s32 $0x1  }
0xb: {  	s10 =	simm.s32 $0x2800;
	s6 =	sadd.s32 s6, s5;
	s9 =	sadd.s32 s9, s31  }
0xc: {  	v0 =	vimm.f32 $0.0e+00;
	v1 =	vimm.f32 $1.000000000e+00;
	s14 =	sshrl.u32 s4, $0x3;
	s5 =	sadd.s32 $0x16400, s6;
	s6 =	smax.u32 s30, $0x1  }
.LBB2_1:
0xd: {  	s15 =	simm.s32 $0x0  }
.LBB2_2:
0xe: {  	p0 =	sne.s32 s15, $0x9FC0  }
.Ltmp0:
0xf: {  	_ = 	snop;
	(pc) =	sbr.rel @p0 .LBB2_2-.Ltmp0, $3  }
0x10: {  	_ =	sdelay $0x1  }
0x11: {  	s16 =	sshra.s32 s15, $0x2  }
0x12: {  	s15 =	sadd.s32 $0x40, s15;
	[tilespmem:s16+$0x57D0] =	vst v0  }
0x13: {  	s15 =	simm.s32 $0x40;
	s16 =	simm.s32 $0x0  }
.LBB2_4:
0x14: {  	p0 =	sne.s32 s15, $0x1F00;
	[tilespmem:s16+$0x5000] =	vst v1;
	s16 =	smov.u32 s15;
	s15 =	sadd.s32 $0x40, s15  }
.Ltmp1:
0x15: {  	(pc) =	sbr.rel @p0 .LBB2_4-.Ltmp1, $2  }
0x16: {  	_ =	sdelay $0x2  }
0x17: {  	s16 =	sshra.s32 s16, $0x2  }
0x18: {  	[tilespmem:s16+$0x5000] =	vst v1  }
0x19: {  	[spmem:s4] =	stream.linear.scatter [tilespmem:s7], [sflag:$0x1], $0x2800, $0x38;
	[tilespmem:$0x7FD0] =	vst v63  }
0x1a: {  	_ =	swait.ge [sflag:s8], $0x2800  }
0x1b: {  	[sflag:s8] =	ssyncset.done $0x0  }
0x1c: {  	[sflag:s8] =	ssyncadd.s32 $0xFFFFD800  }
0x1d: {  	s15 =	simm.s32 $0x0;
	[bflag:$0x0] =	sbarrier.arrive $0xFFFF  }
0x1e: {  	[tilespmem:s10], [sflag:$0x1] =	stream.linear.gather [hbm4b:s9+s15], $0x2800, $0x38;
	[tilespmem:$0x7FD0] =	vst v63  }
0x1f: {  	_ =	swait.ge [sflag:s8], $0x2800  }
0x20: {  	[sflag:s8] =	ssyncset.done $0x0  }
0x21: {  	s31 =	simm.s32 $0x2800;
	[sflag:s8] =	ssyncadd.s32 $0xFFFFD800  }
0x22: {  	[spmem:s2] =	stream.indirect.scatter.add.f32 [tilespmem:s12], [sflag:$0x1], $0x10, s31, s11, $0xb8;
	[tilespmem:$0x7FD0] =	vst v63  }
0x23: {  	s15 =	simm.s32 $0x200;
	_ =	swait.ge [sflag:s8], $0x7D0  }
.LBB2_6:
0x24: {  	s16 =	sshra.s32 s15, $0x2;
	[sflag:s8] =	ssyncset.done $0x0;
	p0 =	sne.s32 s15, $0x9E00  }
.Ltmp2:
0x25: {  	s16 =	sadd.s32 $0x2800, s16;
	[sflag:s8] =	ssyncadd.s32 $0xFFFFF830;
	(pc) =	sbr.rel @p0 .LBB2_6-.Ltmp2, $3  }
0x26: {  	[spmem:s2] =	stream.indirect.scatter.add.f32 [tilespmem:s12], [sflag:$0x1], $0x10, s16, s11, $0xb8;
	[tilespmem:$0x7FD0] =	vst v63  }
0x27: {  	s15 =	sadd.s32 $0x200, s15;
	_ =	sdelay $0x1  }
0x28: {  	_ =	swait.ge [sflag:s8], $0x7D0  }
0x29: {  	[sflag:s8] =	ssyncset.done $0x0;
	s3 =	sadd.s32 $0x1, s3  }
0x2a: {  	[sflag:s8] =	ssyncadd.s32 $0xFFFFF830;
	p0 =	sne.s32 s3, s6  }
.Ltmp3:
0x2b: {  	[bflag:$0x0] =	sbarrier.arrive $0xFFFF;
	(pc) =	sbr.rel @p0 .LBB2_1-.Ltmp3, $4  }
0x2c: {  	[hbm:s5], [sflag:s13] =	dma.local [spmem:s14], $0x500  }
0x2d: {  	_ =	swait.ge [sflag:s8], $0x500  }
0x2e: {  	[sflag:s8] =	ssyncset.done $0x0  }
0x2f: {  	[sflag:s8] =	ssyncadd.s32 $0xFFFFFB00  }
0x30: {  	_ =	sfence.sel $0x180000  }
0x31: {  	[bflag:$0x0] =	sbarrier.arrive $0xFFFF  }
0x32: {  	p0 =	sne.s32 s0, $0x0;
	_ =	strace $0x90000047  }
0x33: {  	s0 =	sadd.s32 @!p0 $0x100000, s1;
	[bflag:$0x2] =	sbarrier.arrive $0xFFFF  }
0x34: {  	[sflag:s0] =	ssyncadd.tile.s32 @!p0 $0x1;
	_ =	shalt  }
.Lfunc_end2:
_tile_overlayer_lowered:
.L_overlay_start_2:
0x35: {  	(tag) =	ssettag $0x2  }
0x36: {  	s0 =	rddreg [dreg:$0x0];
	s2 =	stileid.u32  }
0x37: {  	s1 =	rddreg [dreg:$0x1];
	p0 =	sne.s32 s2, $0x0  }
0x38: {  	s3 =	rddreg [dreg:$0x2];
	[bflag:$0x3] =	sbarrier.arrive $0xFFFF;
	s2 =	simm.s32 @!p0 $0x1C01  }
0x39: {  	[timem:s3], [sflag:s2] =	dma.local @!p0 [hbm:s0], s1  }
0x3a: {  	s0 =	simm.s32 @!p0 $0x1  }
0x3b: {  	_ =	swait.ge @!p0 [sflag:s0], s1  }
0x3c: {  	s1 =	ssub.s32 @!p0 $0x0, s1;
	[sflag:s0] =	ssyncset.done @!p0 $0x0  }
0x3d: {  	[sflag:s0] =	ssyncadd.s32 @!p0 s1  }
0x3e: {  	[bflag:$0x3] =	sbarrier.arrive $0xFFFF  }
0x3f: {  	_ =	shalt  }

</sc_bundles>
